<compile_context>
chip_gen: v7x
topology: tpu7x:2x2x1
jax: 0.10.2.dev20260603
libtpu: 0.0.44.dev20260713+nightly
codegen_flags: <defaults>
</compile_context>

<pallas_src>
import functools

import jax
import jax.numpy as jnp
from jax import lax
from jax.experimental import pallas as pl
from jax.experimental.pallas import tpu as pltpu
from jax.experimental.pallas import tpu_sc as plsc

NUM_GRAPHS = 512
NPG = 116
NN = NUM_GRAPHS * NPG
NE = NN * 10
INV6 = 1.0 / 6.0

NCORE = 2
NSUB = 16
FC = 32
NCHUNK = 6
CPC = NCHUNK // NCORE
ROWS_PER_TILE = NN // NSUB
NE_PAD = 622592
EDGE_PAD = NE_PAD - NE
ACC_ROWS = NN + 16
DEG_WIN = NE_PAD // (NCORE * NSUB) // 128
IDXW = 512
GW = 128
NWIN_G = NE_PAD // IDXW


def _sc_deg(dst2d):
    mesh = plsc.VectorSubcoreMesh(core_axis_name="c", subcore_axis_name="s")

    @functools.partial(
        pl.kernel, mesh=mesh,
        out_type=jax.ShapeDtypeStruct((NCORE * NN,), jnp.float32),
        scratch_types=[
            pltpu.VMEM((DEG_WIN, 128), jnp.int32),
            pltpu.VMEM((128,), jnp.float32),
            pltpu.VMEM((ROWS_PER_TILE,), jnp.float32),
            pltpu.VMEM_SHARED((ACC_ROWS,), jnp.float32),
        ],
    )
    def k(dst_hbm, out_hbm, idx_v, ones_v, zrow_v, acc):
        c = lax.axis_index("c")
        s = lax.axis_index("s")
        wid = c * NSUB + s

        def fill(i, _):
            ones_v[pl.ds(i * 16, 16)] = jnp.full((16,), 1.0, jnp.float32)
            return 0
        lax.fori_loop(0, 8, fill, 0)

        def zfill(i, _):
            zrow_v[pl.ds(i * 16, 16)] = jnp.zeros((16,), jnp.float32)
            return 0
        lax.fori_loop(0, ROWS_PER_TILE // 16, zfill, 0)

        pltpu.sync_copy(dst_hbm.at[pl.ds(wid * DEG_WIN, DEG_WIN)], idx_v)
        pltpu.sync_copy(zrow_v, acc.at[pl.ds(s * ROWS_PER_TILE, ROWS_PER_TILE)])
        @pl.when(s == 0)
        def _():
            pltpu.sync_copy(zrow_v.at[pl.ds(0, 16)], acc.at[pl.ds(NN, 16)])
        plsc.subcore_barrier()

        def win(w, _):
            pltpu.sync_copy(ones_v, acc.at[idx_v.at[w]], add=True)
            return 0
        lax.fori_loop(0, DEG_WIN, win, 0)
        plsc.subcore_barrier()
        pltpu.sync_copy(acc.at[pl.ds(s * ROWS_PER_TILE, ROWS_PER_TILE)],
                        out_hbm.at[pl.ds(c * NN + s * ROWS_PER_TILE,
                                         ROWS_PER_TILE)])

    return k(dst2d)


def _sc_segsum(hs6, eidx1d):
    mesh = plsc.VectorSubcoreMesh(core_axis_name="c", subcore_axis_name="s")

    @functools.partial(
        pl.kernel, mesh=mesh,
        compiler_params=pltpu.CompilerParams(use_tc_tiling_on_sc=False),
        out_type=jax.ShapeDtypeStruct((NCHUNK * NN, FC), jnp.float32),
        scratch_types=[
            pltpu.VMEM((2 * IDXW,), jnp.int32),
            pltpu.VMEM((2 * IDXW,), jnp.int32),
            pltpu.VMEM((GW, FC), jnp.float32),
            pltpu.VMEM((GW, FC), jnp.float32),
            pltpu.VMEM_SHARED((ACC_ROWS, FC), jnp.float32),
            pltpu.SemaphoreType.DMA,
            pltpu.SemaphoreType.DMA,
            pltpu.SemaphoreType.DMA,
            pltpu.SemaphoreType.DMA,
            pltpu.SemaphoreType.DMA,
            pltpu.SemaphoreType.DMA,
        ],
    )
    def k(hs_hbm, eidx_hbm, out_hbm, eidx_a, eidx_b, rows_a, rows_b,
          acc, isa, isb, gsa, gsb, ssa, ssb):
        c = lax.axis_index("c")
        s = lax.axis_index("s")
        nwin = NE_PAD // NSUB // IDXW
        nsub = IDXW // GW
        eidx = (eidx_a, eidx_b)
        rows = (rows_a, rows_b)
        isem = (isa, isb)
        gsem = (gsa, gsb)
        ssem = (ssa, ssb)

        def idx_fetch(kk, w, b):
            off = (CPC * c + kk) * (2 * NE_PAD) + (s * nwin + w) * (2 * IDXW)
            return pltpu.async_copy(eidx_hbm.at[pl.ds(off, 2 * IDXW)],
                                    eidx[b], isem[b])

        for kk in range(CPC):
            base = (CPC * c + kk) * NN
            pltpu.sync_copy(
                hs_hbm.at[pl.ds(base + s * ROWS_PER_TILE, ROWS_PER_TILE)],
                acc.at[pl.ds(s * ROWS_PER_TILE, ROWS_PER_TILE)])
            idx_fetch(kk, 0, 0).wait()
            plsc.subcore_barrier()

            def win(w, _):
                b = lax.rem(w, 2)

                def sub_pipe(buf):
                    src_w = eidx[buf].at[pl.ds(0, IDXW)]
                    dst_w = eidx[buf].at[pl.ds(IDXW, IDXW)]
                    gd = [None, None]
                    sd = [None, None]
                    gd[0] = pltpu.async_copy(
                        hs_hbm.at[src_w.at[pl.ds(0, GW)]], rows[0], gsem[0])
                    for j in range(nsub):
                        jb = j % 2
                        gd[jb].wait()
                        if sd[jb] is not None:
                            sd[jb].wait()
                        sd[jb] = pltpu.async_copy(
                            rows[jb], acc.at[dst_w.at[pl.ds(j * GW, GW)]],
                            ssem[jb], add=True)
                        if j + 1 < nsub:
                            nb = (j + 1) % 2
                            if sd[nb] is not None:
                                sd[nb].wait()
                                sd[nb] = None
                            gd[nb] = pltpu.async_copy(
                                hs_hbm.at[src_w.at[pl.ds((j + 1) * GW, GW)]],
                                rows[nb], gsem[nb])
                    for d in sd:
                        if d is not None:
                            d.wait()

                def one_phase(buf):
                    @pl.when(b == buf)
                    def _():
                        @pl.when(w + 1 < nwin)
                        def _():
                            idx_fetch(kk, w + 1, 1 - buf)
                        sub_pipe(buf)
                        @pl.when(w + 1 < nwin)
                        def _():
                            pltpu.make_async_copy(
                                eidx_hbm.at[pl.ds(0, 2 * IDXW)],
                                eidx[1 - buf], isem[1 - buf]).wait()

                one_phase(0)
                one_phase(1)
                return 0
            lax.fori_loop(0, nwin, win, 0)
            plsc.subcore_barrier()
            pltpu.sync_copy(
                acc.at[pl.ds(s * ROWS_PER_TILE, ROWS_PER_TILE)],
                out_hbm.at[pl.ds(base + s * ROWS_PER_TILE, ROWS_PER_TILE)])
            if kk < CPC - 1:
                plsc.subcore_barrier()

    return k(hs6, eidx1d)


AUG_G = 16


def _aug_body(newx_ref, w1_ref, b1_ref, w2_ref, b2_ref, f1w_ref, f1b_ref,
              f2w_ref, f2b_ref, z2_ref):
    f32 = jnp.float32
    col = jax.lax.broadcasted_iota(jnp.int32, (AUG_G, NPG, NPG), 2)
    row = jax.lax.broadcasted_iota(jnp.int32, (AUG_G, NPG, NPG), 1)
    xga = newx_ref[...]
    sim = jax.lax.dot_general(xga, xga, (((2,), (2,)), ((0,), (0,))),
                              preferred_element_type=f32)
    adj = (row == col).astype(f32)
    simw = sim
    for _ in range(5):
        m = jnp.max(simw, axis=2, keepdims=True)
        sel = simw == m
        jmin = jnp.min(jnp.where(sel, col, NPG), axis=2, keepdims=True)
        first = col == jmin
        adj = adj + first.astype(f32)
        simw = jnp.where(first, -jnp.inf, simw)
    h1 = jnp.dot(xga, w1_ref[...], preferred_element_type=f32)
    hh1 = jnp.maximum(
        jax.lax.dot_general(adj, h1, (((2,), (1,)), ((0,), (0,))),
                            preferred_element_type=f32) * INV6
        + b1_ref[...], 0.0)
    h2 = jnp.dot(hh1, w2_ref[...], preferred_element_type=f32)
    hh2 = jnp.maximum(
        jax.lax.dot_general(adj, h2, (((2,), (1,)), ((0,), (0,))),
                            preferred_element_type=f32) * INV6
        + b2_ref[...], 0.0)
    p = jnp.sum(hh2, axis=1, keepdims=True) * (1.0 / NPG)
    tt = jnp.maximum(jnp.dot(p, f1w_ref[...], preferred_element_type=f32)
                     + f1b_ref[...], 0.0)
    z2 = jnp.maximum(jnp.dot(tt, f2w_ref[...], preferred_element_type=f32)
                     + f2b_ref[...], 0.0)
    z2_ref[...] = z2


def _aug_pallas(new_x3, W1, b1, W2, b2, fc1W, fc1b, fc2W, fc2b):
    full = lambda shape: pl.BlockSpec(shape, lambda i: (0,) * len(shape))
    return pl.pallas_call(
        _aug_body,
        grid=(NUM_GRAPHS // AUG_G,),
        in_specs=[
            pl.BlockSpec((AUG_G, NPG, NPG), lambda i: (i, 0, 0)),
            full((116, 128)), full((1, 128)),
            full((128, 64)), full((1, 64)),
            full((64, 128)), full((1, 128)),
            full((128, 128)), full((1, 128)),
        ],
        out_specs=pl.BlockSpec((AUG_G, 1, 128), lambda i: (i, 0, 0)),
        out_shape=jax.ShapeDtypeStruct((NUM_GRAPHS, 1, 128), jnp.float32),
    )(new_x3, W1, b1.reshape(1, -1), W2, b2.reshape(1, -1),
      fc1W, fc1b.reshape(1, -1), fc2W, fc2b.reshape(1, -1)).reshape(NUM_GRAPHS, 128)


def kernel(x, edge_index, batch, W1, b1, W2, b2, fc1W, fc1b, fc2W, fc2b,
           m1W, m1b, m2W, m2b, m3W, m3b, Wg1, bg1, Wg2, bg2):
    src = edge_index[0]
    dst = edge_index[1]
    padi = jnp.arange(EDGE_PAD, dtype=jnp.int32) % 16
    src1d = jnp.concatenate([src, padi])
    dst1d = jnp.concatenate([dst, NN + padi])
    dst2d = dst1d.reshape(NE_PAD // 128, 128)
    src_off = src1d[None, :] + (jnp.arange(NCHUNK, dtype=jnp.int32) * NN)[:, None]
    eidx1d = jnp.stack(
        [src_off.reshape(NCHUNK, NWIN_G, IDXW),
         jnp.broadcast_to(dst1d, (NCHUNK, NE_PAD)).reshape(NCHUNK, NWIN_G, IDXW)],
        axis=2).reshape(-1)

    degp = _sc_deg(dst2d)
    deg = degp[:NN] + degp[NN:] + 1.0
    dinv = deg ** -0.5

    def to_chunks(hsc):
        return hsc.reshape(NN, NCHUNK, FC).transpose(1, 0, 2).reshape(
            NCHUNK * NN, FC)

    def from_chunks(acc):
        return acc.reshape(NCHUNK, NN, FC).transpose(1, 0, 2).reshape(
            NN, NCHUNK * FC)

    Wc1 = jnp.concatenate([W1, Wg1], axis=1)
    bc1 = jnp.concatenate([b1, bg1])
    hs1 = (x @ Wc1) * dinv[:, None]
    acc1 = from_chunks(_sc_segsum(to_chunks(hs1), eidx1d))
    out1 = dinv[:, None] * acc1 + bc1
    h = jax.nn.relu(out1[:, :128])
    g = jax.nn.relu(out1[:, 128:])

    bc2 = jnp.concatenate([b2, bg2])
    hs2 = jnp.concatenate(
        [h @ W2, g @ Wg2, jnp.zeros((NN, 12), jnp.float32)],
        axis=1) * dinv[:, None]
    acc2 = from_chunks(_sc_segsum(to_chunks(hs2), eidx1d))[:, :180]
    out2 = dinv[:, None] * acc2 + bc2
    h2 = jax.nn.relu(out2[:, :64])
    new_x = out2[:, 64:]

    z1b = h2.reshape(NUM_GRAPHS, NPG, 64).mean(axis=1)
    t = jax.nn.relu(z1b @ fc1W + fc1b)
    z1_after = jax.nn.relu(t @ fc2W + fc2b)
    logits = jax.nn.relu(jax.nn.relu(z1b @ m1W + m1b) @ m2W + m2b) @ m3W + m3b
    output = jax.nn.softmax(logits, axis=1)

    new_x3 = new_x.reshape(NUM_GRAPHS, NPG, NPG)
    z2_after = _aug_pallas(new_x3, W1, b1, W2, b2, fc1W, fc1b, fc2W, fc2b)
    return (z1_after, z2_after, output, x, new_x)

# --- scband reference (transcript-rebuilt; emitter-appended) ---
"""Pipeline reference for scband-train-model-86560770883785 (READ-ONLY COPY).

The authoritative reference and input builder live on the scoring server;
editing this copy changes nothing except your own understanding.
"""

import jax, jax.numpy as jnp
import numpy as np

NUM_GRAPHS = 512
NODES_PER_GRAPH = 116
N = NUM_GRAPHS * NODES_PER_GRAPH
E = N * 10


def _gcn_conv(x, src, dst, W, b, n):
    si = jnp.concatenate([src, jnp.arange(n)])
    di = jnp.concatenate([dst, jnp.arange(n)])
    deg = jax.ops.segment_sum(jnp.ones_like(di, dtype=x.dtype), di, num_segments=n)
    dinv = jnp.where(deg > 0, deg ** -0.5, 0.0)
    h = x @ W
    msg = h[si] * (dinv[si] * dinv[di])[:, None]
    out = jax.ops.segment_sum(msg, di, num_segments=n)
    return out + b


def setup_inputs(seed: int = 0):
    key = jax.random.key(seed)
    ks = jax.random.split(key, 16)
    s = 0.05
    x = jax.random.normal(ks[0], (N, 116), dtype=jnp.float32)
    edge_index = jax.random.randint(ks[1], (2, E), 0, N)
    batch = jnp.repeat(jnp.arange(NUM_GRAPHS), NODES_PER_GRAPH)
    return {
        'x': x,
        'edge_index': edge_index,
        'batch': batch,
        'W1': jax.random.normal(ks[2], (116, 128), jnp.float32) * s,
        'b1': jnp.zeros((128,), jnp.float32),
        'W2': jax.random.normal(ks[3], (128, 64), jnp.float32) * s,
        'b2': jnp.zeros((64,), jnp.float32),
        'fc1W': jax.random.normal(ks[4], (64, 128), jnp.float32) * s,
        'fc1b': jnp.zeros((128,), jnp.float32),
        'fc2W': jax.random.normal(ks[5], (128, 128), jnp.float32) * s,
        'fc2b': jnp.zeros((128,), jnp.float32),
        'm1W': jax.random.normal(ks[6], (64, 128), jnp.float32) * s,
        'm1b': jnp.zeros((128,), jnp.float32),
        'm2W': jax.random.normal(ks[7], (128, 64), jnp.float32) * s,
        'm2b': jnp.zeros((64,), jnp.float32),
        'm3W': jax.random.normal(ks[8], (64, 2), jnp.float32) * s,
        'm3b': jnp.zeros((2,), jnp.float32),
        'Wg1': jax.random.normal(ks[9], (116, 64), jnp.float32) * s,
        'bg1': jnp.zeros((64,), jnp.float32),
        'Wg2': jax.random.normal(ks[10], (64, 116), jnp.float32) * s,
        'bg2': jnp.zeros((116,), jnp.float32),
    }


def reference(x, edge_index, batch, W1, b1, W2, b2, fc1W, fc1b, fc2W, fc2b,
              m1W, m1b, m2W, m2b, m3W, m3b, Wg1, bg1, Wg2, bg2):
    src = edge_index[0]
    dst = edge_index[1]
    # feature_extractor (GCN, dropout=0.0)
    h = jax.nn.relu(_gcn_conv(x, src, dst, W1, b1, N))
    h = jax.nn.relu(_gcn_conv(h, src, dst, W2, b2, N))
    cnt = jax.ops.segment_sum(jnp.ones((N,), jnp.float32), batch, num_segments=NUM_GRAPHS)
    z1_before = jax.ops.segment_sum(h, batch, num_segments=NUM_GRAPHS) / cnt[:, None]
    t = jax.nn.relu(z1_before @ fc1W + fc1b)
    z1_after = jax.nn.relu(t @ fc2W + fc2b)
    # augment_graph: Gcn produces new node features (detached in original), knn graph per augmented graph
    g = jax.nn.relu(_gcn_conv(x, src, dst, Wg1, bg1, N))
    new_x = _gcn_conv(g, src, dst, Wg2, bg2, N)
    new_x = jax.lax.stop_gradient(new_x).reshape(NUM_GRAPHS, NODES_PER_GRAPH, 116)

    def aug_one(xg):
        sim = xg @ xg.T
        _, nbr = jax.lax.top_k(sim, 5)
        s2 = nbr.reshape(-1)
        d2 = jnp.repeat(jnp.arange(NODES_PER_GRAPH), 5)
        hh = jax.nn.relu(_gcn_conv(xg, s2, d2, W1, b1, NODES_PER_GRAPH))
        hh = jax.nn.relu(_gcn_conv(hh, s2, d2, W2, b2, NODES_PER_GRAPH))
        p = hh.mean(axis=0)
        tt = jax.nn.relu(p @ fc1W + fc1b)
        return jax.nn.relu(tt @ fc2W + fc2b)

    z2_after = jax.vmap(aug_one)(new_x)
    # MLP head + softmax
    logits = jax.nn.relu(jax.nn.relu(z1_before @ m1W + m1b) @ m2W + m2b) @ m3W + m3b
    output = jax.nn.softmax(logits, axis=1)
    x_aug = new_x.reshape(N, 116)
    return (z1_after, z2_after, output, x, x_aug)

if __name__ == "__main__":
    import jax
    _d = setup_inputs()
    print(jax.jit(kernel)(*tuple(_d.values())))

</pallas_src>

<mosaic_0001>
#map = affine_map<(d0, d1) -> (0, 0)>
#map1 = affine_map<(d0, d1) -> (0)>
module attributes {stable_mosaic.version = 14 : i64} {
  func.func @k(%arg0: i32, %arg1: i32, %arg2: memref<4864x128xi32, #tpu.memory_space<hbm>>, %arg3: memref<118784xf32, #tpu.memory_space<hbm>>, %arg4: memref<152x128xi32, #tpu.memory_space<vmem>>, %arg5: memref<128xf32, #tpu.memory_space<vmem>>, %arg6: memref<3712xf32, #tpu.memory_space<vmem>>, %arg7: memref<59408xf32, #tpu.memory_space<vmem_shared>>) attributes {dimension_semantics = [#tpu.dimension_semantics<core_parallel>, #tpu.dimension_semantics<subcore_parallel>], iteration_bounds = array<i64: 2, 16>, scalar_prefetch = 0 : i64, scratch_operands = 4 : i64, tpu.core_type = #tpu.core_type<sc_vector_subcore>, window_params = [{transform_indices = #map}, {transform_indices = #map1}]} {
    %mul3A = arith.constant 16 : i32
    %mul3A_0 = arith.muli %arg0, %mul3A : i32
    %add3A = arith.addi %mul3A_0, %arg1 : i32
    %scan3A = arith.constant 0 : i32
    %scan3A_1 = arith.constant 0 : i32
    %scan3A_2 = arith.constant 8 : i32
    %scan3A_3 = arith.addi %scan3A_1, %scan3A_2 : i32
    %scan3A_4 = arith.constant 1 : i32
    %scan3A_5 = scf.for %scan3A_35 = %scan3A_1 to %scan3A_3 step %scan3A_4 iter_args(%scan3A_36 = %scan3A) -> (i32)  : i32 {
      %broadcast_in_dim3A = arith.constant 1.000000e+00 : f32
      %broadcast_in_dim3A_37 = vector.broadcast %broadcast_in_dim3A : f32 to vector<16xf32>
      %mul3A_38 = arith.constant 16 : i32
      %mul3A_39 = arith.muli %scan3A_35, %mul3A_38 : i32
      %swap3A = arith.index_cast %mul3A_39 : i32 to index
      %swap3A_40 = tpu.vector_load %arg5[%swap3A] {strides = array<i32>} : memref<128xf32, #tpu.memory_space<vmem>>, vector<16xf32>,
      %swap3A_41 = vector.shape_cast %swap3A_40 : vector<16xf32> to vector<16xf32>
      %swap3A_42 = vector.shape_cast %broadcast_in_dim3A_37 : vector<16xf32> to vector<16xf32>
      tpu.vector_store %arg5[%swap3A], %swap3A_42 {strides = array<i32>} : memref<128xf32, #tpu.memory_space<vmem>>, vector<16xf32>,
      %scan3A_43 = arith.constant 0 : i32
      scf.yield %scan3A_43 : i32
    }
    %scan3A_6 = arith.constant 8 : i32
    %scan3A_7 = arith.constant 0 : i32
    %scan3A_8 = arith.constant 0 : i32
    %scan3A_9 = arith.constant 232 : i32
    %scan3A_10 = arith.addi %scan3A_8, %scan3A_9 : i32
    %scan3A_11 = arith.constant 1 : i32
    %scan3A_12 = scf.for %scan3A_35 = %scan3A_8 to %scan3A_10 step %scan3A_11 iter_args(%scan3A_36 = %scan3A_7) -> (i32)  : i32 {
      %broadcast_in_dim3A = arith.constant 0.000000e+00 : f32
      %broadcast_in_dim3A_37 = vector.broadcast %broadcast_in_dim3A : f32 to vector<16xf32>
      %mul3A_38 = arith.constant 16 : i32
      %mul3A_39 = arith.muli %scan3A_35, %mul3A_38 : i32
      %swap3A = arith.index_cast %mul3A_39 : i32 to index
      %swap3A_40 = tpu.vector_load %arg6[%swap3A] {strides = array<i32>} : memref<3712xf32, #tpu.memory_space<vmem>>, vector<16xf32>,
      %swap3A_41 = vector.shape_cast %swap3A_40 : vector<16xf32> to vector<16xf32>
      %swap3A_42 = vector.shape_cast %broadcast_in_dim3A_37 : vector<16xf32> to vector<16xf32>
      tpu.vector_store %arg6[%swap3A], %swap3A_42 {strides = array<i32>} : memref<3712xf32, #tpu.memory_space<vmem>>, vector<16xf32>,
      %scan3A_43 = arith.constant 0 : i32
      scf.yield %scan3A_43 : i32
    }
    %scan3A_13 = arith.constant 232 : i32
    %mul3A_14 = arith.constant 152 : i32
    %mul3A_15 = arith.muli %add3A, %mul3A_14 : i32
    "tpu.region"() ({
      %run_scoped3A = tpu.sem_alloc : memref<!tpu.dma_semaphore, #tpu.memory_space<semaphore_mem>>
      %dma_start3A = arith.constant 0 : i32
      %dma_start3A_35 = tpu.memref_slice %arg2[%mul3A_15, %dma_start3A] : memref<4864x128xi32, #tpu.memory_space<hbm>> -> memref<152x128xi32, #tpu.memory_space<hbm>>
      %dma_start3A_36 = arith.constant 0 : i32
      %dma_start3A_37 = tpu.memref_slice %arg2[%mul3A_15, %dma_start3A_36] : memref<4864x128xi32, #tpu.memory_space<hbm>> -> memref<152x128xi32, #tpu.memory_space<hbm>>
      tpu.enqueue_dma source(%dma_start3A_37 : memref<152x128xi32, #tpu.memory_space<hbm>>) target(%arg4 : memref<152x128xi32, #tpu.memory_space<vmem>>) target_semaphore(%run_scoped3A : memref<!tpu.dma_semaphore, #tpu.memory_space<semaphore_mem>>)
      %dma_wait3A = arith.constant 0 : i32
      %dma_wait3A_38 = tpu.memref_slice %arg2[%mul3A_15, %dma_wait3A] : memref<4864x128xi32, #tpu.memory_space<hbm>> -> memref<152x128xi32, #tpu.memory_space<hbm>>
      %dma_wait3A_39 = arith.constant 0 : i32
      %dma_wait3A_40 = tpu.memref_slice %arg2[%mul3A_15, %dma_wait3A_39] : memref<4864x128xi32, #tpu.memory_space<hbm>> -> memref<152x128xi32, #tpu.memory_space<hbm>>
      tpu.wait_dma2 semaphore(%run_scoped3A : memref<!tpu.dma_semaphore, #tpu.memory_space<semaphore_mem>>) src(%dma_wait3A_40 : memref<152x128xi32, #tpu.memory_space<hbm>>) dst(%arg4 : memref<152x128xi32, #tpu.memory_space<vmem>>)
      tpu.yield
    }) : () -> ()
    %mul3A_16 = arith.constant 3712 : i32
    %mul3A_17 = arith.muli %arg1, %mul3A_16 : i32
    "tpu.region"() ({
      %run_scoped3A = tpu.sem_alloc : memref<!tpu.dma_semaphore, #tpu.memory_space<semaphore_mem>>
      %dma_start3A = tpu.memref_slice %arg7[%mul3A_17] : memref<59408xf32, #tpu.memory_space<vmem_shared>> -> memref<3712xf32, #tpu.memory_space<vmem_shared>>
      %dma_start3A_35 = tpu.memref_slice %arg7[%mul3A_17] : memref<59408xf32, #tpu.memory_space<vmem_shared>> -> memref<3712xf32, #tpu.memory_space<vmem_shared>>
      tpu.enqueue_dma source(%arg6 : memref<3712xf32, #tpu.memory_space<vmem>>) target(%dma_start3A_35 : memref<3712xf32, #tpu.memory_space<vmem_shared>>) target_semaphore(%run_scoped3A : memref<!tpu.dma_semaphore, #tpu.memory_space<semaphore_mem>>)
      %dma_wait3A = tpu.memref_slice %arg7[%mul3A_17] : memref<59408xf32, #tpu.memory_space<vmem_shared>> -> memref<3712xf32, #tpu.memory_space<vmem_shared>>
      %dma_wait3A_36 = tpu.memref_slice %arg7[%mul3A_17] : memref<59408xf32, #tpu.memory_space<vmem_shared>> -> memref<3712xf32, #tpu.memory_space<vmem_shared>>
      tpu.wait_dma2 semaphore(%run_scoped3A : memref<!tpu.dma_semaphore, #tpu.memory_space<semaphore_mem>>) src(%arg6 : memref<3712xf32, #tpu.memory_space<vmem>>) dst(%dma_wait3A_36 : memref<3712xf32, #tpu.memory_space<vmem_shared>>)
      tpu.yield
    }) : () -> ()
    %eq3A = arith.constant 0 : i32
    %eq3A_18 = arith.cmpi eq, %arg1, %eq3A : i32
    %convert_element_type3A = arith.extui %eq3A_18 : i1 to i32
    %cond3A = arith.constant 0 : i32
    %cond3A_19 = arith.cmpi ne, %convert_element_type3A, %cond3A : i32
    scf.if %cond3A_19 {
      "tpu.region"() ({
        %run_scoped3A = tpu.sem_alloc : memref<!tpu.dma_semaphore, #tpu.memory_space<semaphore_mem>>
        %dma_start3A = arith.constant 0 : i32
        %dma_start3A_35 = tpu.memref_slice %arg6[%dma_start3A] : memref<3712xf32, #tpu.memory_space<vmem>> -> memref<16xf32, #tpu.memory_space<vmem>>
        %dma_start3A_36 = arith.constant 59392 : i32
        %dma_start3A_37 = tpu.memref_slice %arg7[%dma_start3A_36] : memref<59408xf32, #tpu.memory_space<vmem_shared>> -> memref<16xf32, #tpu.memory_space<vmem_shared>>
        %dma_start3A_38 = arith.constant 59392 : i32
        %dma_start3A_39 = tpu.memref_slice %arg7[%dma_start3A_38] : memref<59408xf32, #tpu.memory_space<vmem_shared>> -> memref<16xf32, #tpu.memory_space<vmem_shared>>
        %dma_start3A_40 = arith.constant 0 : i32
        %dma_start3A_41 = tpu.memref_slice %arg6[%dma_start3A_40] : memref<3712xf32, #tpu.memory_space<vmem>> -> memref<16xf32, #tpu.memory_space<vmem>>
        tpu.enqueue_dma source(%dma_start3A_41 : memref<16xf32, #tpu.memory_space<vmem>>) target(%dma_start3A_39 : memref<16xf32, #tpu.memory_space<vmem_shared>>) target_semaphore(%run_scoped3A : memref<!tpu.dma_semaphore, #tpu.memory_space<semaphore_mem>>)
        %dma_wait3A = arith.constant 0 : i32
        %dma_wait3A_42 = tpu.memref_slice %arg6[%dma_wait3A] : memref<3712xf32, #tpu.memory_space<vmem>> -> memref<16xf32, #tpu.memory_space<vmem>>
        %dma_wait3A_43 = arith.constant 59392 : i32
        %dma_wait3A_44 = tpu.memref_slice %arg7[%dma_wait3A_43] : memref<59408xf32, #tpu.memory_space<vmem_shared>> -> memref<16xf32, #tpu.memory_space<vmem_shared>>
        %dma_wait3A_45 = arith.constant 59392 : i32
        %dma_wait3A_46 = tpu.memref_slice %arg7[%dma_wait3A_45] : memref<59408xf32, #tpu.memory_space<vmem_shared>> -> memref<16xf32, #tpu.memory_space<vmem_shared>>
        %dma_wait3A_47 = arith.constant 0 : i32
        %dma_wait3A_48 = tpu.memref_slice %arg6[%dma_wait3A_47] : memref<3712xf32, #tpu.memory_space<vmem>> -> memref<16xf32, #tpu.memory_space<vmem>>
        tpu.wait_dma2 semaphore(%run_scoped3A : memref<!tpu.dma_semaphore, #tpu.memory_space<semaphore_mem>>) src(%dma_wait3A_48 : memref<16xf32, #tpu.memory_space<vmem>>) dst(%dma_wait3A_46 : memref<16xf32, #tpu.memory_space<vmem_shared>>)
        tpu.yield
      }) : () -> ()
    } else {
    }
    %barrier3A = arith.constant 0 : index
    tpu.barrier barrier_id(%barrier3A)
    %scan3A_20 = arith.constant 0 : i32
    %scan3A_21 = arith.constant 0 : i32
    %scan3A_22 = arith.constant 152 : i32
    %scan3A_23 = arith.addi %scan3A_21, %scan3A_22 : i32
    %scan3A_24 = arith.constant 1 : i32
    %scan3A_25 = scf.for %scan3A_35 = %scan3A_21 to %scan3A_23 step %scan3A_24 iter_args(%scan3A_36 = %scan3A_20) -> (i32)  : i32 {
      "tpu.region"() ({
        %run_scoped3A = tpu.sem_alloc : memref<!tpu.dma_semaphore, #tpu.memory_space<semaphore_mem>>
        %dma_start3A = arith.constant 0 : i32
        %dma_start3A_38 = tpu.memref_slice %arg4[%scan3A_35, %dma_start3A] : memref<152x128xi32, #tpu.memory_space<vmem>> -> memref<1x128xi32, #tpu.memory_space<vmem>>
        %dma_start3A_39 = tpu.memref_squeeze %dma_start3A_38 : memref<1x128xi32, #tpu.memory_space<vmem>> -> memref<128xi32, #tpu.memory_space<vmem>>
        %dma_start3A_40 = arith.constant 0 : i32
        %dma_start3A_41 = tpu.memref_slice %arg7[%dma_start3A_40] : memref<59408xf32, #tpu.memory_space<vmem_shared>> -> memref<59408xf32, #tpu.memory_space<vmem_shared>>
        tpu.enqueue_indirect_dma source(%arg5 : memref<128xf32, #tpu.memory_space<vmem>>) target(%dma_start3A_41 : memref<59408xf32, #tpu.memory_space<vmem_shared>>) offsets(%dma_start3A_39 : memref<128xi32, #tpu.memory_space<vmem>>) semaphore(%run_scoped3A : memref<!tpu.dma_semaphore, #tpu.memory_space<semaphore_mem>>) {add = true}
        %dma_wait3A = arith.constant 0 : i32
        %dma_wait3A_42 = tpu.memref_slice %arg4[%scan3A_35, %dma_wait3A] : memref<152x128xi32, #tpu.memory_space<vmem>> -> memref<1x128xi32, #tpu.memory_space<vmem>>
        %dma_wait3A_43 = tpu.memref_squeeze %dma_wait3A_42 : memref<1x128xi32, #tpu.memory_space<vmem>> -> memref<128xi32, #tpu.memory_space<vmem>>
        %dma_wait3A_44 = arith.constant 0 : i32
        %dma_wait3A_45 = tpu.memref_slice %arg7[%dma_wait3A_44] : memref<59408xf32, #tpu.memory_space<vmem_shared>> -> memref<59408xf32, #tpu.memory_space<vmem_shared>>
        tpu.wait_indirect_dma semaphore(%run_scoped3A : memref<!tpu.dma_semaphore, #tpu.memory_space<semaphore_mem>>) src(%arg5 : memref<128xf32, #tpu.memory_space<vmem>>) dst(%dma_wait3A_45 : memref<59408xf32, #tpu.memory_space<vmem_shared>>)
        tpu.yield
      }) : () -> ()
      %scan3A_37 = arith.constant 0 : i32
      scf.yield %scan3A_37 : i32
    }
    %scan3A_26 = arith.constant 152 : i32
    %barrier3A_27 = arith.constant 0 : index
    tpu.barrier barrier_id(%barrier3A_27)
    %mul3A_28 = arith.constant 3712 : i32
    %mul3A_29 = arith.muli %arg1, %mul3A_28 : i32
    %mul3A_30 = arith.constant 59392 : i32
    %mul3A_31 = arith.muli %arg0, %mul3A_30 : i32
    %mul3A_32 = arith.constant 3712 : i32
    %mul3A_33 = arith.muli %arg1, %mul3A_32 : i32
    %add3A_34 = arith.addi %mul3A_31, %mul3A_33 : i32
    "tpu.region"() ({
      %run_scoped3A = tpu.sem_alloc : memref<!tpu.dma_semaphore, #tpu.memory_space<semaphore_mem>>
      %dma_start3A = tpu.memref_slice %arg3[%add3A_34] : memref<118784xf32, #tpu.memory_space<hbm>> -> memref<3712xf32, #tpu.memory_space<hbm>>
      %dma_start3A_35 = tpu.memref_slice %arg7[%mul3A_29] : memref<59408xf32, #tpu.memory_space<vmem_shared>> -> memref<3712xf32, #tpu.memory_space<vmem_shared>>
      tpu.enqueue_dma source(%dma_start3A_35 : memref<3712xf32, #tpu.memory_space<vmem_shared>>) target(%dma_start3A : memref<3712xf32, #tpu.memory_space<hbm>>) target_semaphore(%run_scoped3A : memref<!tpu.dma_semaphore, #tpu.memory_space<semaphore_mem>>)
      %dma_wait3A = tpu.memref_slice %arg3[%add3A_34] : memref<118784xf32, #tpu.memory_space<hbm>> -> memref<3712xf32, #tpu.memory_space<hbm>>
      %dma_wait3A_36 = tpu.memref_slice %arg7[%mul3A_29] : memref<59408xf32, #tpu.memory_space<vmem_shared>> -> memref<3712xf32, #tpu.memory_space<vmem_shared>>
      tpu.wait_dma2 semaphore(%run_scoped3A : memref<!tpu.dma_semaphore, #tpu.memory_space<semaphore_mem>>) src(%dma_wait3A_36 : memref<3712xf32, #tpu.memory_space<vmem_shared>>) dst(%dma_wait3A : memref<3712xf32, #tpu.memory_space<hbm>>)
      tpu.yield
    }) : () -> ()
    return
  }
}

#map = affine_map<(d0, d1) -> (0, 0)>
#map1 = affine_map<(d0, d1) -> (0)>
module attributes {stable_mosaic.version = 14 : i64} {
  func.func @k(%arg0: i32, %arg1: i32, %arg2: memref<356352x32xf32, #tpu.memory_space<hbm>>, %arg3: memref<7471104xi32, #tpu.memory_space<hbm>>, %arg4: memref<356352x32xf32, #tpu.memory_space<hbm>>, %arg5: memref<1024xi32, #tpu.memory_space<vmem>>, %arg6: memref<1024xi32, #tpu.memory_space<vmem>>, %arg7: memref<128x32xf32, #tpu.memory_space<vmem>>, %arg8: memref<128x32xf32, #tpu.memory_space<vmem>>, %arg9: memref<59408x32xf32, #tpu.memory_space<vmem_shared>>, %arg10: memref<!tpu.dma_semaphore, #tpu.memory_space<semaphore_mem>>, %arg11: memref<!tpu.dma_semaphore, #tpu.memory_space<semaphore_mem>>, %arg12: memref<!tpu.dma_semaphore, #tpu.memory_space<semaphore_mem>>, %arg13: memref<!tpu.dma_semaphore, #tpu.memory_space<semaphore_mem>>, %arg14: memref<!tpu.dma_semaphore, #tpu.memory_space<semaphore_mem>>, %arg15: memref<!tpu.dma_semaphore, #tpu.memory_space<semaphore_mem>>) attributes {dimension_semantics = [#tpu.dimension_semantics<core_parallel>, #tpu.dimension_semantics<subcore_parallel>], iteration_bounds = array<i64: 2, 16>, scalar_prefetch = 0 : i64, scratch_operands = 11 : i64, tpu.core_type = #tpu.core_type<sc_vector_subcore>, window_params = [{transform_indices = #map}, {transform_indices = #map1}, {transform_indices = #map}]} {
    %mul3A = arith.constant 3 : i32
    %mul3A_0 = arith.muli %mul3A, %arg0 : i32
    %add3A = arith.constant 0 : i32
    %add3A_1 = arith.addi %mul3A_0, %add3A : i32
    %mul3A_2 = arith.constant 59392 : i32
    %mul3A_3 = arith.muli %add3A_1, %mul3A_2 : i32
    %mul3A_4 = arith.constant 3712 : i32
    %mul3A_5 = arith.muli %arg1, %mul3A_4 : i32
    %add3A_6 = arith.addi %mul3A_3, %mul3A_5 : i32
    %mul3A_7 = arith.constant 3712 : i32
    %mul3A_8 = arith.muli %arg1, %mul3A_7 : i32
    "tpu.region"() ({
      %run_scoped3A = tpu.sem_alloc : memref<!tpu.dma_semaphore, #tpu.memory_space<semaphore_mem>>
      %dma_start3A_122 = arith.constant 0 : i32
      %dma_start3A_123 = tpu.memref_slice %arg9[%mul3A_8, %dma_start3A_122] : memref<59408x32xf32, #tpu.memory_space<vmem_shared>> -> memref<3712x32xf32, #tpu.memory_space<vmem_shared>>
      %dma_start3A_124 = arith.constant 0 : i32
      %dma_start3A_125 = tpu.memref_slice %arg2[%add3A_6, %dma_start3A_124] : memref<356352x32xf32, #tpu.memory_space<hbm>> -> memref<3712x32xf32, #tpu.memory_space<hbm>>
      tpu.enqueue_dma source(%dma_start3A_125 : memref<3712x32xf32, #tpu.memory_space<hbm>>) target(%dma_start3A_123 : memref<3712x32xf32, #tpu.memory_space<vmem_shared>>) target_semaphore(%run_scoped3A : memref<!tpu.dma_semaphore, #tpu.memory_space<semaphore_mem>>)
      %dma_wait3A_126 = arith.constant 0 : i32
      %dma_wait3A_127 = tpu.memref_slice %arg9[%mul3A_8, %dma_wait3A_126] : memref<59408x32xf32, #tpu.memory_space<vmem_shared>> -> memref<3712x32xf32, #tpu.memory_space<vmem_shared>>
      %dma_wait3A_128 = arith.constant 0 : i32
      %dma_wait3A_129 = tpu.memref_slice %arg2[%add3A_6, %dma_wait3A_128] : memref<356352x32xf32, #tpu.memory_space<hbm>> -> memref<3712x32xf32, #tpu.memory_space<hbm>>
      tpu.wait_dma2 semaphore(%run_scoped3A : memref<!tpu.dma_semaphore, #tpu.memory_space<semaphore_mem>>) src(%dma_wait3A_129 : memref<3712x32xf32, #tpu.memory_space<hbm>>) dst(%dma_wait3A_127 : memref<3712x32xf32, #tpu.memory_space<vmem_shared>>)
      tpu.yield
    }) : () -> ()
    %mul3A_9 = arith.constant 3 : i32
    %mul3A_10 = arith.muli %mul3A_9, %arg0 : i32
    %add3A_11 = arith.constant 0 : i32
    %add3A_12 = arith.addi %mul3A_10, %add3A_11 : i32
    %mul3A_13 = arith.constant 1245184 : i32
    %mul3A_14 = arith.muli %add3A_12, %mul3A_13 : i32
    %mul3A_15 = arith.constant 76 : i32
    %mul3A_16 = arith.muli %arg1, %mul3A_15 : i32
    %add3A_17 = arith.constant 0 : i32
    %add3A_18 = arith.addi %mul3A_16, %add3A_17 : i32
    %mul3A_19 = arith.constant 1024 : i32
    %mul3A_20 = arith.muli %add3A_18, %mul3A_19 : i32
    %add3A_21 = arith.addi %mul3A_14, %mul3A_20 : i32
    %dma_start3A = tpu.memref_slice %arg3[%add3A_21] : memref<7471104xi32, #tpu.memory_space<hbm>> -> memref<1024xi32, #tpu.memory_space<hbm>>
    %dma_start3A_22 = tpu.memref_slice %arg3[%add3A_21] : memref<7471104xi32, #tpu.memory_space<hbm>> -> memref<1024xi32, #tpu.memory_space<hbm>>
    tpu.enqueue_dma source(%dma_start3A_22 : memref<1024xi32, #tpu.memory_space<hbm>>) target(%arg5 : memref<1024xi32, #tpu.memory_space<vmem>>) target_semaphore(%arg10 : memref<!tpu.dma_semaphore, #tpu.memory_space<semaphore_mem>>)
    %dma_wait3A = tpu.memref_slice %arg3[%add3A_21] : memref<7471104xi32, #tpu.memory_space<hbm>> -> memref<1024xi32, #tpu.memory_space<hbm>>
    %dma_wait3A_23 = tpu.memref_slice %arg3[%add3A_21] : memref<7471104xi32, #tpu.memory_space<hbm>> -> memref<1024xi32, #tpu.memory_space<hbm>>
    tpu.wait_dma2 semaphore(%arg10 : memref<!tpu.dma_semaphore, #tpu.memory_space<semaphore_mem>>) src(%dma_wait3A_23 : memref<1024xi32, #tpu.memory_space<hbm>>) dst(%arg5 : memref<1024xi32, #tpu.memory_space<vmem>>)
    %barrier3A = arith.constant 0 : index
    tpu.barrier barrier_id(%barrier3A)
    %scan3A = arith.constant 0 : i32
    %scan3A_24 = arith.constant 0 : i32
    %scan3A_25 = arith.constant 76 : i32
    %scan3A_26 = arith.addi %scan3A_24, %scan3A_25 : i32
    %scan3A_27 = arith.constant 1 : i32
    %scan3A_28 = scf.for %scan3A_122 = %scan3A_24 to %scan3A_26 step %scan3A_27 iter_args(%scan3A_123 = %scan3A) -> (i32)  : i32 {
      %rem3A = arith.constant 2 : i32
      %rem3A_124 = arith.remsi %scan3A_122, %rem3A : i32
      %eq3A = arith.constant 0 : i32
      %eq3A_125 = arith.cmpi eq, %rem3A_124, %eq3A : i32
      %convert_element_type3A = arith.extui %eq3A_125 : i1 to i32
      %cond3A = arith.constant 0 : i32
      %cond3A_126 = arith.cmpi ne, %convert_element_type3A, %cond3A : i32
      scf.if %cond3A_126 {
        %add3A_133 = arith.constant 1 : i32
        %add3A_134 = arith.addi %scan3A_122, %add3A_133 : i32
        %lt3A = arith.constant 76 : i32
        %lt3A_135 = arith.cmpi slt, %add3A_134, %lt3A : i32
        %convert_element_type3A_136 = arith.extui %lt3A_135 : i1 to i32
        %cond3A_137 = arith.constant 0 : i32
        %cond3A_138 = arith.cmpi ne, %convert_element_type3A_136, %cond3A_137 : i32
        scf.if %cond3A_138 {
          %add3A_258 = arith.constant 1 : i32
          %add3A_259 = arith.addi %scan3A_122, %add3A_258 : i32
          %mul3A_260 = arith.constant 3 : i32
          %mul3A_261 = arith.muli %mul3A_260, %arg0 : i32
          %add3A_262 = arith.constant 0 : i32
          %add3A_263 = arith.addi %mul3A_261, %add3A_262 : i32
          %mul3A_264 = arith.constant 1245184 : i32
          %mul3A_265 = arith.muli %add3A_263, %mul3A_264 : i32
          %mul3A_266 = arith.constant 76 : i32
          %mul3A_267 = arith.muli %arg1, %mul3A_266 : i32
          %add3A_268 = arith.addi %mul3A_267, %add3A_259 : i32
          %mul3A_269 = arith.constant 1024 : i32
          %mul3A_270 = arith.muli %add3A_268, %mul3A_269 : i32
          %add3A_271 = arith.addi %mul3A_265, %mul3A_270 : i32
          %dma_start3A_272 = tpu.memref_slice %arg3[%add3A_271] : memref<7471104xi32, #tpu.memory_space<hbm>> -> memref<1024xi32, #tpu.memory_space<hbm>>
          %dma_start3A_273 = tpu.memref_slice %arg3[%add3A_271] : memref<7471104xi32, #tpu.memory_space<hbm>> -> memref<1024xi32, #tpu.memory_space<hbm>>
          tpu.enqueue_dma source(%dma_start3A_273 : memref<1024xi32, #tpu.memory_space<hbm>>) target(%arg6 : memref<1024xi32, #tpu.memory_space<vmem>>) target_semaphore(%arg11 : memref<!tpu.dma_semaphore, #tpu.memory_space<semaphore_mem>>)
        } else {
        }
        %dma_start3A_139 = arith.constant 0 : i32
        %dma_start3A_140 = tpu.memref_slice %arg5[%dma_start3A_139] : memref<1024xi32, #tpu.memory_space<vmem>> -> memref<512xi32, #tpu.memory_space<vmem>>
        %dma_start3A_141 = arith.constant 0 : i32
        %dma_start3A_142 = tpu.memref_slice %dma_start3A_140[%dma_start3A_141] : memref<512xi32, #tpu.memory_space<vmem>> -> memref<128xi32, #tpu.memory_space<vmem>>
        %dma_start3A_143 = arith.constant 0 : i32
        %dma_start3A_144 = arith.constant 0 : i32
        %dma_start3A_145 = tpu.memref_slice %arg2[%dma_start3A_143, %dma_start3A_144] : memref<356352x32xf32, #tpu.memory_space<hbm>> -> memref<356352x32xf32, #tpu.memory_space<hbm>>
        tpu.enqueue_indirect_dma source(%dma_start3A_145 : memref<356352x32xf32, #tpu.memory_space<hbm>>) target(%arg7 : memref<128x32xf32, #tpu.memory_space<vmem>>) offsets(%dma_start3A_142 : memref<128xi32, #tpu.memory_space<vmem>>) semaphore(%arg12 : memref<!tpu.dma_semaphore, #tpu.memory_space<semaphore_mem>>)
        %dma_wait3A_146 = arith.constant 0 : i32
        %dma_wait3A_147 = tpu.memref_slice %arg5[%dma_wait3A_146] : memref<1024xi32, #tpu.memory_space<vmem>> -> memref<512xi32, #tpu.memory_space<vmem>>
        %dma_wait3A_148 = arith.constant 0 : i32
        %dma_wait3A_149 = tpu.memref_slice %dma_wait3A_147[%dma_wait3A_148] : memref<512xi32, #tpu.memory_space<vmem>> -> memref<128xi32, #tpu.memory_space<vmem>>
        %dma_wait3A_150 = arith.constant 0 : i32
        %dma_wait3A_151 = arith.constant 0 : i32
        %dma_wait3A_152 = tpu.memref_slice %arg2[%dma_wait3A_150, %dma_wait3A_151] : memref<356352x32xf32, #tpu.memory_space<hbm>> -> memref<356352x32xf32, #tpu.memory_space<hbm>>
        tpu.wait_indirect_dma semaphore(%arg12 : memref<!tpu.dma_semaphore, #tpu.memory_space<semaphore_mem>>) src(%dma_wait3A_152 : memref<356352x32xf32, #tpu.memory_space<hbm>>) dst(%arg7 : memref<128x32xf32, #tpu.memory_space<vmem>>)
        %dma_start3A_153 = arith.constant 512 : i32
        %dma_start3A_154 = tpu.memref_slice %arg5[%dma_start3A_153] : memref<1024xi32, #tpu.memory_space<vmem>> -> memref<512xi32, #tpu.memory_space<vmem>>
        %dma_start3A_155 = arith.constant 0 : i32
        %dma_start3A_156 = tpu.memref_slice %dma_start3A_154[%dma_start3A_155] : memref<512xi32, #tpu.memory_space<vmem>> -> memref<128xi32, #tpu.memory_space<vmem>>
        %dma_start3A_157 = arith.constant 0 : i32
        %dma_start3A_158 = arith.constant 0 : i32
        %dma_start3A_159 = tpu.memref_slice %arg9[%dma_start3A_157, %dma_start3A_158] : memref<59408x32xf32, #tpu.memory_space<vmem_shared>> -> memref<59408x32xf32, #tpu.memory_space<vmem_shared>>
        tpu.enqueue_indirect_dma source(%arg7 : memref<128x32xf32, #tpu.memory_space<vmem>>) target(%dma_start3A_159 : memref<59408x32xf32, #tpu.memory_space<vmem_shared>>) offsets(%dma_start3A_156 : memref<128xi32, #tpu.memory_space<vmem>>) semaphore(%arg14 : memref<!tpu.dma_semaphore, #tpu.memory_space<semaphore_mem>>) {add = true}
        %dma_start3A_160 = arith.constant 0 : i32
        %dma_start3A_161 = tpu.memref_slice %arg5[%dma_start3A_160] : memref<1024xi32, #tpu.memory_space<vmem>> -> memref<512xi32, #tpu.memory_space<vmem>>
        %dma_start3A_162 = arith.constant 128 : i32
        %dma_start3A_163 = tpu.memref_slice %dma_start3A_161[%dma_start3A_162] : memref<512xi32, #tpu.memory_space<vmem>> -> memref<128xi32, #tpu.memory_space<vmem>>
        %dma_start3A_164 = arith.constant 0 : i32
        %dma_start3A_165 = arith.constant 0 : i32
        %dma_start3A_166 = tpu.memref_slice %arg2[%dma_start3A_164, %dma_start3A_165] : memref<356352x32xf32, #tpu.memory_space<hbm>> -> memref<356352x32xf32, #tpu.memory_space<hbm>>
        tpu.enqueue_indirect_dma source(%dma_start3A_166 : memref<356352x32xf32, #tpu.memory_space<hbm>>) target(%arg8 : memref<128x32xf32, #tpu.memory_space<vmem>>) offsets(%dma_start3A_163 : memref<128xi32, #tpu.memory_space<vmem>>) semaphore(%arg13 : memref<!tpu.dma_semaphore, #tpu.memory_space<semaphore_mem>>)
        %dma_wait3A_167 = arith.constant 0 : i32
        %dma_wait3A_168 = tpu.memref_slice %arg5[%dma_wait3A_167] : memref<1024xi32, #tpu.memory_space<vmem>> -> memref<512xi32, #tpu.memory_space<vmem>>
        %dma_wait3A_169 = arith.constant 128 : i32
        %dma_wait3A_170 = tpu.memref_slice %dma_wait3A_168[%dma_wait3A_169] : memref<512xi32, #tpu.memory_space<vmem>> -> memref<128xi32, #tpu.memory_space<vmem>>
        %dma_wait3A_171 = arith.constant 0 : i32
        %dma_wait3A_172 = arith.constant 0 : i32
        %dma_wait3A_173 = tpu.memref_slice %arg2[%dma_wait3A_171, %dma_wait3A_172] : memref<356352x32xf32, #tpu.memory_space<hbm>> -> memref<356352x32xf32, #tpu.memory_space<hbm>>
        tpu.wait_indirect_dma semaphore(%arg13 : memref<!tpu.dma_semaphore, #tpu.memory_space<semaphore_mem>>) src(%dma_wait3A_173 : memref<356352x32xf32, #tpu.memory_space<hbm>>) dst(%arg8 : memref<128x32xf32, #tpu.memory_space<vmem>>)
        %dma_start3A_174 = arith.constant 512 : i32
        %dma_start3A_175 = tpu.memref_slice %arg5[%dma_start3A_174] : memref<1024xi32, #tpu.memory_space<vmem>> -> memref<512xi32, #tpu.memory_space<vmem>>
        %dma_start3A_176 = arith.constant 128 : i32
        %dma_start3A_177 = tpu.memref_slice %dma_start3A_175[%dma_start3A_176] : memref<512xi32, #tpu.memory_space<vmem>> -> memref<128xi32, #tpu.memory_space<vmem>>
        %dma_start3A_178 = arith.constant 0 : i32
        %dma_start3A_179 = arith.constant 0 : i32
        %dma_start3A_180 = tpu.memref_slice %arg9[%dma_start3A_178, %dma_start3A_179] : memref<59408x32xf32, #tpu.memory_space<vmem_shared>> -> memref<59408x32xf32, #tpu.memory_space<vmem_shared>>
        tpu.enqueue_indirect_dma source(%arg8 : memref<128x32xf32, #tpu.memory_space<vmem>>) target(%dma_start3A_180 : memref<59408x32xf32, #tpu.memory_space<vmem_shared>>) offsets(%dma_start3A_177 : memref<128xi32, #tpu.memory_space<vmem>>) semaphore(%arg15 : memref<!tpu.dma_semaphore, #tpu.memory_space<semaphore_mem>>) {add = true}
        %dma_wait3A_181 = arith.constant 512 : i32
        %dma_wait3A_182 = tpu.memref_slice %arg5[%dma_wait3A_181] : memref<1024xi32, #tpu.memory_space<vmem>> -> memref<512xi32, #tpu.memory_space<vmem>>
        %dma_wait3A_183 = arith.constant 0 : i32
        %dma_wait3A_184 = tpu.memref_slice %dma_wait3A_182[%dma_wait3A_183] : memref<512xi32, #tpu.memory_space<vmem>> -> memref<128xi32, #tpu.memory_space<vmem>>
        %dma_wait3A_185 = arith.constant 0 : i32
        %dma_wait3A_186 = arith.constant 0 : i32
        %dma_wait3A_187 = tpu.memref_slice %arg9[%dma_wait3A_185, %dma_wait3A_186] : memref<59408x32xf32, #tpu.memory_space<vmem_shared>> -> memref<59408x32xf32, #tpu.memory_space<vmem_shared>>
        tpu.wait_indirect_dma semaphore(%arg14 : memref<!tpu.dma_semaphore, #tpu.memory_space<semaphore_mem>>) src(%arg7 : memref<128x32xf32, #tpu.memory_space<vmem>>) dst(%dma_wait3A_187 : memref<59408x32xf32, #tpu.memory_space<vmem_shared>>)
        %dma_start3A_188 = arith.constant 0 : i32
        %dma_start3A_189 = tpu.memref_slice %arg5[%dma_start3A_188] : memref<1024xi32, #tpu.memory_space<vmem>> -> memref<512xi32, #tpu.memory_space<vmem>>
        %dma_start3A_190 = arith.constant 256 : i32
        %dma_start3A_191 = tpu.memref_slice %dma_start3A_189[%dma_start3A_190] : memref<512xi32, #tpu.memory_space<vmem>> -> memref<128xi32, #tpu.memory_space<vmem>>
        %dma_start3A_192 = arith.constant 0 : i32
        %dma_start3A_193 = arith.constant 0 : i32
        %dma_start3A_194 = tpu.memref_slice %arg2[%dma_start3A_192, %dma_start3A_193] : memref<356352x32xf32, #tpu.memory_space<hbm>> -> memref<356352x32xf32, #tpu.memory_space<hbm>>
        tpu.enqueue_indirect_dma source(%dma_start3A_194 : memref<356352x32xf32, #tpu.memory_space<hbm>>) target(%arg7 : memref<128x32xf32, #tpu.memory_space<vmem>>) offsets(%dma_start3A_191 : memref<128xi32, #tpu.memory_space<vmem>>) semaphore(%arg12 : memref<!tpu.dma_semaphore, #tpu.memory_space<semaphore_mem>>)
        %dma_wait3A_195 = arith.constant 0 : i32
        %dma_wait3A_196 = tpu.memref_slice %arg5[%dma_wait3A_195] : memref<1024xi32, #tpu.memory_space<vmem>> -> memref<512xi32, #tpu.memory_space<vmem>>
        %dma_wait3A_197 = arith.constant 256 : i32
        %dma_wait3A_198 = tpu.memref_slice %dma_wait3A_196[%dma_wait3A_197] : memref<512xi32, #tpu.memory_space<vmem>> -> memref<128xi32, #tpu.memory_space<vmem>>
        %dma_wait3A_199 = arith.constant 0 : i32
        %dma_wait3A_200 = arith.constant 0 : i32
        %dma_wait3A_201 = tpu.memref_slice %arg2[%dma_wait3A_199, %dma_wait3A_200] : memref<356352x32xf32, #tpu.memory_space<hbm>> -> memref<356352x32xf32, #tpu.memory_space<hbm>>
        tpu.wait_indirect_dma semaphore(%arg12 : memref<!tpu.dma_semaphore, #tpu.memory_space<semaphore_mem>>) src(%dma_wait3A_201 : memref<356352x32xf32, #tpu.memory_space<hbm>>) dst(%arg7 : memref<128x32xf32, #tpu.memory_space<vmem>>)
        %dma_start3A_202 = arith.constant 512 : i32
        %dma_start3A_203 = tpu.memref_slice %arg5[%dma_start3A_202] : memref<1024xi32, #tpu.memory_space<vmem>> -> memref<512xi32, #tpu.memory_space<vmem>>
        %dma_start3A_204 = arith.constant 256 : i32
        %dma_start3A_205 = tpu.memref_slice %dma_start3A_203[%dma_start3A_204] : memref<512xi32, #tpu.memory_space<vmem>> -> memref<128xi32, #tpu.memory_space<vmem>>
        %dma_start3A_206 = arith.constant 0 : i32
        %dma_start3A_207 = arith.constant 0 : i32
        %dma_start3A_208 = tpu.memref_slice %arg9[%dma_start3A_206, %dma_start3A_207] : memref<59408x32xf32, #tpu.memory_space<vmem_shared>> -> memref<59408x32xf32, #tpu.memory_space<vmem_shared>>
        tpu.enqueue_indirect_dma source(%arg7 : memref<128x32xf32, #tpu.memory_space<vmem>>) target(%dma_start3A_208 : memref<59408x32xf32, #tpu.memory_space<vmem_shared>>) offsets(%dma_start3A_205 : memref<128xi32, #tpu.memory_space<vmem>>) semaphore(%arg14 : memref<!tpu.dma_semaphore, #tpu.memory_space<semaphore_mem>>) {add = true}
        %dma_wait3A_209 = arith.constant 512 : i32
        %dma_wait3A_210 = tpu.memref_slice %arg5[%dma_wait3A_209] : memref<1024xi32, #tpu.memory_space<vmem>> -> memref<512xi32, #tpu.memory_space<vmem>>
        %dma_wait3A_211 = arith.constant 128 : i32
        %dma_wait3A_212 = tpu.memref_slice %dma_wait3A_210[%dma_wait3A_211] : memref<512xi32, #tpu.memory_space<vmem>> -> memref<128xi32, #tpu.memory_space<vmem>>
        %dma_wait3A_213 = arith.constant 0 : i32
        %dma_wait3A_214 = arith.constant 0 : i32
        %dma_wait3A_215 = tpu.memref_slice %arg9[%dma_wait3A_213, %dma_wait3A_214] : memref<59408x32xf32, #tpu.memory_space<vmem_shared>> -> memref<59408x32xf32, #tpu.memory_space<vmem_shared>>
        tpu.wait_indirect_dma semaphore(%arg15 : memref<!tpu.dma_semaphore, #tpu.memory_space<semaphore_mem>>) src(%arg8 : memref<128x32xf32, #tpu.memory_space<vmem>>) dst(%dma_wait3A_215 : memref<59408x32xf32, #tpu.memory_space<vmem_shared>>)
        %dma_start3A_216 = arith.constant 0 : i32
        %dma_start3A_217 = tpu.memref_slice %arg5[%dma_start3A_216] : memref<1024xi32, #tpu.memory_space<vmem>> -> memref<512xi32, #tpu.memory_space<vmem>>
        %dma_start3A_218 = arith.constant 384 : i32
        %dma_start3A_219 = tpu.memref_slice %dma_start3A_217[%dma_start3A_218] : memref<512xi32, #tpu.memory_space<vmem>> -> memref<128xi32, #tpu.memory_space<vmem>>
        %dma_start3A_220 = arith.constant 0 : i32
        %dma_start3A_221 = arith.constant 0 : i32
        %dma_start3A_222 = tpu.memref_slice %arg2[%dma_start3A_220, %dma_start3A_221] : memref<356352x32xf32, #tpu.memory_space<hbm>> -> memref<356352x32xf32, #tpu.memory_space<hbm>>
        tpu.enqueue_indirect_dma source(%dma_start3A_222 : memref<356352x32xf32, #tpu.memory_space<hbm>>) target(%arg8 : memref<128x32xf32, #tpu.memory_space<vmem>>) offsets(%dma_start3A_219 : memref<128xi32, #tpu.memory_space<vmem>>) semaphore(%arg13 : memref<!tpu.dma_semaphore, #tpu.memory_space<semaphore_mem>>)
        %dma_wait3A_223 = arith.constant 0 : i32
        %dma_wait3A_224 = tpu.memref_slice %arg5[%dma_wait3A_223] : memref<1024xi32, #tpu.memory_space<vmem>> -> memref<512xi32, #tpu.memory_space<vmem>>
        %dma_wait3A_225 = arith.constant 384 : i32
        %dma_wait3A_226 = tpu.memref_slice %dma_wait3A_224[%dma_wait3A_225] : memref<512xi32, #tpu.memory_space<vmem>> -> memref<128xi32, #tpu.memory_space<vmem>>
        %dma_wait3A_227 = arith.constant 0 : i32
        %dma_wait3A_228 = arith.constant 0 : i32
        %dma_wait3A_229 = tpu.memref_slice %arg2[%dma_wait3A_227, %dma_wait3A_228] : memref<356352x32xf32, #tpu.memory_space<hbm>> -> memref<356352x32xf32, #tpu.memory_space<hbm>>
        tpu.wait_indirect_dma semaphore(%arg13 : memref<!tpu.dma_semaphore, #tpu.memory_space<semaphore_mem>>) src(%dma_wait3A_229 : memref<356352x32xf32, #tpu.memory_space<hbm>>) dst(%arg8 : memref<128x32xf32, #tpu.memory_space<vmem>>)
        %dma_start3A_230 = arith.constant 512 : i32
        %dma_start3A_231 = tpu.memref_slice %arg5[%dma_start3A_230] : memref<1024xi32, #tpu.memory_space<vmem>> -> memref<512xi32, #tpu.memory_space<vmem>>
        %dma_start3A_232 = arith.constant 384 : i32
        %dma_start3A_233 = tpu.memref_slice %dma_start3A_231[%dma_start3A_232] : memref<512xi32, #tpu.memory_space<vmem>> -> memref<128xi32, #tpu.memory_space<vmem>>
        %dma_start3A_234 = arith.constant 0 : i32
        %dma_start3A_235 = arith.constant 0 : i32
        %dma_start3A_236 = tpu.memref_slice %arg9[%dma_start3A_234, %dma_start3A_235] : memref<59408x32xf32, #tpu.memory_space<vmem_shared>> -> memref<59408x32xf32, #tpu.memory_space<vmem_shared>>
        tpu.enqueue_indirect_dma source(%arg8 : memref<128x32xf32, #tpu.memory_space<vmem>>) target(%dma_start3A_236 : memref<59408x32xf32, #tpu.memory_space<vmem_shared>>) offsets(%dma_start3A_233 : memref<128xi32, #tpu.memory_space<vmem>>) semaphore(%arg15 : memref<!tpu.dma_semaphore, #tpu.memory_space<semaphore_mem>>) {add = true}
        %dma_wait3A_237 = arith.constant 512 : i32
        %dma_wait3A_238 = tpu.memref_slice %arg5[%dma_wait3A_237] : memref<1024xi32, #tpu.memory_space<vmem>> -> memref<512xi32, #tpu.memory_space<vmem>>
        %dma_wait3A_239 = arith.constant 256 : i32
        %dma_wait3A_240 = tpu.memref_slice %dma_wait3A_238[%dma_wait3A_239] : memref<512xi32, #tpu.memory_space<vmem>> -> memref<128xi32, #tpu.memory_space<vmem>>
        %dma_wait3A_241 = arith.constant 0 : i32
        %dma_wait3A_242 = arith.constant 0 : i32
        %dma_wait3A_243 = tpu.memref_slice %arg9[%dma_wait3A_241, %dma_wait3A_242] : memref<59408x32xf32, #tpu.memory_space<vmem_shared>> -> memref<59408x32xf32, #tpu.memory_space<vmem_shared>>
        tpu.wait_indirect_dma semaphore(%arg14 : memref<!tpu.dma_semaphore, #tpu.memory_space<semaphore_mem>>) src(%arg7 : memref<128x32xf32, #tpu.memory_space<vmem>>) dst(%dma_wait3A_243 : memref<59408x32xf32, #tpu.memory_space<vmem_shared>>)
        %dma_wait3A_244 = arith.constant 512 : i32
        %dma_wait3A_245 = tpu.memref_slice %arg5[%dma_wait3A_244] : memref<1024xi32, #tpu.memory_space<vmem>> -> memref<512xi32, #tpu.memory_space<vmem>>
        %dma_wait3A_246 = arith.constant 384 : i32
        %dma_wait3A_247 = tpu.memref_slice %dma_wait3A_245[%dma_wait3A_246] : memref<512xi32, #tpu.memory_space<vmem>> -> memref<128xi32, #tpu.memory_space<vmem>>
        %dma_wait3A_248 = arith.constant 0 : i32
        %dma_wait3A_249 = arith.constant 0 : i32
        %dma_wait3A_250 = tpu.memref_slice %arg9[%dma_wait3A_248, %dma_wait3A_249] : memref<59408x32xf32, #tpu.memory_space<vmem_shared>> -> memref<59408x32xf32, #tpu.memory_space<vmem_shared>>
        tpu.wait_indirect_dma semaphore(%arg15 : memref<!tpu.dma_semaphore, #tpu.memory_space<semaphore_mem>>) src(%arg8 : memref<128x32xf32, #tpu.memory_space<vmem>>) dst(%dma_wait3A_250 : memref<59408x32xf32, #tpu.memory_space<vmem_shared>>)
        %add3A_251 = arith.constant 1 : i32
        %add3A_252 = arith.addi %scan3A_122, %add3A_251 : i32
        %lt3A_253 = arith.constant 76 : i32
        %lt3A_254 = arith.cmpi slt, %add3A_252, %lt3A_253 : i32
        %convert_element_type3A_255 = arith.extui %lt3A_254 : i1 to i32
        %cond3A_256 = arith.constant 0 : i32
        %cond3A_257 = arith.cmpi ne, %convert_element_type3A_255, %cond3A_256 : i32
        scf.if %cond3A_257 {
          %dma_wait3A_258 = arith.constant 0 : i32
          %dma_wait3A_259 = tpu.memref_slice %arg3[%dma_wait3A_258] : memref<7471104xi32, #tpu.memory_space<hbm>> -> memref<1024xi32, #tpu.memory_space<hbm>>
          %dma_wait3A_260 = arith.constant 0 : i32
          %dma_wait3A_261 = tpu.memref_slice %arg3[%dma_wait3A_260] : memref<7471104xi32, #tpu.memory_space<hbm>> -> memref<1024xi32, #tpu.memory_space<hbm>>
          tpu.wait_dma2 semaphore(%arg11 : memref<!tpu.dma_semaphore, #tpu.memory_space<semaphore_mem>>) src(%dma_wait3A_261 : memref<1024xi32, #tpu.memory_space<hbm>>) dst(%arg6 : memref<1024xi32, #tpu.memory_space<vmem>>)
        } else {
        }
      } else {
      }
      %eq3A_127 = arith.constant 1 : i32
      %eq3A_128 = arith.cmpi eq, %rem3A_124, %eq3A_127 : i32
      %convert_element_type3A_129 = arith.extui %eq3A_128 : i1 to i32
      %cond3A_130 = arith.constant 0 : i32
      %cond3A_131 = arith.cmpi ne, %convert_element_type3A_129, %cond3A_130 : i32
      scf.if %cond3A_131 {
        %add3A_133 = arith.constant 1 : i32
        %add3A_134 = arith.addi %scan3A_122, %add3A_133 : i32
        %lt3A = arith.constant 76 : i32
        %lt3A_135 = arith.cmpi slt, %add3A_134, %lt3A : i32
        %convert_element_type3A_136 = arith.extui %lt3A_135 : i1 to i32
        %cond3A_137 = arith.constant 0 : i32
        %cond3A_138 = arith.cmpi ne, %convert_element_type3A_136, %cond3A_137 : i32
        scf.if %cond3A_138 {
          %add3A_258 = arith.constant 1 : i32
          %add3A_259 = arith.addi %scan3A_122, %add3A_258 : i32
          %mul3A_260 = arith.constant 3 : i32
          %mul3A_261 = arith.muli %mul3A_260, %arg0 : i32
          %add3A_262 = arith.constant 0 : i32
          %add3A_263 = arith.addi %mul3A_261, %add3A_262 : i32
          %mul3A_264 = arith.constant 1245184 : i32
          %mul3A_265 = arith.muli %add3A_263, %mul3A_264 : i32
          %mul3A_266 = arith.constant 76 : i32
          %mul3A_267 = arith.muli %arg1, %mul3A_266 : i32
          %add3A_268 = arith.addi %mul3A_267, %add3A_259 : i32
          %mul3A_269 = arith.constant 1024 : i32
          %mul3A_270 = arith.muli %add3A_268, %mul3A_269 : i32
          %add3A_271 = arith.addi %mul3A_265, %mul3A_270 : i32
          %dma_start3A_272 = tpu.memref_slice %arg3[%add3A_271] : memref<7471104xi32, #tpu.memory_space<hbm>> -> memref<1024xi32, #tpu.memory_space<hbm>>
          %dma_start3A_273 = tpu.memref_slice %arg3[%add3A_271] : memref<7471104xi32, #tpu.memory_space<hbm>> -> memref<1024xi32, #tpu.memory_space<hbm>>
          tpu.enqueue_dma source(%dma_start3A_273 : memref<1024xi32, #tpu.memory_space<hbm>>) target(%arg5 : memref<1024xi32, #tpu.memory_space<vmem>>) target_semaphore(%arg10 : memref<!tpu.dma_semaphore, #tpu.memory_space<semaphore_mem>>)
        } else {
        }
        %dma_start3A_139 = arith.constant 0 : i32
        %dma_start3A_140 = tpu.memref_slice %arg6[%dma_start3A_139] : memref<1024xi32, #tpu.memory_space<vmem>> -> memref<512xi32, #tpu.memory_space<vmem>>
        %dma_start3A_141 = arith.constant 0 : i32
        %dma_start3A_142 = tpu.memref_slice %dma_start3A_140[%dma_start3A_141] : memref<512xi32, #tpu.memory_space<vmem>> -> memref<128xi32, #tpu.memory_space<vmem>>
        %dma_start3A_143 = arith.constant 0 : i32
        %dma_start3A_144 = arith.constant 0 : i32
        %dma_start3A_145 = tpu.memref_slice %arg2[%dma_start3A_143, %dma_start3A_144] : memref<356352x32xf32, #tpu.memory_space<hbm>> -> memref<356352x32xf32, #tpu.memory_space<hbm>>
        tpu.enqueue_indirect_dma source(%dma_start3A_145 : memref<356352x32xf32, #tpu.memory_space<hbm>>) target(%arg7 : memref<128x32xf32, #tpu.memory_space<vmem>>) offsets(%dma_start3A_142 : memref<128xi32, #tpu.memory_space<vmem>>) semaphore(%arg12 : memref<!tpu.dma_semaphore, #tpu.memory_space<semaphore_mem>>)
        %dma_wait3A_146 = arith.constant 0 : i32
        %dma_wait3A_147 = tpu.memref_slice %arg6[%dma_wait3A_146] : memref<1024xi32, #tpu.memory_space<vmem>> -> memref<512xi32, #tpu.memory_space<vmem>>
        %dma_wait3A_148 = arith.constant 0 : i32
        %dma_wait3A_149 = tpu.memref_slice %dma_wait3A_147[%dma_wait3A_148] : memref<512xi32, #tpu.memory_space<vmem>> -> memref<128xi32, #tpu.memory_space<vmem>>
        %dma_wait3A_150 = arith.constant 0 : i32
        %dma_wait3A_151 = arith.constant 0 : i32
        %dma_wait3A_152 = tpu.memref_slice %arg2[%dma_wait3A_150, %dma_wait3A_151] : memref<356352x32xf32, #tpu.memory_space<hbm>> -> memref<356352x32xf32, #tpu.memory_space<hbm>>
        tpu.wait_indirect_dma semaphore(%arg12 : memref<!tpu.dma_semaphore, #tpu.memory_space<semaphore_mem>>) src(%dma_wait3A_152 : memref<356352x32xf32, #tpu.memory_space<hbm>>) dst(%arg7 : memref<128x32xf32, #tpu.memory_space<vmem>>)
        %dma_start3A_153 = arith.constant 512 : i32
        %dma_start3A_154 = tpu.memref_slice %arg6[%dma_start3A_153] : memref<1024xi32, #tpu.memory_space<vmem>> -> memref<512xi32, #tpu.memory_space<vmem>>
        %dma_start3A_155 = arith.constant 0 : i32
        %dma_start3A_156 = tpu.memref_slice %dma_start3A_154[%dma_start3A_155] : memref<512xi32, #tpu.memory_space<vmem>> -> memref<128xi32, #tpu.memory_space<vmem>>
        %dma_start3A_157 = arith.constant 0 : i32
        %dma_start3A_158 = arith.constant 0 : i32
        %dma_start3A_159 = tpu.memref_slice %arg9[%dma_start3A_157, %dma_start3A_158] : memref<59408x32xf32, #tpu.memory_space<vmem_shared>> -> memref<59408x32xf32, #tpu.memory_space<vmem_shared>>
        tpu.enqueue_indirect_dma source(%arg7 : memref<128x32xf32, #tpu.memory_space<vmem>>) target(%dma_start3A_159 : memref<59408x32xf32, #tpu.memory_space<vmem_shared>>) offsets(%dma_start3A_156 : memref<128xi32, #tpu.memory_space<vmem>>) semaphore(%arg14 : memref<!tpu.dma_semaphore, #tpu.memory_space<semaphore_mem>>) {add = true}
        %dma_start3A_160 = arith.constant 0 : i32
        %dma_start3A_161 = tpu.memref_slice %arg6[%dma_start3A_160] : memref<1024xi32, #tpu.memory_space<vmem>> -> memref<512xi32, #tpu.memory_space<vmem>>
        %dma_start3A_162 = arith.constant 128 : i32
        %dma_start3A_163 = tpu.memref_slice %dma_start3A_161[%dma_start3A_162] : memref<512xi32, #tpu.memory_space<vmem>> -> memref<128xi32, #tpu.memory_space<vmem>>
        %dma_start3A_164 = arith.constant 0 : i32
        %dma_start3A_165 = arith.constant 0 : i32
        %dma_start3A_166 = tpu.memref_slice %arg2[%dma_start3A_164, %dma_start3A_165] : memref<356352x32xf32, #tpu.memory_space<hbm>> -> memref<356352x32xf32, #tpu.memory_space<hbm>>
        tpu.enqueue_indirect_dma source(%dma_start3A_166 : memref<356352x32xf32, #tpu.memory_space<hbm>>) target(%arg8 : memref<128x32xf32, #tpu.memory_space<vmem>>) offsets(%dma_start3A_163 : memref<128xi32, #tpu.memory_space<vmem>>) semaphore(%arg13 : memref<!tpu.dma_semaphore, #tpu.memory_space<semaphore_mem>>)
        %dma_wait3A_167 = arith.constant 0 : i32
        %dma_wait3A_168 = tpu.memref_slice %arg6[%dma_wait3A_167] : memref<1024xi32, #tpu.memory_space<vmem>> -> memref<512xi32, #tpu.memory_space<vmem>>
        %dma_wait3A_169 = arith.constant 128 : i32
        %dma_wait3A_170 = tpu.memref_slice %dma_wait3A_168[%dma_wait3A_169] : memref<512xi32, #tpu.memory_space<vmem>> -> memref<128xi32, #tpu.memory_space<vmem>>
        %dma_wait3A_171 = arith.constant 0 : i32
        %dma_wait3A_172 = arith.constant 0 : i32
        %dma_wait3A_173 = tpu.memref_slice %arg2[%dma_wait3A_171, %dma_wait3A_172] : memref<356352x32xf32, #tpu.memory_space<hbm>> -> memref<356352x32xf32, #tpu.memory_space<hbm>>
        tpu.wait_indirect_dma semaphore(%arg13 : memref<!tpu.dma_semaphore, #tpu.memory_space<semaphore_mem>>) src(%dma_wait3A_173 : memref<356352x32xf32, #tpu.memory_space<hbm>>) dst(%arg8 : memref<128x32xf32, #tpu.memory_space<vmem>>)
        %dma_start3A_174 = arith.constant 512 : i32
        %dma_start3A_175 = tpu.memref_slice %arg6[%dma_start3A_174] : memref<1024xi32, #tpu.memory_space<vmem>> -> memref<512xi32, #tpu.memory_space<vmem>>
        %dma_start3A_176 = arith.constant 128 : i32
        %dma_start3A_177 = tpu.memref_slice %dma_start3A_175[%dma_start3A_176] : memref<512xi32, #tpu.memory_space<vmem>> -> memref<128xi32, #tpu.memory_space<vmem>>
        %dma_start3A_178 = arith.constant 0 : i32
        %dma_start3A_179 = arith.constant 0 : i32
        %dma_start3A_180 = tpu.memref_slice %arg9[%dma_start3A_178, %dma_start3A_179] : memref<59408x32xf32, #tpu.memory_space<vmem_shared>> -> memref<59408x32xf32, #tpu.memory_space<vmem_shared>>
        tpu.enqueue_indirect_dma source(%arg8 : memref<128x32xf32, #tpu.memory_space<vmem>>) target(%dma_start3A_180 : memref<59408x32xf32, #tpu.memory_space<vmem_shared>>) offsets(%dma_start3A_177 : memref<128xi32, #tpu.memory_space<vmem>>) semaphore(%arg15 : memref<!tpu.dma_semaphore, #tpu.memory_space<semaphore_mem>>) {add = true}
        %dma_wait3A_181 = arith.constant 512 : i32
        %dma_wait3A_182 = tpu.memref_slice %arg6[%dma_wait3A_181] : memref<1024xi32, #tpu.memory_space<vmem>> -> memref<512xi32, #tpu.memory_space<vmem>>
        %dma_wait3A_183 = arith.constant 0 : i32
        %dma_wait3A_184 = tpu.memref_slice %dma_wait3A_182[%dma_wait3A_183] : memref<512xi32, #tpu.memory_space<vmem>> -> memref<128xi32, #tpu.memory_space<vmem>>
        %dma_wait3A_185 = arith.constant 0 : i32
        %dma_wait3A_186 = arith.constant 0 : i32
        %dma_wait3A_187 = tpu.memref_slice %arg9[%dma_wait3A_185, %dma_wait3A_186] : memref<59408x32xf32, #tpu.memory_space<vmem_shared>> -> memref<59408x32xf32, #tpu.memory_space<vmem_shared>>
        tpu.wait_indirect_dma semaphore(%arg14 : memref<!tpu.dma_semaphore, #tpu.memory_space<semaphore_mem>>) src(%arg7 : memref<128x32xf32, #tpu.memory_space<vmem>>) dst(%dma_wait3A_187 : memref<59408x32xf32, #tpu.memory_space<vmem_shared>>)
        %dma_start3A_188 = arith.constant 0 : i32
        %dma_start3A_189 = tpu.memref_slice %arg6[%dma_start3A_188] : memref<1024xi32, #tpu.memory_space<vmem>> -> memref<512xi32, #tpu.memory_space<vmem>>
        %dma_start3A_190 = arith.constant 256 : i32
        %dma_start3A_191 = tpu.memref_slice %dma_start3A_189[%dma_start3A_190] : memref<512xi32, #tpu.memory_space<vmem>> -> memref<128xi32, #tpu.memory_space<vmem>>
        %dma_start3A_192 = arith.constant 0 : i32
        %dma_start3A_193 = arith.constant 0 : i32
        %dma_start3A_194 = tpu.memref_slice %arg2[%dma_start3A_192, %dma_start3A_193] : memref<356352x32xf32, #tpu.memory_space<hbm>> -> memref<356352x32xf32, #tpu.memory_space<hbm>>
        tpu.enqueue_indirect_dma source(%dma_start3A_194 : memref<356352x32xf32, #tpu.memory_space<hbm>>) target(%arg7 : memref<128x32xf32, #tpu.memory_space<vmem>>) offsets(%dma_start3A_191 : memref<128xi32, #tpu.memory_space<vmem>>) semaphore(%arg12 : memref<!tpu.dma_semaphore, #tpu.memory_space<semaphore_mem>>)
        %dma_wait3A_195 = arith.constant 0 : i32
        %dma_wait3A_196 = tpu.memref_slice %arg6[%dma_wait3A_195] : memref<1024xi32, #tpu.memory_space<vmem>> -> memref<512xi32, #tpu.memory_space<vmem>>
        %dma_wait3A_197 = arith.constant 256 : i32
        %dma_wait3A_198 = tpu.memref_slice %dma_wait3A_196[%dma_wait3A_197] : memref<512xi32, #tpu.memory_space<vmem>> -> memref<128xi32, #tpu.memory_space<vmem>>
        %dma_wait3A_199 = arith.constant 0 : i32
        %dma_wait3A_200 = arith.constant 0 : i32
        %dma_wait3A_201 = tpu.memref_slice %arg2[%dma_wait3A_199, %dma_wait3A_200] : memref<356352x32xf32, #tpu.memory_space<hbm>> -> memref<356352x32xf32, #tpu.memory_space<hbm>>
        tpu.wait_indirect_dma semaphore(%arg12 : memref<!tpu.dma_semaphore, #tpu.memory_space<semaphore_mem>>) src(%dma_wait3A_201 : memref<356352x32xf32, #tpu.memory_space<hbm>>) dst(%arg7 : memref<128x32xf32, #tpu.memory_space<vmem>>)
        %dma_start3A_202 = arith.constant 512 : i32
        %dma_start3A_203 = tpu.memref_slice %arg6[%dma_start3A_202] : memref<1024xi32, #tpu.memory_space<vmem>> -> memref<512xi32, #tpu.memory_space<vmem>>
        %dma_start3A_204 = arith.constant 256 : i32
        %dma_start3A_205 = tpu.memref_slice %dma_start3A_203[%dma_start3A_204] : memref<512xi32, #tpu.memory_space<vmem>> -> memref<128xi32, #tpu.memory_space<vmem>>
        %dma_start3A_206 = arith.constant 0 : i32
        %dma_start3A_207 = arith.constant 0 : i32
        %dma_start3A_208 = tpu.memref_slice %arg9[%dma_start3A_206, %dma_start3A_207] : memref<59408x32xf32, #tpu.memory_space<vmem_shared>> -> memref<59408x32xf32, #tpu.memory_space<vmem_shared>>
        tpu.enqueue_indirect_dma source(%arg7 : memref<128x32xf32, #tpu.memory_space<vmem>>) target(%dma_start3A_208 : memref<59408x32xf32, #tpu.memory_space<vmem_shared>>) offsets(%dma_start3A_205 : memref<128xi32, #tpu.memory_space<vmem>>) semaphore(%arg14 : memref<!tpu.dma_semaphore, #tpu.memory_space<semaphore_mem>>) {add = true}
        %dma_wait3A_209 = arith.constant 512 : i32
        %dma_wait3A_210 = tpu.memref_slice %arg6[%dma_wait3A_209] : memref<1024xi32, #tpu.memory_space<vmem>> -> memref<512xi32, #tpu.memory_space<vmem>>
        %dma_wait3A_211 = arith.constant 128 : i32
        %dma_wait3A_212 = tpu.memref_slice %dma_wait3A_210[%dma_wait3A_211] : memref<512xi32, #tpu.memory_space<vmem>> -> memref<128xi32, #tpu.memory_space<vmem>>
        %dma_wait3A_213 = arith.constant 0 : i32
        %dma_wait3A_214 = arith.constant 0 : i32
        %dma_wait3A_215 = tpu.memref_slice %arg9[%dma_wait3A_213, %dma_wait3A_214] : memref<59408x32xf32, #tpu.memory_space<vmem_shared>> -> memref<59408x32xf32, #tpu.memory_space<vmem_shared>>
        tpu.wait_indirect_dma semaphore(%arg15 : memref<!tpu.dma_semaphore, #tpu.memory_space<semaphore_mem>>) src(%arg8 : memref<128x32xf32, #tpu.memory_space<vmem>>) dst(%dma_wait3A_215 : memref<59408x32xf32, #tpu.memory_space<vmem_shared>>)
        %dma_start3A_216 = arith.constant 0 : i32
        %dma_start3A_217 = tpu.memref_slice %arg6[%dma_start3A_216] : memref<1024xi32, #tpu.memory_space<vmem>> -> memref<512xi32, #tpu.memory_space<vmem>>
        %dma_start3A_218 = arith.constant 384 : i32
        %dma_start3A_219 = tpu.memref_slice %dma_start3A_217[%dma_start3A_218] : memref<512xi32, #tpu.memory_space<vmem>> -> memref<128xi32, #tpu.memory_space<vmem>>
        %dma_start3A_220 = arith.constant 0 : i32
        %dma_start3A_221 = arith.constant 0 : i32
        %dma_start3A_222 = tpu.memref_slice %arg2[%dma_start3A_220, %dma_start3A_221] : memref<356352x32xf32, #tpu.memory_space<hbm>> -> memref<356352x32xf32, #tpu.memory_space<hbm>>
        tpu.enqueue_indirect_dma source(%dma_start3A_222 : memref<356352x32xf32, #tpu.memory_space<hbm>>) target(%arg8 : memref<128x32xf32, #tpu.memory_space<vmem>>) offsets(%dma_start3A_219 : memref<128xi32, #tpu.memory_space<vmem>>) semaphore(%arg13 : memref<!tpu.dma_semaphore, #tpu.memory_space<semaphore_mem>>)
        %dma_wait3A_223 = arith.constant 0 : i32
        %dma_wait3A_224 = tpu.memref_slice %arg6[%dma_wait3A_223] : memref<1024xi32, #tpu.memory_space<vmem>> -> memref<512xi32, #tpu.memory_space<vmem>>
        %dma_wait3A_225 = arith.constant 384 : i32
        %dma_wait3A_226 = tpu.memref_slice %dma_wait3A_224[%dma_wait3A_225] : memref<512xi32, #tpu.memory_space<vmem>> -> memref<128xi32, #tpu.memory_space<vmem>>
        %dma_wait3A_227 = arith.constant 0 : i32
        %dma_wait3A_228 = arith.constant 0 : i32
        %dma_wait3A_229 = tpu.memref_slice %arg2[%dma_wait3A_227, %dma_wait3A_228] : memref<356352x32xf32, #tpu.memory_space<hbm>> -> memref<356352x32xf32, #tpu.memory_space<hbm>>
        tpu.wait_indirect_dma semaphore(%arg13 : memref<!tpu.dma_semaphore, #tpu.memory_space<semaphore_mem>>) src(%dma_wait3A_229 : memref<356352x32xf32, #tpu.memory_space<hbm>>) dst(%arg8 : memref<128x32xf32, #tpu.memory_space<vmem>>)
        %dma_start3A_230 = arith.constant 512 : i32
        %dma_start3A_231 = tpu.memref_slice %arg6[%dma_start3A_230] : memref<1024xi32, #tpu.memory_space<vmem>> -> memref<512xi32, #tpu.memory_space<vmem>>
        %dma_start3A_232 = arith.constant 384 : i32
        %dma_start3A_233 = tpu.memref_slice %dma_start3A_231[%dma_start3A_232] : memref<512xi32, #tpu.memory_space<vmem>> -> memref<128xi32, #tpu.memory_space<vmem>>
        %dma_start3A_234 = arith.constant 0 : i32
        %dma_start3A_235 = arith.constant 0 : i32
        %dma_start3A_236 = tpu.memref_slice %arg9[%dma_start3A_234, %dma_start3A_235] : memref<59408x32xf32, #tpu.memory_space<vmem_shared>> -> memref<59408x32xf32, #tpu.memory_space<vmem_shared>>
        tpu.enqueue_indirect_dma source(%arg8 : memref<128x32xf32, #tpu.memory_space<vmem>>) target(%dma_start3A_236 : memref<59408x32xf32, #tpu.memory_space<vmem_shared>>) offsets(%dma_start3A_233 : memref<128xi32, #tpu.memory_space<vmem>>) semaphore(%arg15 : memref<!tpu.dma_semaphore, #tpu.memory_space<semaphore_mem>>) {add = true}
        %dma_wait3A_237 = arith.constant 512 : i32
        %dma_wait3A_238 = tpu.memref_slice %arg6[%dma_wait3A_237] : memref<1024xi32, #tpu.memory_space<vmem>> -> memref<512xi32, #tpu.memory_space<vmem>>
        %dma_wait3A_239 = arith.constant 256 : i32
        %dma_wait3A_240 = tpu.memref_slice %dma_wait3A_238[%dma_wait3A_239] : memref<512xi32, #tpu.memory_space<vmem>> -> memref<128xi32, #tpu.memory_space<vmem>>
        %dma_wait3A_241 = arith.constant 0 : i32
        %dma_wait3A_242 = arith.constant 0 : i32
        %dma_wait3A_243 = tpu.memref_slice %arg9[%dma_wait3A_241, %dma_wait3A_242] : memref<59408x32xf32, #tpu.memory_space<vmem_shared>> -> memref<59408x32xf32, #tpu.memory_space<vmem_shared>>
        tpu.wait_indirect_dma semaphore(%arg14 : memref<!tpu.dma_semaphore, #tpu.memory_space<semaphore_mem>>) src(%arg7 : memref<128x32xf32, #tpu.memory_space<vmem>>) dst(%dma_wait3A_243 : memref<59408x32xf32, #tpu.memory_space<vmem_shared>>)
        %dma_wait3A_244 = arith.constant 512 : i32
        %dma_wait3A_245 = tpu.memref_slice %arg6[%dma_wait3A_244] : memref<1024xi32, #tpu.memory_space<vmem>> -> memref<512xi32, #tpu.memory_space<vmem>>
        %dma_wait3A_246 = arith.constant 384 : i32
        %dma_wait3A_247 = tpu.memref_slice %dma_wait3A_245[%dma_wait3A_246] : memref<512xi32, #tpu.memory_space<vmem>> -> memref<128xi32, #tpu.memory_space<vmem>>
        %dma_wait3A_248 = arith.constant 0 : i32
        %dma_wait3A_249 = arith.constant 0 : i32
        %dma_wait3A_250 = tpu.memref_slice %arg9[%dma_wait3A_248, %dma_wait3A_249] : memref<59408x32xf32, #tpu.memory_space<vmem_shared>> -> memref<59408x32xf32, #tpu.memory_space<vmem_shared>>
        tpu.wait_indirect_dma semaphore(%arg15 : memref<!tpu.dma_semaphore, #tpu.memory_space<semaphore_mem>>) src(%arg8 : memref<128x32xf32, #tpu.memory_space<vmem>>) dst(%dma_wait3A_250 : memref<59408x32xf32, #tpu.memory_space<vmem_shared>>)
        %add3A_251 = arith.constant 1 : i32
        %add3A_252 = arith.addi %scan3A_122, %add3A_251 : i32
        %lt3A_253 = arith.constant 76 : i32
        %lt3A_254 = arith.cmpi slt, %add3A_252, %lt3A_253 : i32
        %convert_element_type3A_255 = arith.extui %lt3A_254 : i1 to i32
        %cond3A_256 = arith.constant 0 : i32
        %cond3A_257 = arith.cmpi ne, %convert_element_type3A_255, %cond3A_256 : i32
        scf.if %cond3A_257 {
          %dma_wait3A_258 = arith.constant 0 : i32
          %dma_wait3A_259 = tpu.memref_slice %arg3[%dma_wait3A_258] : memref<7471104xi32, #tpu.memory_space<hbm>> -> memref<1024xi32, #tpu.memory_space<hbm>>
          %dma_wait3A_260 = arith.constant 0 : i32
          %dma_wait3A_261 = tpu.memref_slice %arg3[%dma_wait3A_260] : memref<7471104xi32, #tpu.memory_space<hbm>> -> memref<1024xi32, #tpu.memory_space<hbm>>
          tpu.wait_dma2 semaphore(%arg10 : memref<!tpu.dma_semaphore, #tpu.memory_space<semaphore_mem>>) src(%dma_wait3A_261 : memref<1024xi32, #tpu.memory_space<hbm>>) dst(%arg5 : memref<1024xi32, #tpu.memory_space<vmem>>)
        } else {
        }
      } else {
      }
      %scan3A_132 = arith.constant 0 : i32
      scf.yield %scan3A_132 : i32
    }
    %scan3A_29 = arith.constant 76 : i32
    %barrier3A_30 = arith.constant 0 : index
    tpu.barrier barrier_id(%barrier3A_30)
    %mul3A_31 = arith.constant 3712 : i32
    %mul3A_32 = arith.muli %arg1, %mul3A_31 : i32
    %mul3A_33 = arith.constant 3712 : i32
    %mul3A_34 = arith.muli %arg1, %mul3A_33 : i32
    %add3A_35 = arith.addi %mul3A_3, %mul3A_34 : i32
    "tpu.region"() ({
      %run_scoped3A = tpu.sem_alloc : memref<!tpu.dma_semaphore, #tpu.memory_space<semaphore_mem>>
      %dma_start3A_122 = arith.constant 0 : i32
      %dma_start3A_123 = tpu.memref_slice %arg4[%add3A_35, %dma_start3A_122] : memref<356352x32xf32, #tpu.memory_space<hbm>> -> memref<3712x32xf32, #tpu.memory_space<hbm>>
      %dma_start3A_124 = arith.constant 0 : i32
      %dma_start3A_125 = tpu.memref_slice %arg9[%mul3A_32, %dma_start3A_124] : memref<59408x32xf32, #tpu.memory_space<vmem_shared>> -> memref<3712x32xf32, #tpu.memory_space<vmem_shared>>
      tpu.enqueue_dma source(%dma_start3A_125 : memref<3712x32xf32, #tpu.memory_space<vmem_shared>>) target(%dma_start3A_123 : memref<3712x32xf32, #tpu.memory_space<hbm>>) target_semaphore(%run_scoped3A : memref<!tpu.dma_semaphore, #tpu.memory_space<semaphore_mem>>)
      %dma_wait3A_126 = arith.constant 0 : i32
      %dma_wait3A_127 = tpu.memref_slice %arg4[%add3A_35, %dma_wait3A_126] : memref<356352x32xf32, #tpu.memory_space<hbm>> -> memref<3712x32xf32, #tpu.memory_space<hbm>>
      %dma_wait3A_128 = arith.constant 0 : i32
      %dma_wait3A_129 = tpu.memref_slice %arg9[%mul3A_32, %dma_wait3A_128] : memref<59408x32xf32, #tpu.memory_space<vmem_shared>> -> memref<3712x32xf32, #tpu.memory_space<vmem_shared>>
      tpu.wait_dma2 semaphore(%run_scoped3A : memref<!tpu.dma_semaphore, #tpu.memory_space<semaphore_mem>>) src(%dma_wait3A_129 : memref<3712x32xf32, #tpu.memory_space<vmem_shared>>) dst(%dma_wait3A_127 : memref<3712x32xf32, #tpu.memory_space<hbm>>)
      tpu.yield
    }) : () -> ()
    %barrier3A_36 = arith.constant 0 : index
    tpu.barrier barrier_id(%barrier3A_36)
    %mul3A_37 = arith.constant 3 : i32
    %mul3A_38 = arith.muli %mul3A_37, %arg0 : i32
    %add3A_39 = arith.constant 1 : i32
    %add3A_40 = arith.addi %mul3A_38, %add3A_39 : i32
    %mul3A_41 = arith.constant 59392 : i32
    %mul3A_42 = arith.muli %add3A_40, %mul3A_41 : i32
    %mul3A_43 = arith.constant 3712 : i32
    %mul3A_44 = arith.muli %arg1, %mul3A_43 : i32
    %add3A_45 = arith.addi %mul3A_42, %mul3A_44 : i32
    %mul3A_46 = arith.constant 3712 : i32
    %mul3A_47 = arith.muli %arg1, %mul3A_46 : i32
    "tpu.region"() ({
      %run_scoped3A = tpu.sem_alloc : memref<!tpu.dma_semaphore, #tpu.memory_space<semaphore_mem>>
      %dma_start3A_122 = arith.constant 0 : i32
      %dma_start3A_123 = tpu.memref_slice %arg9[%mul3A_47, %dma_start3A_122] : memref<59408x32xf32, #tpu.memory_space<vmem_shared>> -> memref<3712x32xf32, #tpu.memory_space<vmem_shared>>
      %dma_start3A_124 = arith.constant 0 : i32
      %dma_start3A_125 = tpu.memref_slice %arg2[%add3A_45, %dma_start3A_124] : memref<356352x32xf32, #tpu.memory_space<hbm>> -> memref<3712x32xf32, #tpu.memory_space<hbm>>
      tpu.enqueue_dma source(%dma_start3A_125 : memref<3712x32xf32, #tpu.memory_space<hbm>>) target(%dma_start3A_123 : memref<3712x32xf32, #tpu.memory_space<vmem_shared>>) target_semaphore(%run_scoped3A : memref<!tpu.dma_semaphore, #tpu.memory_space<semaphore_mem>>)
      %dma_wait3A_126 = arith.constant 0 : i32
      %dma_wait3A_127 = tpu.memref_slice %arg9[%mul3A_47, %dma_wait3A_126] : memref<59408x32xf32, #tpu.memory_space<vmem_shared>> -> memref<3712x32xf32, #tpu.memory_space<vmem_shared>>
      %dma_wait3A_128 = arith.constant 0 : i32
      %dma_wait3A_129 = tpu.memref_slice %arg2[%add3A_45, %dma_wait3A_128] : memref<356352x32xf32, #tpu.memory_space<hbm>> -> memref<3712x32xf32, #tpu.memory_space<hbm>>
      tpu.wait_dma2 semaphore(%run_scoped3A : memref<!tpu.dma_semaphore, #tpu.memory_space<semaphore_mem>>) src(%dma_wait3A_129 : memref<3712x32xf32, #tpu.memory_space<hbm>>) dst(%dma_wait3A_127 : memref<3712x32xf32, #tpu.memory_space<vmem_shared>>)
      tpu.yield
    }) : () -> ()
    %mul3A_48 = arith.constant 3 : i32
    %mul3A_49 = arith.muli %mul3A_48, %arg0 : i32
    %add3A_50 = arith.constant 1 : i32
    %add3A_51 = arith.addi %mul3A_49, %add3A_50 : i32
    %mul3A_52 = arith.constant 1245184 : i32
    %mul3A_53 = arith.muli %add3A_51, %mul3A_52 : i32
    %mul3A_54 = arith.constant 76 : i32
    %mul3A_55 = arith.muli %arg1, %mul3A_54 : i32
    %add3A_56 = arith.constant 0 : i32
    %add3A_57 = arith.addi %mul3A_55, %add3A_56 : i32
    %mul3A_58 = arith.constant 1024 : i32
    %mul3A_59 = arith.muli %add3A_57, %mul3A_58 : i32
    %add3A_60 = arith.addi %mul3A_53, %mul3A_59 : i32
    %dma_start3A_61 = tpu.memref_slice %arg3[%add3A_60] : memref<7471104xi32, #tpu.memory_space<hbm>> -> memref<1024xi32, #tpu.memory_space<hbm>>
    %dma_start3A_62 = tpu.memref_slice %arg3[%add3A_60] : memref<7471104xi32, #tpu.memory_space<hbm>> -> memref<1024xi32, #tpu.memory_space<hbm>>
    tpu.enqueue_dma source(%dma_start3A_62 : memref<1024xi32, #tpu.memory_space<hbm>>) target(%arg5 : memref<1024xi32, #tpu.memory_space<vmem>>) target_semaphore(%arg10 : memref<!tpu.dma_semaphore, #tpu.memory_space<semaphore_mem>>)
    %dma_wait3A_63 = tpu.memref_slice %arg3[%add3A_60] : memref<7471104xi32, #tpu.memory_space<hbm>> -> memref<1024xi32, #tpu.memory_space<hbm>>
    %dma_wait3A_64 = tpu.memref_slice %arg3[%add3A_60] : memref<7471104xi32, #tpu.memory_space<hbm>> -> memref<1024xi32, #tpu.memory_space<hbm>>
    tpu.wait_dma2 semaphore(%arg10 : memref<!tpu.dma_semaphore, #tpu.memory_space<semaphore_mem>>) src(%dma_wait3A_64 : memref<1024xi32, #tpu.memory_space<hbm>>) dst(%arg5 : memref<1024xi32, #tpu.memory_space<vmem>>)
    %barrier3A_65 = arith.constant 0 : index
    tpu.barrier barrier_id(%barrier3A_65)
    %scan3A_66 = arith.constant 0 : i32
    %scan3A_67 = arith.constant 0 : i32
    %scan3A_68 = arith.constant 76 : i32
    %scan3A_69 = arith.addi %scan3A_67, %scan3A_68 : i32
    %scan3A_70 = arith.constant 1 : i32
    %scan3A_71 = scf.for %scan3A_122 = %scan3A_67 to %scan3A_69 step %scan3A_70 iter_args(%scan3A_123 = %scan3A_66) -> (i32)  : i32 {
      %rem3A = arith.constant 2 : i32
      %rem3A_124 = arith.remsi %scan3A_122, %rem3A : i32
      %eq3A = arith.constant 0 : i32
      %eq3A_125 = arith.cmpi eq, %rem3A_124, %eq3A : i32
      %convert_element_type3A = arith.extui %eq3A_125 : i1 to i32
      %cond3A = arith.constant 0 : i32
      %cond3A_126 = arith.cmpi ne, %convert_element_type3A, %cond3A : i32
      scf.if %cond3A_126 {
        %add3A_133 = arith.constant 1 : i32
        %add3A_134 = arith.addi %scan3A_122, %add3A_133 : i32
        %lt3A = arith.constant 76 : i32
        %lt3A_135 = arith.cmpi slt, %add3A_134, %lt3A : i32
        %convert_element_type3A_136 = arith.extui %lt3A_135 : i1 to i32
        %cond3A_137 = arith.constant 0 : i32
        %cond3A_138 = arith.cmpi ne, %convert_element_type3A_136, %cond3A_137 : i32
        scf.if %cond3A_138 {
          %add3A_258 = arith.constant 1 : i32
          %add3A_259 = arith.addi %scan3A_122, %add3A_258 : i32
          %mul3A_260 = arith.constant 3 : i32
          %mul3A_261 = arith.muli %mul3A_260, %arg0 : i32
          %add3A_262 = arith.constant 1 : i32
          %add3A_263 = arith.addi %mul3A_261, %add3A_262 : i32
          %mul3A_264 = arith.constant 1245184 : i32
          %mul3A_265 = arith.muli %add3A_263, %mul3A_264 : i32
          %mul3A_266 = arith.constant 76 : i32
          %mul3A_267 = arith.muli %arg1, %mul3A_266 : i32
          %add3A_268 = arith.addi %mul3A_267, %add3A_259 : i32
          %mul3A_269 = arith.constant 1024 : i32
          %mul3A_270 = arith.muli %add3A_268, %mul3A_269 : i32
          %add3A_271 = arith.addi %mul3A_265, %mul3A_270 : i32
          %dma_start3A_272 = tpu.memref_slice %arg3[%add3A_271] : memref<7471104xi32, #tpu.memory_space<hbm>> -> memref<1024xi32, #tpu.memory_space<hbm>>
          %dma_start3A_273 = tpu.memref_slice %arg3[%add3A_271] : memref<7471104xi32, #tpu.memory_space<hbm>> -> memref<1024xi32, #tpu.memory_space<hbm>>
          tpu.enqueue_dma source(%dma_start3A_273 : memref<1024xi32, #tpu.memory_space<hbm>>) target(%arg6 : memref<1024xi32, #tpu.memory_space<vmem>>) target_semaphore(%arg11 : memref<!tpu.dma_semaphore, #tpu.memory_space<semaphore_mem>>)
        } else {
        }
        %dma_start3A_139 = arith.constant 0 : i32
        %dma_start3A_140 = tpu.memref_slice %arg5[%dma_start3A_139] : memref<1024xi32, #tpu.memory_space<vmem>> -> memref<512xi32, #tpu.memory_space<vmem>>
        %dma_start3A_141 = arith.constant 0 : i32
        %dma_start3A_142 = tpu.memref_slice %dma_start3A_140[%dma_start3A_141] : memref<512xi32, #tpu.memory_space<vmem>> -> memref<128xi32, #tpu.memory_space<vmem>>
        %dma_start3A_143 = arith.constant 0 : i32
        %dma_start3A_144 = arith.constant 0 : i32
        %dma_start3A_145 = tpu.memref_slice %arg2[%dma_start3A_143, %dma_start3A_144] : memref<356352x32xf32, #tpu.memory_space<hbm>> -> memref<356352x32xf32, #tpu.memory_space<hbm>>
        tpu.enqueue_indirect_dma source(%dma_start3A_145 : memref<356352x32xf32, #tpu.memory_space<hbm>>) target(%arg7 : memref<128x32xf32, #tpu.memory_space<vmem>>) offsets(%dma_start3A_142 : memref<128xi32, #tpu.memory_space<vmem>>) semaphore(%arg12 : memref<!tpu.dma_semaphore, #tpu.memory_space<semaphore_mem>>)
        %dma_wait3A_146 = arith.constant 0 : i32
        %dma_wait3A_147 = tpu.memref_slice %arg5[%dma_wait3A_146] : memref<1024xi32, #tpu.memory_space<vmem>> -> memref<512xi32, #tpu.memory_space<vmem>>
        %dma_wait3A_148 = arith.constant 0 : i32
        %dma_wait3A_149 = tpu.memref_slice %dma_wait3A_147[%dma_wait3A_148] : memref<512xi32, #tpu.memory_space<vmem>> -> memref<128xi32, #tpu.memory_space<vmem>>
        %dma_wait3A_150 = arith.constant 0 : i32
        %dma_wait3A_151 = arith.constant 0 : i32
        %dma_wait3A_152 = tpu.memref_slice %arg2[%dma_wait3A_150, %dma_wait3A_151] : memref<356352x32xf32, #tpu.memory_space<hbm>> -> memref<356352x32xf32, #tpu.memory_space<hbm>>
        tpu.wait_indirect_dma semaphore(%arg12 : memref<!tpu.dma_semaphore, #tpu.memory_space<semaphore_mem>>) src(%dma_wait3A_152 : memref<356352x32xf32, #tpu.memory_space<hbm>>) dst(%arg7 : memref<128x32xf32, #tpu.memory_space<vmem>>)
        %dma_start3A_153 = arith.constant 512 : i32
        %dma_start3A_154 = tpu.memref_slice %arg5[%dma_start3A_153] : memref<1024xi32, #tpu.memory_space<vmem>> -> memref<512xi32, #tpu.memory_space<vmem>>
        %dma_start3A_155 = arith.constant 0 : i32
        %dma_start3A_156 = tpu.memref_slice %dma_start3A_154[%dma_start3A_155] : memref<512xi32, #tpu.memory_space<vmem>> -> memref<128xi32, #tpu.memory_space<vmem>>
        %dma_start3A_157 = arith.constant 0 : i32
        %dma_start3A_158 = arith.constant 0 : i32
        %dma_start3A_159 = tpu.memref_slice %arg9[%dma_start3A_157, %dma_start3A_158] : memref<59408x32xf32, #tpu.memory_space<vmem_shared>> -> memref<59408x32xf32, #tpu.memory_space<vmem_shared>>
        tpu.enqueue_indirect_dma source(%arg7 : memref<128x32xf32, #tpu.memory_space<vmem>>) target(%dma_start3A_159 : memref<59408x32xf32, #tpu.memory_space<vmem_shared>>) offsets(%dma_start3A_156 : memref<128xi32, #tpu.memory_space<vmem>>) semaphore(%arg14 : memref<!tpu.dma_semaphore, #tpu.memory_space<semaphore_mem>>) {add = true}
        %dma_start3A_160 = arith.constant 0 : i32
        %dma_start3A_161 = tpu.memref_slice %arg5[%dma_start3A_160] : memref<1024xi32, #tpu.memory_space<vmem>> -> memref<512xi32, #tpu.memory_space<vmem>>
        %dma_start3A_162 = arith.constant 128 : i32
        %dma_start3A_163 = tpu.memref_slice %dma_start3A_161[%dma_start3A_162] : memref<512xi32, #tpu.memory_space<vmem>> -> memref<128xi32, #tpu.memory_space<vmem>>
        %dma_start3A_164 = arith.constant 0 : i32
        %dma_start3A_165 = arith.constant 0 : i32
        %dma_start3A_166 = tpu.memref_slice %arg2[%dma_start3A_164, %dma_start3A_165] : memref<356352x32xf32, #tpu.memory_space<hbm>> -> memref<356352x32xf32, #tpu.memory_space<hbm>>
        tpu.enqueue_indirect_dma source(%dma_start3A_166 : memref<356352x32xf32, #tpu.memory_space<hbm>>) target(%arg8 : memref<128x32xf32, #tpu.memory_space<vmem>>) offsets(%dma_start3A_163 : memref<128xi32, #tpu.memory_space<vmem>>) semaphore(%arg13 : memref<!tpu.dma_semaphore, #tpu.memory_space<semaphore_mem>>)
        %dma_wait3A_167 = arith.constant 0 : i32
        %dma_wait3A_168 = tpu.memref_slice %arg5[%dma_wait3A_167] : memref<1024xi32, #tpu.memory_space<vmem>> -> memref<512xi32, #tpu.memory_space<vmem>>
        %dma_wait3A_169 = arith.constant 128 : i32
        %dma_wait3A_170 = tpu.memref_slice %dma_wait3A_168[%dma_wait3A_169] : memref<512xi32, #tpu.memory_space<vmem>> -> memref<128xi32, #tpu.memory_space<vmem>>
        %dma_wait3A_171 = arith.constant 0 : i32
        %dma_wait3A_172 = arith.constant 0 : i32
        %dma_wait3A_173 = tpu.memref_slice %arg2[%dma_wait3A_171, %dma_wait3A_172] : memref<356352x32xf32, #tpu.memory_space<hbm>> -> memref<356352x32xf32, #tpu.memory_space<hbm>>
        tpu.wait_indirect_dma semaphore(%arg13 : memref<!tpu.dma_semaphore, #tpu.memory_space<semaphore_mem>>) src(%dma_wait3A_173 : memref<356352x32xf32, #tpu.memory_space<hbm>>) dst(%arg8 : memref<128x32xf32, #tpu.memory_space<vmem>>)
        %dma_start3A_174 = arith.constant 512 : i32
        %dma_start3A_175 = tpu.memref_slice %arg5[%dma_start3A_174] : memref<1024xi32, #tpu.memory_space<vmem>> -> memref<512xi32, #tpu.memory_space<vmem>>
        %dma_start3A_176 = arith.constant 128 : i32
        %dma_start3A_177 = tpu.memref_slice %dma_start3A_175[%dma_start3A_176] : memref<512xi32, #tpu.memory_space<vmem>> -> memref<128xi32, #tpu.memory_space<vmem>>
        %dma_start3A_178 = arith.constant 0 : i32
        %dma_start3A_179 = arith.constant 0 : i32
        %dma_start3A_180 = tpu.memref_slice %arg9[%dma_start3A_178, %dma_start3A_179] : memref<59408x32xf32, #tpu.memory_space<vmem_shared>> -> memref<59408x32xf32, #tpu.memory_space<vmem_shared>>
        tpu.enqueue_indirect_dma source(%arg8 : memref<128x32xf32, #tpu.memory_space<vmem>>) target(%dma_start3A_180 : memref<59408x32xf32, #tpu.memory_space<vmem_shared>>) offsets(%dma_start3A_177 : memref<128xi32, #tpu.memory_space<vmem>>) semaphore(%arg15 : memref<!tpu.dma_semaphore, #tpu.memory_space<semaphore_mem>>) {add = true}
        %dma_wait3A_181 = arith.constant 512 : i32
        %dma_wait3A_182 = tpu.memref_slice %arg5[%dma_wait3A_181] : memref<1024xi32, #tpu.memory_space<vmem>> -> memref<512xi32, #tpu.memory_space<vmem>>
        %dma_wait3A_183 = arith.constant 0 : i32
        %dma_wait3A_184 = tpu.memref_slice %dma_wait3A_182[%dma_wait3A_183] : memref<512xi32, #tpu.memory_space<vmem>> -> memref<128xi32, #tpu.memory_space<vmem>>
        %dma_wait3A_185 = arith.constant 0 : i32
        %dma_wait3A_186 = arith.constant 0 : i32
        %dma_wait3A_187 = tpu.memref_slice %arg9[%dma_wait3A_185, %dma_wait3A_186] : memref<59408x32xf32, #tpu.memory_space<vmem_shared>> -> memref<59408x32xf32, #tpu.memory_space<vmem_shared>>
        tpu.wait_indirect_dma semaphore(%arg14 : memref<!tpu.dma_semaphore, #tpu.memory_space<semaphore_mem>>) src(%arg7 : memref<128x32xf32, #tpu.memory_space<vmem>>) dst(%dma_wait3A_187 : memref<59408x32xf32, #tpu.memory_space<vmem_shared>>)
        %dma_start3A_188 = arith.constant 0 : i32
        %dma_start3A_189 = tpu.memref_slice %arg5[%dma_start3A_188] : memref<1024xi32, #tpu.memory_space<vmem>> -> memref<512xi32, #tpu.memory_space<vmem>>
        %dma_start3A_190 = arith.constant 256 : i32
        %dma_start3A_191 = tpu.memref_slice %dma_start3A_189[%dma_start3A_190] : memref<512xi32, #tpu.memory_space<vmem>> -> memref<128xi32, #tpu.memory_space<vmem>>
        %dma_start3A_192 = arith.constant 0 : i32
        %dma_start3A_193 = arith.constant 0 : i32
        %dma_start3A_194 = tpu.memref_slice %arg2[%dma_start3A_192, %dma_start3A_193] : memref<356352x32xf32, #tpu.memory_space<hbm>> -> memref<356352x32xf32, #tpu.memory_space<hbm>>
        tpu.enqueue_indirect_dma source(%dma_start3A_194 : memref<356352x32xf32, #tpu.memory_space<hbm>>) target(%arg7 : memref<128x32xf32, #tpu.memory_space<vmem>>) offsets(%dma_start3A_191 : memref<128xi32, #tpu.memory_space<vmem>>) semaphore(%arg12 : memref<!tpu.dma_semaphore, #tpu.memory_space<semaphore_mem>>)
        %dma_wait3A_195 = arith.constant 0 : i32
        %dma_wait3A_196 = tpu.memref_slice %arg5[%dma_wait3A_195] : memref<1024xi32, #tpu.memory_space<vmem>> -> memref<512xi32, #tpu.memory_space<vmem>>
        %dma_wait3A_197 = arith.constant 256 : i32
        %dma_wait3A_198 = tpu.memref_slice %dma_wait3A_196[%dma_wait3A_197] : memref<512xi32, #tpu.memory_space<vmem>> -> memref<128xi32, #tpu.memory_space<vmem>>
        %dma_wait3A_199 = arith.constant 0 : i32
        %dma_wait3A_200 = arith.constant 0 : i32
        %dma_wait3A_201 = tpu.memref_slice %arg2[%dma_wait3A_199, %dma_wait3A_200] : memref<356352x32xf32, #tpu.memory_space<hbm>> -> memref<356352x32xf32, #tpu.memory_space<hbm>>
        tpu.wait_indirect_dma semaphore(%arg12 : memref<!tpu.dma_semaphore, #tpu.memory_space<semaphore_mem>>) src(%dma_wait3A_201 : memref<356352x32xf32, #tpu.memory_space<hbm>>) dst(%arg7 : memref<128x32xf32, #tpu.memory_space<vmem>>)
        %dma_start3A_202 = arith.constant 512 : i32
        %dma_start3A_203 = tpu.memref_slice %arg5[%dma_start3A_202] : memref<1024xi32, #tpu.memory_space<vmem>> -> memref<512xi32, #tpu.memory_space<vmem>>
        %dma_start3A_204 = arith.constant 256 : i32
        %dma_start3A_205 = tpu.memref_slice %dma_start3A_203[%dma_start3A_204] : memref<512xi32, #tpu.memory_space<vmem>> -> memref<128xi32, #tpu.memory_space<vmem>>
        %dma_start3A_206 = arith.constant 0 : i32
        %dma_start3A_207 = arith.constant 0 : i32
        %dma_start3A_208 = tpu.memref_slice %arg9[%dma_start3A_206, %dma_start3A_207] : memref<59408x32xf32, #tpu.memory_space<vmem_shared>> -> memref<59408x32xf32, #tpu.memory_space<vmem_shared>>
        tpu.enqueue_indirect_dma source(%arg7 : memref<128x32xf32, #tpu.memory_space<vmem>>) target(%dma_start3A_208 : memref<59408x32xf32, #tpu.memory_space<vmem_shared>>) offsets(%dma_start3A_205 : memref<128xi32, #tpu.memory_space<vmem>>) semaphore(%arg14 : memref<!tpu.dma_semaphore, #tpu.memory_space<semaphore_mem>>) {add = true}
        %dma_wait3A_209 = arith.constant 512 : i32
        %dma_wait3A_210 = tpu.memref_slice %arg5[%dma_wait3A_209] : memref<1024xi32, #tpu.memory_space<vmem>> -> memref<512xi32, #tpu.memory_space<vmem>>
        %dma_wait3A_211 = arith.constant 128 : i32
        %dma_wait3A_212 = tpu.memref_slice %dma_wait3A_210[%dma_wait3A_211] : memref<512xi32, #tpu.memory_space<vmem>> -> memref<128xi32, #tpu.memory_space<vmem>>
        %dma_wait3A_213 = arith.constant 0 : i32
        %dma_wait3A_214 = arith.constant 0 : i32
        %dma_wait3A_215 = tpu.memref_slice %arg9[%dma_wait3A_213, %dma_wait3A_214] : memref<59408x32xf32, #tpu.memory_space<vmem_shared>> -> memref<59408x32xf32, #tpu.memory_space<vmem_shared>>
        tpu.wait_indirect_dma semaphore(%arg15 : memref<!tpu.dma_semaphore, #tpu.memory_space<semaphore_mem>>) src(%arg8 : memref<128x32xf32, #tpu.memory_space<vmem>>) dst(%dma_wait3A_215 : memref<59408x32xf32, #tpu.memory_space<vmem_shared>>)
        %dma_start3A_216 = arith.constant 0 : i32
        %dma_start3A_217 = tpu.memref_slice %arg5[%dma_start3A_216] : memref<1024xi32, #tpu.memory_space<vmem>> -> memref<512xi32, #tpu.memory_space<vmem>>
        %dma_start3A_218 = arith.constant 384 : i32
        %dma_start3A_219 = tpu.memref_slice %dma_start3A_217[%dma_start3A_218] : memref<512xi32, #tpu.memory_space<vmem>> -> memref<128xi32, #tpu.memory_space<vmem>>
        %dma_start3A_220 = arith.constant 0 : i32
        %dma_start3A_221 = arith.constant 0 : i32
        %dma_start3A_222 = tpu.memref_slice %arg2[%dma_start3A_220, %dma_start3A_221] : memref<356352x32xf32, #tpu.memory_space<hbm>> -> memref<356352x32xf32, #tpu.memory_space<hbm>>
        tpu.enqueue_indirect_dma source(%dma_start3A_222 : memref<356352x32xf32, #tpu.memory_space<hbm>>) target(%arg8 : memref<128x32xf32, #tpu.memory_space<vmem>>) offsets(%dma_start3A_219 : memref<128xi32, #tpu.memory_space<vmem>>) semaphore(%arg13 : memref<!tpu.dma_semaphore, #tpu.memory_space<semaphore_mem>>)
        %dma_wait3A_223 = arith.constant 0 : i32
        %dma_wait3A_224 = tpu.memref_slice %arg5[%dma_wait3A_223] : memref<1024xi32, #tpu.memory_space<vmem>> -> memref<512xi32, #tpu.memory_space<vmem>>
        %dma_wait3A_225 = arith.constant 384 : i32
        %dma_wait3A_226 = tpu.memref_slice %dma_wait3A_224[%dma_wait3A_225] : memref<512xi32, #tpu.memory_space<vmem>> -> memref<128xi32, #tpu.memory_space<vmem>>
        %dma_wait3A_227 = arith.constant 0 : i32
        %dma_wait3A_228 = arith.constant 0 : i32
        %dma_wait3A_229 = tpu.memref_slice %arg2[%dma_wait3A_227, %dma_wait3A_228] : memref<356352x32xf32, #tpu.memory_space<hbm>> -> memref<356352x32xf32, #tpu.memory_space<hbm>>
        tpu.wait_indirect_dma semaphore(%arg13 : memref<!tpu.dma_semaphore, #tpu.memory_space<semaphore_mem>>) src(%dma_wait3A_229 : memref<356352x32xf32, #tpu.memory_space<hbm>>) dst(%arg8 : memref<128x32xf32, #tpu.memory_space<vmem>>)
        %dma_start3A_230 = arith.constant 512 : i32
        %dma_start3A_231 = tpu.memref_slice %arg5[%dma_start3A_230] : memref<1024xi32, #tpu.memory_space<vmem>> -> memref<512xi32, #tpu.memory_space<vmem>>
        %dma_start3A_232 = arith.constant 384 : i32
        %dma_start3A_233 = tpu.memref_slice %dma_start3A_231[%dma_start3A_232] : memref<512xi32, #tpu.memory_space<vmem>> -> memref<128xi32, #tpu.memory_space<vmem>>
        %dma_start3A_234 = arith.constant 0 : i32
        %dma_start3A_235 = arith.constant 0 : i32
        %dma_start3A_236 = tpu.memref_slice %arg9[%dma_start3A_234, %dma_start3A_235] : memref<59408x32xf32, #tpu.memory_space<vmem_shared>> -> memref<59408x32xf32, #tpu.memory_space<vmem_shared>>
        tpu.enqueue_indirect_dma source(%arg8 : memref<128x32xf32, #tpu.memory_space<vmem>>) target(%dma_start3A_236 : memref<59408x32xf32, #tpu.memory_space<vmem_shared>>) offsets(%dma_start3A_233 : memref<128xi32, #tpu.memory_space<vmem>>) semaphore(%arg15 : memref<!tpu.dma_semaphore, #tpu.memory_space<semaphore_mem>>) {add = true}
        %dma_wait3A_237 = arith.constant 512 : i32
        %dma_wait3A_238 = tpu.memref_slice %arg5[%dma_wait3A_237] : memref<1024xi32, #tpu.memory_space<vmem>> -> memref<512xi32, #tpu.memory_space<vmem>>
        %dma_wait3A_239 = arith.constant 256 : i32
        %dma_wait3A_240 = tpu.memref_slice %dma_wait3A_238[%dma_wait3A_239] : memref<512xi32, #tpu.memory_space<vmem>> -> memref<128xi32, #tpu.memory_space<vmem>>
        %dma_wait3A_241 = arith.constant 0 : i32
        %dma_wait3A_242 = arith.constant 0 : i32
        %dma_wait3A_243 = tpu.memref_slice %arg9[%dma_wait3A_241, %dma_wait3A_242] : memref<59408x32xf32, #tpu.memory_space<vmem_shared>> -> memref<59408x32xf32, #tpu.memory_space<vmem_shared>>
        tpu.wait_indirect_dma semaphore(%arg14 : memref<!tpu.dma_semaphore, #tpu.memory_space<semaphore_mem>>) src(%arg7 : memref<128x32xf32, #tpu.memory_space<vmem>>) dst(%dma_wait3A_243 : memref<59408x32xf32, #tpu.memory_space<vmem_shared>>)
        %dma_wait3A_244 = arith.constant 512 : i32
        %dma_wait3A_245 = tpu.memref_slice %arg5[%dma_wait3A_244] : memref<1024xi32, #tpu.memory_space<vmem>> -> memref<512xi32, #tpu.memory_space<vmem>>
        %dma_wait3A_246 = arith.constant 384 : i32
        %dma_wait3A_247 = tpu.memref_slice %dma_wait3A_245[%dma_wait3A_246] : memref<512xi32, #tpu.memory_space<vmem>> -> memref<128xi32, #tpu.memory_space<vmem>>
        %dma_wait3A_248 = arith.constant 0 : i32
        %dma_wait3A_249 = arith.constant 0 : i32
        %dma_wait3A_250 = tpu.memref_slice %arg9[%dma_wait3A_248, %dma_wait3A_249] : memref<59408x32xf32, #tpu.memory_space<vmem_shared>> -> memref<59408x32xf32, #tpu.memory_space<vmem_shared>>
        tpu.wait_indirect_dma semaphore(%arg15 : memref<!tpu.dma_semaphore, #tpu.memory_space<semaphore_mem>>) src(%arg8 : memref<128x32xf32, #tpu.memory_space<vmem>>) dst(%dma_wait3A_250 : memref<59408x32xf32, #tpu.memory_space<vmem_shared>>)
        %add3A_251 = arith.constant 1 : i32
        %add3A_252 = arith.addi %scan3A_122, %add3A_251 : i32
        %lt3A_253 = arith.constant 76 : i32
        %lt3A_254 = arith.cmpi slt, %add3A_252, %lt3A_253 : i32
        %convert_element_type3A_255 = arith.extui %lt3A_254 : i1 to i32
        %cond3A_256 = arith.constant 0 : i32
        %cond3A_257 = arith.cmpi ne, %convert_element_type3A_255, %cond3A_256 : i32
        scf.if %cond3A_257 {
          %dma_wait3A_258 = arith.constant 0 : i32
          %dma_wait3A_259 = tpu.memref_slice %arg3[%dma_wait3A_258] : memref<7471104xi32, #tpu.memory_space<hbm>> -> memref<1024xi32, #tpu.memory_space<hbm>>
          %dma_wait3A_260 = arith.constant 0 : i32
          %dma_wait3A_261 = tpu.memref_slice %arg3[%dma_wait3A_260] : memref<7471104xi32, #tpu.memory_space<hbm>> -> memref<1024xi32, #tpu.memory_space<hbm>>
          tpu.wait_dma2 semaphore(%arg11 : memref<!tpu.dma_semaphore, #tpu.memory_space<semaphore_mem>>) src(%dma_wait3A_261 : memref<1024xi32, #tpu.memory_space<hbm>>) dst(%arg6 : memref<1024xi32, #tpu.memory_space<vmem>>)
        } else {
        }
      } else {
      }
      %eq3A_127 = arith.constant 1 : i32
      %eq3A_128 = arith.cmpi eq, %rem3A_124, %eq3A_127 : i32
      %convert_element_type3A_129 = arith.extui %eq3A_128 : i1 to i32
      %cond3A_130 = arith.constant 0 : i32
      %cond3A_131 = arith.cmpi ne, %convert_element_type3A_129, %cond3A_130 : i32
      scf.if %cond3A_131 {
        %add3A_133 = arith.constant 1 : i32
        %add3A_134 = arith.addi %scan3A_122, %add3A_133 : i32
        %lt3A = arith.constant 76 : i32
        %lt3A_135 = arith.cmpi slt, %add3A_134, %lt3A : i32
        %convert_element_type3A_136 = arith.extui %lt3A_135 : i1 to i32
        %cond3A_137 = arith.constant 0 : i32
        %cond3A_138 = arith.cmpi ne, %convert_element_type3A_136, %cond3A_137 : i32
        scf.if %cond3A_138 {
          %add3A_258 = arith.constant 1 : i32
          %add3A_259 = arith.addi %scan3A_122, %add3A_258 : i32
          %mul3A_260 = arith.constant 3 : i32
          %mul3A_261 = arith.muli %mul3A_260, %arg0 : i32
          %add3A_262 = arith.constant 1 : i32
          %add3A_263 = arith.addi %mul3A_261, %add3A_262 : i32
          %mul3A_264 = arith.constant 1245184 : i32
          %mul3A_265 = arith.muli %add3A_263, %mul3A_264 : i32
          %mul3A_266 = arith.constant 76 : i32
          %mul3A_267 = arith.muli %arg1, %mul3A_266 : i32
          %add3A_268 = arith.addi %mul3A_267, %add3A_259 : i32
          %mul3A_269 = arith.constant 1024 : i32
          %mul3A_270 = arith.muli %add3A_268, %mul3A_269 : i32
          %add3A_271 = arith.addi %mul3A_265, %mul3A_270 : i32
          %dma_start3A_272 = tpu.memref_slice %arg3[%add3A_271] : memref<7471104xi32, #tpu.memory_space<hbm>> -> memref<1024xi32, #tpu.memory_space<hbm>>
          %dma_start3A_273 = tpu.memref_slice %arg3[%add3A_271] : memref<7471104xi32, #tpu.memory_space<hbm>> -> memref<1024xi32, #tpu.memory_space<hbm>>
          tpu.enqueue_dma source(%dma_start3A_273 : memref<1024xi32, #tpu.memory_space<hbm>>) target(%arg5 : memref<1024xi32, #tpu.memory_space<vmem>>) target_semaphore(%arg10 : memref<!tpu.dma_semaphore, #tpu.memory_space<semaphore_mem>>)
        } else {
        }
        %dma_start3A_139 = arith.constant 0 : i32
        %dma_start3A_140 = tpu.memref_slice %arg6[%dma_start3A_139] : memref<1024xi32, #tpu.memory_space<vmem>> -> memref<512xi32, #tpu.memory_space<vmem>>
        %dma_start3A_141 = arith.constant 0 : i32
        %dma_start3A_142 = tpu.memref_slice %dma_start3A_140[%dma_start3A_141] : memref<512xi32, #tpu.memory_space<vmem>> -> memref<128xi32, #tpu.memory_space<vmem>>
        %dma_start3A_143 = arith.constant 0 : i32
        %dma_start3A_144 = arith.constant 0 : i32
        %dma_start3A_145 = tpu.memref_slice %arg2[%dma_start3A_143, %dma_start3A_144] : memref<356352x32xf32, #tpu.memory_space<hbm>> -> memref<356352x32xf32, #tpu.memory_space<hbm>>
        tpu.enqueue_indirect_dma source(%dma_start3A_145 : memref<356352x32xf32, #tpu.memory_space<hbm>>) target(%arg7 : memref<128x32xf32, #tpu.memory_space<vmem>>) offsets(%dma_start3A_142 : memref<128xi32, #tpu.memory_space<vmem>>) semaphore(%arg12 : memref<!tpu.dma_semaphore, #tpu.memory_space<semaphore_mem>>)
        %dma_wait3A_146 = arith.constant 0 : i32
        %dma_wait3A_147 = tpu.memref_slice %arg6[%dma_wait3A_146] : memref<1024xi32, #tpu.memory_space<vmem>> -> memref<512xi32, #tpu.memory_space<vmem>>
        %dma_wait3A_148 = arith.constant 0 : i32
        %dma_wait3A_149 = tpu.memref_slice %dma_wait3A_147[%dma_wait3A_148] : memref<512xi32, #tpu.memory_space<vmem>> -> memref<128xi32, #tpu.memory_space<vmem>>
        %dma_wait3A_150 = arith.constant 0 : i32
        %dma_wait3A_151 = arith.constant 0 : i32
        %dma_wait3A_152 = tpu.memref_slice %arg2[%dma_wait3A_150, %dma_wait3A_151] : memref<356352x32xf32, #tpu.memory_space<hbm>> -> memref<356352x32xf32, #tpu.memory_space<hbm>>
        tpu.wait_indirect_dma semaphore(%arg12 : memref<!tpu.dma_semaphore, #tpu.memory_space<semaphore_mem>>) src(%dma_wait3A_152 : memref<356352x32xf32, #tpu.memory_space<hbm>>) dst(%arg7 : memref<128x32xf32, #tpu.memory_space<vmem>>)
        %dma_start3A_153 = arith.constant 512 : i32
        %dma_start3A_154 = tpu.memref_slice %arg6[%dma_start3A_153] : memref<1024xi32, #tpu.memory_space<vmem>> -> memref<512xi32, #tpu.memory_space<vmem>>
        %dma_start3A_155 = arith.constant 0 : i32
        %dma_start3A_156 = tpu.memref_slice %dma_start3A_154[%dma_start3A_155] : memref<512xi32, #tpu.memory_space<vmem>> -> memref<128xi32, #tpu.memory_space<vmem>>
        %dma_start3A_157 = arith.constant 0 : i32
        %dma_start3A_158 = arith.constant 0 : i32
        %dma_start3A_159 = tpu.memref_slice %arg9[%dma_start3A_157, %dma_start3A_158] : memref<59408x32xf32, #tpu.memory_space<vmem_shared>> -> memref<59408x32xf32, #tpu.memory_space<vmem_shared>>
        tpu.enqueue_indirect_dma source(%arg7 : memref<128x32xf32, #tpu.memory_space<vmem>>) target(%dma_start3A_159 : memref<59408x32xf32, #tpu.memory_space<vmem_shared>>) offsets(%dma_start3A_156 : memref<128xi32, #tpu.memory_space<vmem>>) semaphore(%arg14 : memref<!tpu.dma_semaphore, #tpu.memory_space<semaphore_mem>>) {add = true}
        %dma_start3A_160 = arith.constant 0 : i32
        %dma_start3A_161 = tpu.memref_slice %arg6[%dma_start3A_160] : memref<1024xi32, #tpu.memory_space<vmem>> -> memref<512xi32, #tpu.memory_space<vmem>>
        %dma_start3A_162 = arith.constant 128 : i32
        %dma_start3A_163 = tpu.memref_slice %dma_start3A_161[%dma_start3A_162] : memref<512xi32, #tpu.memory_space<vmem>> -> memref<128xi32, #tpu.memory_space<vmem>>
        %dma_start3A_164 = arith.constant 0 : i32
        %dma_start3A_165 = arith.constant 0 : i32
        %dma_start3A_166 = tpu.memref_slice %arg2[%dma_start3A_164, %dma_start3A_165] : memref<356352x32xf32, #tpu.memory_space<hbm>> -> memref<356352x32xf32, #tpu.memory_space<hbm>>
        tpu.enqueue_indirect_dma source(%dma_start3A_166 : memref<356352x32xf32, #tpu.memory_space<hbm>>) target(%arg8 : memref<128x32xf32, #tpu.memory_space<vmem>>) offsets(%dma_start3A_163 : memref<128xi32, #tpu.memory_space<vmem>>) semaphore(%arg13 : memref<!tpu.dma_semaphore, #tpu.memory_space<semaphore_mem>>)
        %dma_wait3A_167 = arith.constant 0 : i32
        %dma_wait3A_168 = tpu.memref_slice %arg6[%dma_wait3A_167] : memref<1024xi32, #tpu.memory_space<vmem>> -> memref<512xi32, #tpu.memory_space<vmem>>
        %dma_wait3A_169 = arith.constant 128 : i32
        %dma_wait3A_170 = tpu.memref_slice %dma_wait3A_168[%dma_wait3A_169] : memref<512xi32, #tpu.memory_space<vmem>> -> memref<128xi32, #tpu.memory_space<vmem>>
        %dma_wait3A_171 = arith.constant 0 : i32
        %dma_wait3A_172 = arith.constant 0 : i32
        %dma_wait3A_173 = tpu.memref_slice %arg2[%dma_wait3A_171, %dma_wait3A_172] : memref<356352x32xf32, #tpu.memory_space<hbm>> -> memref<356352x32xf32, #tpu.memory_space<hbm>>
        tpu.wait_indirect_dma semaphore(%arg13 : memref<!tpu.dma_semaphore, #tpu.memory_space<semaphore_mem>>) src(%dma_wait3A_173 : memref<356352x32xf32, #tpu.memory_space<hbm>>) dst(%arg8 : memref<128x32xf32, #tpu.memory_space<vmem>>)
        %dma_start3A_174 = arith.constant 512 : i32
        %dma_start3A_175 = tpu.memref_slice %arg6[%dma_start3A_174] : memref<1024xi32, #tpu.memory_space<vmem>> -> memref<512xi32, #tpu.memory_space<vmem>>
        %dma_start3A_176 = arith.constant 128 : i32
        %dma_start3A_177 = tpu.memref_slice %dma_start3A_175[%dma_start3A_176] : memref<512xi32, #tpu.memory_space<vmem>> -> memref<128xi32, #tpu.memory_space<vmem>>
        %dma_start3A_178 = arith.constant 0 : i32
        %dma_start3A_179 = arith.constant 0 : i32
        %dma_start3A_180 = tpu.memref_slice %arg9[%dma_start3A_178, %dma_start3A_179] : memref<59408x32xf32, #tpu.memory_space<vmem_shared>> -> memref<59408x32xf32, #tpu.memory_space<vmem_shared>>
        tpu.enqueue_indirect_dma source(%arg8 : memref<128x32xf32, #tpu.memory_space<vmem>>) target(%dma_start3A_180 : memref<59408x32xf32, #tpu.memory_space<vmem_shared>>) offsets(%dma_start3A_177 : memref<128xi32, #tpu.memory_space<vmem>>) semaphore(%arg15 : memref<!tpu.dma_semaphore, #tpu.memory_space<semaphore_mem>>) {add = true}
        %dma_wait3A_181 = arith.constant 512 : i32
        %dma_wait3A_182 = tpu.memref_slice %arg6[%dma_wait3A_181] : memref<1024xi32, #tpu.memory_space<vmem>> -> memref<512xi32, #tpu.memory_space<vmem>>
        %dma_wait3A_183 = arith.constant 0 : i32
        %dma_wait3A_184 = tpu.memref_slice %dma_wait3A_182[%dma_wait3A_183] : memref<512xi32, #tpu.memory_space<vmem>> -> memref<128xi32, #tpu.memory_space<vmem>>
        %dma_wait3A_185 = arith.constant 0 : i32
        %dma_wait3A_186 = arith.constant 0 : i32
        %dma_wait3A_187 = tpu.memref_slice %arg9[%dma_wait3A_185, %dma_wait3A_186] : memref<59408x32xf32, #tpu.memory_space<vmem_shared>> -> memref<59408x32xf32, #tpu.memory_space<vmem_shared>>
        tpu.wait_indirect_dma semaphore(%arg14 : memref<!tpu.dma_semaphore, #tpu.memory_space<semaphore_mem>>) src(%arg7 : memref<128x32xf32, #tpu.memory_space<vmem>>) dst(%dma_wait3A_187 : memref<59408x32xf32, #tpu.memory_space<vmem_shared>>)
        %dma_start3A_188 = arith.constant 0 : i32
        %dma_start3A_189 = tpu.memref_slice %arg6[%dma_start3A_188] : memref<1024xi32, #tpu.memory_space<vmem>> -> memref<512xi32, #tpu.memory_space<vmem>>
        %dma_start3A_190 = arith.constant 256 : i32
        %dma_start3A_191 = tpu.memref_slice %dma_start3A_189[%dma_start3A_190] : memref<512xi32, #tpu.memory_space<vmem>> -> memref<128xi32, #tpu.memory_space<vmem>>
        %dma_start3A_192 = arith.constant 0 : i32
        %dma_start3A_193 = arith.constant 0 : i32
        %dma_start3A_194 = tpu.memref_slice %arg2[%dma_start3A_192, %dma_start3A_193] : memref<356352x32xf32, #tpu.memory_space<hbm>> -> memref<356352x32xf32, #tpu.memory_space<hbm>>
        tpu.enqueue_indirect_dma source(%dma_start3A_194 : memref<356352x32xf32, #tpu.memory_space<hbm>>) target(%arg7 : memref<128x32xf32, #tpu.memory_space<vmem>>) offsets(%dma_start3A_191 : memref<128xi32, #tpu.memory_space<vmem>>) semaphore(%arg12 : memref<!tpu.dma_semaphore, #tpu.memory_space<semaphore_mem>>)
        %dma_wait3A_195 = arith.constant 0 : i32
        %dma_wait3A_196 = tpu.memref_slice %arg6[%dma_wait3A_195] : memref<1024xi32, #tpu.memory_space<vmem>> -> memref<512xi32, #tpu.memory_space<vmem>>
        %dma_wait3A_197 = arith.constant 256 : i32
        %dma_wait3A_198 = tpu.memref_slice %dma_wait3A_196[%dma_wait3A_197] : memref<512xi32, #tpu.memory_space<vmem>> -> memref<128xi32, #tpu.memory_space<vmem>>
        %dma_wait3A_199 = arith.constant 0 : i32
        %dma_wait3A_200 = arith.constant 0 : i32
        %dma_wait3A_201 = tpu.memref_slice %arg2[%dma_wait3A_199, %dma_wait3A_200] : memref<356352x32xf32, #tpu.memory_space<hbm>> -> memref<356352x32xf32, #tpu.memory_space<hbm>>
        tpu.wait_indirect_dma semaphore(%arg12 : memref<!tpu.dma_semaphore, #tpu.memory_space<semaphore_mem>>) src(%dma_wait3A_201 : memref<356352x32xf32, #tpu.memory_space<hbm>>) dst(%arg7 : memref<128x32xf32, #tpu.memory_space<vmem>>)
        %dma_start3A_202 = arith.constant 512 : i32
        %dma_start3A_203 = tpu.memref_slice %arg6[%dma_start3A_202] : memref<1024xi32, #tpu.memory_space<vmem>> -> memref<512xi32, #tpu.memory_space<vmem>>
        %dma_start3A_204 = arith.constant 256 : i32
        %dma_start3A_205 = tpu.memref_slice %dma_start3A_203[%dma_start3A_204] : memref<512xi32, #tpu.memory_space<vmem>> -> memref<128xi32, #tpu.memory_space<vmem>>
        %dma_start3A_206 = arith.constant 0 : i32
        %dma_start3A_207 = arith.constant 0 : i32
        %dma_start3A_208 = tpu.memref_slice %arg9[%dma_start3A_206, %dma_start3A_207] : memref<59408x32xf32, #tpu.memory_space<vmem_shared>> -> memref<59408x32xf32, #tpu.memory_space<vmem_shared>>
        tpu.enqueue_indirect_dma source(%arg7 : memref<128x32xf32, #tpu.memory_space<vmem>>) target(%dma_start3A_208 : memref<59408x32xf32, #tpu.memory_space<vmem_shared>>) offsets(%dma_start3A_205 : memref<128xi32, #tpu.memory_space<vmem>>) semaphore(%arg14 : memref<!tpu.dma_semaphore, #tpu.memory_space<semaphore_mem>>) {add = true}
        %dma_wait3A_209 = arith.constant 512 : i32
        %dma_wait3A_210 = tpu.memref_slice %arg6[%dma_wait3A_209] : memref<1024xi32, #tpu.memory_space<vmem>> -> memref<512xi32, #tpu.memory_space<vmem>>
        %dma_wait3A_211 = arith.constant 128 : i32
        %dma_wait3A_212 = tpu.memref_slice %dma_wait3A_210[%dma_wait3A_211] : memref<512xi32, #tpu.memory_space<vmem>> -> memref<128xi32, #tpu.memory_space<vmem>>
        %dma_wait3A_213 = arith.constant 0 : i32
        %dma_wait3A_214 = arith.constant 0 : i32
        %dma_wait3A_215 = tpu.memref_slice %arg9[%dma_wait3A_213, %dma_wait3A_214] : memref<59408x32xf32, #tpu.memory_space<vmem_shared>> -> memref<59408x32xf32, #tpu.memory_space<vmem_shared>>
        tpu.wait_indirect_dma semaphore(%arg15 : memref<!tpu.dma_semaphore, #tpu.memory_space<semaphore_mem>>) src(%arg8 : memref<128x32xf32, #tpu.memory_space<vmem>>) dst(%dma_wait3A_215 : memref<59408x32xf32, #tpu.memory_space<vmem_shared>>)
        %dma_start3A_216 = arith.constant 0 : i32
        %dma_start3A_217 = tpu.memref_slice %arg6[%dma_start3A_216] : memref<1024xi32, #tpu.memory_space<vmem>> -> memref<512xi32, #tpu.memory_space<vmem>>
        %dma_start3A_218 = arith.constant 384 : i32
        %dma_start3A_219 = tpu.memref_slice %dma_start3A_217[%dma_start3A_218] : memref<512xi32, #tpu.memory_space<vmem>> -> memref<128xi32, #tpu.memory_space<vmem>>
        %dma_start3A_220 = arith.constant 0 : i32
        %dma_start3A_221 = arith.constant 0 : i32
        %dma_start3A_222 = tpu.memref_slice %arg2[%dma_start3A_220, %dma_start3A_221] : memref<356352x32xf32, #tpu.memory_space<hbm>> -> memref<356352x32xf32, #tpu.memory_space<hbm>>
        tpu.enqueue_indirect_dma source(%dma_start3A_222 : memref<356352x32xf32, #tpu.memory_space<hbm>>) target(%arg8 : memref<128x32xf32, #tpu.memory_space<vmem>>) offsets(%dma_start3A_219 : memref<128xi32, #tpu.memory_space<vmem>>) semaphore(%arg13 : memref<!tpu.dma_semaphore, #tpu.memory_space<semaphore_mem>>)
        %dma_wait3A_223 = arith.constant 0 : i32
        %dma_wait3A_224 = tpu.memref_slice %arg6[%dma_wait3A_223] : memref<1024xi32, #tpu.memory_space<vmem>> -> memref<512xi32, #tpu.memory_space<vmem>>
        %dma_wait3A_225 = arith.constant 384 : i32
        %dma_wait3A_226 = tpu.memref_slice %dma_wait3A_224[%dma_wait3A_225] : memref<512xi32, #tpu.memory_space<vmem>> -> memref<128xi32, #tpu.memory_space<vmem>>
        %dma_wait3A_227 = arith.constant 0 : i32
        %dma_wait3A_228 = arith.constant 0 : i32
        %dma_wait3A_229 = tpu.memref_slice %arg2[%dma_wait3A_227, %dma_wait3A_228] : memref<356352x32xf32, #tpu.memory_space<hbm>> -> memref<356352x32xf32, #tpu.memory_space<hbm>>
        tpu.wait_indirect_dma semaphore(%arg13 : memref<!tpu.dma_semaphore, #tpu.memory_space<semaphore_mem>>) src(%dma_wait3A_229 : memref<356352x32xf32, #tpu.memory_space<hbm>>) dst(%arg8 : memref<128x32xf32, #tpu.memory_space<vmem>>)
        %dma_start3A_230 = arith.constant 512 : i32
        %dma_start3A_231 = tpu.memref_slice %arg6[%dma_start3A_230] : memref<1024xi32, #tpu.memory_space<vmem>> -> memref<512xi32, #tpu.memory_space<vmem>>
        %dma_start3A_232 = arith.constant 384 : i32
        %dma_start3A_233 = tpu.memref_slice %dma_start3A_231[%dma_start3A_232] : memref<512xi32, #tpu.memory_space<vmem>> -> memref<128xi32, #tpu.memory_space<vmem>>
        %dma_start3A_234 = arith.constant 0 : i32
        %dma_start3A_235 = arith.constant 0 : i32
        %dma_start3A_236 = tpu.memref_slice %arg9[%dma_start3A_234, %dma_start3A_235] : memref<59408x32xf32, #tpu.memory_space<vmem_shared>> -> memref<59408x32xf32, #tpu.memory_space<vmem_shared>>
        tpu.enqueue_indirect_dma source(%arg8 : memref<128x32xf32, #tpu.memory_space<vmem>>) target(%dma_start3A_236 : memref<59408x32xf32, #tpu.memory_space<vmem_shared>>) offsets(%dma_start3A_233 : memref<128xi32, #tpu.memory_space<vmem>>) semaphore(%arg15 : memref<!tpu.dma_semaphore, #tpu.memory_space<semaphore_mem>>) {add = true}
        %dma_wait3A_237 = arith.constant 512 : i32
        %dma_wait3A_238 = tpu.memref_slice %arg6[%dma_wait3A_237] : memref<1024xi32, #tpu.memory_space<vmem>> -> memref<512xi32, #tpu.memory_space<vmem>>
        %dma_wait3A_239 = arith.constant 256 : i32
        %dma_wait3A_240 = tpu.memref_slice %dma_wait3A_238[%dma_wait3A_239] : memref<512xi32, #tpu.memory_space<vmem>> -> memref<128xi32, #tpu.memory_space<vmem>>
        %dma_wait3A_241 = arith.constant 0 : i32
        %dma_wait3A_242 = arith.constant 0 : i32
        %dma_wait3A_243 = tpu.memref_slice %arg9[%dma_wait3A_241, %dma_wait3A_242] : memref<59408x32xf32, #tpu.memory_space<vmem_shared>> -> memref<59408x32xf32, #tpu.memory_space<vmem_shared>>
        tpu.wait_indirect_dma semaphore(%arg14 : memref<!tpu.dma_semaphore, #tpu.memory_space<semaphore_mem>>) src(%arg7 : memref<128x32xf32, #tpu.memory_space<vmem>>) dst(%dma_wait3A_243 : memref<59408x32xf32, #tpu.memory_space<vmem_shared>>)
        %dma_wait3A_244 = arith.constant 512 : i32
        %dma_wait3A_245 = tpu.memref_slice %arg6[%dma_wait3A_244] : memref<1024xi32, #tpu.memory_space<vmem>> -> memref<512xi32, #tpu.memory_space<vmem>>
        %dma_wait3A_246 = arith.constant 384 : i32
        %dma_wait3A_247 = tpu.memref_slice %dma_wait3A_245[%dma_wait3A_246] : memref<512xi32, #tpu.memory_space<vmem>> -> memref<128xi32, #tpu.memory_space<vmem>>
        %dma_wait3A_248 = arith.constant 0 : i32
        %dma_wait3A_249 = arith.constant 0 : i32
        %dma_wait3A_250 = tpu.memref_slice %arg9[%dma_wait3A_248, %dma_wait3A_249] : memref<59408x32xf32, #tpu.memory_space<vmem_shared>> -> memref<59408x32xf32, #tpu.memory_space<vmem_shared>>
        tpu.wait_indirect_dma semaphore(%arg15 : memref<!tpu.dma_semaphore, #tpu.memory_space<semaphore_mem>>) src(%arg8 : memref<128x32xf32, #tpu.memory_space<vmem>>) dst(%dma_wait3A_250 : memref<59408x32xf32, #tpu.memory_space<vmem_shared>>)
        %add3A_251 = arith.constant 1 : i32
        %add3A_252 = arith.addi %scan3A_122, %add3A_251 : i32
        %lt3A_253 = arith.constant 76 : i32
        %lt3A_254 = arith.cmpi slt, %add3A_252, %lt3A_253 : i32
        %convert_element_type3A_255 = arith.extui %lt3A_254 : i1 to i32
        %cond3A_256 = arith.constant 0 : i32
        %cond3A_257 = arith.cmpi ne, %convert_element_type3A_255, %cond3A_256 : i32
        scf.if %cond3A_257 {
          %dma_wait3A_258 = arith.constant 0 : i32
          %dma_wait3A_259 = tpu.memref_slice %arg3[%dma_wait3A_258] : memref<7471104xi32, #tpu.memory_space<hbm>> -> memref<1024xi32, #tpu.memory_space<hbm>>
          %dma_wait3A_260 = arith.constant 0 : i32
          %dma_wait3A_261 = tpu.memref_slice %arg3[%dma_wait3A_260] : memref<7471104xi32, #tpu.memory_space<hbm>> -> memref<1024xi32, #tpu.memory_space<hbm>>
          tpu.wait_dma2 semaphore(%arg10 : memref<!tpu.dma_semaphore, #tpu.memory_space<semaphore_mem>>) src(%dma_wait3A_261 : memref<1024xi32, #tpu.memory_space<hbm>>) dst(%arg5 : memref<1024xi32, #tpu.memory_space<vmem>>)
        } else {
        }
      } else {
      }
      %scan3A_132 = arith.constant 0 : i32
      scf.yield %scan3A_132 : i32
    }
    %scan3A_72 = arith.constant 76 : i32
    %barrier3A_73 = arith.constant 0 : index
    tpu.barrier barrier_id(%barrier3A_73)
    %mul3A_74 = arith.constant 3712 : i32
    %mul3A_75 = arith.muli %arg1, %mul3A_74 : i32
    %mul3A_76 = arith.constant 3712 : i32
    %mul3A_77 = arith.muli %arg1, %mul3A_76 : i32
    %add3A_78 = arith.addi %mul3A_42, %mul3A_77 : i32
    "tpu.region"() ({
      %run_scoped3A = tpu.sem_alloc : memref<!tpu.dma_semaphore, #tpu.memory_space<semaphore_mem>>
      %dma_start3A_122 = arith.constant 0 : i32
      %dma_start3A_123 = tpu.memref_slice %arg4[%add3A_78, %dma_start3A_122] : memref<356352x32xf32, #tpu.memory_space<hbm>> -> memref<3712x32xf32, #tpu.memory_space<hbm>>
      %dma_start3A_124 = arith.constant 0 : i32
      %dma_start3A_125 = tpu.memref_slice %arg9[%mul3A_75, %dma_start3A_124] : memref<59408x32xf32, #tpu.memory_space<vmem_shared>> -> memref<3712x32xf32, #tpu.memory_space<vmem_shared>>
      tpu.enqueue_dma source(%dma_start3A_125 : memref<3712x32xf32, #tpu.memory_space<vmem_shared>>) target(%dma_start3A_123 : memref<3712x32xf32, #tpu.memory_space<hbm>>) target_semaphore(%run_scoped3A : memref<!tpu.dma_semaphore, #tpu.memory_space<semaphore_mem>>)
      %dma_wait3A_126 = arith.constant 0 : i32
      %dma_wait3A_127 = tpu.memref_slice %arg4[%add3A_78, %dma_wait3A_126] : memref<356352x32xf32, #tpu.memory_space<hbm>> -> memref<3712x32xf32, #tpu.memory_space<hbm>>
      %dma_wait3A_128 = arith.constant 0 : i32
      %dma_wait3A_129 = tpu.memref_slice %arg9[%mul3A_75, %dma_wait3A_128] : memref<59408x32xf32, #tpu.memory_space<vmem_shared>> -> memref<3712x32xf32, #tpu.memory_space<vmem_shared>>
      tpu.wait_dma2 semaphore(%run_scoped3A : memref<!tpu.dma_semaphore, #tpu.memory_space<semaphore_mem>>) src(%dma_wait3A_129 : memref<3712x32xf32, #tpu.memory_space<vmem_shared>>) dst(%dma_wait3A_127 : memref<3712x32xf32, #tpu.memory_space<hbm>>)
      tpu.yield
    }) : () -> ()
    %barrier3A_79 = arith.constant 0 : index
    tpu.barrier barrier_id(%barrier3A_79)
    %mul3A_80 = arith.constant 3 : i32
    %mul3A_81 = arith.muli %mul3A_80, %arg0 : i32
    %add3A_82 = arith.constant 2 : i32
    %add3A_83 = arith.addi %mul3A_81, %add3A_82 : i32
    %mul3A_84 = arith.constant 59392 : i32
    %mul3A_85 = arith.muli %add3A_83, %mul3A_84 : i32
    %mul3A_86 = arith.constant 3712 : i32
    %mul3A_87 = arith.muli %arg1, %mul3A_86 : i32
    %add3A_88 = arith.addi %mul3A_85, %mul3A_87 : i32
    %mul3A_89 = arith.constant 3712 : i32
    %mul3A_90 = arith.muli %arg1, %mul3A_89 : i32
    "tpu.region"() ({
      %run_scoped3A = tpu.sem_alloc : memref<!tpu.dma_semaphore, #tpu.memory_space<semaphore_mem>>
      %dma_start3A_122 = arith.constant 0 : i32
      %dma_start3A_123 = tpu.memref_slice %arg9[%mul3A_90, %dma_start3A_122] : memref<59408x32xf32, #tpu.memory_space<vmem_shared>> -> memref<3712x32xf32, #tpu.memory_space<vmem_shared>>
      %dma_start3A_124 = arith.constant 0 : i32
      %dma_start3A_125 = tpu.memref_slice %arg2[%add3A_88, %dma_start3A_124] : memref<356352x32xf32, #tpu.memory_space<hbm>> -> memref<3712x32xf32, #tpu.memory_space<hbm>>
      tpu.enqueue_dma source(%dma_start3A_125 : memref<3712x32xf32, #tpu.memory_space<hbm>>) target(%dma_start3A_123 : memref<3712x32xf32, #tpu.memory_space<vmem_shared>>) target_semaphore(%run_scoped3A : memref<!tpu.dma_semaphore, #tpu.memory_space<semaphore_mem>>)
      %dma_wait3A_126 = arith.constant 0 : i32
      %dma_wait3A_127 = tpu.memref_slice %arg9[%mul3A_90, %dma_wait3A_126] : memref<59408x32xf32, #tpu.memory_space<vmem_shared>> -> memref<3712x32xf32, #tpu.memory_space<vmem_shared>>
      %dma_wait3A_128 = arith.constant 0 : i32
      %dma_wait3A_129 = tpu.memref_slice %arg2[%add3A_88, %dma_wait3A_128] : memref<356352x32xf32, #tpu.memory_space<hbm>> -> memref<3712x32xf32, #tpu.memory_space<hbm>>
      tpu.wait_dma2 semaphore(%run_scoped3A : memref<!tpu.dma_semaphore, #tpu.memory_space<semaphore_mem>>) src(%dma_wait3A_129 : memref<3712x32xf32, #tpu.memory_space<hbm>>) dst(%dma_wait3A_127 : memref<3712x32xf32, #tpu.memory_space<vmem_shared>>)
      tpu.yield
    }) : () -> ()
    %mul3A_91 = arith.constant 3 : i32
    %mul3A_92 = arith.muli %mul3A_91, %arg0 : i32
    %add3A_93 = arith.constant 2 : i32
    %add3A_94 = arith.addi %mul3A_92, %add3A_93 : i32
    %mul3A_95 = arith.constant 1245184 : i32
    %mul3A_96 = arith.muli %add3A_94, %mul3A_95 : i32
    %mul3A_97 = arith.constant 76 : i32
    %mul3A_98 = arith.muli %arg1, %mul3A_97 : i32
    %add3A_99 = arith.constant 0 : i32
    %add3A_100 = arith.addi %mul3A_98, %add3A_99 : i32
    %mul3A_101 = arith.constant 1024 : i32
    %mul3A_102 = arith.muli %add3A_100, %mul3A_101 : i32
    %add3A_103 = arith.addi %mul3A_96, %mul3A_102 : i32
    %dma_start3A_104 = tpu.memref_slice %arg3[%add3A_103] : memref<7471104xi32, #tpu.memory_space<hbm>> -> memref<1024xi32, #tpu.memory_space<hbm>>
    %dma_start3A_105 = tpu.memref_slice %arg3[%add3A_103] : memref<7471104xi32, #tpu.memory_space<hbm>> -> memref<1024xi32, #tpu.memory_space<hbm>>
    tpu.enqueue_dma source(%dma_start3A_105 : memref<1024xi32, #tpu.memory_space<hbm>>) target(%arg5 : memref<1024xi32, #tpu.memory_space<vmem>>) target_semaphore(%arg10 : memref<!tpu.dma_semaphore, #tpu.memory_space<semaphore_mem>>)
    %dma_wait3A_106 = tpu.memref_slice %arg3[%add3A_103] : memref<7471104xi32, #tpu.memory_space<hbm>> -> memref<1024xi32, #tpu.memory_space<hbm>>
    %dma_wait3A_107 = tpu.memref_slice %arg3[%add3A_103] : memref<7471104xi32, #tpu.memory_space<hbm>> -> memref<1024xi32, #tpu.memory_space<hbm>>
    tpu.wait_dma2 semaphore(%arg10 : memref<!tpu.dma_semaphore, #tpu.memory_space<semaphore_mem>>) src(%dma_wait3A_107 : memref<1024xi32, #tpu.memory_space<hbm>>) dst(%arg5 : memref<1024xi32, #tpu.memory_space<vmem>>)
    %barrier3A_108 = arith.constant 0 : index
    tpu.barrier barrier_id(%barrier3A_108)
    %scan3A_109 = arith.constant 0 : i32
    %scan3A_110 = arith.constant 0 : i32
    %scan3A_111 = arith.constant 76 : i32
    %scan3A_112 = arith.addi %scan3A_110, %scan3A_111 : i32
    %scan3A_113 = arith.constant 1 : i32
    %scan3A_114 = scf.for %scan3A_122 = %scan3A_110 to %scan3A_112 step %scan3A_113 iter_args(%scan3A_123 = %scan3A_109) -> (i32)  : i32 {
      %rem3A = arith.constant 2 : i32
      %rem3A_124 = arith.remsi %scan3A_122, %rem3A : i32
      %eq3A = arith.constant 0 : i32
      %eq3A_125 = arith.cmpi eq, %rem3A_124, %eq3A : i32
      %convert_element_type3A = arith.extui %eq3A_125 : i1 to i32
      %cond3A = arith.constant 0 : i32
      %cond3A_126 = arith.cmpi ne, %convert_element_type3A, %cond3A : i32
      scf.if %cond3A_126 {
        %add3A_133 = arith.constant 1 : i32
        %add3A_134 = arith.addi %scan3A_122, %add3A_133 : i32
        %lt3A = arith.constant 76 : i32
        %lt3A_135 = arith.cmpi slt, %add3A_134, %lt3A : i32
        %convert_element_type3A_136 = arith.extui %lt3A_135 : i1 to i32
        %cond3A_137 = arith.constant 0 : i32
        %cond3A_138 = arith.cmpi ne, %convert_element_type3A_136, %cond3A_137 : i32
        scf.if %cond3A_138 {
          %add3A_258 = arith.constant 1 : i32
          %add3A_259 = arith.addi %scan3A_122, %add3A_258 : i32
          %mul3A_260 = arith.constant 3 : i32
          %mul3A_261 = arith.muli %mul3A_260, %arg0 : i32
          %add3A_262 = arith.constant 2 : i32
          %add3A_263 = arith.addi %mul3A_261, %add3A_262 : i32
          %mul3A_264 = arith.constant 1245184 : i32
          %mul3A_265 = arith.muli %add3A_263, %mul3A_264 : i32
          %mul3A_266 = arith.constant 76 : i32
          %mul3A_267 = arith.muli %arg1, %mul3A_266 : i32
          %add3A_268 = arith.addi %mul3A_267, %add3A_259 : i32
          %mul3A_269 = arith.constant 1024 : i32
          %mul3A_270 = arith.muli %add3A_268, %mul3A_269 : i32
          %add3A_271 = arith.addi %mul3A_265, %mul3A_270 : i32
          %dma_start3A_272 = tpu.memref_slice %arg3[%add3A_271] : memref<7471104xi32, #tpu.memory_space<hbm>> -> memref<1024xi32, #tpu.memory_space<hbm>>
          %dma_start3A_273 = tpu.memref_slice %arg3[%add3A_271] : memref<7471104xi32, #tpu.memory_space<hbm>> -> memref<1024xi32, #tpu.memory_space<hbm>>
          tpu.enqueue_dma source(%dma_start3A_273 : memref<1024xi32, #tpu.memory_space<hbm>>) target(%arg6 : memref<1024xi32, #tpu.memory_space<vmem>>) target_semaphore(%arg11 : memref<!tpu.dma_semaphore, #tpu.memory_space<semaphore_mem>>)
        } else {
        }
        %dma_start3A_139 = arith.constant 0 : i32
        %dma_start3A_140 = tpu.memref_slice %arg5[%dma_start3A_139] : memref<1024xi32, #tpu.memory_space<vmem>> -> memref<512xi32, #tpu.memory_space<vmem>>
        %dma_start3A_141 = arith.constant 0 : i32
        %dma_start3A_142 = tpu.memref_slice %dma_start3A_140[%dma_start3A_141] : memref<512xi32, #tpu.memory_space<vmem>> -> memref<128xi32, #tpu.memory_space<vmem>>
        %dma_start3A_143 = arith.constant 0 : i32
        %dma_start3A_144 = arith.constant 0 : i32
        %dma_start3A_145 = tpu.memref_slice %arg2[%dma_start3A_143, %dma_start3A_144] : memref<356352x32xf32, #tpu.memory_space<hbm>> -> memref<356352x32xf32, #tpu.memory_space<hbm>>
        tpu.enqueue_indirect_dma source(%dma_start3A_145 : memref<356352x32xf32, #tpu.memory_space<hbm>>) target(%arg7 : memref<128x32xf32, #tpu.memory_space<vmem>>) offsets(%dma_start3A_142 : memref<128xi32, #tpu.memory_space<vmem>>) semaphore(%arg12 : memref<!tpu.dma_semaphore, #tpu.memory_space<semaphore_mem>>)
        %dma_wait3A_146 = arith.constant 0 : i32
        %dma_wait3A_147 = tpu.memref_slice %arg5[%dma_wait3A_146] : memref<1024xi32, #tpu.memory_space<vmem>> -> memref<512xi32, #tpu.memory_space<vmem>>
        %dma_wait3A_148 = arith.constant 0 : i32
        %dma_wait3A_149 = tpu.memref_slice %dma_wait3A_147[%dma_wait3A_148] : memref<512xi32, #tpu.memory_space<vmem>> -> memref<128xi32, #tpu.memory_space<vmem>>
        %dma_wait3A_150 = arith.constant 0 : i32
        %dma_wait3A_151 = arith.constant 0 : i32
        %dma_wait3A_152 = tpu.memref_slice %arg2[%dma_wait3A_150, %dma_wait3A_151] : memref<356352x32xf32, #tpu.memory_space<hbm>> -> memref<356352x32xf32, #tpu.memory_space<hbm>>
        tpu.wait_indirect_dma semaphore(%arg12 : memref<!tpu.dma_semaphore, #tpu.memory_space<semaphore_mem>>) src(%dma_wait3A_152 : memref<356352x32xf32, #tpu.memory_space<hbm>>) dst(%arg7 : memref<128x32xf32, #tpu.memory_space<vmem>>)
        %dma_start3A_153 = arith.constant 512 : i32
        %dma_start3A_154 = tpu.memref_slice %arg5[%dma_start3A_153] : memref<1024xi32, #tpu.memory_space<vmem>> -> memref<512xi32, #tpu.memory_space<vmem>>
        %dma_start3A_155 = arith.constant 0 : i32
        %dma_start3A_156 = tpu.memref_slice %dma_start3A_154[%dma_start3A_155] : memref<512xi32, #tpu.memory_space<vmem>> -> memref<128xi32, #tpu.memory_space<vmem>>
        %dma_start3A_157 = arith.constant 0 : i32
        %dma_start3A_158 = arith.constant 0 : i32
        %dma_start3A_159 = tpu.memref_slice %arg9[%dma_start3A_157, %dma_start3A_158] : memref<59408x32xf32, #tpu.memory_space<vmem_shared>> -> memref<59408x32xf32, #tpu.memory_space<vmem_shared>>
        tpu.enqueue_indirect_dma source(%arg7 : memref<128x32xf32, #tpu.memory_space<vmem>>) target(%dma_start3A_159 : memref<59408x32xf32, #tpu.memory_space<vmem_shared>>) offsets(%dma_start3A_156 : memref<128xi32, #tpu.memory_space<vmem>>) semaphore(%arg14 : memref<!tpu.dma_semaphore, #tpu.memory_space<semaphore_mem>>) {add = true}
        %dma_start3A_160 = arith.constant 0 : i32
        %dma_start3A_161 = tpu.memref_slice %arg5[%dma_start3A_160] : memref<1024xi32, #tpu.memory_space<vmem>> -> memref<512xi32, #tpu.memory_space<vmem>>
        %dma_start3A_162 = arith.constant 128 : i32
        %dma_start3A_163 = tpu.memref_slice %dma_start3A_161[%dma_start3A_162] : memref<512xi32, #tpu.memory_space<vmem>> -> memref<128xi32, #tpu.memory_space<vmem>>
        %dma_start3A_164 = arith.constant 0 : i32
        %dma_start3A_165 = arith.constant 0 : i32
        %dma_start3A_166 = tpu.memref_slice %arg2[%dma_start3A_164, %dma_start3A_165] : memref<356352x32xf32, #tpu.memory_space<hbm>> -> memref<356352x32xf32, #tpu.memory_space<hbm>>
        tpu.enqueue_indirect_dma source(%dma_start3A_166 : memref<356352x32xf32, #tpu.memory_space<hbm>>) target(%arg8 : memref<128x32xf32, #tpu.memory_space<vmem>>) offsets(%dma_start3A_163 : memref<128xi32, #tpu.memory_space<vmem>>) semaphore(%arg13 : memref<!tpu.dma_semaphore, #tpu.memory_space<semaphore_mem>>)
        %dma_wait3A_167 = arith.constant 0 : i32
        %dma_wait3A_168 = tpu.memref_slice %arg5[%dma_wait3A_167] : memref<1024xi32, #tpu.memory_space<vmem>> -> memref<512xi32, #tpu.memory_space<vmem>>
        %dma_wait3A_169 = arith.constant 128 : i32
        %dma_wait3A_170 = tpu.memref_slice %dma_wait3A_168[%dma_wait3A_169] : memref<512xi32, #tpu.memory_space<vmem>> -> memref<128xi32, #tpu.memory_space<vmem>>
        %dma_wait3A_171 = arith.constant 0 : i32
        %dma_wait3A_172 = arith.constant 0 : i32
        %dma_wait3A_173 = tpu.memref_slice %arg2[%dma_wait3A_171, %dma_wait3A_172] : memref<356352x32xf32, #tpu.memory_space<hbm>> -> memref<356352x32xf32, #tpu.memory_space<hbm>>
        tpu.wait_indirect_dma semaphore(%arg13 : memref<!tpu.dma_semaphore, #tpu.memory_space<semaphore_mem>>) src(%dma_wait3A_173 : memref<356352x32xf32, #tpu.memory_space<hbm>>) dst(%arg8 : memref<128x32xf32, #tpu.memory_space<vmem>>)
        %dma_start3A_174 = arith.constant 512 : i32
        %dma_start3A_175 = tpu.memref_slice %arg5[%dma_start3A_174] : memref<1024xi32, #tpu.memory_space<vmem>> -> memref<512xi32, #tpu.memory_space<vmem>>
        %dma_start3A_176 = arith.constant 128 : i32
        %dma_start3A_177 = tpu.memref_slice %dma_start3A_175[%dma_start3A_176] : memref<512xi32, #tpu.memory_space<vmem>> -> memref<128xi32, #tpu.memory_space<vmem>>
        %dma_start3A_178 = arith.constant 0 : i32
        %dma_start3A_179 = arith.constant 0 : i32
        %dma_start3A_180 = tpu.memref_slice %arg9[%dma_start3A_178, %dma_start3A_179] : memref<59408x32xf32, #tpu.memory_space<vmem_shared>> -> memref<59408x32xf32, #tpu.memory_space<vmem_shared>>
        tpu.enqueue_indirect_dma source(%arg8 : memref<128x32xf32, #tpu.memory_space<vmem>>) target(%dma_start3A_180 : memref<59408x32xf32, #tpu.memory_space<vmem_shared>>) offsets(%dma_start3A_177 : memref<128xi32, #tpu.memory_space<vmem>>) semaphore(%arg15 : memref<!tpu.dma_semaphore, #tpu.memory_space<semaphore_mem>>) {add = true}
        %dma_wait3A_181 = arith.constant 512 : i32
        %dma_wait3A_182 = tpu.memref_slice %arg5[%dma_wait3A_181] : memref<1024xi32, #tpu.memory_space<vmem>> -> memref<512xi32, #tpu.memory_space<vmem>>
        %dma_wait3A_183 = arith.constant 0 : i32
        %dma_wait3A_184 = tpu.memref_slice %dma_wait3A_182[%dma_wait3A_183] : memref<512xi32, #tpu.memory_space<vmem>> -> memref<128xi32, #tpu.memory_space<vmem>>
        %dma_wait3A_185 = arith.constant 0 : i32
        %dma_wait3A_186 = arith.constant 0 : i32
        %dma_wait3A_187 = tpu.memref_slice %arg9[%dma_wait3A_185, %dma_wait3A_186] : memref<59408x32xf32, #tpu.memory_space<vmem_shared>> -> memref<59408x32xf32, #tpu.memory_space<vmem_shared>>
        tpu.wait_indirect_dma semaphore(%arg14 : memref<!tpu.dma_semaphore, #tpu.memory_space<semaphore_mem>>) src(%arg7 : memref<128x32xf32, #tpu.memory_space<vmem>>) dst(%dma_wait3A_187 : memref<59408x32xf32, #tpu.memory_space<vmem_shared>>)
        %dma_start3A_188 = arith.constant 0 : i32
        %dma_start3A_189 = tpu.memref_slice %arg5[%dma_start3A_188] : memref<1024xi32, #tpu.memory_space<vmem>> -> memref<512xi32, #tpu.memory_space<vmem>>
        %dma_start3A_190 = arith.constant 256 : i32
        %dma_start3A_191 = tpu.memref_slice %dma_start3A_189[%dma_start3A_190] : memref<512xi32, #tpu.memory_space<vmem>> -> memref<128xi32, #tpu.memory_space<vmem>>
        %dma_start3A_192 = arith.constant 0 : i32
        %dma_start3A_193 = arith.constant 0 : i32
        %dma_start3A_194 = tpu.memref_slice %arg2[%dma_start3A_192, %dma_start3A_193] : memref<356352x32xf32, #tpu.memory_space<hbm>> -> memref<356352x32xf32, #tpu.memory_space<hbm>>
        tpu.enqueue_indirect_dma source(%dma_start3A_194 : memref<356352x32xf32, #tpu.memory_space<hbm>>) target(%arg7 : memref<128x32xf32, #tpu.memory_space<vmem>>) offsets(%dma_start3A_191 : memref<128xi32, #tpu.memory_space<vmem>>) semaphore(%arg12 : memref<!tpu.dma_semaphore, #tpu.memory_space<semaphore_mem>>)
        %dma_wait3A_195 = arith.constant 0 : i32
        %dma_wait3A_196 = tpu.memref_slice %arg5[%dma_wait3A_195] : memref<1024xi32, #tpu.memory_space<vmem>> -> memref<512xi32, #tpu.memory_space<vmem>>
        %dma_wait3A_197 = arith.constant 256 : i32
        %dma_wait3A_198 = tpu.memref_slice %dma_wait3A_196[%dma_wait3A_197] : memref<512xi32, #tpu.memory_space<vmem>> -> memref<128xi32, #tpu.memory_space<vmem>>
        %dma_wait3A_199 = arith.constant 0 : i32
        %dma_wait3A_200 = arith.constant 0 : i32
        %dma_wait3A_201 = tpu.memref_slice %arg2[%dma_wait3A_199, %dma_wait3A_200] : memref<356352x32xf32, #tpu.memory_space<hbm>> -> memref<356352x32xf32, #tpu.memory_space<hbm>>
        tpu.wait_indirect_dma semaphore(%arg12 : memref<!tpu.dma_semaphore, #tpu.memory_space<semaphore_mem>>) src(%dma_wait3A_201 : memref<356352x32xf32, #tpu.memory_space<hbm>>) dst(%arg7 : memref<128x32xf32, #tpu.memory_space<vmem>>)
        %dma_start3A_202 = arith.constant 512 : i32
        %dma_start3A_203 = tpu.memref_slice %arg5[%dma_start3A_202] : memref<1024xi32, #tpu.memory_space<vmem>> -> memref<512xi32, #tpu.memory_space<vmem>>
        %dma_start3A_204 = arith.constant 256 : i32
        %dma_start3A_205 = tpu.memref_slice %dma_start3A_203[%dma_start3A_204] : memref<512xi32, #tpu.memory_space<vmem>> -> memref<128xi32, #tpu.memory_space<vmem>>
        %dma_start3A_206 = arith.constant 0 : i32
        %dma_start3A_207 = arith.constant 0 : i32
        %dma_start3A_208 = tpu.memref_slice %arg9[%dma_start3A_206, %dma_start3A_207] : memref<59408x32xf32, #tpu.memory_space<vmem_shared>> -> memref<59408x32xf32, #tpu.memory_space<vmem_shared>>
        tpu.enqueue_indirect_dma source(%arg7 : memref<128x32xf32, #tpu.memory_space<vmem>>) target(%dma_start3A_208 : memref<59408x32xf32, #tpu.memory_space<vmem_shared>>) offsets(%dma_start3A_205 : memref<128xi32, #tpu.memory_space<vmem>>) semaphore(%arg14 : memref<!tpu.dma_semaphore, #tpu.memory_space<semaphore_mem>>) {add = true}
        %dma_wait3A_209 = arith.constant 512 : i32
        %dma_wait3A_210 = tpu.memref_slice %arg5[%dma_wait3A_209] : memref<1024xi32, #tpu.memory_space<vmem>> -> memref<512xi32, #tpu.memory_space<vmem>>
        %dma_wait3A_211 = arith.constant 128 : i32
        %dma_wait3A_212 = tpu.memref_slice %dma_wait3A_210[%dma_wait3A_211] : memref<512xi32, #tpu.memory_space<vmem>> -> memref<128xi32, #tpu.memory_space<vmem>>
        %dma_wait3A_213 = arith.constant 0 : i32
        %dma_wait3A_214 = arith.constant 0 : i32
        %dma_wait3A_215 = tpu.memref_slice %arg9[%dma_wait3A_213, %dma_wait3A_214] : memref<59408x32xf32, #tpu.memory_space<vmem_shared>> -> memref<59408x32xf32, #tpu.memory_space<vmem_shared>>
        tpu.wait_indirect_dma semaphore(%arg15 : memref<!tpu.dma_semaphore, #tpu.memory_space<semaphore_mem>>) src(%arg8 : memref<128x32xf32, #tpu.memory_space<vmem>>) dst(%dma_wait3A_215 : memref<59408x32xf32, #tpu.memory_space<vmem_shared>>)
        %dma_start3A_216 = arith.constant 0 : i32
        %dma_start3A_217 = tpu.memref_slice %arg5[%dma_start3A_216] : memref<1024xi32, #tpu.memory_space<vmem>> -> memref<512xi32, #tpu.memory_space<vmem>>
        %dma_start3A_218 = arith.constant 384 : i32
        %dma_start3A_219 = tpu.memref_slice %dma_start3A_217[%dma_start3A_218] : memref<512xi32, #tpu.memory_space<vmem>> -> memref<128xi32, #tpu.memory_space<vmem>>
        %dma_start3A_220 = arith.constant 0 : i32
        %dma_start3A_221 = arith.constant 0 : i32
        %dma_start3A_222 = tpu.memref_slice %arg2[%dma_start3A_220, %dma_start3A_221] : memref<356352x32xf32, #tpu.memory_space<hbm>> -> memref<356352x32xf32, #tpu.memory_space<hbm>>
        tpu.enqueue_indirect_dma source(%dma_start3A_222 : memref<356352x32xf32, #tpu.memory_space<hbm>>) target(%arg8 : memref<128x32xf32, #tpu.memory_space<vmem>>) offsets(%dma_start3A_219 : memref<128xi32, #tpu.memory_space<vmem>>) semaphore(%arg13 : memref<!tpu.dma_semaphore, #tpu.memory_space<semaphore_mem>>)
        %dma_wait3A_223 = arith.constant 0 : i32
        %dma_wait3A_224 = tpu.memref_slice %arg5[%dma_wait3A_223] : memref<1024xi32, #tpu.memory_space<vmem>> -> memref<512xi32, #tpu.memory_space<vmem>>
        %dma_wait3A_225 = arith.constant 384 : i32
        %dma_wait3A_226 = tpu.memref_slice %dma_wait3A_224[%dma_wait3A_225] : memref<512xi32, #tpu.memory_space<vmem>> -> memref<128xi32, #tpu.memory_space<vmem>>
        %dma_wait3A_227 = arith.constant 0 : i32
        %dma_wait3A_228 = arith.constant 0 : i32
        %dma_wait3A_229 = tpu.memref_slice %arg2[%dma_wait3A_227, %dma_wait3A_228] : memref<356352x32xf32, #tpu.memory_space<hbm>> -> memref<356352x32xf32, #tpu.memory_space<hbm>>
        tpu.wait_indirect_dma semaphore(%arg13 : memref<!tpu.dma_semaphore, #tpu.memory_space<semaphore_mem>>) src(%dma_wait3A_229 : memref<356352x32xf32, #tpu.memory_space<hbm>>) dst(%arg8 : memref<128x32xf32, #tpu.memory_space<vmem>>)
        %dma_start3A_230 = arith.constant 512 : i32
        %dma_start3A_231 = tpu.memref_slice %arg5[%dma_start3A_230] : memref<1024xi32, #tpu.memory_space<vmem>> -> memref<512xi32, #tpu.memory_space<vmem>>
        %dma_start3A_232 = arith.constant 384 : i32
        %dma_start3A_233 = tpu.memref_slice %dma_start3A_231[%dma_start3A_232] : memref<512xi32, #tpu.memory_space<vmem>> -> memref<128xi32, #tpu.memory_space<vmem>>
        %dma_start3A_234 = arith.constant 0 : i32
        %dma_start3A_235 = arith.constant 0 : i32
        %dma_start3A_236 = tpu.memref_slice %arg9[%dma_start3A_234, %dma_start3A_235] : memref<59408x32xf32, #tpu.memory_space<vmem_shared>> -> memref<59408x32xf32, #tpu.memory_space<vmem_shared>>
        tpu.enqueue_indirect_dma source(%arg8 : memref<128x32xf32, #tpu.memory_space<vmem>>) target(%dma_start3A_236 : memref<59408x32xf32, #tpu.memory_space<vmem_shared>>) offsets(%dma_start3A_233 : memref<128xi32, #tpu.memory_space<vmem>>) semaphore(%arg15 : memref<!tpu.dma_semaphore, #tpu.memory_space<semaphore_mem>>) {add = true}
        %dma_wait3A_237 = arith.constant 512 : i32
        %dma_wait3A_238 = tpu.memref_slice %arg5[%dma_wait3A_237] : memref<1024xi32, #tpu.memory_space<vmem>> -> memref<512xi32, #tpu.memory_space<vmem>>
        %dma_wait3A_239 = arith.constant 256 : i32
        %dma_wait3A_240 = tpu.memref_slice %dma_wait3A_238[%dma_wait3A_239] : memref<512xi32, #tpu.memory_space<vmem>> -> memref<128xi32, #tpu.memory_space<vmem>>
        %dma_wait3A_241 = arith.constant 0 : i32
        %dma_wait3A_242 = arith.constant 0 : i32
        %dma_wait3A_243 = tpu.memref_slice %arg9[%dma_wait3A_241, %dma_wait3A_242] : memref<59408x32xf32, #tpu.memory_space<vmem_shared>> -> memref<59408x32xf32, #tpu.memory_space<vmem_shared>>
        tpu.wait_indirect_dma semaphore(%arg14 : memref<!tpu.dma_semaphore, #tpu.memory_space<semaphore_mem>>) src(%arg7 : memref<128x32xf32, #tpu.memory_space<vmem>>) dst(%dma_wait3A_243 : memref<59408x32xf32, #tpu.memory_space<vmem_shared>>)
        %dma_wait3A_244 = arith.constant 512 : i32
        %dma_wait3A_245 = tpu.memref_slice %arg5[%dma_wait3A_244] : memref<1024xi32, #tpu.memory_space<vmem>> -> memref<512xi32, #tpu.memory_space<vmem>>
        %dma_wait3A_246 = arith.constant 384 : i32
        %dma_wait3A_247 = tpu.memref_slice %dma_wait3A_245[%dma_wait3A_246] : memref<512xi32, #tpu.memory_space<vmem>> -> memref<128xi32, #tpu.memory_space<vmem>>
        %dma_wait3A_248 = arith.constant 0 : i32
        %dma_wait3A_249 = arith.constant 0 : i32
        %dma_wait3A_250 = tpu.memref_slice %arg9[%dma_wait3A_248, %dma_wait3A_249] : memref<59408x32xf32, #tpu.memory_space<vmem_shared>> -> memref<59408x32xf32, #tpu.memory_space<vmem_shared>>
        tpu.wait_indirect_dma semaphore(%arg15 : memref<!tpu.dma_semaphore, #tpu.memory_space<semaphore_mem>>) src(%arg8 : memref<128x32xf32, #tpu.memory_space<vmem>>) dst(%dma_wait3A_250 : memref<59408x32xf32, #tpu.memory_space<vmem_shared>>)
        %add3A_251 = arith.constant 1 : i32
        %add3A_252 = arith.addi %scan3A_122, %add3A_251 : i32
        %lt3A_253 = arith.constant 76 : i32
        %lt3A_254 = arith.cmpi slt, %add3A_252, %lt3A_253 : i32
        %convert_element_type3A_255 = arith.extui %lt3A_254 : i1 to i32
        %cond3A_256 = arith.constant 0 : i32
        %cond3A_257 = arith.cmpi ne, %convert_element_type3A_255, %cond3A_256 : i32
        scf.if %cond3A_257 {
          %dma_wait3A_258 = arith.constant 0 : i32
          %dma_wait3A_259 = tpu.memref_slice %arg3[%dma_wait3A_258] : memref<7471104xi32, #tpu.memory_space<hbm>> -> memref<1024xi32, #tpu.memory_space<hbm>>
          %dma_wait3A_260 = arith.constant 0 : i32
          %dma_wait3A_261 = tpu.memref_slice %arg3[%dma_wait3A_260] : memref<7471104xi32, #tpu.memory_space<hbm>> -> memref<1024xi32, #tpu.memory_space<hbm>>
          tpu.wait_dma2 semaphore(%arg11 : memref<!tpu.dma_semaphore, #tpu.memory_space<semaphore_mem>>) src(%dma_wait3A_261 : memref<1024xi32, #tpu.memory_space<hbm>>) dst(%arg6 : memref<1024xi32, #tpu.memory_space<vmem>>)
        } else {
        }
      } else {
      }
      %eq3A_127 = arith.constant 1 : i32
      %eq3A_128 = arith.cmpi eq, %rem3A_124, %eq3A_127 : i32
      %convert_element_type3A_129 = arith.extui %eq3A_128 : i1 to i32
      %cond3A_130 = arith.constant 0 : i32
      %cond3A_131 = arith.cmpi ne, %convert_element_type3A_129, %cond3A_130 : i32
      scf.if %cond3A_131 {
        %add3A_133 = arith.constant 1 : i32
        %add3A_134 = arith.addi %scan3A_122, %add3A_133 : i32
        %lt3A = arith.constant 76 : i32
        %lt3A_135 = arith.cmpi slt, %add3A_134, %lt3A : i32
        %convert_element_type3A_136 = arith.extui %lt3A_135 : i1 to i32
        %cond3A_137 = arith.constant 0 : i32
        %cond3A_138 = arith.cmpi ne, %convert_element_type3A_136, %cond3A_137 : i32
        scf.if %cond3A_138 {
          %add3A_258 = arith.constant 1 : i32
          %add3A_259 = arith.addi %scan3A_122, %add3A_258 : i32
          %mul3A_260 = arith.constant 3 : i32
          %mul3A_261 = arith.muli %mul3A_260, %arg0 : i32
          %add3A_262 = arith.constant 2 : i32
          %add3A_263 = arith.addi %mul3A_261, %add3A_262 : i32
          %mul3A_264 = arith.constant 1245184 : i32
          %mul3A_265 = arith.muli %add3A_263, %mul3A_264 : i32
          %mul3A_266 = arith.constant 76 : i32
          %mul3A_267 = arith.muli %arg1, %mul3A_266 : i32
          %add3A_268 = arith.addi %mul3A_267, %add3A_259 : i32
          %mul3A_269 = arith.constant 1024 : i32
          %mul3A_270 = arith.muli %add3A_268, %mul3A_269 : i32
          %add3A_271 = arith.addi %mul3A_265, %mul3A_270 : i32
          %dma_start3A_272 = tpu.memref_slice %arg3[%add3A_271] : memref<7471104xi32, #tpu.memory_space<hbm>> -> memref<1024xi32, #tpu.memory_space<hbm>>
          %dma_start3A_273 = tpu.memref_slice %arg3[%add3A_271] : memref<7471104xi32, #tpu.memory_space<hbm>> -> memref<1024xi32, #tpu.memory_space<hbm>>
          tpu.enqueue_dma source(%dma_start3A_273 : memref<1024xi32, #tpu.memory_space<hbm>>) target(%arg5 : memref<1024xi32, #tpu.memory_space<vmem>>) target_semaphore(%arg10 : memref<!tpu.dma_semaphore, #tpu.memory_space<semaphore_mem>>)
        } else {
        }
        %dma_start3A_139 = arith.constant 0 : i32
        %dma_start3A_140 = tpu.memref_slice %arg6[%dma_start3A_139] : memref<1024xi32, #tpu.memory_space<vmem>> -> memref<512xi32, #tpu.memory_space<vmem>>
        %dma_start3A_141 = arith.constant 0 : i32
        %dma_start3A_142 = tpu.memref_slice %dma_start3A_140[%dma_start3A_141] : memref<512xi32, #tpu.memory_space<vmem>> -> memref<128xi32, #tpu.memory_space<vmem>>
        %dma_start3A_143 = arith.constant 0 : i32
        %dma_start3A_144 = arith.constant 0 : i32
        %dma_start3A_145 = tpu.memref_slice %arg2[%dma_start3A_143, %dma_start3A_144] : memref<356352x32xf32, #tpu.memory_space<hbm>> -> memref<356352x32xf32, #tpu.memory_space<hbm>>
        tpu.enqueue_indirect_dma source(%dma_start3A_145 : memref<356352x32xf32, #tpu.memory_space<hbm>>) target(%arg7 : memref<128x32xf32, #tpu.memory_space<vmem>>) offsets(%dma_start3A_142 : memref<128xi32, #tpu.memory_space<vmem>>) semaphore(%arg12 : memref<!tpu.dma_semaphore, #tpu.memory_space<semaphore_mem>>)
        %dma_wait3A_146 = arith.constant 0 : i32
        %dma_wait3A_147 = tpu.memref_slice %arg6[%dma_wait3A_146] : memref<1024xi32, #tpu.memory_space<vmem>> -> memref<512xi32, #tpu.memory_space<vmem>>
        %dma_wait3A_148 = arith.constant 0 : i32
        %dma_wait3A_149 = tpu.memref_slice %dma_wait3A_147[%dma_wait3A_148] : memref<512xi32, #tpu.memory_space<vmem>> -> memref<128xi32, #tpu.memory_space<vmem>>
        %dma_wait3A_150 = arith.constant 0 : i32
        %dma_wait3A_151 = arith.constant 0 : i32
        %dma_wait3A_152 = tpu.memref_slice %arg2[%dma_wait3A_150, %dma_wait3A_151] : memref<356352x32xf32, #tpu.memory_space<hbm>> -> memref<356352x32xf32, #tpu.memory_space<hbm>>
        tpu.wait_indirect_dma semaphore(%arg12 : memref<!tpu.dma_semaphore, #tpu.memory_space<semaphore_mem>>) src(%dma_wait3A_152 : memref<356352x32xf32, #tpu.memory_space<hbm>>) dst(%arg7 : memref<128x32xf32, #tpu.memory_space<vmem>>)
        %dma_start3A_153 = arith.constant 512 : i32
        %dma_start3A_154 = tpu.memref_slice %arg6[%dma_start3A_153] : memref<1024xi32, #tpu.memory_space<vmem>> -> memref<512xi32, #tpu.memory_space<vmem>>
        %dma_start3A_155 = arith.constant 0 : i32
        %dma_start3A_156 = tpu.memref_slice %dma_start3A_154[%dma_start3A_155] : memref<512xi32, #tpu.memory_space<vmem>> -> memref<128xi32, #tpu.memory_space<vmem>>
        %dma_start3A_157 = arith.constant 0 : i32
        %dma_start3A_158 = arith.constant 0 : i32
        %dma_start3A_159 = tpu.memref_slice %arg9[%dma_start3A_157, %dma_start3A_158] : memref<59408x32xf32, #tpu.memory_space<vmem_shared>> -> memref<59408x32xf32, #tpu.memory_space<vmem_shared>>
        tpu.enqueue_indirect_dma source(%arg7 : memref<128x32xf32, #tpu.memory_space<vmem>>) target(%dma_start3A_159 : memref<59408x32xf32, #tpu.memory_space<vmem_shared>>) offsets(%dma_start3A_156 : memref<128xi32, #tpu.memory_space<vmem>>) semaphore(%arg14 : memref<!tpu.dma_semaphore, #tpu.memory_space<semaphore_mem>>) {add = true}
        %dma_start3A_160 = arith.constant 0 : i32
        %dma_start3A_161 = tpu.memref_slice %arg6[%dma_start3A_160] : memref<1024xi32, #tpu.memory_space<vmem>> -> memref<512xi32, #tpu.memory_space<vmem>>
        %dma_start3A_162 = arith.constant 128 : i32
        %dma_start3A_163 = tpu.memref_slice %dma_start3A_161[%dma_start3A_162] : memref<512xi32, #tpu.memory_space<vmem>> -> memref<128xi32, #tpu.memory_space<vmem>>
        %dma_start3A_164 = arith.constant 0 : i32
        %dma_start3A_165 = arith.constant 0 : i32
        %dma_start3A_166 = tpu.memref_slice %arg2[%dma_start3A_164, %dma_start3A_165] : memref<356352x32xf32, #tpu.memory_space<hbm>> -> memref<356352x32xf32, #tpu.memory_space<hbm>>
        tpu.enqueue_indirect_dma source(%dma_start3A_166 : memref<356352x32xf32, #tpu.memory_space<hbm>>) target(%arg8 : memref<128x32xf32, #tpu.memory_space<vmem>>) offsets(%dma_start3A_163 : memref<128xi32, #tpu.memory_space<vmem>>) semaphore(%arg13 : memref<!tpu.dma_semaphore, #tpu.memory_space<semaphore_mem>>)
        %dma_wait3A_167 = arith.constant 0 : i32
        %dma_wait3A_168 = tpu.memref_slice %arg6[%dma_wait3A_167] : memref<1024xi32, #tpu.memory_space<vmem>> -> memref<512xi32, #tpu.memory_space<vmem>>
        %dma_wait3A_169 = arith.constant 128 : i32
        %dma_wait3A_170 = tpu.memref_slice %dma_wait3A_168[%dma_wait3A_169] : memref<512xi32, #tpu.memory_space<vmem>> -> memref<128xi32, #tpu.memory_space<vmem>>
        %dma_wait3A_171 = arith.constant 0 : i32
        %dma_wait3A_172 = arith.constant 0 : i32
        %dma_wait3A_173 = tpu.memref_slice %arg2[%dma_wait3A_171, %dma_wait3A_172] : memref<356352x32xf32, #tpu.memory_space<hbm>> -> memref<356352x32xf32, #tpu.memory_space<hbm>>
        tpu.wait_indirect_dma semaphore(%arg13 : memref<!tpu.dma_semaphore, #tpu.memory_space<semaphore_mem>>) src(%dma_wait3A_173 : memref<356352x32xf32, #tpu.memory_space<hbm>>) dst(%arg8 : memref<128x32xf32, #tpu.memory_space<vmem>>)
        %dma_start3A_174 = arith.constant 512 : i32
        %dma_start3A_175 = tpu.memref_slice %arg6[%dma_start3A_174] : memref<1024xi32, #tpu.memory_space<vmem>> -> memref<512xi32, #tpu.memory_space<vmem>>
        %dma_start3A_176 = arith.constant 128 : i32
        %dma_start3A_177 = tpu.memref_slice %dma_start3A_175[%dma_start3A_176] : memref<512xi32, #tpu.memory_space<vmem>> -> memref<128xi32, #tpu.memory_space<vmem>>
        %dma_start3A_178 = arith.constant 0 : i32
        %dma_start3A_179 = arith.constant 0 : i32
        %dma_start3A_180 = tpu.memref_slice %arg9[%dma_start3A_178, %dma_start3A_179] : memref<59408x32xf32, #tpu.memory_space<vmem_shared>> -> memref<59408x32xf32, #tpu.memory_space<vmem_shared>>
        tpu.enqueue_indirect_dma source(%arg8 : memref<128x32xf32, #tpu.memory_space<vmem>>) target(%dma_start3A_180 : memref<59408x32xf32, #tpu.memory_space<vmem_shared>>) offsets(%dma_start3A_177 : memref<128xi32, #tpu.memory_space<vmem>>) semaphore(%arg15 : memref<!tpu.dma_semaphore, #tpu.memory_space<semaphore_mem>>) {add = true}
        %dma_wait3A_181 = arith.constant 512 : i32
        %dma_wait3A_182 = tpu.memref_slice %arg6[%dma_wait3A_181] : memref<1024xi32, #tpu.memory_space<vmem>> -> memref<512xi32, #tpu.memory_space<vmem>>
        %dma_wait3A_183 = arith.constant 0 : i32
        %dma_wait3A_184 = tpu.memref_slice %dma_wait3A_182[%dma_wait3A_183] : memref<512xi32, #tpu.memory_space<vmem>> -> memref<128xi32, #tpu.memory_space<vmem>>
        %dma_wait3A_185 = arith.constant 0 : i32
        %dma_wait3A_186 = arith.constant 0 : i32
        %dma_wait3A_187 = tpu.memref_slice %arg9[%dma_wait3A_185, %dma_wait3A_186] : memref<59408x32xf32, #tpu.memory_space<vmem_shared>> -> memref<59408x32xf32, #tpu.memory_space<vmem_shared>>
        tpu.wait_indirect_dma semaphore(%arg14 : memref<!tpu.dma_semaphore, #tpu.memory_space<semaphore_mem>>) src(%arg7 : memref<128x32xf32, #tpu.memory_space<vmem>>) dst(%dma_wait3A_187 : memref<59408x32xf32, #tpu.memory_space<vmem_shared>>)
        %dma_start3A_188 = arith.constant 0 : i32
        %dma_start3A_189 = tpu.memref_slice %arg6[%dma_start3A_188] : memref<1024xi32, #tpu.memory_space<vmem>> -> memref<512xi32, #tpu.memory_space<vmem>>
        %dma_start3A_190 = arith.constant 256 : i32
        %dma_start3A_191 = tpu.memref_slice %dma_start3A_189[%dma_start3A_190] : memref<512xi32, #tpu.memory_space<vmem>> -> memref<128xi32, #tpu.memory_space<vmem>>
        %dma_start3A_192 = arith.constant 0 : i32
        %dma_start3A_193 = arith.constant 0 : i32
        %dma_start3A_194 = tpu.memref_slice %arg2[%dma_start3A_192, %dma_start3A_193] : memref<356352x32xf32, #tpu.memory_space<hbm>> -> memref<356352x32xf32, #tpu.memory_space<hbm>>
        tpu.enqueue_indirect_dma source(%dma_start3A_194 : memref<356352x32xf32, #tpu.memory_space<hbm>>) target(%arg7 : memref<128x32xf32, #tpu.memory_space<vmem>>) offsets(%dma_start3A_191 : memref<128xi32, #tpu.memory_space<vmem>>) semaphore(%arg12 : memref<!tpu.dma_semaphore, #tpu.memory_space<semaphore_mem>>)
        %dma_wait3A_195 = arith.constant 0 : i32
        %dma_wait3A_196 = tpu.memref_slice %arg6[%dma_wait3A_195] : memref<1024xi32, #tpu.memory_space<vmem>> -> memref<512xi32, #tpu.memory_space<vmem>>
        %dma_wait3A_197 = arith.constant 256 : i32
        %dma_wait3A_198 = tpu.memref_slice %dma_wait3A_196[%dma_wait3A_197] : memref<512xi32, #tpu.memory_space<vmem>> -> memref<128xi32, #tpu.memory_space<vmem>>
        %dma_wait3A_199 = arith.constant 0 : i32
        %dma_wait3A_200 = arith.constant 0 : i32
        %dma_wait3A_201 = tpu.memref_slice %arg2[%dma_wait3A_199, %dma_wait3A_200] : memref<356352x32xf32, #tpu.memory_space<hbm>> -> memref<356352x32xf32, #tpu.memory_space<hbm>>
        tpu.wait_indirect_dma semaphore(%arg12 : memref<!tpu.dma_semaphore, #tpu.memory_space<semaphore_mem>>) src(%dma_wait3A_201 : memref<356352x32xf32, #tpu.memory_space<hbm>>) dst(%arg7 : memref<128x32xf32, #tpu.memory_space<vmem>>)
        %dma_start3A_202 = arith.constant 512 : i32
        %dma_start3A_203 = tpu.memref_slice %arg6[%dma_start3A_202] : memref<1024xi32, #tpu.memory_space<vmem>> -> memref<512xi32, #tpu.memory_space<vmem>>
        %dma_start3A_204 = arith.constant 256 : i32
        %dma_start3A_205 = tpu.memref_slice %dma_start3A_203[%dma_start3A_204] : memref<512xi32, #tpu.memory_space<vmem>> -> memref<128xi32, #tpu.memory_space<vmem>>
        %dma_start3A_206 = arith.constant 0 : i32
        %dma_start3A_207 = arith.constant 0 : i32
        %dma_start3A_208 = tpu.memref_slice %arg9[%dma_start3A_206, %dma_start3A_207] : memref<59408x32xf32, #tpu.memory_space<vmem_shared>> -> memref<59408x32xf32, #tpu.memory_space<vmem_shared>>
        tpu.enqueue_indirect_dma source(%arg7 : memref<128x32xf32, #tpu.memory_space<vmem>>) target(%dma_start3A_208 : memref<59408x32xf32, #tpu.memory_space<vmem_shared>>) offsets(%dma_start3A_205 : memref<128xi32, #tpu.memory_space<vmem>>) semaphore(%arg14 : memref<!tpu.dma_semaphore, #tpu.memory_space<semaphore_mem>>) {add = true}
        %dma_wait3A_209 = arith.constant 512 : i32
        %dma_wait3A_210 = tpu.memref_slice %arg6[%dma_wait3A_209] : memref<1024xi32, #tpu.memory_space<vmem>> -> memref<512xi32, #tpu.memory_space<vmem>>
        %dma_wait3A_211 = arith.constant 128 : i32
        %dma_wait3A_212 = tpu.memref_slice %dma_wait3A_210[%dma_wait3A_211] : memref<512xi32, #tpu.memory_space<vmem>> -> memref<128xi32, #tpu.memory_space<vmem>>
        %dma_wait3A_213 = arith.constant 0 : i32
        %dma_wait3A_214 = arith.constant 0 : i32
        %dma_wait3A_215 = tpu.memref_slice %arg9[%dma_wait3A_213, %dma_wait3A_214] : memref<59408x32xf32, #tpu.memory_space<vmem_shared>> -> memref<59408x32xf32, #tpu.memory_space<vmem_shared>>
        tpu.wait_indirect_dma semaphore(%arg15 : memref<!tpu.dma_semaphore, #tpu.memory_space<semaphore_mem>>) src(%arg8 : memref<128x32xf32, #tpu.memory_space<vmem>>) dst(%dma_wait3A_215 : memref<59408x32xf32, #tpu.memory_space<vmem_shared>>)
        %dma_start3A_216 = arith.constant 0 : i32
        %dma_start3A_217 = tpu.memref_slice %arg6[%dma_start3A_216] : memref<1024xi32, #tpu.memory_space<vmem>> -> memref<512xi32, #tpu.memory_space<vmem>>
        %dma_start3A_218 = arith.constant 384 : i32
        %dma_start3A_219 = tpu.memref_slice %dma_start3A_217[%dma_start3A_218] : memref<512xi32, #tpu.memory_space<vmem>> -> memref<128xi32, #tpu.memory_space<vmem>>
        %dma_start3A_220 = arith.constant 0 : i32
        %dma_start3A_221 = arith.constant 0 : i32
        %dma_start3A_222 = tpu.memref_slice %arg2[%dma_start3A_220, %dma_start3A_221] : memref<356352x32xf32, #tpu.memory_space<hbm>> -> memref<356352x32xf32, #tpu.memory_space<hbm>>
        tpu.enqueue_indirect_dma source(%dma_start3A_222 : memref<356352x32xf32, #tpu.memory_space<hbm>>) target(%arg8 : memref<128x32xf32, #tpu.memory_space<vmem>>) offsets(%dma_start3A_219 : memref<128xi32, #tpu.memory_space<vmem>>) semaphore(%arg13 : memref<!tpu.dma_semaphore, #tpu.memory_space<semaphore_mem>>)
        %dma_wait3A_223 = arith.constant 0 : i32
        %dma_wait3A_224 = tpu.memref_slice %arg6[%dma_wait3A_223] : memref<1024xi32, #tpu.memory_space<vmem>> -> memref<512xi32, #tpu.memory_space<vmem>>
        %dma_wait3A_225 = arith.constant 384 : i32
        %dma_wait3A_226 = tpu.memref_slice %dma_wait3A_224[%dma_wait3A_225] : memref<512xi32, #tpu.memory_space<vmem>> -> memref<128xi32, #tpu.memory_space<vmem>>
        %dma_wait3A_227 = arith.constant 0 : i32
        %dma_wait3A_228 = arith.constant 0 : i32
        %dma_wait3A_229 = tpu.memref_slice %arg2[%dma_wait3A_227, %dma_wait3A_228] : memref<356352x32xf32, #tpu.memory_space<hbm>> -> memref<356352x32xf32, #tpu.memory_space<hbm>>
        tpu.wait_indirect_dma semaphore(%arg13 : memref<!tpu.dma_semaphore, #tpu.memory_space<semaphore_mem>>) src(%dma_wait3A_229 : memref<356352x32xf32, #tpu.memory_space<hbm>>) dst(%arg8 : memref<128x32xf32, #tpu.memory_space<vmem>>)
        %dma_start3A_230 = arith.constant 512 : i32
        %dma_start3A_231 = tpu.memref_slice %arg6[%dma_start3A_230] : memref<1024xi32, #tpu.memory_space<vmem>> -> memref<512xi32, #tpu.memory_space<vmem>>
        %dma_start3A_232 = arith.constant 384 : i32
        %dma_start3A_233 = tpu.memref_slice %dma_start3A_231[%dma_start3A_232] : memref<512xi32, #tpu.memory_space<vmem>> -> memref<128xi32, #tpu.memory_space<vmem>>
        %dma_start3A_234 = arith.constant 0 : i32
        %dma_start3A_235 = arith.constant 0 : i32
        %dma_start3A_236 = tpu.memref_slice %arg9[%dma_start3A_234, %dma_start3A_235] : memref<59408x32xf32, #tpu.memory_space<vmem_shared>> -> memref<59408x32xf32, #tpu.memory_space<vmem_shared>>
        tpu.enqueue_indirect_dma source(%arg8 : memref<128x32xf32, #tpu.memory_space<vmem>>) target(%dma_start3A_236 : memref<59408x32xf32, #tpu.memory_space<vmem_shared>>) offsets(%dma_start3A_233 : memref<128xi32, #tpu.memory_space<vmem>>) semaphore(%arg15 : memref<!tpu.dma_semaphore, #tpu.memory_space<semaphore_mem>>) {add = true}
        %dma_wait3A_237 = arith.constant 512 : i32
        %dma_wait3A_238 = tpu.memref_slice %arg6[%dma_wait3A_237] : memref<1024xi32, #tpu.memory_space<vmem>> -> memref<512xi32, #tpu.memory_space<vmem>>
        %dma_wait3A_239 = arith.constant 256 : i32
        %dma_wait3A_240 = tpu.memref_slice %dma_wait3A_238[%dma_wait3A_239] : memref<512xi32, #tpu.memory_space<vmem>> -> memref<128xi32, #tpu.memory_space<vmem>>
        %dma_wait3A_241 = arith.constant 0 : i32
        %dma_wait3A_242 = arith.constant 0 : i32
        %dma_wait3A_243 = tpu.memref_slice %arg9[%dma_wait3A_241, %dma_wait3A_242] : memref<59408x32xf32, #tpu.memory_space<vmem_shared>> -> memref<59408x32xf32, #tpu.memory_space<vmem_shared>>
        tpu.wait_indirect_dma semaphore(%arg14 : memref<!tpu.dma_semaphore, #tpu.memory_space<semaphore_mem>>) src(%arg7 : memref<128x32xf32, #tpu.memory_space<vmem>>) dst(%dma_wait3A_243 : memref<59408x32xf32, #tpu.memory_space<vmem_shared>>)
        %dma_wait3A_244 = arith.constant 512 : i32
        %dma_wait3A_245 = tpu.memref_slice %arg6[%dma_wait3A_244] : memref<1024xi32, #tpu.memory_space<vmem>> -> memref<512xi32, #tpu.memory_space<vmem>>
        %dma_wait3A_246 = arith.constant 384 : i32
        %dma_wait3A_247 = tpu.memref_slice %dma_wait3A_245[%dma_wait3A_246] : memref<512xi32, #tpu.memory_space<vmem>> -> memref<128xi32, #tpu.memory_space<vmem>>
        %dma_wait3A_248 = arith.constant 0 : i32
        %dma_wait3A_249 = arith.constant 0 : i32
        %dma_wait3A_250 = tpu.memref_slice %arg9[%dma_wait3A_248, %dma_wait3A_249] : memref<59408x32xf32, #tpu.memory_space<vmem_shared>> -> memref<59408x32xf32, #tpu.memory_space<vmem_shared>>
        tpu.wait_indirect_dma semaphore(%arg15 : memref<!tpu.dma_semaphore, #tpu.memory_space<semaphore_mem>>) src(%arg8 : memref<128x32xf32, #tpu.memory_space<vmem>>) dst(%dma_wait3A_250 : memref<59408x32xf32, #tpu.memory_space<vmem_shared>>)
        %add3A_251 = arith.constant 1 : i32
        %add3A_252 = arith.addi %scan3A_122, %add3A_251 : i32
        %lt3A_253 = arith.constant 76 : i32
        %lt3A_254 = arith.cmpi slt, %add3A_252, %lt3A_253 : i32
        %convert_element_type3A_255 = arith.extui %lt3A_254 : i1 to i32
        %cond3A_256 = arith.constant 0 : i32
        %cond3A_257 = arith.cmpi ne, %convert_element_type3A_255, %cond3A_256 : i32
        scf.if %cond3A_257 {
          %dma_wait3A_258 = arith.constant 0 : i32
          %dma_wait3A_259 = tpu.memref_slice %arg3[%dma_wait3A_258] : memref<7471104xi32, #tpu.memory_space<hbm>> -> memref<1024xi32, #tpu.memory_space<hbm>>
          %dma_wait3A_260 = arith.constant 0 : i32
          %dma_wait3A_261 = tpu.memref_slice %arg3[%dma_wait3A_260] : memref<7471104xi32, #tpu.memory_space<hbm>> -> memref<1024xi32, #tpu.memory_space<hbm>>
          tpu.wait_dma2 semaphore(%arg10 : memref<!tpu.dma_semaphore, #tpu.memory_space<semaphore_mem>>) src(%dma_wait3A_261 : memref<1024xi32, #tpu.memory_space<hbm>>) dst(%arg5 : memref<1024xi32, #tpu.memory_space<vmem>>)
        } else {
        }
      } else {
      }
      %scan3A_132 = arith.constant 0 : i32
      scf.yield %scan3A_132 : i32
    }
    %scan3A_115 = arith.constant 76 : i32
    %barrier3A_116 = arith.constant 0 : index
    tpu.barrier barrier_id(%barrier3A_116)
    %mul3A_117 = arith.constant 3712 : i32
    %mul3A_118 = arith.muli %arg1, %mul3A_117 : i32
    %mul3A_119 = arith.constant 3712 : i32
    %mul3A_120 = arith.muli %arg1, %mul3A_119 : i32
    %add3A_121 = arith.addi %mul3A_85, %mul3A_120 : i32
    "tpu.region"() ({
      %run_scoped3A = tpu.sem_alloc : memref<!tpu.dma_semaphore, #tpu.memory_space<semaphore_mem>>
      %dma_start3A_122 = arith.constant 0 : i32
      %dma_start3A_123 = tpu.memref_slice %arg4[%add3A_121, %dma_start3A_122] : memref<356352x32xf32, #tpu.memory_space<hbm>> -> memref<3712x32xf32, #tpu.memory_space<hbm>>
      %dma_start3A_124 = arith.constant 0 : i32
      %dma_start3A_125 = tpu.memref_slice %arg9[%mul3A_118, %dma_start3A_124] : memref<59408x32xf32, #tpu.memory_space<vmem_shared>> -> memref<3712x32xf32, #tpu.memory_space<vmem_shared>>
      tpu.enqueue_dma source(%dma_start3A_125 : memref<3712x32xf32, #tpu.memory_space<vmem_shared>>) target(%dma_start3A_123 : memref<3712x32xf32, #tpu.memory_space<hbm>>) target_semaphore(%run_scoped3A : memref<!tpu.dma_semaphore, #tpu.memory_space<semaphore_mem>>)
      %dma_wait3A_126 = arith.constant 0 : i32
      %dma_wait3A_127 = tpu.memref_slice %arg4[%add3A_121, %dma_wait3A_126] : memref<356352x32xf32, #tpu.memory_space<hbm>> -> memref<3712x32xf32, #tpu.memory_space<hbm>>
      %dma_wait3A_128 = arith.constant 0 : i32
      %dma_wait3A_129 = tpu.memref_slice %arg9[%mul3A_118, %dma_wait3A_128] : memref<59408x32xf32, #tpu.memory_space<vmem_shared>> -> memref<3712x32xf32, #tpu.memory_space<vmem_shared>>
      tpu.wait_dma2 semaphore(%run_scoped3A : memref<!tpu.dma_semaphore, #tpu.memory_space<semaphore_mem>>) src(%dma_wait3A_129 : memref<3712x32xf32, #tpu.memory_space<vmem_shared>>) dst(%dma_wait3A_127 : memref<3712x32xf32, #tpu.memory_space<hbm>>)
      tpu.yield
    }) : () -> ()
    return
  }
}

#map = affine_map<(d0, d1) -> (0, 0)>
#map1 = affine_map<(d0, d1) -> (0)>
module attributes {stable_mosaic.version = 14 : i64} {
  func.func @k(%arg0: i32, %arg1: i32, %arg2: memref<356352x32xf32, #tpu.memory_space<hbm>>, %arg3: memref<7471104xi32, #tpu.memory_space<hbm>>, %arg4: memref<356352x32xf32, #tpu.memory_space<hbm>>, %arg5: memref<1024xi32, #tpu.memory_space<vmem>>, %arg6: memref<1024xi32, #tpu.memory_space<vmem>>, %arg7: memref<128x32xf32, #tpu.memory_space<vmem>>, %arg8: memref<128x32xf32, #tpu.memory_space<vmem>>, %arg9: memref<59408x32xf32, #tpu.memory_space<vmem_shared>>, %arg10: memref<!tpu.dma_semaphore, #tpu.memory_space<semaphore_mem>>, %arg11: memref<!tpu.dma_semaphore, #tpu.memory_space<semaphore_mem>>, %arg12: memref<!tpu.dma_semaphore, #tpu.memory_space<semaphore_mem>>, %arg13: memref<!tpu.dma_semaphore, #tpu.memory_space<semaphore_mem>>, %arg14: memref<!tpu.dma_semaphore, #tpu.memory_space<semaphore_mem>>, %arg15: memref<!tpu.dma_semaphore, #tpu.memory_space<semaphore_mem>>) attributes {dimension_semantics = [#tpu.dimension_semantics<core_parallel>, #tpu.dimension_semantics<subcore_parallel>], iteration_bounds = array<i64: 2, 16>, scalar_prefetch = 0 : i64, scratch_operands = 11 : i64, tpu.core_type = #tpu.core_type<sc_vector_subcore>, window_params = [{transform_indices = #map}, {transform_indices = #map1}, {transform_indices = #map}]} {
    %mul3A = arith.constant 3 : i32
    %mul3A_0 = arith.muli %mul3A, %arg0 : i32
    %add3A = arith.constant 0 : i32
    %add3A_1 = arith.addi %mul3A_0, %add3A : i32
    %mul3A_2 = arith.constant 59392 : i32
    %mul3A_3 = arith.muli %add3A_1, %mul3A_2 : i32
    %mul3A_4 = arith.constant 3712 : i32
    %mul3A_5 = arith.muli %arg1, %mul3A_4 : i32
    %add3A_6 = arith.addi %mul3A_3, %mul3A_5 : i32
    %mul3A_7 = arith.constant 3712 : i32
    %mul3A_8 = arith.muli %arg1, %mul3A_7 : i32
    "tpu.region"() ({
      %run_scoped3A = tpu.sem_alloc : memref<!tpu.dma_semaphore, #tpu.memory_space<semaphore_mem>>
      %dma_start3A_122 = arith.constant 0 : i32
      %dma_start3A_123 = tpu.memref_slice %arg9[%mul3A_8, %dma_start3A_122] : memref<59408x32xf32, #tpu.memory_space<vmem_shared>> -> memref<3712x32xf32, #tpu.memory_space<vmem_shared>>
      %dma_start3A_124 = arith.constant 0 : i32
      %dma_start3A_125 = tpu.memref_slice %arg2[%add3A_6, %dma_start3A_124] : memref<356352x32xf32, #tpu.memory_space<hbm>> -> memref<3712x32xf32, #tpu.memory_space<hbm>>
      tpu.enqueue_dma source(%dma_start3A_125 : memref<3712x32xf32, #tpu.memory_space<hbm>>) target(%dma_start3A_123 : memref<3712x32xf32, #tpu.memory_space<vmem_shared>>) target_semaphore(%run_scoped3A : memref<!tpu.dma_semaphore, #tpu.memory_space<semaphore_mem>>)
      %dma_wait3A_126 = arith.constant 0 : i32
      %dma_wait3A_127 = tpu.memref_slice %arg9[%mul3A_8, %dma_wait3A_126] : memref<59408x32xf32, #tpu.memory_space<vmem_shared>> -> memref<3712x32xf32, #tpu.memory_space<vmem_shared>>
      %dma_wait3A_128 = arith.constant 0 : i32
      %dma_wait3A_129 = tpu.memref_slice %arg2[%add3A_6, %dma_wait3A_128] : memref<356352x32xf32, #tpu.memory_space<hbm>> -> memref<3712x32xf32, #tpu.memory_space<hbm>>
      tpu.wait_dma2 semaphore(%run_scoped3A : memref<!tpu.dma_semaphore, #tpu.memory_space<semaphore_mem>>) src(%dma_wait3A_129 : memref<3712x32xf32, #tpu.memory_space<hbm>>) dst(%dma_wait3A_127 : memref<3712x32xf32, #tpu.memory_space<vmem_shared>>)
      tpu.yield
    }) : () -> ()
    %mul3A_9 = arith.constant 3 : i32
    %mul3A_10 = arith.muli %mul3A_9, %arg0 : i32
    %add3A_11 = arith.constant 0 : i32
    %add3A_12 = arith.addi %mul3A_10, %add3A_11 : i32
    %mul3A_13 = arith.constant 1245184 : i32
    %mul3A_14 = arith.muli %add3A_12, %mul3A_13 : i32
    %mul3A_15 = arith.constant 76 : i32
    %mul3A_16 = arith.muli %arg1, %mul3A_15 : i32
    %add3A_17 = arith.constant 0 : i32
    %add3A_18 = arith.addi %mul3A_16, %add3A_17 : i32
    %mul3A_19 = arith.constant 1024 : i32
    %mul3A_20 = arith.muli %add3A_18, %mul3A_19 : i32
    %add3A_21 = arith.addi %mul3A_14, %mul3A_20 : i32
    %dma_start3A = tpu.memref_slice %arg3[%add3A_21] : memref<7471104xi32, #tpu.memory_space<hbm>> -> memref<1024xi32, #tpu.memory_space<hbm>>
    %dma_start3A_22 = tpu.memref_slice %arg3[%add3A_21] : memref<7471104xi32, #tpu.memory_space<hbm>> -> memref<1024xi32, #tpu.memory_space<hbm>>
    tpu.enqueue_dma source(%dma_start3A_22 : memref<1024xi32, #tpu.memory_space<hbm>>) target(%arg5 : memref<1024xi32, #tpu.memory_space<vmem>>) target_semaphore(%arg10 : memref<!tpu.dma_semaphore, #tpu.memory_space<semaphore_mem>>)
    %dma_wait3A = tpu.memref_slice %arg3[%add3A_21] : memref<7471104xi32, #tpu.memory_space<hbm>> -> memref<1024xi32, #tpu.memory_space<hbm>>
    %dma_wait3A_23 = tpu.memref_slice %arg3[%add3A_21] : memref<7471104xi32, #tpu.memory_space<hbm>> -> memref<1024xi32, #tpu.memory_space<hbm>>
    tpu.wait_dma2 semaphore(%arg10 : memref<!tpu.dma_semaphore, #tpu.memory_space<semaphore_mem>>) src(%dma_wait3A_23 : memref<1024xi32, #tpu.memory_space<hbm>>) dst(%arg5 : memref<1024xi32, #tpu.memory_space<vmem>>)
    %barrier3A = arith.constant 0 : index
    tpu.barrier barrier_id(%barrier3A)
    %scan3A = arith.constant 0 : i32
    %scan3A_24 = arith.constant 0 : i32
    %scan3A_25 = arith.constant 76 : i32
    %scan3A_26 = arith.addi %scan3A_24, %scan3A_25 : i32
    %scan3A_27 = arith.constant 1 : i32
    %scan3A_28 = scf.for %scan3A_122 = %scan3A_24 to %scan3A_26 step %scan3A_27 iter_args(%scan3A_123 = %scan3A) -> (i32)  : i32 {
      %rem3A = arith.constant 2 : i32
      %rem3A_124 = arith.remsi %scan3A_122, %rem3A : i32
      %eq3A = arith.constant 0 : i32
      %eq3A_125 = arith.cmpi eq, %rem3A_124, %eq3A : i32
      %convert_element_type3A = arith.extui %eq3A_125 : i1 to i32
      %cond3A = arith.constant 0 : i32
      %cond3A_126 = arith.cmpi ne, %convert_element_type3A, %cond3A : i32
      scf.if %cond3A_126 {
        %add3A_133 = arith.constant 1 : i32
        %add3A_134 = arith.addi %scan3A_122, %add3A_133 : i32
        %lt3A = arith.constant 76 : i32
        %lt3A_135 = arith.cmpi slt, %add3A_134, %lt3A : i32
        %convert_element_type3A_136 = arith.extui %lt3A_135 : i1 to i32
        %cond3A_137 = arith.constant 0 : i32
        %cond3A_138 = arith.cmpi ne, %convert_element_type3A_136, %cond3A_137 : i32
        scf.if %cond3A_138 {
          %add3A_258 = arith.constant 1 : i32
          %add3A_259 = arith.addi %scan3A_122, %add3A_258 : i32
          %mul3A_260 = arith.constant 3 : i32
          %mul3A_261 = arith.muli %mul3A_260, %arg0 : i32
          %add3A_262 = arith.constant 0 : i32
          %add3A_263 = arith.addi %mul3A_261, %add3A_262 : i32
          %mul3A_264 = arith.constant 1245184 : i32
          %mul3A_265 = arith.muli %add3A_263, %mul3A_264 : i32
          %mul3A_266 = arith.constant 76 : i32
          %mul3A_267 = arith.muli %arg1, %mul3A_266 : i32
          %add3A_268 = arith.addi %mul3A_267, %add3A_259 : i32
          %mul3A_269 = arith.constant 1024 : i32
          %mul3A_270 = arith.muli %add3A_268, %mul3A_269 : i32
          %add3A_271 = arith.addi %mul3A_265, %mul3A_270 : i32
          %dma_start3A_272 = tpu.memref_slice %arg3[%add3A_271] : memref<7471104xi32, #tpu.memory_space<hbm>> -> memref<1024xi32, #tpu.memory_space<hbm>>
          %dma_start3A_273 = tpu.memref_slice %arg3[%add3A_271] : memref<7471104xi32, #tpu.memory_space<hbm>> -> memref<1024xi32, #tpu.memory_space<hbm>>
          tpu.enqueue_dma source(%dma_start3A_273 : memref<1024xi32, #tpu.memory_space<hbm>>) target(%arg6 : memref<1024xi32, #tpu.memory_space<vmem>>) target_semaphore(%arg11 : memref<!tpu.dma_semaphore, #tpu.memory_space<semaphore_mem>>)
        } else {
        }
        %dma_start3A_139 = arith.constant 0 : i32
        %dma_start3A_140 = tpu.memref_slice %arg5[%dma_start3A_139] : memref<1024xi32, #tpu.memory_space<vmem>> -> memref<512xi32, #tpu.memory_space<vmem>>
        %dma_start3A_141 = arith.constant 0 : i32
        %dma_start3A_142 = tpu.memref_slice %dma_start3A_140[%dma_start3A_141] : memref<512xi32, #tpu.memory_space<vmem>> -> memref<128xi32, #tpu.memory_space<vmem>>
        %dma_start3A_143 = arith.constant 0 : i32
        %dma_start3A_144 = arith.constant 0 : i32
        %dma_start3A_145 = tpu.memref_slice %arg2[%dma_start3A_143, %dma_start3A_144] : memref<356352x32xf32, #tpu.memory_space<hbm>> -> memref<356352x32xf32, #tpu.memory_space<hbm>>
        tpu.enqueue_indirect_dma source(%dma_start3A_145 : memref<356352x32xf32, #tpu.memory_space<hbm>>) target(%arg7 : memref<128x32xf32, #tpu.memory_space<vmem>>) offsets(%dma_start3A_142 : memref<128xi32, #tpu.memory_space<vmem>>) semaphore(%arg12 : memref<!tpu.dma_semaphore, #tpu.memory_space<semaphore_mem>>)
        %dma_wait3A_146 = arith.constant 0 : i32
        %dma_wait3A_147 = tpu.memref_slice %arg5[%dma_wait3A_146] : memref<1024xi32, #tpu.memory_space<vmem>> -> memref<512xi32, #tpu.memory_space<vmem>>
        %dma_wait3A_148 = arith.constant 0 : i32
        %dma_wait3A_149 = tpu.memref_slice %dma_wait3A_147[%dma_wait3A_148] : memref<512xi32, #tpu.memory_space<vmem>> -> memref<128xi32, #tpu.memory_space<vmem>>
        %dma_wait3A_150 = arith.constant 0 : i32
        %dma_wait3A_151 = arith.constant 0 : i32
        %dma_wait3A_152 = tpu.memref_slice %arg2[%dma_wait3A_150, %dma_wait3A_151] : memref<356352x32xf32, #tpu.memory_space<hbm>> -> memref<356352x32xf32, #tpu.memory_space<hbm>>
        tpu.wait_indirect_dma semaphore(%arg12 : memref<!tpu.dma_semaphore, #tpu.memory_space<semaphore_mem>>) src(%dma_wait3A_152 : memref<356352x32xf32, #tpu.memory_space<hbm>>) dst(%arg7 : memref<128x32xf32, #tpu.memory_space<vmem>>)
        %dma_start3A_153 = arith.constant 512 : i32
        %dma_start3A_154 = tpu.memref_slice %arg5[%dma_start3A_153] : memref<1024xi32, #tpu.memory_space<vmem>> -> memref<512xi32, #tpu.memory_space<vmem>>
        %dma_start3A_155 = arith.constant 0 : i32
        %dma_start3A_156 = tpu.memref_slice %dma_start3A_154[%dma_start3A_155] : memref<512xi32, #tpu.memory_space<vmem>> -> memref<128xi32, #tpu.memory_space<vmem>>
        %dma_start3A_157 = arith.constant 0 : i32
        %dma_start3A_158 = arith.constant 0 : i32
        %dma_start3A_159 = tpu.memref_slice %arg9[%dma_start3A_157, %dma_start3A_158] : memref<59408x32xf32, #tpu.memory_space<vmem_shared>> -> memref<59408x32xf32, #tpu.memory_space<vmem_shared>>
        tpu.enqueue_indirect_dma source(%arg7 : memref<128x32xf32, #tpu.memory_space<vmem>>) target(%dma_start3A_159 : memref<59408x32xf32, #tpu.memory_space<vmem_shared>>) offsets(%dma_start3A_156 : memref<128xi32, #tpu.memory_space<vmem>>) semaphore(%arg14 : memref<!tpu.dma_semaphore, #tpu.memory_space<semaphore_mem>>) {add = true}
        %dma_start3A_160 = arith.constant 0 : i32
        %dma_start3A_161 = tpu.memref_slice %arg5[%dma_start3A_160] : memref<1024xi32, #tpu.memory_space<vmem>> -> memref<512xi32, #tpu.memory_space<vmem>>
        %dma_start3A_162 = arith.constant 128 : i32
        %dma_start3A_163 = tpu.memref_slice %dma_start3A_161[%dma_start3A_162] : memref<512xi32, #tpu.memory_space<vmem>> -> memref<128xi32, #tpu.memory_space<vmem>>
        %dma_start3A_164 = arith.constant 0 : i32
        %dma_start3A_165 = arith.constant 0 : i32
        %dma_start3A_166 = tpu.memref_slice %arg2[%dma_start3A_164, %dma_start3A_165] : memref<356352x32xf32, #tpu.memory_space<hbm>> -> memref<356352x32xf32, #tpu.memory_space<hbm>>
        tpu.enqueue_indirect_dma source(%dma_start3A_166 : memref<356352x32xf32, #tpu.memory_space<hbm>>) target(%arg8 : memref<128x32xf32, #tpu.memory_space<vmem>>) offsets(%dma_start3A_163 : memref<128xi32, #tpu.memory_space<vmem>>) semaphore(%arg13 : memref<!tpu.dma_semaphore, #tpu.memory_space<semaphore_mem>>)
        %dma_wait3A_167 = arith.constant 0 : i32
        %dma_wait3A_168 = tpu.memref_slice %arg5[%dma_wait3A_167] : memref<1024xi32, #tpu.memory_space<vmem>> -> memref<512xi32, #tpu.memory_space<vmem>>
        %dma_wait3A_169 = arith.constant 128 : i32
        %dma_wait3A_170 = tpu.memref_slice %dma_wait3A_168[%dma_wait3A_169] : memref<512xi32, #tpu.memory_space<vmem>> -> memref<128xi32, #tpu.memory_space<vmem>>
        %dma_wait3A_171 = arith.constant 0 : i32
        %dma_wait3A_172 = arith.constant 0 : i32
        %dma_wait3A_173 = tpu.memref_slice %arg2[%dma_wait3A_171, %dma_wait3A_172] : memref<356352x32xf32, #tpu.memory_space<hbm>> -> memref<356352x32xf32, #tpu.memory_space<hbm>>
        tpu.wait_indirect_dma semaphore(%arg13 : memref<!tpu.dma_semaphore, #tpu.memory_space<semaphore_mem>>) src(%dma_wait3A_173 : memref<356352x32xf32, #tpu.memory_space<hbm>>) dst(%arg8 : memref<128x32xf32, #tpu.memory_space<vmem>>)
        %dma_start3A_174 = arith.constant 512 : i32
        %dma_start3A_175 = tpu.memref_slice %arg5[%dma_start3A_174] : memref<1024xi32, #tpu.memory_space<vmem>> -> memref<512xi32, #tpu.memory_space<vmem>>
        %dma_start3A_176 = arith.constant 128 : i32
        %dma_start3A_177 = tpu.memref_slice %dma_start3A_175[%dma_start3A_176] : memref<512xi32, #tpu.memory_space<vmem>> -> memref<128xi32, #tpu.memory_space<vmem>>
        %dma_start3A_178 = arith.constant 0 : i32
        %dma_start3A_179 = arith.constant 0 : i32
        %dma_start3A_180 = tpu.memref_slice %arg9[%dma_start3A_178, %dma_start3A_179] : memref<59408x32xf32, #tpu.memory_space<vmem_shared>> -> memref<59408x32xf32, #tpu.memory_space<vmem_shared>>
        tpu.enqueue_indirect_dma source(%arg8 : memref<128x32xf32, #tpu.memory_space<vmem>>) target(%dma_start3A_180 : memref<59408x32xf32, #tpu.memory_space<vmem_shared>>) offsets(%dma_start3A_177 : memref<128xi32, #tpu.memory_space<vmem>>) semaphore(%arg15 : memref<!tpu.dma_semaphore, #tpu.memory_space<semaphore_mem>>) {add = true}
        %dma_wait3A_181 = arith.constant 512 : i32
        %dma_wait3A_182 = tpu.memref_slice %arg5[%dma_wait3A_181] : memref<1024xi32, #tpu.memory_space<vmem>> -> memref<512xi32, #tpu.memory_space<vmem>>
        %dma_wait3A_183 = arith.constant 0 : i32
        %dma_wait3A_184 = tpu.memref_slice %dma_wait3A_182[%dma_wait3A_183] : memref<512xi32, #tpu.memory_space<vmem>> -> memref<128xi32, #tpu.memory_space<vmem>>
        %dma_wait3A_185 = arith.constant 0 : i32
        %dma_wait3A_186 = arith.constant 0 : i32
        %dma_wait3A_187 = tpu.memref_slice %arg9[%dma_wait3A_185, %dma_wait3A_186] : memref<59408x32xf32, #tpu.memory_space<vmem_shared>> -> memref<59408x32xf32, #tpu.memory_space<vmem_shared>>
        tpu.wait_indirect_dma semaphore(%arg14 : memref<!tpu.dma_semaphore, #tpu.memory_space<semaphore_mem>>) src(%arg7 : memref<128x32xf32, #tpu.memory_space<vmem>>) dst(%dma_wait3A_187 : memref<59408x32xf32, #tpu.memory_space<vmem_shared>>)
        %dma_start3A_188 = arith.constant 0 : i32
        %dma_start3A_189 = tpu.memref_slice %arg5[%dma_start3A_188] : memref<1024xi32, #tpu.memory_space<vmem>> -> memref<512xi32, #tpu.memory_space<vmem>>
        %dma_start3A_190 = arith.constant 256 : i32
        %dma_start3A_191 = tpu.memref_slice %dma_start3A_189[%dma_start3A_190] : memref<512xi32, #tpu.memory_space<vmem>> -> memref<128xi32, #tpu.memory_space<vmem>>
        %dma_start3A_192 = arith.constant 0 : i32
        %dma_start3A_193 = arith.constant 0 : i32
        %dma_start3A_194 = tpu.memref_slice %arg2[%dma_start3A_192, %dma_start3A_193] : memref<356352x32xf32, #tpu.memory_space<hbm>> -> memref<356352x32xf32, #tpu.memory_space<hbm>>
        tpu.enqueue_indirect_dma source(%dma_start3A_194 : memref<356352x32xf32, #tpu.memory_space<hbm>>) target(%arg7 : memref<128x32xf32, #tpu.memory_space<vmem>>) offsets(%dma_start3A_191 : memref<128xi32, #tpu.memory_space<vmem>>) semaphore(%arg12 : memref<!tpu.dma_semaphore, #tpu.memory_space<semaphore_mem>>)
        %dma_wait3A_195 = arith.constant 0 : i32
        %dma_wait3A_196 = tpu.memref_slice %arg5[%dma_wait3A_195] : memref<1024xi32, #tpu.memory_space<vmem>> -> memref<512xi32, #tpu.memory_space<vmem>>
        %dma_wait3A_197 = arith.constant 256 : i32
        %dma_wait3A_198 = tpu.memref_slice %dma_wait3A_196[%dma_wait3A_197] : memref<512xi32, #tpu.memory_space<vmem>> -> memref<128xi32, #tpu.memory_space<vmem>>
        %dma_wait3A_199 = arith.constant 0 : i32
        %dma_wait3A_200 = arith.constant 0 : i32
        %dma_wait3A_201 = tpu.memref_slice %arg2[%dma_wait3A_199, %dma_wait3A_200] : memref<356352x32xf32, #tpu.memory_space<hbm>> -> memref<356352x32xf32, #tpu.memory_space<hbm>>
        tpu.wait_indirect_dma semaphore(%arg12 : memref<!tpu.dma_semaphore, #tpu.memory_space<semaphore_mem>>) src(%dma_wait3A_201 : memref<356352x32xf32, #tpu.memory_space<hbm>>) dst(%arg7 : memref<128x32xf32, #tpu.memory_space<vmem>>)
        %dma_start3A_202 = arith.constant 512 : i32
        %dma_start3A_203 = tpu.memref_slice %arg5[%dma_start3A_202] : memref<1024xi32, #tpu.memory_space<vmem>> -> memref<512xi32, #tpu.memory_space<vmem>>
        %dma_start3A_204 = arith.constant 256 : i32
        %dma_start3A_205 = tpu.memref_slice %dma_start3A_203[%dma_start3A_204] : memref<512xi32, #tpu.memory_space<vmem>> -> memref<128xi32, #tpu.memory_space<vmem>>
        %dma_start3A_206 = arith.constant 0 : i32
        %dma_start3A_207 = arith.constant 0 : i32
        %dma_start3A_208 = tpu.memref_slice %arg9[%dma_start3A_206, %dma_start3A_207] : memref<59408x32xf32, #tpu.memory_space<vmem_shared>> -> memref<59408x32xf32, #tpu.memory_space<vmem_shared>>
        tpu.enqueue_indirect_dma source(%arg7 : memref<128x32xf32, #tpu.memory_space<vmem>>) target(%dma_start3A_208 : memref<59408x32xf32, #tpu.memory_space<vmem_shared>>) offsets(%dma_start3A_205 : memref<128xi32, #tpu.memory_space<vmem>>) semaphore(%arg14 : memref<!tpu.dma_semaphore, #tpu.memory_space<semaphore_mem>>) {add = true}
        %dma_wait3A_209 = arith.constant 512 : i32
        %dma_wait3A_210 = tpu.memref_slice %arg5[%dma_wait3A_209] : memref<1024xi32, #tpu.memory_space<vmem>> -> memref<512xi32, #tpu.memory_space<vmem>>
        %dma_wait3A_211 = arith.constant 128 : i32
        %dma_wait3A_212 = tpu.memref_slice %dma_wait3A_210[%dma_wait3A_211] : memref<512xi32, #tpu.memory_space<vmem>> -> memref<128xi32, #tpu.memory_space<vmem>>
        %dma_wait3A_213 = arith.constant 0 : i32
        %dma_wait3A_214 = arith.constant 0 : i32
        %dma_wait3A_215 = tpu.memref_slice %arg9[%dma_wait3A_213, %dma_wait3A_214] : memref<59408x32xf32, #tpu.memory_space<vmem_shared>> -> memref<59408x32xf32, #tpu.memory_space<vmem_shared>>
        tpu.wait_indirect_dma semaphore(%arg15 : memref<!tpu.dma_semaphore, #tpu.memory_space<semaphore_mem>>) src(%arg8 : memref<128x32xf32, #tpu.memory_space<vmem>>) dst(%dma_wait3A_215 : memref<59408x32xf32, #tpu.memory_space<vmem_shared>>)
        %dma_start3A_216 = arith.constant 0 : i32
        %dma_start3A_217 = tpu.memref_slice %arg5[%dma_start3A_216] : memref<1024xi32, #tpu.memory_space<vmem>> -> memref<512xi32, #tpu.memory_space<vmem>>
        %dma_start3A_218 = arith.constant 384 : i32
        %dma_start3A_219 = tpu.memref_slice %dma_start3A_217[%dma_start3A_218] : memref<512xi32, #tpu.memory_space<vmem>> -> memref<128xi32, #tpu.memory_space<vmem>>
        %dma_start3A_220 = arith.constant 0 : i32
        %dma_start3A_221 = arith.constant 0 : i32
        %dma_start3A_222 = tpu.memref_slice %arg2[%dma_start3A_220, %dma_start3A_221] : memref<356352x32xf32, #tpu.memory_space<hbm>> -> memref<356352x32xf32, #tpu.memory_space<hbm>>
        tpu.enqueue_indirect_dma source(%dma_start3A_222 : memref<356352x32xf32, #tpu.memory_space<hbm>>) target(%arg8 : memref<128x32xf32, #tpu.memory_space<vmem>>) offsets(%dma_start3A_219 : memref<128xi32, #tpu.memory_space<vmem>>) semaphore(%arg13 : memref<!tpu.dma_semaphore, #tpu.memory_space<semaphore_mem>>)
        %dma_wait3A_223 = arith.constant 0 : i32
        %dma_wait3A_224 = tpu.memref_slice %arg5[%dma_wait3A_223] : memref<1024xi32, #tpu.memory_space<vmem>> -> memref<512xi32, #tpu.memory_space<vmem>>
        %dma_wait3A_225 = arith.constant 384 : i32
        %dma_wait3A_226 = tpu.memref_slice %dma_wait3A_224[%dma_wait3A_225] : memref<512xi32, #tpu.memory_space<vmem>> -> memref<128xi32, #tpu.memory_space<vmem>>
        %dma_wait3A_227 = arith.constant 0 : i32
        %dma_wait3A_228 = arith.constant 0 : i32
        %dma_wait3A_229 = tpu.memref_slice %arg2[%dma_wait3A_227, %dma_wait3A_228] : memref<356352x32xf32, #tpu.memory_space<hbm>> -> memref<356352x32xf32, #tpu.memory_space<hbm>>
        tpu.wait_indirect_dma semaphore(%arg13 : memref<!tpu.dma_semaphore, #tpu.memory_space<semaphore_mem>>) src(%dma_wait3A_229 : memref<356352x32xf32, #tpu.memory_space<hbm>>) dst(%arg8 : memref<128x32xf32, #tpu.memory_space<vmem>>)
        %dma_start3A_230 = arith.constant 512 : i32
        %dma_start3A_231 = tpu.memref_slice %arg5[%dma_start3A_230] : memref<1024xi32, #tpu.memory_space<vmem>> -> memref<512xi32, #tpu.memory_space<vmem>>
        %dma_start3A_232 = arith.constant 384 : i32
        %dma_start3A_233 = tpu.memref_slice %dma_start3A_231[%dma_start3A_232] : memref<512xi32, #tpu.memory_space<vmem>> -> memref<128xi32, #tpu.memory_space<vmem>>
        %dma_start3A_234 = arith.constant 0 : i32
        %dma_start3A_235 = arith.constant 0 : i32
        %dma_start3A_236 = tpu.memref_slice %arg9[%dma_start3A_234, %dma_start3A_235] : memref<59408x32xf32, #tpu.memory_space<vmem_shared>> -> memref<59408x32xf32, #tpu.memory_space<vmem_shared>>
        tpu.enqueue_indirect_dma source(%arg8 : memref<128x32xf32, #tpu.memory_space<vmem>>) target(%dma_start3A_236 : memref<59408x32xf32, #tpu.memory_space<vmem_shared>>) offsets(%dma_start3A_233 : memref<128xi32, #tpu.memory_space<vmem>>) semaphore(%arg15 : memref<!tpu.dma_semaphore, #tpu.memory_space<semaphore_mem>>) {add = true}
        %dma_wait3A_237 = arith.constant 512 : i32
        %dma_wait3A_238 = tpu.memref_slice %arg5[%dma_wait3A_237] : memref<1024xi32, #tpu.memory_space<vmem>> -> memref<512xi32, #tpu.memory_space<vmem>>
        %dma_wait3A_239 = arith.constant 256 : i32
        %dma_wait3A_240 = tpu.memref_slice %dma_wait3A_238[%dma_wait3A_239] : memref<512xi32, #tpu.memory_space<vmem>> -> memref<128xi32, #tpu.memory_space<vmem>>
        %dma_wait3A_241 = arith.constant 0 : i32
        %dma_wait3A_242 = arith.constant 0 : i32
        %dma_wait3A_243 = tpu.memref_slice %arg9[%dma_wait3A_241, %dma_wait3A_242] : memref<59408x32xf32, #tpu.memory_space<vmem_shared>> -> memref<59408x32xf32, #tpu.memory_space<vmem_shared>>
        tpu.wait_indirect_dma semaphore(%arg14 : memref<!tpu.dma_semaphore, #tpu.memory_space<semaphore_mem>>) src(%arg7 : memref<128x32xf32, #tpu.memory_space<vmem>>) dst(%dma_wait3A_243 : memref<59408x32xf32, #tpu.memory_space<vmem_shared>>)
        %dma_wait3A_244 = arith.constant 512 : i32
        %dma_wait3A_245 = tpu.memref_slice %arg5[%dma_wait3A_244] : memref<1024xi32, #tpu.memory_space<vmem>> -> memref<512xi32, #tpu.memory_space<vmem>>
        %dma_wait3A_246 = arith.constant 384 : i32
        %dma_wait3A_247 = tpu.memref_slice %dma_wait3A_245[%dma_wait3A_246] : memref<512xi32, #tpu.memory_space<vmem>> -> memref<128xi32, #tpu.memory_space<vmem>>
        %dma_wait3A_248 = arith.constant 0 : i32
        %dma_wait3A_249 = arith.constant 0 : i32
        %dma_wait3A_250 = tpu.memref_slice %arg9[%dma_wait3A_248, %dma_wait3A_249] : memref<59408x32xf32, #tpu.memory_space<vmem_shared>> -> memref<59408x32xf32, #tpu.memory_space<vmem_shared>>
        tpu.wait_indirect_dma semaphore(%arg15 : memref<!tpu.dma_semaphore, #tpu.memory_space<semaphore_mem>>) src(%arg8 : memref<128x32xf32, #tpu.memory_space<vmem>>) dst(%dma_wait3A_250 : memref<59408x32xf32, #tpu.memory_space<vmem_shared>>)
        %add3A_251 = arith.constant 1 : i32
        %add3A_252 = arith.addi %scan3A_122, %add3A_251 : i32
        %lt3A_253 = arith.constant 76 : i32
        %lt3A_254 = arith.cmpi slt, %add3A_252, %lt3A_253 : i32
        %convert_element_type3A_255 = arith.extui %lt3A_254 : i1 to i32
        %cond3A_256 = arith.constant 0 : i32
        %cond3A_257 = arith.cmpi ne, %convert_element_type3A_255, %cond3A_256 : i32
        scf.if %cond3A_257 {
          %dma_wait3A_258 = arith.constant 0 : i32
          %dma_wait3A_259 = tpu.memref_slice %arg3[%dma_wait3A_258] : memref<7471104xi32, #tpu.memory_space<hbm>> -> memref<1024xi32, #tpu.memory_space<hbm>>
          %dma_wait3A_260 = arith.constant 0 : i32
          %dma_wait3A_261 = tpu.memref_slice %arg3[%dma_wait3A_260] : memref<7471104xi32, #tpu.memory_space<hbm>> -> memref<1024xi32, #tpu.memory_space<hbm>>
          tpu.wait_dma2 semaphore(%arg11 : memref<!tpu.dma_semaphore, #tpu.memory_space<semaphore_mem>>) src(%dma_wait3A_261 : memref<1024xi32, #tpu.memory_space<hbm>>) dst(%arg6 : memref<1024xi32, #tpu.memory_space<vmem>>)
        } else {
        }
      } else {
      }
      %eq3A_127 = arith.constant 1 : i32
      %eq3A_128 = arith.cmpi eq, %rem3A_124, %eq3A_127 : i32
      %convert_element_type3A_129 = arith.extui %eq3A_128 : i1 to i32
      %cond3A_130 = arith.constant 0 : i32
      %cond3A_131 = arith.cmpi ne, %convert_element_type3A_129, %cond3A_130 : i32
      scf.if %cond3A_131 {
        %add3A_133 = arith.constant 1 : i32
        %add3A_134 = arith.addi %scan3A_122, %add3A_133 : i32
        %lt3A = arith.constant 76 : i32
        %lt3A_135 = arith.cmpi slt, %add3A_134, %lt3A : i32
        %convert_element_type3A_136 = arith.extui %lt3A_135 : i1 to i32
        %cond3A_137 = arith.constant 0 : i32
        %cond3A_138 = arith.cmpi ne, %convert_element_type3A_136, %cond3A_137 : i32
        scf.if %cond3A_138 {
          %add3A_258 = arith.constant 1 : i32
          %add3A_259 = arith.addi %scan3A_122, %add3A_258 : i32
          %mul3A_260 = arith.constant 3 : i32
          %mul3A_261 = arith.muli %mul3A_260, %arg0 : i32
          %add3A_262 = arith.constant 0 : i32
          %add3A_263 = arith.addi %mul3A_261, %add3A_262 : i32
          %mul3A_264 = arith.constant 1245184 : i32
          %mul3A_265 = arith.muli %add3A_263, %mul3A_264 : i32
          %mul3A_266 = arith.constant 76 : i32
          %mul3A_267 = arith.muli %arg1, %mul3A_266 : i32
          %add3A_268 = arith.addi %mul3A_267, %add3A_259 : i32
          %mul3A_269 = arith.constant 1024 : i32
          %mul3A_270 = arith.muli %add3A_268, %mul3A_269 : i32
          %add3A_271 = arith.addi %mul3A_265, %mul3A_270 : i32
          %dma_start3A_272 = tpu.memref_slice %arg3[%add3A_271] : memref<7471104xi32, #tpu.memory_space<hbm>> -> memref<1024xi32, #tpu.memory_space<hbm>>
          %dma_start3A_273 = tpu.memref_slice %arg3[%add3A_271] : memref<7471104xi32, #tpu.memory_space<hbm>> -> memref<1024xi32, #tpu.memory_space<hbm>>
          tpu.enqueue_dma source(%dma_start3A_273 : memref<1024xi32, #tpu.memory_space<hbm>>) target(%arg5 : memref<1024xi32, #tpu.memory_space<vmem>>) target_semaphore(%arg10 : memref<!tpu.dma_semaphore, #tpu.memory_space<semaphore_mem>>)
        } else {
        }
        %dma_start3A_139 = arith.constant 0 : i32
        %dma_start3A_140 = tpu.memref_slice %arg6[%dma_start3A_139] : memref<1024xi32, #tpu.memory_space<vmem>> -> memref<512xi32, #tpu.memory_space<vmem>>
        %dma_start3A_141 = arith.constant 0 : i32
        %dma_start3A_142 = tpu.memref_slice %dma_start3A_140[%dma_start3A_141] : memref<512xi32, #tpu.memory_space<vmem>> -> memref<128xi32, #tpu.memory_space<vmem>>
        %dma_start3A_143 = arith.constant 0 : i32
        %dma_start3A_144 = arith.constant 0 : i32
        %dma_start3A_145 = tpu.memref_slice %arg2[%dma_start3A_143, %dma_start3A_144] : memref<356352x32xf32, #tpu.memory_space<hbm>> -> memref<356352x32xf32, #tpu.memory_space<hbm>>
        tpu.enqueue_indirect_dma source(%dma_start3A_145 : memref<356352x32xf32, #tpu.memory_space<hbm>>) target(%arg7 : memref<128x32xf32, #tpu.memory_space<vmem>>) offsets(%dma_start3A_142 : memref<128xi32, #tpu.memory_space<vmem>>) semaphore(%arg12 : memref<!tpu.dma_semaphore, #tpu.memory_space<semaphore_mem>>)
        %dma_wait3A_146 = arith.constant 0 : i32
        %dma_wait3A_147 = tpu.memref_slice %arg6[%dma_wait3A_146] : memref<1024xi32, #tpu.memory_space<vmem>> -> memref<512xi32, #tpu.memory_space<vmem>>
        %dma_wait3A_148 = arith.constant 0 : i32
        %dma_wait3A_149 = tpu.memref_slice %dma_wait3A_147[%dma_wait3A_148] : memref<512xi32, #tpu.memory_space<vmem>> -> memref<128xi32, #tpu.memory_space<vmem>>
        %dma_wait3A_150 = arith.constant 0 : i32
        %dma_wait3A_151 = arith.constant 0 : i32
        %dma_wait3A_152 = tpu.memref_slice %arg2[%dma_wait3A_150, %dma_wait3A_151] : memref<356352x32xf32, #tpu.memory_space<hbm>> -> memref<356352x32xf32, #tpu.memory_space<hbm>>
        tpu.wait_indirect_dma semaphore(%arg12 : memref<!tpu.dma_semaphore, #tpu.memory_space<semaphore_mem>>) src(%dma_wait3A_152 : memref<356352x32xf32, #tpu.memory_space<hbm>>) dst(%arg7 : memref<128x32xf32, #tpu.memory_space<vmem>>)
        %dma_start3A_153 = arith.constant 512 : i32
        %dma_start3A_154 = tpu.memref_slice %arg6[%dma_start3A_153] : memref<1024xi32, #tpu.memory_space<vmem>> -> memref<512xi32, #tpu.memory_space<vmem>>
        %dma_start3A_155 = arith.constant 0 : i32
        %dma_start3A_156 = tpu.memref_slice %dma_start3A_154[%dma_start3A_155] : memref<512xi32, #tpu.memory_space<vmem>> -> memref<128xi32, #tpu.memory_space<vmem>>
        %dma_start3A_157 = arith.constant 0 : i32
        %dma_start3A_158 = arith.constant 0 : i32
        %dma_start3A_159 = tpu.memref_slice %arg9[%dma_start3A_157, %dma_start3A_158] : memref<59408x32xf32, #tpu.memory_space<vmem_shared>> -> memref<59408x32xf32, #tpu.memory_space<vmem_shared>>
        tpu.enqueue_indirect_dma source(%arg7 : memref<128x32xf32, #tpu.memory_space<vmem>>) target(%dma_start3A_159 : memref<59408x32xf32, #tpu.memory_space<vmem_shared>>) offsets(%dma_start3A_156 : memref<128xi32, #tpu.memory_space<vmem>>) semaphore(%arg14 : memref<!tpu.dma_semaphore, #tpu.memory_space<semaphore_mem>>) {add = true}
        %dma_start3A_160 = arith.constant 0 : i32
        %dma_start3A_161 = tpu.memref_slice %arg6[%dma_start3A_160] : memref<1024xi32, #tpu.memory_space<vmem>> -> memref<512xi32, #tpu.memory_space<vmem>>
        %dma_start3A_162 = arith.constant 128 : i32
        %dma_start3A_163 = tpu.memref_slice %dma_start3A_161[%dma_start3A_162] : memref<512xi32, #tpu.memory_space<vmem>> -> memref<128xi32, #tpu.memory_space<vmem>>
        %dma_start3A_164 = arith.constant 0 : i32
        %dma_start3A_165 = arith.constant 0 : i32
        %dma_start3A_166 = tpu.memref_slice %arg2[%dma_start3A_164, %dma_start3A_165] : memref<356352x32xf32, #tpu.memory_space<hbm>> -> memref<356352x32xf32, #tpu.memory_space<hbm>>
        tpu.enqueue_indirect_dma source(%dma_start3A_166 : memref<356352x32xf32, #tpu.memory_space<hbm>>) target(%arg8 : memref<128x32xf32, #tpu.memory_space<vmem>>) offsets(%dma_start3A_163 : memref<128xi32, #tpu.memory_space<vmem>>) semaphore(%arg13 : memref<!tpu.dma_semaphore, #tpu.memory_space<semaphore_mem>>)
        %dma_wait3A_167 = arith.constant 0 : i32
        %dma_wait3A_168 = tpu.memref_slice %arg6[%dma_wait3A_167] : memref<1024xi32, #tpu.memory_space<vmem>> -> memref<512xi32, #tpu.memory_space<vmem>>
        %dma_wait3A_169 = arith.constant 128 : i32
        %dma_wait3A_170 = tpu.memref_slice %dma_wait3A_168[%dma_wait3A_169] : memref<512xi32, #tpu.memory_space<vmem>> -> memref<128xi32, #tpu.memory_space<vmem>>
        %dma_wait3A_171 = arith.constant 0 : i32
        %dma_wait3A_172 = arith.constant 0 : i32
        %dma_wait3A_173 = tpu.memref_slice %arg2[%dma_wait3A_171, %dma_wait3A_172] : memref<356352x32xf32, #tpu.memory_space<hbm>> -> memref<356352x32xf32, #tpu.memory_space<hbm>>
        tpu.wait_indirect_dma semaphore(%arg13 : memref<!tpu.dma_semaphore, #tpu.memory_space<semaphore_mem>>) src(%dma_wait3A_173 : memref<356352x32xf32, #tpu.memory_space<hbm>>) dst(%arg8 : memref<128x32xf32, #tpu.memory_space<vmem>>)
        %dma_start3A_174 = arith.constant 512 : i32
        %dma_start3A_175 = tpu.memref_slice %arg6[%dma_start3A_174] : memref<1024xi32, #tpu.memory_space<vmem>> -> memref<512xi32, #tpu.memory_space<vmem>>
        %dma_start3A_176 = arith.constant 128 : i32
        %dma_start3A_177 = tpu.memref_slice %dma_start3A_175[%dma_start3A_176] : memref<512xi32, #tpu.memory_space<vmem>> -> memref<128xi32, #tpu.memory_space<vmem>>
        %dma_start3A_178 = arith.constant 0 : i32
        %dma_start3A_179 = arith.constant 0 : i32
        %dma_start3A_180 = tpu.memref_slice %arg9[%dma_start3A_178, %dma_start3A_179] : memref<59408x32xf32, #tpu.memory_space<vmem_shared>> -> memref<59408x32xf32, #tpu.memory_space<vmem_shared>>
        tpu.enqueue_indirect_dma source(%arg8 : memref<128x32xf32, #tpu.memory_space<vmem>>) target(%dma_start3A_180 : memref<59408x32xf32, #tpu.memory_space<vmem_shared>>) offsets(%dma_start3A_177 : memref<128xi32, #tpu.memory_space<vmem>>) semaphore(%arg15 : memref<!tpu.dma_semaphore, #tpu.memory_space<semaphore_mem>>) {add = true}
        %dma_wait3A_181 = arith.constant 512 : i32
        %dma_wait3A_182 = tpu.memref_slice %arg6[%dma_wait3A_181] : memref<1024xi32, #tpu.memory_space<vmem>> -> memref<512xi32, #tpu.memory_space<vmem>>
        %dma_wait3A_183 = arith.constant 0 : i32
        %dma_wait3A_184 = tpu.memref_slice %dma_wait3A_182[%dma_wait3A_183] : memref<512xi32, #tpu.memory_space<vmem>> -> memref<128xi32, #tpu.memory_space<vmem>>
        %dma_wait3A_185 = arith.constant 0 : i32
        %dma_wait3A_186 = arith.constant 0 : i32
        %dma_wait3A_187 = tpu.memref_slice %arg9[%dma_wait3A_185, %dma_wait3A_186] : memref<59408x32xf32, #tpu.memory_space<vmem_shared>> -> memref<59408x32xf32, #tpu.memory_space<vmem_shared>>
        tpu.wait_indirect_dma semaphore(%arg14 : memref<!tpu.dma_semaphore, #tpu.memory_space<semaphore_mem>>) src(%arg7 : memref<128x32xf32, #tpu.memory_space<vmem>>) dst(%dma_wait3A_187 : memref<59408x32xf32, #tpu.memory_space<vmem_shared>>)
        %dma_start3A_188 = arith.constant 0 : i32
        %dma_start3A_189 = tpu.memref_slice %arg6[%dma_start3A_188] : memref<1024xi32, #tpu.memory_space<vmem>> -> memref<512xi32, #tpu.memory_space<vmem>>
        %dma_start3A_190 = arith.constant 256 : i32
        %dma_start3A_191 = tpu.memref_slice %dma_start3A_189[%dma_start3A_190] : memref<512xi32, #tpu.memory_space<vmem>> -> memref<128xi32, #tpu.memory_space<vmem>>
        %dma_start3A_192 = arith.constant 0 : i32
        %dma_start3A_193 = arith.constant 0 : i32
        %dma_start3A_194 = tpu.memref_slice %arg2[%dma_start3A_192, %dma_start3A_193] : memref<356352x32xf32, #tpu.memory_space<hbm>> -> memref<356352x32xf32, #tpu.memory_space<hbm>>
        tpu.enqueue_indirect_dma source(%dma_start3A_194 : memref<356352x32xf32, #tpu.memory_space<hbm>>) target(%arg7 : memref<128x32xf32, #tpu.memory_space<vmem>>) offsets(%dma_start3A_191 : memref<128xi32, #tpu.memory_space<vmem>>) semaphore(%arg12 : memref<!tpu.dma_semaphore, #tpu.memory_space<semaphore_mem>>)
        %dma_wait3A_195 = arith.constant 0 : i32
        %dma_wait3A_196 = tpu.memref_slice %arg6[%dma_wait3A_195] : memref<1024xi32, #tpu.memory_space<vmem>> -> memref<512xi32, #tpu.memory_space<vmem>>
        %dma_wait3A_197 = arith.constant 256 : i32
        %dma_wait3A_198 = tpu.memref_slice %dma_wait3A_196[%dma_wait3A_197] : memref<512xi32, #tpu.memory_space<vmem>> -> memref<128xi32, #tpu.memory_space<vmem>>
        %dma_wait3A_199 = arith.constant 0 : i32
        %dma_wait3A_200 = arith.constant 0 : i32
        %dma_wait3A_201 = tpu.memref_slice %arg2[%dma_wait3A_199, %dma_wait3A_200] : memref<356352x32xf32, #tpu.memory_space<hbm>> -> memref<356352x32xf32, #tpu.memory_space<hbm>>
        tpu.wait_indirect_dma semaphore(%arg12 : memref<!tpu.dma_semaphore, #tpu.memory_space<semaphore_mem>>) src(%dma_wait3A_201 : memref<356352x32xf32, #tpu.memory_space<hbm>>) dst(%arg7 : memref<128x32xf32, #tpu.memory_space<vmem>>)
        %dma_start3A_202 = arith.constant 512 : i32
        %dma_start3A_203 = tpu.memref_slice %arg6[%dma_start3A_202] : memref<1024xi32, #tpu.memory_space<vmem>> -> memref<512xi32, #tpu.memory_space<vmem>>
        %dma_start3A_204 = arith.constant 256 : i32
        %dma_start3A_205 = tpu.memref_slice %dma_start3A_203[%dma_start3A_204] : memref<512xi32, #tpu.memory_space<vmem>> -> memref<128xi32, #tpu.memory_space<vmem>>
        %dma_start3A_206 = arith.constant 0 : i32
        %dma_start3A_207 = arith.constant 0 : i32
        %dma_start3A_208 = tpu.memref_slice %arg9[%dma_start3A_206, %dma_start3A_207] : memref<59408x32xf32, #tpu.memory_space<vmem_shared>> -> memref<59408x32xf32, #tpu.memory_space<vmem_shared>>
        tpu.enqueue_indirect_dma source(%arg7 : memref<128x32xf32, #tpu.memory_space<vmem>>) target(%dma_start3A_208 : memref<59408x32xf32, #tpu.memory_space<vmem_shared>>) offsets(%dma_start3A_205 : memref<128xi32, #tpu.memory_space<vmem>>) semaphore(%arg14 : memref<!tpu.dma_semaphore, #tpu.memory_space<semaphore_mem>>) {add = true}
        %dma_wait3A_209 = arith.constant 512 : i32
        %dma_wait3A_210 = tpu.memref_slice %arg6[%dma_wait3A_209] : memref<1024xi32, #tpu.memory_space<vmem>> -> memref<512xi32, #tpu.memory_space<vmem>>
        %dma_wait3A_211 = arith.constant 128 : i32
        %dma_wait3A_212 = tpu.memref_slice %dma_wait3A_210[%dma_wait3A_211] : memref<512xi32, #tpu.memory_space<vmem>> -> memref<128xi32, #tpu.memory_space<vmem>>
        %dma_wait3A_213 = arith.constant 0 : i32
        %dma_wait3A_214 = arith.constant 0 : i32
        %dma_wait3A_215 = tpu.memref_slice %arg9[%dma_wait3A_213, %dma_wait3A_214] : memref<59408x32xf32, #tpu.memory_space<vmem_shared>> -> memref<59408x32xf32, #tpu.memory_space<vmem_shared>>
        tpu.wait_indirect_dma semaphore(%arg15 : memref<!tpu.dma_semaphore, #tpu.memory_space<semaphore_mem>>) src(%arg8 : memref<128x32xf32, #tpu.memory_space<vmem>>) dst(%dma_wait3A_215 : memref<59408x32xf32, #tpu.memory_space<vmem_shared>>)
        %dma_start3A_216 = arith.constant 0 : i32
        %dma_start3A_217 = tpu.memref_slice %arg6[%dma_start3A_216] : memref<1024xi32, #tpu.memory_space<vmem>> -> memref<512xi32, #tpu.memory_space<vmem>>
        %dma_start3A_218 = arith.constant 384 : i32
        %dma_start3A_219 = tpu.memref_slice %dma_start3A_217[%dma_start3A_218] : memref<512xi32, #tpu.memory_space<vmem>> -> memref<128xi32, #tpu.memory_space<vmem>>
        %dma_start3A_220 = arith.constant 0 : i32
        %dma_start3A_221 = arith.constant 0 : i32
        %dma_start3A_222 = tpu.memref_slice %arg2[%dma_start3A_220, %dma_start3A_221] : memref<356352x32xf32, #tpu.memory_space<hbm>> -> memref<356352x32xf32, #tpu.memory_space<hbm>>
        tpu.enqueue_indirect_dma source(%dma_start3A_222 : memref<356352x32xf32, #tpu.memory_space<hbm>>) target(%arg8 : memref<128x32xf32, #tpu.memory_space<vmem>>) offsets(%dma_start3A_219 : memref<128xi32, #tpu.memory_space<vmem>>) semaphore(%arg13 : memref<!tpu.dma_semaphore, #tpu.memory_space<semaphore_mem>>)
        %dma_wait3A_223 = arith.constant 0 : i32
        %dma_wait3A_224 = tpu.memref_slice %arg6[%dma_wait3A_223] : memref<1024xi32, #tpu.memory_space<vmem>> -> memref<512xi32, #tpu.memory_space<vmem>>
        %dma_wait3A_225 = arith.constant 384 : i32
        %dma_wait3A_226 = tpu.memref_slice %dma_wait3A_224[%dma_wait3A_225] : memref<512xi32, #tpu.memory_space<vmem>> -> memref<128xi32, #tpu.memory_space<vmem>>
        %dma_wait3A_227 = arith.constant 0 : i32
        %dma_wait3A_228 = arith.constant 0 : i32
        %dma_wait3A_229 = tpu.memref_slice %arg2[%dma_wait3A_227, %dma_wait3A_228] : memref<356352x32xf32, #tpu.memory_space<hbm>> -> memref<356352x32xf32, #tpu.memory_space<hbm>>
        tpu.wait_indirect_dma semaphore(%arg13 : memref<!tpu.dma_semaphore, #tpu.memory_space<semaphore_mem>>) src(%dma_wait3A_229 : memref<356352x32xf32, #tpu.memory_space<hbm>>) dst(%arg8 : memref<128x32xf32, #tpu.memory_space<vmem>>)
        %dma_start3A_230 = arith.constant 512 : i32
        %dma_start3A_231 = tpu.memref_slice %arg6[%dma_start3A_230] : memref<1024xi32, #tpu.memory_space<vmem>> -> memref<512xi32, #tpu.memory_space<vmem>>
        %dma_start3A_232 = arith.constant 384 : i32
        %dma_start3A_233 = tpu.memref_slice %dma_start3A_231[%dma_start3A_232] : memref<512xi32, #tpu.memory_space<vmem>> -> memref<128xi32, #tpu.memory_space<vmem>>
        %dma_start3A_234 = arith.constant 0 : i32
        %dma_start3A_235 = arith.constant 0 : i32
        %dma_start3A_236 = tpu.memref_slice %arg9[%dma_start3A_234, %dma_start3A_235] : memref<59408x32xf32, #tpu.memory_space<vmem_shared>> -> memref<59408x32xf32, #tpu.memory_space<vmem_shared>>
        tpu.enqueue_indirect_dma source(%arg8 : memref<128x32xf32, #tpu.memory_space<vmem>>) target(%dma_start3A_236 : memref<59408x32xf32, #tpu.memory_space<vmem_shared>>) offsets(%dma_start3A_233 : memref<128xi32, #tpu.memory_space<vmem>>) semaphore(%arg15 : memref<!tpu.dma_semaphore, #tpu.memory_space<semaphore_mem>>) {add = true}
        %dma_wait3A_237 = arith.constant 512 : i32
        %dma_wait3A_238 = tpu.memref_slice %arg6[%dma_wait3A_237] : memref<1024xi32, #tpu.memory_space<vmem>> -> memref<512xi32, #tpu.memory_space<vmem>>
        %dma_wait3A_239 = arith.constant 256 : i32
        %dma_wait3A_240 = tpu.memref_slice %dma_wait3A_238[%dma_wait3A_239] : memref<512xi32, #tpu.memory_space<vmem>> -> memref<128xi32, #tpu.memory_space<vmem>>
        %dma_wait3A_241 = arith.constant 0 : i32
        %dma_wait3A_242 = arith.constant 0 : i32
        %dma_wait3A_243 = tpu.memref_slice %arg9[%dma_wait3A_241, %dma_wait3A_242] : memref<59408x32xf32, #tpu.memory_space<vmem_shared>> -> memref<59408x32xf32, #tpu.memory_space<vmem_shared>>
        tpu.wait_indirect_dma semaphore(%arg14 : memref<!tpu.dma_semaphore, #tpu.memory_space<semaphore_mem>>) src(%arg7 : memref<128x32xf32, #tpu.memory_space<vmem>>) dst(%dma_wait3A_243 : memref<59408x32xf32, #tpu.memory_space<vmem_shared>>)
        %dma_wait3A_244 = arith.constant 512 : i32
        %dma_wait3A_245 = tpu.memref_slice %arg6[%dma_wait3A_244] : memref<1024xi32, #tpu.memory_space<vmem>> -> memref<512xi32, #tpu.memory_space<vmem>>
        %dma_wait3A_246 = arith.constant 384 : i32
        %dma_wait3A_247 = tpu.memref_slice %dma_wait3A_245[%dma_wait3A_246] : memref<512xi32, #tpu.memory_space<vmem>> -> memref<128xi32, #tpu.memory_space<vmem>>
        %dma_wait3A_248 = arith.constant 0 : i32
        %dma_wait3A_249 = arith.constant 0 : i32
        %dma_wait3A_250 = tpu.memref_slice %arg9[%dma_wait3A_248, %dma_wait3A_249] : memref<59408x32xf32, #tpu.memory_space<vmem_shared>> -> memref<59408x32xf32, #tpu.memory_space<vmem_shared>>
        tpu.wait_indirect_dma semaphore(%arg15 : memref<!tpu.dma_semaphore, #tpu.memory_space<semaphore_mem>>) src(%arg8 : memref<128x32xf32, #tpu.memory_space<vmem>>) dst(%dma_wait3A_250 : memref<59408x32xf32, #tpu.memory_space<vmem_shared>>)
        %add3A_251 = arith.constant 1 : i32
        %add3A_252 = arith.addi %scan3A_122, %add3A_251 : i32
        %lt3A_253 = arith.constant 76 : i32
        %lt3A_254 = arith.cmpi slt, %add3A_252, %lt3A_253 : i32
        %convert_element_type3A_255 = arith.extui %lt3A_254 : i1 to i32
        %cond3A_256 = arith.constant 0 : i32
        %cond3A_257 = arith.cmpi ne, %convert_element_type3A_255, %cond3A_256 : i32
        scf.if %cond3A_257 {
          %dma_wait3A_258 = arith.constant 0 : i32
          %dma_wait3A_259 = tpu.memref_slice %arg3[%dma_wait3A_258] : memref<7471104xi32, #tpu.memory_space<hbm>> -> memref<1024xi32, #tpu.memory_space<hbm>>
          %dma_wait3A_260 = arith.constant 0 : i32
          %dma_wait3A_261 = tpu.memref_slice %arg3[%dma_wait3A_260] : memref<7471104xi32, #tpu.memory_space<hbm>> -> memref<1024xi32, #tpu.memory_space<hbm>>
          tpu.wait_dma2 semaphore(%arg10 : memref<!tpu.dma_semaphore, #tpu.memory_space<semaphore_mem>>) src(%dma_wait3A_261 : memref<1024xi32, #tpu.memory_space<hbm>>) dst(%arg5 : memref<1024xi32, #tpu.memory_space<vmem>>)
        } else {
        }
      } else {
      }
      %scan3A_132 = arith.constant 0 : i32
      scf.yield %scan3A_132 : i32
    }
    %scan3A_29 = arith.constant 76 : i32
    %barrier3A_30 = arith.constant 0 : index
    tpu.barrier barrier_id(%barrier3A_30)
    %mul3A_31 = arith.constant 3712 : i32
    %mul3A_32 = arith.muli %arg1, %mul3A_31 : i32
    %mul3A_33 = arith.constant 3712 : i32
    %mul3A_34 = arith.muli %arg1, %mul3A_33 : i32
    %add3A_35 = arith.addi %mul3A_3, %mul3A_34 : i32
    "tpu.region"() ({
      %run_scoped3A = tpu.sem_alloc : memref<!tpu.dma_semaphore, #tpu.memory_space<semaphore_mem>>
      %dma_start3A_122 = arith.constant 0 : i32
      %dma_start3A_123 = tpu.memref_slice %arg4[%add3A_35, %dma_start3A_122] : memref<356352x32xf32, #tpu.memory_space<hbm>> -> memref<3712x32xf32, #tpu.memory_space<hbm>>
      %dma_start3A_124 = arith.constant 0 : i32
      %dma_start3A_125 = tpu.memref_slice %arg9[%mul3A_32, %dma_start3A_124] : memref<59408x32xf32, #tpu.memory_space<vmem_shared>> -> memref<3712x32xf32, #tpu.memory_space<vmem_shared>>
      tpu.enqueue_dma source(%dma_start3A_125 : memref<3712x32xf32, #tpu.memory_space<vmem_shared>>) target(%dma_start3A_123 : memref<3712x32xf32, #tpu.memory_space<hbm>>) target_semaphore(%run_scoped3A : memref<!tpu.dma_semaphore, #tpu.memory_space<semaphore_mem>>)
      %dma_wait3A_126 = arith.constant 0 : i32
      %dma_wait3A_127 = tpu.memref_slice %arg4[%add3A_35, %dma_wait3A_126] : memref<356352x32xf32, #tpu.memory_space<hbm>> -> memref<3712x32xf32, #tpu.memory_space<hbm>>
      %dma_wait3A_128 = arith.constant 0 : i32
      %dma_wait3A_129 = tpu.memref_slice %arg9[%mul3A_32, %dma_wait3A_128] : memref<59408x32xf32, #tpu.memory_space<vmem_shared>> -> memref<3712x32xf32, #tpu.memory_space<vmem_shared>>
      tpu.wait_dma2 semaphore(%run_scoped3A : memref<!tpu.dma_semaphore, #tpu.memory_space<semaphore_mem>>) src(%dma_wait3A_129 : memref<3712x32xf32, #tpu.memory_space<vmem_shared>>) dst(%dma_wait3A_127 : memref<3712x32xf32, #tpu.memory_space<hbm>>)
      tpu.yield
    }) : () -> ()
    %barrier3A_36 = arith.constant 0 : index
    tpu.barrier barrier_id(%barrier3A_36)
    %mul3A_37 = arith.constant 3 : i32
    %mul3A_38 = arith.muli %mul3A_37, %arg0 : i32
    %add3A_39 = arith.constant 1 : i32
    %add3A_40 = arith.addi %mul3A_38, %add3A_39 : i32
    %mul3A_41 = arith.constant 59392 : i32
    %mul3A_42 = arith.muli %add3A_40, %mul3A_41 : i32
    %mul3A_43 = arith.constant 3712 : i32
    %mul3A_44 = arith.muli %arg1, %mul3A_43 : i32
    %add3A_45 = arith.addi %mul3A_42, %mul3A_44 : i32
    %mul3A_46 = arith.constant 3712 : i32
    %mul3A_47 = arith.muli %arg1, %mul3A_46 : i32
    "tpu.region"() ({
      %run_scoped3A = tpu.sem_alloc : memref<!tpu.dma_semaphore, #tpu.memory_space<semaphore_mem>>
      %dma_start3A_122 = arith.constant 0 : i32
      %dma_start3A_123 = tpu.memref_slice %arg9[%mul3A_47, %dma_start3A_122] : memref<59408x32xf32, #tpu.memory_space<vmem_shared>> -> memref<3712x32xf32, #tpu.memory_space<vmem_shared>>
      %dma_start3A_124 = arith.constant 0 : i32
      %dma_start3A_125 = tpu.memref_slice %arg2[%add3A_45, %dma_start3A_124] : memref<356352x32xf32, #tpu.memory_space<hbm>> -> memref<3712x32xf32, #tpu.memory_space<hbm>>
      tpu.enqueue_dma source(%dma_start3A_125 : memref<3712x32xf32, #tpu.memory_space<hbm>>) target(%dma_start3A_123 : memref<3712x32xf32, #tpu.memory_space<vmem_shared>>) target_semaphore(%run_scoped3A : memref<!tpu.dma_semaphore, #tpu.memory_space<semaphore_mem>>)
      %dma_wait3A_126 = arith.constant 0 : i32
      %dma_wait3A_127 = tpu.memref_slice %arg9[%mul3A_47, %dma_wait3A_126] : memref<59408x32xf32, #tpu.memory_space<vmem_shared>> -> memref<3712x32xf32, #tpu.memory_space<vmem_shared>>
      %dma_wait3A_128 = arith.constant 0 : i32
      %dma_wait3A_129 = tpu.memref_slice %arg2[%add3A_45, %dma_wait3A_128] : memref<356352x32xf32, #tpu.memory_space<hbm>> -> memref<3712x32xf32, #tpu.memory_space<hbm>>
      tpu.wait_dma2 semaphore(%run_scoped3A : memref<!tpu.dma_semaphore, #tpu.memory_space<semaphore_mem>>) src(%dma_wait3A_129 : memref<3712x32xf32, #tpu.memory_space<hbm>>) dst(%dma_wait3A_127 : memref<3712x32xf32, #tpu.memory_space<vmem_shared>>)
      tpu.yield
    }) : () -> ()
    %mul3A_48 = arith.constant 3 : i32
    %mul3A_49 = arith.muli %mul3A_48, %arg0 : i32
    %add3A_50 = arith.constant 1 : i32
    %add3A_51 = arith.addi %mul3A_49, %add3A_50 : i32
    %mul3A_52 = arith.constant 1245184 : i32
    %mul3A_53 = arith.muli %add3A_51, %mul3A_52 : i32
    %mul3A_54 = arith.constant 76 : i32
    %mul3A_55 = arith.muli %arg1, %mul3A_54 : i32
    %add3A_56 = arith.constant 0 : i32
    %add3A_57 = arith.addi %mul3A_55, %add3A_56 : i32
    %mul3A_58 = arith.constant 1024 : i32
    %mul3A_59 = arith.muli %add3A_57, %mul3A_58 : i32
    %add3A_60 = arith.addi %mul3A_53, %mul3A_59 : i32
    %dma_start3A_61 = tpu.memref_slice %arg3[%add3A_60] : memref<7471104xi32, #tpu.memory_space<hbm>> -> memref<1024xi32, #tpu.memory_space<hbm>>
    %dma_start3A_62 = tpu.memref_slice %arg3[%add3A_60] : memref<7471104xi32, #tpu.memory_space<hbm>> -> memref<1024xi32, #tpu.memory_space<hbm>>
    tpu.enqueue_dma source(%dma_start3A_62 : memref<1024xi32, #tpu.memory_space<hbm>>) target(%arg5 : memref<1024xi32, #tpu.memory_space<vmem>>) target_semaphore(%arg10 : memref<!tpu.dma_semaphore, #tpu.memory_space<semaphore_mem>>)
    %dma_wait3A_63 = tpu.memref_slice %arg3[%add3A_60] : memref<7471104xi32, #tpu.memory_space<hbm>> -> memref<1024xi32, #tpu.memory_space<hbm>>
    %dma_wait3A_64 = tpu.memref_slice %arg3[%add3A_60] : memref<7471104xi32, #tpu.memory_space<hbm>> -> memref<1024xi32, #tpu.memory_space<hbm>>
    tpu.wait_dma2 semaphore(%arg10 : memref<!tpu.dma_semaphore, #tpu.memory_space<semaphore_mem>>) src(%dma_wait3A_64 : memref<1024xi32, #tpu.memory_space<hbm>>) dst(%arg5 : memref<1024xi32, #tpu.memory_space<vmem>>)
    %barrier3A_65 = arith.constant 0 : index
    tpu.barrier barrier_id(%barrier3A_65)
    %scan3A_66 = arith.constant 0 : i32
    %scan3A_67 = arith.constant 0 : i32
    %scan3A_68 = arith.constant 76 : i32
    %scan3A_69 = arith.addi %scan3A_67, %scan3A_68 : i32
    %scan3A_70 = arith.constant 1 : i32
    %scan3A_71 = scf.for %scan3A_122 = %scan3A_67 to %scan3A_69 step %scan3A_70 iter_args(%scan3A_123 = %scan3A_66) -> (i32)  : i32 {
      %rem3A = arith.constant 2 : i32
      %rem3A_124 = arith.remsi %scan3A_122, %rem3A : i32
      %eq3A = arith.constant 0 : i32
      %eq3A_125 = arith.cmpi eq, %rem3A_124, %eq3A : i32
      %convert_element_type3A = arith.extui %eq3A_125 : i1 to i32
      %cond3A = arith.constant 0 : i32
      %cond3A_126 = arith.cmpi ne, %convert_element_type3A, %cond3A : i32
      scf.if %cond3A_126 {
        %add3A_133 = arith.constant 1 : i32
        %add3A_134 = arith.addi %scan3A_122, %add3A_133 : i32
        %lt3A = arith.constant 76 : i32
        %lt3A_135 = arith.cmpi slt, %add3A_134, %lt3A : i32
        %convert_element_type3A_136 = arith.extui %lt3A_135 : i1 to i32
        %cond3A_137 = arith.constant 0 : i32
        %cond3A_138 = arith.cmpi ne, %convert_element_type3A_136, %cond3A_137 : i32
        scf.if %cond3A_138 {
          %add3A_258 = arith.constant 1 : i32
          %add3A_259 = arith.addi %scan3A_122, %add3A_258 : i32
          %mul3A_260 = arith.constant 3 : i32
          %mul3A_261 = arith.muli %mul3A_260, %arg0 : i32
          %add3A_262 = arith.constant 1 : i32
          %add3A_263 = arith.addi %mul3A_261, %add3A_262 : i32
          %mul3A_264 = arith.constant 1245184 : i32
          %mul3A_265 = arith.muli %add3A_263, %mul3A_264 : i32
          %mul3A_266 = arith.constant 76 : i32
          %mul3A_267 = arith.muli %arg1, %mul3A_266 : i32
          %add3A_268 = arith.addi %mul3A_267, %add3A_259 : i32
          %mul3A_269 = arith.constant 1024 : i32
          %mul3A_270 = arith.muli %add3A_268, %mul3A_269 : i32
          %add3A_271 = arith.addi %mul3A_265, %mul3A_270 : i32
          %dma_start3A_272 = tpu.memref_slice %arg3[%add3A_271] : memref<7471104xi32, #tpu.memory_space<hbm>> -> memref<1024xi32, #tpu.memory_space<hbm>>
          %dma_start3A_273 = tpu.memref_slice %arg3[%add3A_271] : memref<7471104xi32, #tpu.memory_space<hbm>> -> memref<1024xi32, #tpu.memory_space<hbm>>
          tpu.enqueue_dma source(%dma_start3A_273 : memref<1024xi32, #tpu.memory_space<hbm>>) target(%arg6 : memref<1024xi32, #tpu.memory_space<vmem>>) target_semaphore(%arg11 : memref<!tpu.dma_semaphore, #tpu.memory_space<semaphore_mem>>)
        } else {
        }
        %dma_start3A_139 = arith.constant 0 : i32
        %dma_start3A_140 = tpu.memref_slice %arg5[%dma_start3A_139] : memref<1024xi32, #tpu.memory_space<vmem>> -> memref<512xi32, #tpu.memory_space<vmem>>
        %dma_start3A_141 = arith.constant 0 : i32
        %dma_start3A_142 = tpu.memref_slice %dma_start3A_140[%dma_start3A_141] : memref<512xi32, #tpu.memory_space<vmem>> -> memref<128xi32, #tpu.memory_space<vmem>>
        %dma_start3A_143 = arith.constant 0 : i32
        %dma_start3A_144 = arith.constant 0 : i32
        %dma_start3A_145 = tpu.memref_slice %arg2[%dma_start3A_143, %dma_start3A_144] : memref<356352x32xf32, #tpu.memory_space<hbm>> -> memref<356352x32xf32, #tpu.memory_space<hbm>>
        tpu.enqueue_indirect_dma source(%dma_start3A_145 : memref<356352x32xf32, #tpu.memory_space<hbm>>) target(%arg7 : memref<128x32xf32, #tpu.memory_space<vmem>>) offsets(%dma_start3A_142 : memref<128xi32, #tpu.memory_space<vmem>>) semaphore(%arg12 : memref<!tpu.dma_semaphore, #tpu.memory_space<semaphore_mem>>)
        %dma_wait3A_146 = arith.constant 0 : i32
        %dma_wait3A_147 = tpu.memref_slice %arg5[%dma_wait3A_146] : memref<1024xi32, #tpu.memory_space<vmem>> -> memref<512xi32, #tpu.memory_space<vmem>>
        %dma_wait3A_148 = arith.constant 0 : i32
        %dma_wait3A_149 = tpu.memref_slice %dma_wait3A_147[%dma_wait3A_148] : memref<512xi32, #tpu.memory_space<vmem>> -> memref<128xi32, #tpu.memory_space<vmem>>
        %dma_wait3A_150 = arith.constant 0 : i32
        %dma_wait3A_151 = arith.constant 0 : i32
        %dma_wait3A_152 = tpu.memref_slice %arg2[%dma_wait3A_150, %dma_wait3A_151] : memref<356352x32xf32, #tpu.memory_space<hbm>> -> memref<356352x32xf32, #tpu.memory_space<hbm>>
        tpu.wait_indirect_dma semaphore(%arg12 : memref<!tpu.dma_semaphore, #tpu.memory_space<semaphore_mem>>) src(%dma_wait3A_152 : memref<356352x32xf32, #tpu.memory_space<hbm>>) dst(%arg7 : memref<128x32xf32, #tpu.memory_space<vmem>>)
        %dma_start3A_153 = arith.constant 512 : i32
        %dma_start3A_154 = tpu.memref_slice %arg5[%dma_start3A_153] : memref<1024xi32, #tpu.memory_space<vmem>> -> memref<512xi32, #tpu.memory_space<vmem>>
        %dma_start3A_155 = arith.constant 0 : i32
        %dma_start3A_156 = tpu.memref_slice %dma_start3A_154[%dma_start3A_155] : memref<512xi32, #tpu.memory_space<vmem>> -> memref<128xi32, #tpu.memory_space<vmem>>
        %dma_start3A_157 = arith.constant 0 : i32
        %dma_start3A_158 = arith.constant 0 : i32
        %dma_start3A_159 = tpu.memref_slice %arg9[%dma_start3A_157, %dma_start3A_158] : memref<59408x32xf32, #tpu.memory_space<vmem_shared>> -> memref<59408x32xf32, #tpu.memory_space<vmem_shared>>
        tpu.enqueue_indirect_dma source(%arg7 : memref<128x32xf32, #tpu.memory_space<vmem>>) target(%dma_start3A_159 : memref<59408x32xf32, #tpu.memory_space<vmem_shared>>) offsets(%dma_start3A_156 : memref<128xi32, #tpu.memory_space<vmem>>) semaphore(%arg14 : memref<!tpu.dma_semaphore, #tpu.memory_space<semaphore_mem>>) {add = true}
        %dma_start3A_160 = arith.constant 0 : i32
        %dma_start3A_161 = tpu.memref_slice %arg5[%dma_start3A_160] : memref<1024xi32, #tpu.memory_space<vmem>> -> memref<512xi32, #tpu.memory_space<vmem>>
        %dma_start3A_162 = arith.constant 128 : i32
        %dma_start3A_163 = tpu.memref_slice %dma_start3A_161[%dma_start3A_162] : memref<512xi32, #tpu.memory_space<vmem>> -> memref<128xi32, #tpu.memory_space<vmem>>
        %dma_start3A_164 = arith.constant 0 : i32
        %dma_start3A_165 = arith.constant 0 : i32
        %dma_start3A_166 = tpu.memref_slice %arg2[%dma_start3A_164, %dma_start3A_165] : memref<356352x32xf32, #tpu.memory_space<hbm>> -> memref<356352x32xf32, #tpu.memory_space<hbm>>
        tpu.enqueue_indirect_dma source(%dma_start3A_166 : memref<356352x32xf32, #tpu.memory_space<hbm>>) target(%arg8 : memref<128x32xf32, #tpu.memory_space<vmem>>) offsets(%dma_start3A_163 : memref<128xi32, #tpu.memory_space<vmem>>) semaphore(%arg13 : memref<!tpu.dma_semaphore, #tpu.memory_space<semaphore_mem>>)
        %dma_wait3A_167 = arith.constant 0 : i32
        %dma_wait3A_168 = tpu.memref_slice %arg5[%dma_wait3A_167] : memref<1024xi32, #tpu.memory_space<vmem>> -> memref<512xi32, #tpu.memory_space<vmem>>
        %dma_wait3A_169 = arith.constant 128 : i32
        %dma_wait3A_170 = tpu.memref_slice %dma_wait3A_168[%dma_wait3A_169] : memref<512xi32, #tpu.memory_space<vmem>> -> memref<128xi32, #tpu.memory_space<vmem>>
        %dma_wait3A_171 = arith.constant 0 : i32
        %dma_wait3A_172 = arith.constant 0 : i32
        %dma_wait3A_173 = tpu.memref_slice %arg2[%dma_wait3A_171, %dma_wait3A_172] : memref<356352x32xf32, #tpu.memory_space<hbm>> -> memref<356352x32xf32, #tpu.memory_space<hbm>>
        tpu.wait_indirect_dma semaphore(%arg13 : memref<!tpu.dma_semaphore, #tpu.memory_space<semaphore_mem>>) src(%dma_wait3A_173 : memref<356352x32xf32, #tpu.memory_space<hbm>>) dst(%arg8 : memref<128x32xf32, #tpu.memory_space<vmem>>)
        %dma_start3A_174 = arith.constant 512 : i32
        %dma_start3A_175 = tpu.memref_slice %arg5[%dma_start3A_174] : memref<1024xi32, #tpu.memory_space<vmem>> -> memref<512xi32, #tpu.memory_space<vmem>>
        %dma_start3A_176 = arith.constant 128 : i32
        %dma_start3A_177 = tpu.memref_slice %dma_start3A_175[%dma_start3A_176] : memref<512xi32, #tpu.memory_space<vmem>> -> memref<128xi32, #tpu.memory_space<vmem>>
        %dma_start3A_178 = arith.constant 0 : i32
        %dma_start3A_179 = arith.constant 0 : i32
        %dma_start3A_180 = tpu.memref_slice %arg9[%dma_start3A_178, %dma_start3A_179] : memref<59408x32xf32, #tpu.memory_space<vmem_shared>> -> memref<59408x32xf32, #tpu.memory_space<vmem_shared>>
        tpu.enqueue_indirect_dma source(%arg8 : memref<128x32xf32, #tpu.memory_space<vmem>>) target(%dma_start3A_180 : memref<59408x32xf32, #tpu.memory_space<vmem_shared>>) offsets(%dma_start3A_177 : memref<128xi32, #tpu.memory_space<vmem>>) semaphore(%arg15 : memref<!tpu.dma_semaphore, #tpu.memory_space<semaphore_mem>>) {add = true}
        %dma_wait3A_181 = arith.constant 512 : i32
        %dma_wait3A_182 = tpu.memref_slice %arg5[%dma_wait3A_181] : memref<1024xi32, #tpu.memory_space<vmem>> -> memref<512xi32, #tpu.memory_space<vmem>>
        %dma_wait3A_183 = arith.constant 0 : i32
        %dma_wait3A_184 = tpu.memref_slice %dma_wait3A_182[%dma_wait3A_183] : memref<512xi32, #tpu.memory_space<vmem>> -> memref<128xi32, #tpu.memory_space<vmem>>
        %dma_wait3A_185 = arith.constant 0 : i32
        %dma_wait3A_186 = arith.constant 0 : i32
        %dma_wait3A_187 = tpu.memref_slice %arg9[%dma_wait3A_185, %dma_wait3A_186] : memref<59408x32xf32, #tpu.memory_space<vmem_shared>> -> memref<59408x32xf32, #tpu.memory_space<vmem_shared>>
        tpu.wait_indirect_dma semaphore(%arg14 : memref<!tpu.dma_semaphore, #tpu.memory_space<semaphore_mem>>) src(%arg7 : memref<128x32xf32, #tpu.memory_space<vmem>>) dst(%dma_wait3A_187 : memref<59408x32xf32, #tpu.memory_space<vmem_shared>>)
        %dma_start3A_188 = arith.constant 0 : i32
        %dma_start3A_189 = tpu.memref_slice %arg5[%dma_start3A_188] : memref<1024xi32, #tpu.memory_space<vmem>> -> memref<512xi32, #tpu.memory_space<vmem>>
        %dma_start3A_190 = arith.constant 256 : i32
        %dma_start3A_191 = tpu.memref_slice %dma_start3A_189[%dma_start3A_190] : memref<512xi32, #tpu.memory_space<vmem>> -> memref<128xi32, #tpu.memory_space<vmem>>
        %dma_start3A_192 = arith.constant 0 : i32
        %dma_start3A_193 = arith.constant 0 : i32
        %dma_start3A_194 = tpu.memref_slice %arg2[%dma_start3A_192, %dma_start3A_193] : memref<356352x32xf32, #tpu.memory_space<hbm>> -> memref<356352x32xf32, #tpu.memory_space<hbm>>
        tpu.enqueue_indirect_dma source(%dma_start3A_194 : memref<356352x32xf32, #tpu.memory_space<hbm>>) target(%arg7 : memref<128x32xf32, #tpu.memory_space<vmem>>) offsets(%dma_start3A_191 : memref<128xi32, #tpu.memory_space<vmem>>) semaphore(%arg12 : memref<!tpu.dma_semaphore, #tpu.memory_space<semaphore_mem>>)
        %dma_wait3A_195 = arith.constant 0 : i32
        %dma_wait3A_196 = tpu.memref_slice %arg5[%dma_wait3A_195] : memref<1024xi32, #tpu.memory_space<vmem>> -> memref<512xi32, #tpu.memory_space<vmem>>
        %dma_wait3A_197 = arith.constant 256 : i32
        %dma_wait3A_198 = tpu.memref_slice %dma_wait3A_196[%dma_wait3A_197] : memref<512xi32, #tpu.memory_space<vmem>> -> memref<128xi32, #tpu.memory_space<vmem>>
        %dma_wait3A_199 = arith.constant 0 : i32
        %dma_wait3A_200 = arith.constant 0 : i32
        %dma_wait3A_201 = tpu.memref_slice %arg2[%dma_wait3A_199, %dma_wait3A_200] : memref<356352x32xf32, #tpu.memory_space<hbm>> -> memref<356352x32xf32, #tpu.memory_space<hbm>>
        tpu.wait_indirect_dma semaphore(%arg12 : memref<!tpu.dma_semaphore, #tpu.memory_space<semaphore_mem>>) src(%dma_wait3A_201 : memref<356352x32xf32, #tpu.memory_space<hbm>>) dst(%arg7 : memref<128x32xf32, #tpu.memory_space<vmem>>)
        %dma_start3A_202 = arith.constant 512 : i32
        %dma_start3A_203 = tpu.memref_slice %arg5[%dma_start3A_202] : memref<1024xi32, #tpu.memory_space<vmem>> -> memref<512xi32, #tpu.memory_space<vmem>>
        %dma_start3A_204 = arith.constant 256 : i32
        %dma_start3A_205 = tpu.memref_slice %dma_start3A_203[%dma_start3A_204] : memref<512xi32, #tpu.memory_space<vmem>> -> memref<128xi32, #tpu.memory_space<vmem>>
        %dma_start3A_206 = arith.constant 0 : i32
        %dma_start3A_207 = arith.constant 0 : i32
        %dma_start3A_208 = tpu.memref_slice %arg9[%dma_start3A_206, %dma_start3A_207] : memref<59408x32xf32, #tpu.memory_space<vmem_shared>> -> memref<59408x32xf32, #tpu.memory_space<vmem_shared>>
        tpu.enqueue_indirect_dma source(%arg7 : memref<128x32xf32, #tpu.memory_space<vmem>>) target(%dma_start3A_208 : memref<59408x32xf32, #tpu.memory_space<vmem_shared>>) offsets(%dma_start3A_205 : memref<128xi32, #tpu.memory_space<vmem>>) semaphore(%arg14 : memref<!tpu.dma_semaphore, #tpu.memory_space<semaphore_mem>>) {add = true}
        %dma_wait3A_209 = arith.constant 512 : i32
        %dma_wait3A_210 = tpu.memref_slice %arg5[%dma_wait3A_209] : memref<1024xi32, #tpu.memory_space<vmem>> -> memref<512xi32, #tpu.memory_space<vmem>>
        %dma_wait3A_211 = arith.constant 128 : i32
        %dma_wait3A_212 = tpu.memref_slice %dma_wait3A_210[%dma_wait3A_211] : memref<512xi32, #tpu.memory_space<vmem>> -> memref<128xi32, #tpu.memory_space<vmem>>
        %dma_wait3A_213 = arith.constant 0 : i32
        %dma_wait3A_214 = arith.constant 0 : i32
        %dma_wait3A_215 = tpu.memref_slice %arg9[%dma_wait3A_213, %dma_wait3A_214] : memref<59408x32xf32, #tpu.memory_space<vmem_shared>> -> memref<59408x32xf32, #tpu.memory_space<vmem_shared>>
        tpu.wait_indirect_dma semaphore(%arg15 : memref<!tpu.dma_semaphore, #tpu.memory_space<semaphore_mem>>) src(%arg8 : memref<128x32xf32, #tpu.memory_space<vmem>>) dst(%dma_wait3A_215 : memref<59408x32xf32, #tpu.memory_space<vmem_shared>>)
        %dma_start3A_216 = arith.constant 0 : i32
        %dma_start3A_217 = tpu.memref_slice %arg5[%dma_start3A_216] : memref<1024xi32, #tpu.memory_space<vmem>> -> memref<512xi32, #tpu.memory_space<vmem>>
        %dma_start3A_218 = arith.constant 384 : i32
        %dma_start3A_219 = tpu.memref_slice %dma_start3A_217[%dma_start3A_218] : memref<512xi32, #tpu.memory_space<vmem>> -> memref<128xi32, #tpu.memory_space<vmem>>
        %dma_start3A_220 = arith.constant 0 : i32
        %dma_start3A_221 = arith.constant 0 : i32
        %dma_start3A_222 = tpu.memref_slice %arg2[%dma_start3A_220, %dma_start3A_221] : memref<356352x32xf32, #tpu.memory_space<hbm>> -> memref<356352x32xf32, #tpu.memory_space<hbm>>
        tpu.enqueue_indirect_dma source(%dma_start3A_222 : memref<356352x32xf32, #tpu.memory_space<hbm>>) target(%arg8 : memref<128x32xf32, #tpu.memory_space<vmem>>) offsets(%dma_start3A_219 : memref<128xi32, #tpu.memory_space<vmem>>) semaphore(%arg13 : memref<!tpu.dma_semaphore, #tpu.memory_space<semaphore_mem>>)
        %dma_wait3A_223 = arith.constant 0 : i32
        %dma_wait3A_224 = tpu.memref_slice %arg5[%dma_wait3A_223] : memref<1024xi32, #tpu.memory_space<vmem>> -> memref<512xi32, #tpu.memory_space<vmem>>
        %dma_wait3A_225 = arith.constant 384 : i32
        %dma_wait3A_226 = tpu.memref_slice %dma_wait3A_224[%dma_wait3A_225] : memref<512xi32, #tpu.memory_space<vmem>> -> memref<128xi32, #tpu.memory_space<vmem>>
        %dma_wait3A_227 = arith.constant 0 : i32
        %dma_wait3A_228 = arith.constant 0 : i32
        %dma_wait3A_229 = tpu.memref_slice %arg2[%dma_wait3A_227, %dma_wait3A_228] : memref<356352x32xf32, #tpu.memory_space<hbm>> -> memref<356352x32xf32, #tpu.memory_space<hbm>>
        tpu.wait_indirect_dma semaphore(%arg13 : memref<!tpu.dma_semaphore, #tpu.memory_space<semaphore_mem>>) src(%dma_wait3A_229 : memref<356352x32xf32, #tpu.memory_space<hbm>>) dst(%arg8 : memref<128x32xf32, #tpu.memory_space<vmem>>)
        %dma_start3A_230 = arith.constant 512 : i32
        %dma_start3A_231 = tpu.memref_slice %arg5[%dma_start3A_230] : memref<1024xi32, #tpu.memory_space<vmem>> -> memref<512xi32, #tpu.memory_space<vmem>>
        %dma_start3A_232 = arith.constant 384 : i32
        %dma_start3A_233 = tpu.memref_slice %dma_start3A_231[%dma_start3A_232] : memref<512xi32, #tpu.memory_space<vmem>> -> memref<128xi32, #tpu.memory_space<vmem>>
        %dma_start3A_234 = arith.constant 0 : i32
        %dma_start3A_235 = arith.constant 0 : i32
        %dma_start3A_236 = tpu.memref_slice %arg9[%dma_start3A_234, %dma_start3A_235] : memref<59408x32xf32, #tpu.memory_space<vmem_shared>> -> memref<59408x32xf32, #tpu.memory_space<vmem_shared>>
        tpu.enqueue_indirect_dma source(%arg8 : memref<128x32xf32, #tpu.memory_space<vmem>>) target(%dma_start3A_236 : memref<59408x32xf32, #tpu.memory_space<vmem_shared>>) offsets(%dma_start3A_233 : memref<128xi32, #tpu.memory_space<vmem>>) semaphore(%arg15 : memref<!tpu.dma_semaphore, #tpu.memory_space<semaphore_mem>>) {add = true}
        %dma_wait3A_237 = arith.constant 512 : i32
        %dma_wait3A_238 = tpu.memref_slice %arg5[%dma_wait3A_237] : memref<1024xi32, #tpu.memory_space<vmem>> -> memref<512xi32, #tpu.memory_space<vmem>>
        %dma_wait3A_239 = arith.constant 256 : i32
        %dma_wait3A_240 = tpu.memref_slice %dma_wait3A_238[%dma_wait3A_239] : memref<512xi32, #tpu.memory_space<vmem>> -> memref<128xi32, #tpu.memory_space<vmem>>
        %dma_wait3A_241 = arith.constant 0 : i32
        %dma_wait3A_242 = arith.constant 0 : i32
        %dma_wait3A_243 = tpu.memref_slice %arg9[%dma_wait3A_241, %dma_wait3A_242] : memref<59408x32xf32, #tpu.memory_space<vmem_shared>> -> memref<59408x32xf32, #tpu.memory_space<vmem_shared>>
        tpu.wait_indirect_dma semaphore(%arg14 : memref<!tpu.dma_semaphore, #tpu.memory_space<semaphore_mem>>) src(%arg7 : memref<128x32xf32, #tpu.memory_space<vmem>>) dst(%dma_wait3A_243 : memref<59408x32xf32, #tpu.memory_space<vmem_shared>>)
        %dma_wait3A_244 = arith.constant 512 : i32
        %dma_wait3A_245 = tpu.memref_slice %arg5[%dma_wait3A_244] : memref<1024xi32, #tpu.memory_space<vmem>> -> memref<512xi32, #tpu.memory_space<vmem>>
        %dma_wait3A_246 = arith.constant 384 : i32
        %dma_wait3A_247 = tpu.memref_slice %dma_wait3A_245[%dma_wait3A_246] : memref<512xi32, #tpu.memory_space<vmem>> -> memref<128xi32, #tpu.memory_space<vmem>>
        %dma_wait3A_248 = arith.constant 0 : i32
        %dma_wait3A_249 = arith.constant 0 : i32
        %dma_wait3A_250 = tpu.memref_slice %arg9[%dma_wait3A_248, %dma_wait3A_249] : memref<59408x32xf32, #tpu.memory_space<vmem_shared>> -> memref<59408x32xf32, #tpu.memory_space<vmem_shared>>
        tpu.wait_indirect_dma semaphore(%arg15 : memref<!tpu.dma_semaphore, #tpu.memory_space<semaphore_mem>>) src(%arg8 : memref<128x32xf32, #tpu.memory_space<vmem>>) dst(%dma_wait3A_250 : memref<59408x32xf32, #tpu.memory_space<vmem_shared>>)
        %add3A_251 = arith.constant 1 : i32
        %add3A_252 = arith.addi %scan3A_122, %add3A_251 : i32
        %lt3A_253 = arith.constant 76 : i32
        %lt3A_254 = arith.cmpi slt, %add3A_252, %lt3A_253 : i32
        %convert_element_type3A_255 = arith.extui %lt3A_254 : i1 to i32
        %cond3A_256 = arith.constant 0 : i32
        %cond3A_257 = arith.cmpi ne, %convert_element_type3A_255, %cond3A_256 : i32
        scf.if %cond3A_257 {
          %dma_wait3A_258 = arith.constant 0 : i32
          %dma_wait3A_259 = tpu.memref_slice %arg3[%dma_wait3A_258] : memref<7471104xi32, #tpu.memory_space<hbm>> -> memref<1024xi32, #tpu.memory_space<hbm>>
          %dma_wait3A_260 = arith.constant 0 : i32
          %dma_wait3A_261 = tpu.memref_slice %arg3[%dma_wait3A_260] : memref<7471104xi32, #tpu.memory_space<hbm>> -> memref<1024xi32, #tpu.memory_space<hbm>>
          tpu.wait_dma2 semaphore(%arg11 : memref<!tpu.dma_semaphore, #tpu.memory_space<semaphore_mem>>) src(%dma_wait3A_261 : memref<1024xi32, #tpu.memory_space<hbm>>) dst(%arg6 : memref<1024xi32, #tpu.memory_space<vmem>>)
        } else {
        }
      } else {
      }
      %eq3A_127 = arith.constant 1 : i32
      %eq3A_128 = arith.cmpi eq, %rem3A_124, %eq3A_127 : i32
      %convert_element_type3A_129 = arith.extui %eq3A_128 : i1 to i32
      %cond3A_130 = arith.constant 0 : i32
      %cond3A_131 = arith.cmpi ne, %convert_element_type3A_129, %cond3A_130 : i32
      scf.if %cond3A_131 {
        %add3A_133 = arith.constant 1 : i32
        %add3A_134 = arith.addi %scan3A_122, %add3A_133 : i32
        %lt3A = arith.constant 76 : i32
        %lt3A_135 = arith.cmpi slt, %add3A_134, %lt3A : i32
        %convert_element_type3A_136 = arith.extui %lt3A_135 : i1 to i32
        %cond3A_137 = arith.constant 0 : i32
        %cond3A_138 = arith.cmpi ne, %convert_element_type3A_136, %cond3A_137 : i32
        scf.if %cond3A_138 {
          %add3A_258 = arith.constant 1 : i32
          %add3A_259 = arith.addi %scan3A_122, %add3A_258 : i32
          %mul3A_260 = arith.constant 3 : i32
          %mul3A_261 = arith.muli %mul3A_260, %arg0 : i32
          %add3A_262 = arith.constant 1 : i32
          %add3A_263 = arith.addi %mul3A_261, %add3A_262 : i32
          %mul3A_264 = arith.constant 1245184 : i32
          %mul3A_265 = arith.muli %add3A_263, %mul3A_264 : i32
          %mul3A_266 = arith.constant 76 : i32
          %mul3A_267 = arith.muli %arg1, %mul3A_266 : i32
          %add3A_268 = arith.addi %mul3A_267, %add3A_259 : i32
          %mul3A_269 = arith.constant 1024 : i32
          %mul3A_270 = arith.muli %add3A_268, %mul3A_269 : i32
          %add3A_271 = arith.addi %mul3A_265, %mul3A_270 : i32
          %dma_start3A_272 = tpu.memref_slice %arg3[%add3A_271] : memref<7471104xi32, #tpu.memory_space<hbm>> -> memref<1024xi32, #tpu.memory_space<hbm>>
          %dma_start3A_273 = tpu.memref_slice %arg3[%add3A_271] : memref<7471104xi32, #tpu.memory_space<hbm>> -> memref<1024xi32, #tpu.memory_space<hbm>>
          tpu.enqueue_dma source(%dma_start3A_273 : memref<1024xi32, #tpu.memory_space<hbm>>) target(%arg5 : memref<1024xi32, #tpu.memory_space<vmem>>) target_semaphore(%arg10 : memref<!tpu.dma_semaphore, #tpu.memory_space<semaphore_mem>>)
        } else {
        }
        %dma_start3A_139 = arith.constant 0 : i32
        %dma_start3A_140 = tpu.memref_slice %arg6[%dma_start3A_139] : memref<1024xi32, #tpu.memory_space<vmem>> -> memref<512xi32, #tpu.memory_space<vmem>>
        %dma_start3A_141 = arith.constant 0 : i32
        %dma_start3A_142 = tpu.memref_slice %dma_start3A_140[%dma_start3A_141] : memref<512xi32, #tpu.memory_space<vmem>> -> memref<128xi32, #tpu.memory_space<vmem>>
        %dma_start3A_143 = arith.constant 0 : i32
        %dma_start3A_144 = arith.constant 0 : i32
        %dma_start3A_145 = tpu.memref_slice %arg2[%dma_start3A_143, %dma_start3A_144] : memref<356352x32xf32, #tpu.memory_space<hbm>> -> memref<356352x32xf32, #tpu.memory_space<hbm>>
        tpu.enqueue_indirect_dma source(%dma_start3A_145 : memref<356352x32xf32, #tpu.memory_space<hbm>>) target(%arg7 : memref<128x32xf32, #tpu.memory_space<vmem>>) offsets(%dma_start3A_142 : memref<128xi32, #tpu.memory_space<vmem>>) semaphore(%arg12 : memref<!tpu.dma_semaphore, #tpu.memory_space<semaphore_mem>>)
        %dma_wait3A_146 = arith.constant 0 : i32
        %dma_wait3A_147 = tpu.memref_slice %arg6[%dma_wait3A_146] : memref<1024xi32, #tpu.memory_space<vmem>> -> memref<512xi32, #tpu.memory_space<vmem>>
        %dma_wait3A_148 = arith.constant 0 : i32
        %dma_wait3A_149 = tpu.memref_slice %dma_wait3A_147[%dma_wait3A_148] : memref<512xi32, #tpu.memory_space<vmem>> -> memref<128xi32, #tpu.memory_space<vmem>>
        %dma_wait3A_150 = arith.constant 0 : i32
        %dma_wait3A_151 = arith.constant 0 : i32
        %dma_wait3A_152 = tpu.memref_slice %arg2[%dma_wait3A_150, %dma_wait3A_151] : memref<356352x32xf32, #tpu.memory_space<hbm>> -> memref<356352x32xf32, #tpu.memory_space<hbm>>
        tpu.wait_indirect_dma semaphore(%arg12 : memref<!tpu.dma_semaphore, #tpu.memory_space<semaphore_mem>>) src(%dma_wait3A_152 : memref<356352x32xf32, #tpu.memory_space<hbm>>) dst(%arg7 : memref<128x32xf32, #tpu.memory_space<vmem>>)
        %dma_start3A_153 = arith.constant 512 : i32
        %dma_start3A_154 = tpu.memref_slice %arg6[%dma_start3A_153] : memref<1024xi32, #tpu.memory_space<vmem>> -> memref<512xi32, #tpu.memory_space<vmem>>
        %dma_start3A_155 = arith.constant 0 : i32
        %dma_start3A_156 = tpu.memref_slice %dma_start3A_154[%dma_start3A_155] : memref<512xi32, #tpu.memory_space<vmem>> -> memref<128xi32, #tpu.memory_space<vmem>>
        %dma_start3A_157 = arith.constant 0 : i32
        %dma_start3A_158 = arith.constant 0 : i32
        %dma_start3A_159 = tpu.memref_slice %arg9[%dma_start3A_157, %dma_start3A_158] : memref<59408x32xf32, #tpu.memory_space<vmem_shared>> -> memref<59408x32xf32, #tpu.memory_space<vmem_shared>>
        tpu.enqueue_indirect_dma source(%arg7 : memref<128x32xf32, #tpu.memory_space<vmem>>) target(%dma_start3A_159 : memref<59408x32xf32, #tpu.memory_space<vmem_shared>>) offsets(%dma_start3A_156 : memref<128xi32, #tpu.memory_space<vmem>>) semaphore(%arg14 : memref<!tpu.dma_semaphore, #tpu.memory_space<semaphore_mem>>) {add = true}
        %dma_start3A_160 = arith.constant 0 : i32
        %dma_start3A_161 = tpu.memref_slice %arg6[%dma_start3A_160] : memref<1024xi32, #tpu.memory_space<vmem>> -> memref<512xi32, #tpu.memory_space<vmem>>
        %dma_start3A_162 = arith.constant 128 : i32
        %dma_start3A_163 = tpu.memref_slice %dma_start3A_161[%dma_start3A_162] : memref<512xi32, #tpu.memory_space<vmem>> -> memref<128xi32, #tpu.memory_space<vmem>>
        %dma_start3A_164 = arith.constant 0 : i32
        %dma_start3A_165 = arith.constant 0 : i32
        %dma_start3A_166 = tpu.memref_slice %arg2[%dma_start3A_164, %dma_start3A_165] : memref<356352x32xf32, #tpu.memory_space<hbm>> -> memref<356352x32xf32, #tpu.memory_space<hbm>>
        tpu.enqueue_indirect_dma source(%dma_start3A_166 : memref<356352x32xf32, #tpu.memory_space<hbm>>) target(%arg8 : memref<128x32xf32, #tpu.memory_space<vmem>>) offsets(%dma_start3A_163 : memref<128xi32, #tpu.memory_space<vmem>>) semaphore(%arg13 : memref<!tpu.dma_semaphore, #tpu.memory_space<semaphore_mem>>)
        %dma_wait3A_167 = arith.constant 0 : i32
        %dma_wait3A_168 = tpu.memref_slice %arg6[%dma_wait3A_167] : memref<1024xi32, #tpu.memory_space<vmem>> -> memref<512xi32, #tpu.memory_space<vmem>>
        %dma_wait3A_169 = arith.constant 128 : i32
        %dma_wait3A_170 = tpu.memref_slice %dma_wait3A_168[%dma_wait3A_169] : memref<512xi32, #tpu.memory_space<vmem>> -> memref<128xi32, #tpu.memory_space<vmem>>
        %dma_wait3A_171 = arith.constant 0 : i32
        %dma_wait3A_172 = arith.constant 0 : i32
        %dma_wait3A_173 = tpu.memref_slice %arg2[%dma_wait3A_171, %dma_wait3A_172] : memref<356352x32xf32, #tpu.memory_space<hbm>> -> memref<356352x32xf32, #tpu.memory_space<hbm>>
        tpu.wait_indirect_dma semaphore(%arg13 : memref<!tpu.dma_semaphore, #tpu.memory_space<semaphore_mem>>) src(%dma_wait3A_173 : memref<356352x32xf32, #tpu.memory_space<hbm>>) dst(%arg8 : memref<128x32xf32, #tpu.memory_space<vmem>>)
        %dma_start3A_174 = arith.constant 512 : i32
        %dma_start3A_175 = tpu.memref_slice %arg6[%dma_start3A_174] : memref<1024xi32, #tpu.memory_space<vmem>> -> memref<512xi32, #tpu.memory_space<vmem>>
        %dma_start3A_176 = arith.constant 128 : i32
        %dma_start3A_177 = tpu.memref_slice %dma_start3A_175[%dma_start3A_176] : memref<512xi32, #tpu.memory_space<vmem>> -> memref<128xi32, #tpu.memory_space<vmem>>
        %dma_start3A_178 = arith.constant 0 : i32
        %dma_start3A_179 = arith.constant 0 : i32
        %dma_start3A_180 = tpu.memref_slice %arg9[%dma_start3A_178, %dma_start3A_179] : memref<59408x32xf32, #tpu.memory_space<vmem_shared>> -> memref<59408x32xf32, #tpu.memory_space<vmem_shared>>
        tpu.enqueue_indirect_dma source(%arg8 : memref<128x32xf32, #tpu.memory_space<vmem>>) target(%dma_start3A_180 : memref<59408x32xf32, #tpu.memory_space<vmem_shared>>) offsets(%dma_start3A_177 : memref<128xi32, #tpu.memory_space<vmem>>) semaphore(%arg15 : memref<!tpu.dma_semaphore, #tpu.memory_space<semaphore_mem>>) {add = true}
        %dma_wait3A_181 = arith.constant 512 : i32
        %dma_wait3A_182 = tpu.memref_slice %arg6[%dma_wait3A_181] : memref<1024xi32, #tpu.memory_space<vmem>> -> memref<512xi32, #tpu.memory_space<vmem>>
        %dma_wait3A_183 = arith.constant 0 : i32
        %dma_wait3A_184 = tpu.memref_slice %dma_wait3A_182[%dma_wait3A_183] : memref<512xi32, #tpu.memory_space<vmem>> -> memref<128xi32, #tpu.memory_space<vmem>>
        %dma_wait3A_185 = arith.constant 0 : i32
        %dma_wait3A_186 = arith.constant 0 : i32
        %dma_wait3A_187 = tpu.memref_slice %arg9[%dma_wait3A_185, %dma_wait3A_186] : memref<59408x32xf32, #tpu.memory_space<vmem_shared>> -> memref<59408x32xf32, #tpu.memory_space<vmem_shared>>
        tpu.wait_indirect_dma semaphore(%arg14 : memref<!tpu.dma_semaphore, #tpu.memory_space<semaphore_mem>>) src(%arg7 : memref<128x32xf32, #tpu.memory_space<vmem>>) dst(%dma_wait3A_187 : memref<59408x32xf32, #tpu.memory_space<vmem_shared>>)
        %dma_start3A_188 = arith.constant 0 : i32
        %dma_start3A_189 = tpu.memref_slice %arg6[%dma_start3A_188] : memref<1024xi32, #tpu.memory_space<vmem>> -> memref<512xi32, #tpu.memory_space<vmem>>
        %dma_start3A_190 = arith.constant 256 : i32
        %dma_start3A_191 = tpu.memref_slice %dma_start3A_189[%dma_start3A_190] : memref<512xi32, #tpu.memory_space<vmem>> -> memref<128xi32, #tpu.memory_space<vmem>>
        %dma_start3A_192 = arith.constant 0 : i32
        %dma_start3A_193 = arith.constant 0 : i32
        %dma_start3A_194 = tpu.memref_slice %arg2[%dma_start3A_192, %dma_start3A_193] : memref<356352x32xf32, #tpu.memory_space<hbm>> -> memref<356352x32xf32, #tpu.memory_space<hbm>>
        tpu.enqueue_indirect_dma source(%dma_start3A_194 : memref<356352x32xf32, #tpu.memory_space<hbm>>) target(%arg7 : memref<128x32xf32, #tpu.memory_space<vmem>>) offsets(%dma_start3A_191 : memref<128xi32, #tpu.memory_space<vmem>>) semaphore(%arg12 : memref<!tpu.dma_semaphore, #tpu.memory_space<semaphore_mem>>)
        %dma_wait3A_195 = arith.constant 0 : i32
        %dma_wait3A_196 = tpu.memref_slice %arg6[%dma_wait3A_195] : memref<1024xi32, #tpu.memory_space<vmem>> -> memref<512xi32, #tpu.memory_space<vmem>>
        %dma_wait3A_197 = arith.constant 256 : i32
        %dma_wait3A_198 = tpu.memref_slice %dma_wait3A_196[%dma_wait3A_197] : memref<512xi32, #tpu.memory_space<vmem>> -> memref<128xi32, #tpu.memory_space<vmem>>
        %dma_wait3A_199 = arith.constant 0 : i32
        %dma_wait3A_200 = arith.constant 0 : i32
        %dma_wait3A_201 = tpu.memref_slice %arg2[%dma_wait3A_199, %dma_wait3A_200] : memref<356352x32xf32, #tpu.memory_space<hbm>> -> memref<356352x32xf32, #tpu.memory_space<hbm>>
        tpu.wait_indirect_dma semaphore(%arg12 : memref<!tpu.dma_semaphore, #tpu.memory_space<semaphore_mem>>) src(%dma_wait3A_201 : memref<356352x32xf32, #tpu.memory_space<hbm>>) dst(%arg7 : memref<128x32xf32, #tpu.memory_space<vmem>>)
        %dma_start3A_202 = arith.constant 512 : i32
        %dma_start3A_203 = tpu.memref_slice %arg6[%dma_start3A_202] : memref<1024xi32, #tpu.memory_space<vmem>> -> memref<512xi32, #tpu.memory_space<vmem>>
        %dma_start3A_204 = arith.constant 256 : i32
        %dma_start3A_205 = tpu.memref_slice %dma_start3A_203[%dma_start3A_204] : memref<512xi32, #tpu.memory_space<vmem>> -> memref<128xi32, #tpu.memory_space<vmem>>
        %dma_start3A_206 = arith.constant 0 : i32
        %dma_start3A_207 = arith.constant 0 : i32
        %dma_start3A_208 = tpu.memref_slice %arg9[%dma_start3A_206, %dma_start3A_207] : memref<59408x32xf32, #tpu.memory_space<vmem_shared>> -> memref<59408x32xf32, #tpu.memory_space<vmem_shared>>
        tpu.enqueue_indirect_dma source(%arg7 : memref<128x32xf32, #tpu.memory_space<vmem>>) target(%dma_start3A_208 : memref<59408x32xf32, #tpu.memory_space<vmem_shared>>) offsets(%dma_start3A_205 : memref<128xi32, #tpu.memory_space<vmem>>) semaphore(%arg14 : memref<!tpu.dma_semaphore, #tpu.memory_space<semaphore_mem>>) {add = true}
        %dma_wait3A_209 = arith.constant 512 : i32
        %dma_wait3A_210 = tpu.memref_slice %arg6[%dma_wait3A_209] : memref<1024xi32, #tpu.memory_space<vmem>> -> memref<512xi32, #tpu.memory_space<vmem>>
        %dma_wait3A_211 = arith.constant 128 : i32
        %dma_wait3A_212 = tpu.memref_slice %dma_wait3A_210[%dma_wait3A_211] : memref<512xi32, #tpu.memory_space<vmem>> -> memref<128xi32, #tpu.memory_space<vmem>>
        %dma_wait3A_213 = arith.constant 0 : i32
        %dma_wait3A_214 = arith.constant 0 : i32
        %dma_wait3A_215 = tpu.memref_slice %arg9[%dma_wait3A_213, %dma_wait3A_214] : memref<59408x32xf32, #tpu.memory_space<vmem_shared>> -> memref<59408x32xf32, #tpu.memory_space<vmem_shared>>
        tpu.wait_indirect_dma semaphore(%arg15 : memref<!tpu.dma_semaphore, #tpu.memory_space<semaphore_mem>>) src(%arg8 : memref<128x32xf32, #tpu.memory_space<vmem>>) dst(%dma_wait3A_215 : memref<59408x32xf32, #tpu.memory_space<vmem_shared>>)
        %dma_start3A_216 = arith.constant 0 : i32
        %dma_start3A_217 = tpu.memref_slice %arg6[%dma_start3A_216] : memref<1024xi32, #tpu.memory_space<vmem>> -> memref<512xi32, #tpu.memory_space<vmem>>
        %dma_start3A_218 = arith.constant 384 : i32
        %dma_start3A_219 = tpu.memref_slice %dma_start3A_217[%dma_start3A_218] : memref<512xi32, #tpu.memory_space<vmem>> -> memref<128xi32, #tpu.memory_space<vmem>>
        %dma_start3A_220 = arith.constant 0 : i32
        %dma_start3A_221 = arith.constant 0 : i32
        %dma_start3A_222 = tpu.memref_slice %arg2[%dma_start3A_220, %dma_start3A_221] : memref<356352x32xf32, #tpu.memory_space<hbm>> -> memref<356352x32xf32, #tpu.memory_space<hbm>>
        tpu.enqueue_indirect_dma source(%dma_start3A_222 : memref<356352x32xf32, #tpu.memory_space<hbm>>) target(%arg8 : memref<128x32xf32, #tpu.memory_space<vmem>>) offsets(%dma_start3A_219 : memref<128xi32, #tpu.memory_space<vmem>>) semaphore(%arg13 : memref<!tpu.dma_semaphore, #tpu.memory_space<semaphore_mem>>)
        %dma_wait3A_223 = arith.constant 0 : i32
        %dma_wait3A_224 = tpu.memref_slice %arg6[%dma_wait3A_223] : memref<1024xi32, #tpu.memory_space<vmem>> -> memref<512xi32, #tpu.memory_space<vmem>>
        %dma_wait3A_225 = arith.constant 384 : i32
        %dma_wait3A_226 = tpu.memref_slice %dma_wait3A_224[%dma_wait3A_225] : memref<512xi32, #tpu.memory_space<vmem>> -> memref<128xi32, #tpu.memory_space<vmem>>
        %dma_wait3A_227 = arith.constant 0 : i32
        %dma_wait3A_228 = arith.constant 0 : i32
        %dma_wait3A_229 = tpu.memref_slice %arg2[%dma_wait3A_227, %dma_wait3A_228] : memref<356352x32xf32, #tpu.memory_space<hbm>> -> memref<356352x32xf32, #tpu.memory_space<hbm>>
        tpu.wait_indirect_dma semaphore(%arg13 : memref<!tpu.dma_semaphore, #tpu.memory_space<semaphore_mem>>) src(%dma_wait3A_229 : memref<356352x32xf32, #tpu.memory_space<hbm>>) dst(%arg8 : memref<128x32xf32, #tpu.memory_space<vmem>>)
        %dma_start3A_230 = arith.constant 512 : i32
        %dma_start3A_231 = tpu.memref_slice %arg6[%dma_start3A_230] : memref<1024xi32, #tpu.memory_space<vmem>> -> memref<512xi32, #tpu.memory_space<vmem>>
        %dma_start3A_232 = arith.constant 384 : i32
        %dma_start3A_233 = tpu.memref_slice %dma_start3A_231[%dma_start3A_232] : memref<512xi32, #tpu.memory_space<vmem>> -> memref<128xi32, #tpu.memory_space<vmem>>
        %dma_start3A_234 = arith.constant 0 : i32
        %dma_start3A_235 = arith.constant 0 : i32
        %dma_start3A_236 = tpu.memref_slice %arg9[%dma_start3A_234, %dma_start3A_235] : memref<59408x32xf32, #tpu.memory_space<vmem_shared>> -> memref<59408x32xf32, #tpu.memory_space<vmem_shared>>
        tpu.enqueue_indirect_dma source(%arg8 : memref<128x32xf32, #tpu.memory_space<vmem>>) target(%dma_start3A_236 : memref<59408x32xf32, #tpu.memory_space<vmem_shared>>) offsets(%dma_start3A_233 : memref<128xi32, #tpu.memory_space<vmem>>) semaphore(%arg15 : memref<!tpu.dma_semaphore, #tpu.memory_space<semaphore_mem>>) {add = true}
        %dma_wait3A_237 = arith.constant 512 : i32
        %dma_wait3A_238 = tpu.memref_slice %arg6[%dma_wait3A_237] : memref<1024xi32, #tpu.memory_space<vmem>> -> memref<512xi32, #tpu.memory_space<vmem>>
        %dma_wait3A_239 = arith.constant 256 : i32
        %dma_wait3A_240 = tpu.memref_slice %dma_wait3A_238[%dma_wait3A_239] : memref<512xi32, #tpu.memory_space<vmem>> -> memref<128xi32, #tpu.memory_space<vmem>>
        %dma_wait3A_241 = arith.constant 0 : i32
        %dma_wait3A_242 = arith.constant 0 : i32
        %dma_wait3A_243 = tpu.memref_slice %arg9[%dma_wait3A_241, %dma_wait3A_242] : memref<59408x32xf32, #tpu.memory_space<vmem_shared>> -> memref<59408x32xf32, #tpu.memory_space<vmem_shared>>
        tpu.wait_indirect_dma semaphore(%arg14 : memref<!tpu.dma_semaphore, #tpu.memory_space<semaphore_mem>>) src(%arg7 : memref<128x32xf32, #tpu.memory_space<vmem>>) dst(%dma_wait3A_243 : memref<59408x32xf32, #tpu.memory_space<vmem_shared>>)
        %dma_wait3A_244 = arith.constant 512 : i32
        %dma_wait3A_245 = tpu.memref_slice %arg6[%dma_wait3A_244] : memref<1024xi32, #tpu.memory_space<vmem>> -> memref<512xi32, #tpu.memory_space<vmem>>
        %dma_wait3A_246 = arith.constant 384 : i32
        %dma_wait3A_247 = tpu.memref_slice %dma_wait3A_245[%dma_wait3A_246] : memref<512xi32, #tpu.memory_space<vmem>> -> memref<128xi32, #tpu.memory_space<vmem>>
        %dma_wait3A_248 = arith.constant 0 : i32
        %dma_wait3A_249 = arith.constant 0 : i32
        %dma_wait3A_250 = tpu.memref_slice %arg9[%dma_wait3A_248, %dma_wait3A_249] : memref<59408x32xf32, #tpu.memory_space<vmem_shared>> -> memref<59408x32xf32, #tpu.memory_space<vmem_shared>>
        tpu.wait_indirect_dma semaphore(%arg15 : memref<!tpu.dma_semaphore, #tpu.memory_space<semaphore_mem>>) src(%arg8 : memref<128x32xf32, #tpu.memory_space<vmem>>) dst(%dma_wait3A_250 : memref<59408x32xf32, #tpu.memory_space<vmem_shared>>)
        %add3A_251 = arith.constant 1 : i32
        %add3A_252 = arith.addi %scan3A_122, %add3A_251 : i32
        %lt3A_253 = arith.constant 76 : i32
        %lt3A_254 = arith.cmpi slt, %add3A_252, %lt3A_253 : i32
        %convert_element_type3A_255 = arith.extui %lt3A_254 : i1 to i32
        %cond3A_256 = arith.constant 0 : i32
        %cond3A_257 = arith.cmpi ne, %convert_element_type3A_255, %cond3A_256 : i32
        scf.if %cond3A_257 {
          %dma_wait3A_258 = arith.constant 0 : i32
          %dma_wait3A_259 = tpu.memref_slice %arg3[%dma_wait3A_258] : memref<7471104xi32, #tpu.memory_space<hbm>> -> memref<1024xi32, #tpu.memory_space<hbm>>
          %dma_wait3A_260 = arith.constant 0 : i32
          %dma_wait3A_261 = tpu.memref_slice %arg3[%dma_wait3A_260] : memref<7471104xi32, #tpu.memory_space<hbm>> -> memref<1024xi32, #tpu.memory_space<hbm>>
          tpu.wait_dma2 semaphore(%arg10 : memref<!tpu.dma_semaphore, #tpu.memory_space<semaphore_mem>>) src(%dma_wait3A_261 : memref<1024xi32, #tpu.memory_space<hbm>>) dst(%arg5 : memref<1024xi32, #tpu.memory_space<vmem>>)
        } else {
        }
      } else {
      }
      %scan3A_132 = arith.constant 0 : i32
      scf.yield %scan3A_132 : i32
    }
    %scan3A_72 = arith.constant 76 : i32
    %barrier3A_73 = arith.constant 0 : index
    tpu.barrier barrier_id(%barrier3A_73)
    %mul3A_74 = arith.constant 3712 : i32
    %mul3A_75 = arith.muli %arg1, %mul3A_74 : i32
    %mul3A_76 = arith.constant 3712 : i32
    %mul3A_77 = arith.muli %arg1, %mul3A_76 : i32
    %add3A_78 = arith.addi %mul3A_42, %mul3A_77 : i32
    "tpu.region"() ({
      %run_scoped3A = tpu.sem_alloc : memref<!tpu.dma_semaphore, #tpu.memory_space<semaphore_mem>>
      %dma_start3A_122 = arith.constant 0 : i32
      %dma_start3A_123 = tpu.memref_slice %arg4[%add3A_78, %dma_start3A_122] : memref<356352x32xf32, #tpu.memory_space<hbm>> -> memref<3712x32xf32, #tpu.memory_space<hbm>>
      %dma_start3A_124 = arith.constant 0 : i32
      %dma_start3A_125 = tpu.memref_slice %arg9[%mul3A_75, %dma_start3A_124] : memref<59408x32xf32, #tpu.memory_space<vmem_shared>> -> memref<3712x32xf32, #tpu.memory_space<vmem_shared>>
      tpu.enqueue_dma source(%dma_start3A_125 : memref<3712x32xf32, #tpu.memory_space<vmem_shared>>) target(%dma_start3A_123 : memref<3712x32xf32, #tpu.memory_space<hbm>>) target_semaphore(%run_scoped3A : memref<!tpu.dma_semaphore, #tpu.memory_space<semaphore_mem>>)
      %dma_wait3A_126 = arith.constant 0 : i32
      %dma_wait3A_127 = tpu.memref_slice %arg4[%add3A_78, %dma_wait3A_126] : memref<356352x32xf32, #tpu.memory_space<hbm>> -> memref<3712x32xf32, #tpu.memory_space<hbm>>
      %dma_wait3A_128 = arith.constant 0 : i32
      %dma_wait3A_129 = tpu.memref_slice %arg9[%mul3A_75, %dma_wait3A_128] : memref<59408x32xf32, #tpu.memory_space<vmem_shared>> -> memref<3712x32xf32, #tpu.memory_space<vmem_shared>>
      tpu.wait_dma2 semaphore(%run_scoped3A : memref<!tpu.dma_semaphore, #tpu.memory_space<semaphore_mem>>) src(%dma_wait3A_129 : memref<3712x32xf32, #tpu.memory_space<vmem_shared>>) dst(%dma_wait3A_127 : memref<3712x32xf32, #tpu.memory_space<hbm>>)
      tpu.yield
    }) : () -> ()
    %barrier3A_79 = arith.constant 0 : index
    tpu.barrier barrier_id(%barrier3A_79)
    %mul3A_80 = arith.constant 3 : i32
    %mul3A_81 = arith.muli %mul3A_80, %arg0 : i32
    %add3A_82 = arith.constant 2 : i32
    %add3A_83 = arith.addi %mul3A_81, %add3A_82 : i32
    %mul3A_84 = arith.constant 59392 : i32
    %mul3A_85 = arith.muli %add3A_83, %mul3A_84 : i32
    %mul3A_86 = arith.constant 3712 : i32
    %mul3A_87 = arith.muli %arg1, %mul3A_86 : i32
    %add3A_88 = arith.addi %mul3A_85, %mul3A_87 : i32
    %mul3A_89 = arith.constant 3712 : i32
    %mul3A_90 = arith.muli %arg1, %mul3A_89 : i32
    "tpu.region"() ({
      %run_scoped3A = tpu.sem_alloc : memref<!tpu.dma_semaphore, #tpu.memory_space<semaphore_mem>>
      %dma_start3A_122 = arith.constant 0 : i32
      %dma_start3A_123 = tpu.memref_slice %arg9[%mul3A_90, %dma_start3A_122] : memref<59408x32xf32, #tpu.memory_space<vmem_shared>> -> memref<3712x32xf32, #tpu.memory_space<vmem_shared>>
      %dma_start3A_124 = arith.constant 0 : i32
      %dma_start3A_125 = tpu.memref_slice %arg2[%add3A_88, %dma_start3A_124] : memref<356352x32xf32, #tpu.memory_space<hbm>> -> memref<3712x32xf32, #tpu.memory_space<hbm>>
      tpu.enqueue_dma source(%dma_start3A_125 : memref<3712x32xf32, #tpu.memory_space<hbm>>) target(%dma_start3A_123 : memref<3712x32xf32, #tpu.memory_space<vmem_shared>>) target_semaphore(%run_scoped3A : memref<!tpu.dma_semaphore, #tpu.memory_space<semaphore_mem>>)
      %dma_wait3A_126 = arith.constant 0 : i32
      %dma_wait3A_127 = tpu.memref_slice %arg9[%mul3A_90, %dma_wait3A_126] : memref<59408x32xf32, #tpu.memory_space<vmem_shared>> -> memref<3712x32xf32, #tpu.memory_space<vmem_shared>>
      %dma_wait3A_128 = arith.constant 0 : i32
      %dma_wait3A_129 = tpu.memref_slice %arg2[%add3A_88, %dma_wait3A_128] : memref<356352x32xf32, #tpu.memory_space<hbm>> -> memref<3712x32xf32, #tpu.memory_space<hbm>>
      tpu.wait_dma2 semaphore(%run_scoped3A : memref<!tpu.dma_semaphore, #tpu.memory_space<semaphore_mem>>) src(%dma_wait3A_129 : memref<3712x32xf32, #tpu.memory_space<hbm>>) dst(%dma_wait3A_127 : memref<3712x32xf32, #tpu.memory_space<vmem_shared>>)
      tpu.yield
    }) : () -> ()
    %mul3A_91 = arith.constant 3 : i32
    %mul3A_92 = arith.muli %mul3A_91, %arg0 : i32
    %add3A_93 = arith.constant 2 : i32
    %add3A_94 = arith.addi %mul3A_92, %add3A_93 : i32
    %mul3A_95 = arith.constant 1245184 : i32
    %mul3A_96 = arith.muli %add3A_94, %mul3A_95 : i32
    %mul3A_97 = arith.constant 76 : i32
    %mul3A_98 = arith.muli %arg1, %mul3A_97 : i32
    %add3A_99 = arith.constant 0 : i32
    %add3A_100 = arith.addi %mul3A_98, %add3A_99 : i32
    %mul3A_101 = arith.constant 1024 : i32
    %mul3A_102 = arith.muli %add3A_100, %mul3A_101 : i32
    %add3A_103 = arith.addi %mul3A_96, %mul3A_102 : i32
    %dma_start3A_104 = tpu.memref_slice %arg3[%add3A_103] : memref<7471104xi32, #tpu.memory_space<hbm>> -> memref<1024xi32, #tpu.memory_space<hbm>>
    %dma_start3A_105 = tpu.memref_slice %arg3[%add3A_103] : memref<7471104xi32, #tpu.memory_space<hbm>> -> memref<1024xi32, #tpu.memory_space<hbm>>
    tpu.enqueue_dma source(%dma_start3A_105 : memref<1024xi32, #tpu.memory_space<hbm>>) target(%arg5 : memref<1024xi32, #tpu.memory_space<vmem>>) target_semaphore(%arg10 : memref<!tpu.dma_semaphore, #tpu.memory_space<semaphore_mem>>)
    %dma_wait3A_106 = tpu.memref_slice %arg3[%add3A_103] : memref<7471104xi32, #tpu.memory_space<hbm>> -> memref<1024xi32, #tpu.memory_space<hbm>>
    %dma_wait3A_107 = tpu.memref_slice %arg3[%add3A_103] : memref<7471104xi32, #tpu.memory_space<hbm>> -> memref<1024xi32, #tpu.memory_space<hbm>>
    tpu.wait_dma2 semaphore(%arg10 : memref<!tpu.dma_semaphore, #tpu.memory_space<semaphore_mem>>) src(%dma_wait3A_107 : memref<1024xi32, #tpu.memory_space<hbm>>) dst(%arg5 : memref<1024xi32, #tpu.memory_space<vmem>>)
    %barrier3A_108 = arith.constant 0 : index
    tpu.barrier barrier_id(%barrier3A_108)
    %scan3A_109 = arith.constant 0 : i32
    %scan3A_110 = arith.constant 0 : i32
    %scan3A_111 = arith.constant 76 : i32
    %scan3A_112 = arith.addi %scan3A_110, %scan3A_111 : i32
    %scan3A_113 = arith.constant 1 : i32
    %scan3A_114 = scf.for %scan3A_122 = %scan3A_110 to %scan3A_112 step %scan3A_113 iter_args(%scan3A_123 = %scan3A_109) -> (i32)  : i32 {
      %rem3A = arith.constant 2 : i32
      %rem3A_124 = arith.remsi %scan3A_122, %rem3A : i32
      %eq3A = arith.constant 0 : i32
      %eq3A_125 = arith.cmpi eq, %rem3A_124, %eq3A : i32
      %convert_element_type3A = arith.extui %eq3A_125 : i1 to i32
      %cond3A = arith.constant 0 : i32
      %cond3A_126 = arith.cmpi ne, %convert_element_type3A, %cond3A : i32
      scf.if %cond3A_126 {
        %add3A_133 = arith.constant 1 : i32
        %add3A_134 = arith.addi %scan3A_122, %add3A_133 : i32
        %lt3A = arith.constant 76 : i32
        %lt3A_135 = arith.cmpi slt, %add3A_134, %lt3A : i32
        %convert_element_type3A_136 = arith.extui %lt3A_135 : i1 to i32
        %cond3A_137 = arith.constant 0 : i32
        %cond3A_138 = arith.cmpi ne, %convert_element_type3A_136, %cond3A_137 : i32
        scf.if %cond3A_138 {
          %add3A_258 = arith.constant 1 : i32
          %add3A_259 = arith.addi %scan3A_122, %add3A_258 : i32
          %mul3A_260 = arith.constant 3 : i32
          %mul3A_261 = arith.muli %mul3A_260, %arg0 : i32
          %add3A_262 = arith.constant 2 : i32
          %add3A_263 = arith.addi %mul3A_261, %add3A_262 : i32
          %mul3A_264 = arith.constant 1245184 : i32
          %mul3A_265 = arith.muli %add3A_263, %mul3A_264 : i32
          %mul3A_266 = arith.constant 76 : i32
          %mul3A_267 = arith.muli %arg1, %mul3A_266 : i32
          %add3A_268 = arith.addi %mul3A_267, %add3A_259 : i32
          %mul3A_269 = arith.constant 1024 : i32
          %mul3A_270 = arith.muli %add3A_268, %mul3A_269 : i32
          %add3A_271 = arith.addi %mul3A_265, %mul3A_270 : i32
          %dma_start3A_272 = tpu.memref_slice %arg3[%add3A_271] : memref<7471104xi32, #tpu.memory_space<hbm>> -> memref<1024xi32, #tpu.memory_space<hbm>>
          %dma_start3A_273 = tpu.memref_slice %arg3[%add3A_271] : memref<7471104xi32, #tpu.memory_space<hbm>> -> memref<1024xi32, #tpu.memory_space<hbm>>
          tpu.enqueue_dma source(%dma_start3A_273 : memref<1024xi32, #tpu.memory_space<hbm>>) target(%arg6 : memref<1024xi32, #tpu.memory_space<vmem>>) target_semaphore(%arg11 : memref<!tpu.dma_semaphore, #tpu.memory_space<semaphore_mem>>)
        } else {
        }
        %dma_start3A_139 = arith.constant 0 : i32
        %dma_start3A_140 = tpu.memref_slice %arg5[%dma_start3A_139] : memref<1024xi32, #tpu.memory_space<vmem>> -> memref<512xi32, #tpu.memory_space<vmem>>
        %dma_start3A_141 = arith.constant 0 : i32
        %dma_start3A_142 = tpu.memref_slice %dma_start3A_140[%dma_start3A_141] : memref<512xi32, #tpu.memory_space<vmem>> -> memref<128xi32, #tpu.memory_space<vmem>>
        %dma_start3A_143 = arith.constant 0 : i32
        %dma_start3A_144 = arith.constant 0 : i32
        %dma_start3A_145 = tpu.memref_slice %arg2[%dma_start3A_143, %dma_start3A_144] : memref<356352x32xf32, #tpu.memory_space<hbm>> -> memref<356352x32xf32, #tpu.memory_space<hbm>>
        tpu.enqueue_indirect_dma source(%dma_start3A_145 : memref<356352x32xf32, #tpu.memory_space<hbm>>) target(%arg7 : memref<128x32xf32, #tpu.memory_space<vmem>>) offsets(%dma_start3A_142 : memref<128xi32, #tpu.memory_space<vmem>>) semaphore(%arg12 : memref<!tpu.dma_semaphore, #tpu.memory_space<semaphore_mem>>)
        %dma_wait3A_146 = arith.constant 0 : i32
        %dma_wait3A_147 = tpu.memref_slice %arg5[%dma_wait3A_146] : memref<1024xi32, #tpu.memory_space<vmem>> -> memref<512xi32, #tpu.memory_space<vmem>>
        %dma_wait3A_148 = arith.constant 0 : i32
        %dma_wait3A_149 = tpu.memref_slice %dma_wait3A_147[%dma_wait3A_148] : memref<512xi32, #tpu.memory_space<vmem>> -> memref<128xi32, #tpu.memory_space<vmem>>
        %dma_wait3A_150 = arith.constant 0 : i32
        %dma_wait3A_151 = arith.constant 0 : i32
        %dma_wait3A_152 = tpu.memref_slice %arg2[%dma_wait3A_150, %dma_wait3A_151] : memref<356352x32xf32, #tpu.memory_space<hbm>> -> memref<356352x32xf32, #tpu.memory_space<hbm>>
        tpu.wait_indirect_dma semaphore(%arg12 : memref<!tpu.dma_semaphore, #tpu.memory_space<semaphore_mem>>) src(%dma_wait3A_152 : memref<356352x32xf32, #tpu.memory_space<hbm>>) dst(%arg7 : memref<128x32xf32, #tpu.memory_space<vmem>>)
        %dma_start3A_153 = arith.constant 512 : i32
        %dma_start3A_154 = tpu.memref_slice %arg5[%dma_start3A_153] : memref<1024xi32, #tpu.memory_space<vmem>> -> memref<512xi32, #tpu.memory_space<vmem>>
        %dma_start3A_155 = arith.constant 0 : i32
        %dma_start3A_156 = tpu.memref_slice %dma_start3A_154[%dma_start3A_155] : memref<512xi32, #tpu.memory_space<vmem>> -> memref<128xi32, #tpu.memory_space<vmem>>
        %dma_start3A_157 = arith.constant 0 : i32
        %dma_start3A_158 = arith.constant 0 : i32
        %dma_start3A_159 = tpu.memref_slice %arg9[%dma_start3A_157, %dma_start3A_158] : memref<59408x32xf32, #tpu.memory_space<vmem_shared>> -> memref<59408x32xf32, #tpu.memory_space<vmem_shared>>
        tpu.enqueue_indirect_dma source(%arg7 : memref<128x32xf32, #tpu.memory_space<vmem>>) target(%dma_start3A_159 : memref<59408x32xf32, #tpu.memory_space<vmem_shared>>) offsets(%dma_start3A_156 : memref<128xi32, #tpu.memory_space<vmem>>) semaphore(%arg14 : memref<!tpu.dma_semaphore, #tpu.memory_space<semaphore_mem>>) {add = true}
        %dma_start3A_160 = arith.constant 0 : i32
        %dma_start3A_161 = tpu.memref_slice %arg5[%dma_start3A_160] : memref<1024xi32, #tpu.memory_space<vmem>> -> memref<512xi32, #tpu.memory_space<vmem>>
        %dma_start3A_162 = arith.constant 128 : i32
        %dma_start3A_163 = tpu.memref_slice %dma_start3A_161[%dma_start3A_162] : memref<512xi32, #tpu.memory_space<vmem>> -> memref<128xi32, #tpu.memory_space<vmem>>
        %dma_start3A_164 = arith.constant 0 : i32
        %dma_start3A_165 = arith.constant 0 : i32
        %dma_start3A_166 = tpu.memref_slice %arg2[%dma_start3A_164, %dma_start3A_165] : memref<356352x32xf32, #tpu.memory_space<hbm>> -> memref<356352x32xf32, #tpu.memory_space<hbm>>
        tpu.enqueue_indirect_dma source(%dma_start3A_166 : memref<356352x32xf32, #tpu.memory_space<hbm>>) target(%arg8 : memref<128x32xf32, #tpu.memory_space<vmem>>) offsets(%dma_start3A_163 : memref<128xi32, #tpu.memory_space<vmem>>) semaphore(%arg13 : memref<!tpu.dma_semaphore, #tpu.memory_space<semaphore_mem>>)
        %dma_wait3A_167 = arith.constant 0 : i32
        %dma_wait3A_168 = tpu.memref_slice %arg5[%dma_wait3A_167] : memref<1024xi32, #tpu.memory_space<vmem>> -> memref<512xi32, #tpu.memory_space<vmem>>
        %dma_wait3A_169 = arith.constant 128 : i32
        %dma_wait3A_170 = tpu.memref_slice %dma_wait3A_168[%dma_wait3A_169] : memref<512xi32, #tpu.memory_space<vmem>> -> memref<128xi32, #tpu.memory_space<vmem>>
        %dma_wait3A_171 = arith.constant 0 : i32
        %dma_wait3A_172 = arith.constant 0 : i32
        %dma_wait3A_173 = tpu.memref_slice %arg2[%dma_wait3A_171, %dma_wait3A_172] : memref<356352x32xf32, #tpu.memory_space<hbm>> -> memref<356352x32xf32, #tpu.memory_space<hbm>>
        tpu.wait_indirect_dma semaphore(%arg13 : memref<!tpu.dma_semaphore, #tpu.memory_space<semaphore_mem>>) src(%dma_wait3A_173 : memref<356352x32xf32, #tpu.memory_space<hbm>>) dst(%arg8 : memref<128x32xf32, #tpu.memory_space<vmem>>)
        %dma_start3A_174 = arith.constant 512 : i32
        %dma_start3A_175 = tpu.memref_slice %arg5[%dma_start3A_174] : memref<1024xi32, #tpu.memory_space<vmem>> -> memref<512xi32, #tpu.memory_space<vmem>>
        %dma_start3A_176 = arith.constant 128 : i32
        %dma_start3A_177 = tpu.memref_slice %dma_start3A_175[%dma_start3A_176] : memref<512xi32, #tpu.memory_space<vmem>> -> memref<128xi32, #tpu.memory_space<vmem>>
        %dma_start3A_178 = arith.constant 0 : i32
        %dma_start3A_179 = arith.constant 0 : i32
        %dma_start3A_180 = tpu.memref_slice %arg9[%dma_start3A_178, %dma_start3A_179] : memref<59408x32xf32, #tpu.memory_space<vmem_shared>> -> memref<59408x32xf32, #tpu.memory_space<vmem_shared>>
        tpu.enqueue_indirect_dma source(%arg8 : memref<128x32xf32, #tpu.memory_space<vmem>>) target(%dma_start3A_180 : memref<59408x32xf32, #tpu.memory_space<vmem_shared>>) offsets(%dma_start3A_177 : memref<128xi32, #tpu.memory_space<vmem>>) semaphore(%arg15 : memref<!tpu.dma_semaphore, #tpu.memory_space<semaphore_mem>>) {add = true}
        %dma_wait3A_181 = arith.constant 512 : i32
        %dma_wait3A_182 = tpu.memref_slice %arg5[%dma_wait3A_181] : memref<1024xi32, #tpu.memory_space<vmem>> -> memref<512xi32, #tpu.memory_space<vmem>>
        %dma_wait3A_183 = arith.constant 0 : i32
        %dma_wait3A_184 = tpu.memref_slice %dma_wait3A_182[%dma_wait3A_183] : memref<512xi32, #tpu.memory_space<vmem>> -> memref<128xi32, #tpu.memory_space<vmem>>
        %dma_wait3A_185 = arith.constant 0 : i32
        %dma_wait3A_186 = arith.constant 0 : i32
        %dma_wait3A_187 = tpu.memref_slice %arg9[%dma_wait3A_185, %dma_wait3A_186] : memref<59408x32xf32, #tpu.memory_space<vmem_shared>> -> memref<59408x32xf32, #tpu.memory_space<vmem_shared>>
        tpu.wait_indirect_dma semaphore(%arg14 : memref<!tpu.dma_semaphore, #tpu.memory_space<semaphore_mem>>) src(%arg7 : memref<128x32xf32, #tpu.memory_space<vmem>>) dst(%dma_wait3A_187 : memref<59408x32xf32, #tpu.memory_space<vmem_shared>>)
        %dma_start3A_188 = arith.constant 0 : i32
        %dma_start3A_189 = tpu.memref_slice %arg5[%dma_start3A_188] : memref<1024xi32, #tpu.memory_space<vmem>> -> memref<512xi32, #tpu.memory_space<vmem>>
        %dma_start3A_190 = arith.constant 256 : i32
        %dma_start3A_191 = tpu.memref_slice %dma_start3A_189[%dma_start3A_190] : memref<512xi32, #tpu.memory_space<vmem>> -> memref<128xi32, #tpu.memory_space<vmem>>
        %dma_start3A_192 = arith.constant 0 : i32
        %dma_start3A_193 = arith.constant 0 : i32
        %dma_start3A_194 = tpu.memref_slice %arg2[%dma_start3A_192, %dma_start3A_193] : memref<356352x32xf32, #tpu.memory_space<hbm>> -> memref<356352x32xf32, #tpu.memory_space<hbm>>
        tpu.enqueue_indirect_dma source(%dma_start3A_194 : memref<356352x32xf32, #tpu.memory_space<hbm>>) target(%arg7 : memref<128x32xf32, #tpu.memory_space<vmem>>) offsets(%dma_start3A_191 : memref<128xi32, #tpu.memory_space<vmem>>) semaphore(%arg12 : memref<!tpu.dma_semaphore, #tpu.memory_space<semaphore_mem>>)
        %dma_wait3A_195 = arith.constant 0 : i32
        %dma_wait3A_196 = tpu.memref_slice %arg5[%dma_wait3A_195] : memref<1024xi32, #tpu.memory_space<vmem>> -> memref<512xi32, #tpu.memory_space<vmem>>
        %dma_wait3A_197 = arith.constant 256 : i32
        %dma_wait3A_198 = tpu.memref_slice %dma_wait3A_196[%dma_wait3A_197] : memref<512xi32, #tpu.memory_space<vmem>> -> memref<128xi32, #tpu.memory_space<vmem>>
        %dma_wait3A_199 = arith.constant 0 : i32
        %dma_wait3A_200 = arith.constant 0 : i32
        %dma_wait3A_201 = tpu.memref_slice %arg2[%dma_wait3A_199, %dma_wait3A_200] : memref<356352x32xf32, #tpu.memory_space<hbm>> -> memref<356352x32xf32, #tpu.memory_space<hbm>>
        tpu.wait_indirect_dma semaphore(%arg12 : memref<!tpu.dma_semaphore, #tpu.memory_space<semaphore_mem>>) src(%dma_wait3A_201 : memref<356352x32xf32, #tpu.memory_space<hbm>>) dst(%arg7 : memref<128x32xf32, #tpu.memory_space<vmem>>)
        %dma_start3A_202 = arith.constant 512 : i32
        %dma_start3A_203 = tpu.memref_slice %arg5[%dma_start3A_202] : memref<1024xi32, #tpu.memory_space<vmem>> -> memref<512xi32, #tpu.memory_space<vmem>>
        %dma_start3A_204 = arith.constant 256 : i32
        %dma_start3A_205 = tpu.memref_slice %dma_start3A_203[%dma_start3A_204] : memref<512xi32, #tpu.memory_space<vmem>> -> memref<128xi32, #tpu.memory_space<vmem>>
        %dma_start3A_206 = arith.constant 0 : i32
        %dma_start3A_207 = arith.constant 0 : i32
        %dma_start3A_208 = tpu.memref_slice %arg9[%dma_start3A_206, %dma_start3A_207] : memref<59408x32xf32, #tpu.memory_space<vmem_shared>> -> memref<59408x32xf32, #tpu.memory_space<vmem_shared>>
        tpu.enqueue_indirect_dma source(%arg7 : memref<128x32xf32, #tpu.memory_space<vmem>>) target(%dma_start3A_208 : memref<59408x32xf32, #tpu.memory_space<vmem_shared>>) offsets(%dma_start3A_205 : memref<128xi32, #tpu.memory_space<vmem>>) semaphore(%arg14 : memref<!tpu.dma_semaphore, #tpu.memory_space<semaphore_mem>>) {add = true}
        %dma_wait3A_209 = arith.constant 512 : i32
        %dma_wait3A_210 = tpu.memref_slice %arg5[%dma_wait3A_209] : memref<1024xi32, #tpu.memory_space<vmem>> -> memref<512xi32, #tpu.memory_space<vmem>>
        %dma_wait3A_211 = arith.constant 128 : i32
        %dma_wait3A_212 = tpu.memref_slice %dma_wait3A_210[%dma_wait3A_211] : memref<512xi32, #tpu.memory_space<vmem>> -> memref<128xi32, #tpu.memory_space<vmem>>
        %dma_wait3A_213 = arith.constant 0 : i32
        %dma_wait3A_214 = arith.constant 0 : i32
        %dma_wait3A_215 = tpu.memref_slice %arg9[%dma_wait3A_213, %dma_wait3A_214] : memref<59408x32xf32, #tpu.memory_space<vmem_shared>> -> memref<59408x32xf32, #tpu.memory_space<vmem_shared>>
        tpu.wait_indirect_dma semaphore(%arg15 : memref<!tpu.dma_semaphore, #tpu.memory_space<semaphore_mem>>) src(%arg8 : memref<128x32xf32, #tpu.memory_space<vmem>>) dst(%dma_wait3A_215 : memref<59408x32xf32, #tpu.memory_space<vmem_shared>>)
        %dma_start3A_216 = arith.constant 0 : i32
        %dma_start3A_217 = tpu.memref_slice %arg5[%dma_start3A_216] : memref<1024xi32, #tpu.memory_space<vmem>> -> memref<512xi32, #tpu.memory_space<vmem>>
        %dma_start3A_218 = arith.constant 384 : i32
        %dma_start3A_219 = tpu.memref_slice %dma_start3A_217[%dma_start3A_218] : memref<512xi32, #tpu.memory_space<vmem>> -> memref<128xi32, #tpu.memory_space<vmem>>
        %dma_start3A_220 = arith.constant 0 : i32
        %dma_start3A_221 = arith.constant 0 : i32
        %dma_start3A_222 = tpu.memref_slice %arg2[%dma_start3A_220, %dma_start3A_221] : memref<356352x32xf32, #tpu.memory_space<hbm>> -> memref<356352x32xf32, #tpu.memory_space<hbm>>
        tpu.enqueue_indirect_dma source(%dma_start3A_222 : memref<356352x32xf32, #tpu.memory_space<hbm>>) target(%arg8 : memref<128x32xf32, #tpu.memory_space<vmem>>) offsets(%dma_start3A_219 : memref<128xi32, #tpu.memory_space<vmem>>) semaphore(%arg13 : memref<!tpu.dma_semaphore, #tpu.memory_space<semaphore_mem>>)
        %dma_wait3A_223 = arith.constant 0 : i32
        %dma_wait3A_224 = tpu.memref_slice %arg5[%dma_wait3A_223] : memref<1024xi32, #tpu.memory_space<vmem>> -> memref<512xi32, #tpu.memory_space<vmem>>
        %dma_wait3A_225 = arith.constant 384 : i32
        %dma_wait3A_226 = tpu.memref_slice %dma_wait3A_224[%dma_wait3A_225] : memref<512xi32, #tpu.memory_space<vmem>> -> memref<128xi32, #tpu.memory_space<vmem>>
        %dma_wait3A_227 = arith.constant 0 : i32
        %dma_wait3A_228 = arith.constant 0 : i32
        %dma_wait3A_229 = tpu.memref_slice %arg2[%dma_wait3A_227, %dma_wait3A_228] : memref<356352x32xf32, #tpu.memory_space<hbm>> -> memref<356352x32xf32, #tpu.memory_space<hbm>>
        tpu.wait_indirect_dma semaphore(%arg13 : memref<!tpu.dma_semaphore, #tpu.memory_space<semaphore_mem>>) src(%dma_wait3A_229 : memref<356352x32xf32, #tpu.memory_space<hbm>>) dst(%arg8 : memref<128x32xf32, #tpu.memory_space<vmem>>)
        %dma_start3A_230 = arith.constant 512 : i32
        %dma_start3A_231 = tpu.memref_slice %arg5[%dma_start3A_230] : memref<1024xi32, #tpu.memory_space<vmem>> -> memref<512xi32, #tpu.memory_space<vmem>>
        %dma_start3A_232 = arith.constant 384 : i32
        %dma_start3A_233 = tpu.memref_slice %dma_start3A_231[%dma_start3A_232] : memref<512xi32, #tpu.memory_space<vmem>> -> memref<128xi32, #tpu.memory_space<vmem>>
        %dma_start3A_234 = arith.constant 0 : i32
        %dma_start3A_235 = arith.constant 0 : i32
        %dma_start3A_236 = tpu.memref_slice %arg9[%dma_start3A_234, %dma_start3A_235] : memref<59408x32xf32, #tpu.memory_space<vmem_shared>> -> memref<59408x32xf32, #tpu.memory_space<vmem_shared>>
        tpu.enqueue_indirect_dma source(%arg8 : memref<128x32xf32, #tpu.memory_space<vmem>>) target(%dma_start3A_236 : memref<59408x32xf32, #tpu.memory_space<vmem_shared>>) offsets(%dma_start3A_233 : memref<128xi32, #tpu.memory_space<vmem>>) semaphore(%arg15 : memref<!tpu.dma_semaphore, #tpu.memory_space<semaphore_mem>>) {add = true}
        %dma_wait3A_237 = arith.constant 512 : i32
        %dma_wait3A_238 = tpu.memref_slice %arg5[%dma_wait3A_237] : memref<1024xi32, #tpu.memory_space<vmem>> -> memref<512xi32, #tpu.memory_space<vmem>>
        %dma_wait3A_239 = arith.constant 256 : i32
        %dma_wait3A_240 = tpu.memref_slice %dma_wait3A_238[%dma_wait3A_239] : memref<512xi32, #tpu.memory_space<vmem>> -> memref<128xi32, #tpu.memory_space<vmem>>
        %dma_wait3A_241 = arith.constant 0 : i32
        %dma_wait3A_242 = arith.constant 0 : i32
        %dma_wait3A_243 = tpu.memref_slice %arg9[%dma_wait3A_241, %dma_wait3A_242] : memref<59408x32xf32, #tpu.memory_space<vmem_shared>> -> memref<59408x32xf32, #tpu.memory_space<vmem_shared>>
        tpu.wait_indirect_dma semaphore(%arg14 : memref<!tpu.dma_semaphore, #tpu.memory_space<semaphore_mem>>) src(%arg7 : memref<128x32xf32, #tpu.memory_space<vmem>>) dst(%dma_wait3A_243 : memref<59408x32xf32, #tpu.memory_space<vmem_shared>>)
        %dma_wait3A_244 = arith.constant 512 : i32
        %dma_wait3A_245 = tpu.memref_slice %arg5[%dma_wait3A_244] : memref<1024xi32, #tpu.memory_space<vmem>> -> memref<512xi32, #tpu.memory_space<vmem>>
        %dma_wait3A_246 = arith.constant 384 : i32
        %dma_wait3A_247 = tpu.memref_slice %dma_wait3A_245[%dma_wait3A_246] : memref<512xi32, #tpu.memory_space<vmem>> -> memref<128xi32, #tpu.memory_space<vmem>>
        %dma_wait3A_248 = arith.constant 0 : i32
        %dma_wait3A_249 = arith.constant 0 : i32
        %dma_wait3A_250 = tpu.memref_slice %arg9[%dma_wait3A_248, %dma_wait3A_249] : memref<59408x32xf32, #tpu.memory_space<vmem_shared>> -> memref<59408x32xf32, #tpu.memory_space<vmem_shared>>
        tpu.wait_indirect_dma semaphore(%arg15 : memref<!tpu.dma_semaphore, #tpu.memory_space<semaphore_mem>>) src(%arg8 : memref<128x32xf32, #tpu.memory_space<vmem>>) dst(%dma_wait3A_250 : memref<59408x32xf32, #tpu.memory_space<vmem_shared>>)
        %add3A_251 = arith.constant 1 : i32
        %add3A_252 = arith.addi %scan3A_122, %add3A_251 : i32
        %lt3A_253 = arith.constant 76 : i32
        %lt3A_254 = arith.cmpi slt, %add3A_252, %lt3A_253 : i32
        %convert_element_type3A_255 = arith.extui %lt3A_254 : i1 to i32
        %cond3A_256 = arith.constant 0 : i32
        %cond3A_257 = arith.cmpi ne, %convert_element_type3A_255, %cond3A_256 : i32
        scf.if %cond3A_257 {
          %dma_wait3A_258 = arith.constant 0 : i32
          %dma_wait3A_259 = tpu.memref_slice %arg3[%dma_wait3A_258] : memref<7471104xi32, #tpu.memory_space<hbm>> -> memref<1024xi32, #tpu.memory_space<hbm>>
          %dma_wait3A_260 = arith.constant 0 : i32
          %dma_wait3A_261 = tpu.memref_slice %arg3[%dma_wait3A_260] : memref<7471104xi32, #tpu.memory_space<hbm>> -> memref<1024xi32, #tpu.memory_space<hbm>>
          tpu.wait_dma2 semaphore(%arg11 : memref<!tpu.dma_semaphore, #tpu.memory_space<semaphore_mem>>) src(%dma_wait3A_261 : memref<1024xi32, #tpu.memory_space<hbm>>) dst(%arg6 : memref<1024xi32, #tpu.memory_space<vmem>>)
        } else {
        }
      } else {
      }
      %eq3A_127 = arith.constant 1 : i32
      %eq3A_128 = arith.cmpi eq, %rem3A_124, %eq3A_127 : i32
      %convert_element_type3A_129 = arith.extui %eq3A_128 : i1 to i32
      %cond3A_130 = arith.constant 0 : i32
      %cond3A_131 = arith.cmpi ne, %convert_element_type3A_129, %cond3A_130 : i32
      scf.if %cond3A_131 {
        %add3A_133 = arith.constant 1 : i32
        %add3A_134 = arith.addi %scan3A_122, %add3A_133 : i32
        %lt3A = arith.constant 76 : i32
        %lt3A_135 = arith.cmpi slt, %add3A_134, %lt3A : i32
        %convert_element_type3A_136 = arith.extui %lt3A_135 : i1 to i32
        %cond3A_137 = arith.constant 0 : i32
        %cond3A_138 = arith.cmpi ne, %convert_element_type3A_136, %cond3A_137 : i32
        scf.if %cond3A_138 {
          %add3A_258 = arith.constant 1 : i32
          %add3A_259 = arith.addi %scan3A_122, %add3A_258 : i32
          %mul3A_260 = arith.constant 3 : i32
          %mul3A_261 = arith.muli %mul3A_260, %arg0 : i32
          %add3A_262 = arith.constant 2 : i32
          %add3A_263 = arith.addi %mul3A_261, %add3A_262 : i32
          %mul3A_264 = arith.constant 1245184 : i32
          %mul3A_265 = arith.muli %add3A_263, %mul3A_264 : i32
          %mul3A_266 = arith.constant 76 : i32
          %mul3A_267 = arith.muli %arg1, %mul3A_266 : i32
          %add3A_268 = arith.addi %mul3A_267, %add3A_259 : i32
          %mul3A_269 = arith.constant 1024 : i32
          %mul3A_270 = arith.muli %add3A_268, %mul3A_269 : i32
          %add3A_271 = arith.addi %mul3A_265, %mul3A_270 : i32
          %dma_start3A_272 = tpu.memref_slice %arg3[%add3A_271] : memref<7471104xi32, #tpu.memory_space<hbm>> -> memref<1024xi32, #tpu.memory_space<hbm>>
          %dma_start3A_273 = tpu.memref_slice %arg3[%add3A_271] : memref<7471104xi32, #tpu.memory_space<hbm>> -> memref<1024xi32, #tpu.memory_space<hbm>>
          tpu.enqueue_dma source(%dma_start3A_273 : memref<1024xi32, #tpu.memory_space<hbm>>) target(%arg5 : memref<1024xi32, #tpu.memory_space<vmem>>) target_semaphore(%arg10 : memref<!tpu.dma_semaphore, #tpu.memory_space<semaphore_mem>>)
        } else {
        }
        %dma_start3A_139 = arith.constant 0 : i32
        %dma_start3A_140 = tpu.memref_slice %arg6[%dma_start3A_139] : memref<1024xi32, #tpu.memory_space<vmem>> -> memref<512xi32, #tpu.memory_space<vmem>>
        %dma_start3A_141 = arith.constant 0 : i32
        %dma_start3A_142 = tpu.memref_slice %dma_start3A_140[%dma_start3A_141] : memref<512xi32, #tpu.memory_space<vmem>> -> memref<128xi32, #tpu.memory_space<vmem>>
        %dma_start3A_143 = arith.constant 0 : i32
        %dma_start3A_144 = arith.constant 0 : i32
        %dma_start3A_145 = tpu.memref_slice %arg2[%dma_start3A_143, %dma_start3A_144] : memref<356352x32xf32, #tpu.memory_space<hbm>> -> memref<356352x32xf32, #tpu.memory_space<hbm>>
        tpu.enqueue_indirect_dma source(%dma_start3A_145 : memref<356352x32xf32, #tpu.memory_space<hbm>>) target(%arg7 : memref<128x32xf32, #tpu.memory_space<vmem>>) offsets(%dma_start3A_142 : memref<128xi32, #tpu.memory_space<vmem>>) semaphore(%arg12 : memref<!tpu.dma_semaphore, #tpu.memory_space<semaphore_mem>>)
        %dma_wait3A_146 = arith.constant 0 : i32
        %dma_wait3A_147 = tpu.memref_slice %arg6[%dma_wait3A_146] : memref<1024xi32, #tpu.memory_space<vmem>> -> memref<512xi32, #tpu.memory_space<vmem>>
        %dma_wait3A_148 = arith.constant 0 : i32
        %dma_wait3A_149 = tpu.memref_slice %dma_wait3A_147[%dma_wait3A_148] : memref<512xi32, #tpu.memory_space<vmem>> -> memref<128xi32, #tpu.memory_space<vmem>>
        %dma_wait3A_150 = arith.constant 0 : i32
        %dma_wait3A_151 = arith.constant 0 : i32
        %dma_wait3A_152 = tpu.memref_slice %arg2[%dma_wait3A_150, %dma_wait3A_151] : memref<356352x32xf32, #tpu.memory_space<hbm>> -> memref<356352x32xf32, #tpu.memory_space<hbm>>
        tpu.wait_indirect_dma semaphore(%arg12 : memref<!tpu.dma_semaphore, #tpu.memory_space<semaphore_mem>>) src(%dma_wait3A_152 : memref<356352x32xf32, #tpu.memory_space<hbm>>) dst(%arg7 : memref<128x32xf32, #tpu.memory_space<vmem>>)
        %dma_start3A_153 = arith.constant 512 : i32
        %dma_start3A_154 = tpu.memref_slice %arg6[%dma_start3A_153] : memref<1024xi32, #tpu.memory_space<vmem>> -> memref<512xi32, #tpu.memory_space<vmem>>
        %dma_start3A_155 = arith.constant 0 : i32
        %dma_start3A_156 = tpu.memref_slice %dma_start3A_154[%dma_start3A_155] : memref<512xi32, #tpu.memory_space<vmem>> -> memref<128xi32, #tpu.memory_space<vmem>>
        %dma_start3A_157 = arith.constant 0 : i32
        %dma_start3A_158 = arith.constant 0 : i32
        %dma_start3A_159 = tpu.memref_slice %arg9[%dma_start3A_157, %dma_start3A_158] : memref<59408x32xf32, #tpu.memory_space<vmem_shared>> -> memref<59408x32xf32, #tpu.memory_space<vmem_shared>>
        tpu.enqueue_indirect_dma source(%arg7 : memref<128x32xf32, #tpu.memory_space<vmem>>) target(%dma_start3A_159 : memref<59408x32xf32, #tpu.memory_space<vmem_shared>>) offsets(%dma_start3A_156 : memref<128xi32, #tpu.memory_space<vmem>>) semaphore(%arg14 : memref<!tpu.dma_semaphore, #tpu.memory_space<semaphore_mem>>) {add = true}
        %dma_start3A_160 = arith.constant 0 : i32
        %dma_start3A_161 = tpu.memref_slice %arg6[%dma_start3A_160] : memref<1024xi32, #tpu.memory_space<vmem>> -> memref<512xi32, #tpu.memory_space<vmem>>
        %dma_start3A_162 = arith.constant 128 : i32
        %dma_start3A_163 = tpu.memref_slice %dma_start3A_161[%dma_start3A_162] : memref<512xi32, #tpu.memory_space<vmem>> -> memref<128xi32, #tpu.memory_space<vmem>>
        %dma_start3A_164 = arith.constant 0 : i32
        %dma_start3A_165 = arith.constant 0 : i32
        %dma_start3A_166 = tpu.memref_slice %arg2[%dma_start3A_164, %dma_start3A_165] : memref<356352x32xf32, #tpu.memory_space<hbm>> -> memref<356352x32xf32, #tpu.memory_space<hbm>>
        tpu.enqueue_indirect_dma source(%dma_start3A_166 : memref<356352x32xf32, #tpu.memory_space<hbm>>) target(%arg8 : memref<128x32xf32, #tpu.memory_space<vmem>>) offsets(%dma_start3A_163 : memref<128xi32, #tpu.memory_space<vmem>>) semaphore(%arg13 : memref<!tpu.dma_semaphore, #tpu.memory_space<semaphore_mem>>)
        %dma_wait3A_167 = arith.constant 0 : i32
        %dma_wait3A_168 = tpu.memref_slice %arg6[%dma_wait3A_167] : memref<1024xi32, #tpu.memory_space<vmem>> -> memref<512xi32, #tpu.memory_space<vmem>>
        %dma_wait3A_169 = arith.constant 128 : i32
        %dma_wait3A_170 = tpu.memref_slice %dma_wait3A_168[%dma_wait3A_169] : memref<512xi32, #tpu.memory_space<vmem>> -> memref<128xi32, #tpu.memory_space<vmem>>
        %dma_wait3A_171 = arith.constant 0 : i32
        %dma_wait3A_172 = arith.constant 0 : i32
        %dma_wait3A_173 = tpu.memref_slice %arg2[%dma_wait3A_171, %dma_wait3A_172] : memref<356352x32xf32, #tpu.memory_space<hbm>> -> memref<356352x32xf32, #tpu.memory_space<hbm>>
        tpu.wait_indirect_dma semaphore(%arg13 : memref<!tpu.dma_semaphore, #tpu.memory_space<semaphore_mem>>) src(%dma_wait3A_173 : memref<356352x32xf32, #tpu.memory_space<hbm>>) dst(%arg8 : memref<128x32xf32, #tpu.memory_space<vmem>>)
        %dma_start3A_174 = arith.constant 512 : i32
        %dma_start3A_175 = tpu.memref_slice %arg6[%dma_start3A_174] : memref<1024xi32, #tpu.memory_space<vmem>> -> memref<512xi32, #tpu.memory_space<vmem>>
        %dma_start3A_176 = arith.constant 128 : i32
        %dma_start3A_177 = tpu.memref_slice %dma_start3A_175[%dma_start3A_176] : memref<512xi32, #tpu.memory_space<vmem>> -> memref<128xi32, #tpu.memory_space<vmem>>
        %dma_start3A_178 = arith.constant 0 : i32
        %dma_start3A_179 = arith.constant 0 : i32
        %dma_start3A_180 = tpu.memref_slice %arg9[%dma_start3A_178, %dma_start3A_179] : memref<59408x32xf32, #tpu.memory_space<vmem_shared>> -> memref<59408x32xf32, #tpu.memory_space<vmem_shared>>
        tpu.enqueue_indirect_dma source(%arg8 : memref<128x32xf32, #tpu.memory_space<vmem>>) target(%dma_start3A_180 : memref<59408x32xf32, #tpu.memory_space<vmem_shared>>) offsets(%dma_start3A_177 : memref<128xi32, #tpu.memory_space<vmem>>) semaphore(%arg15 : memref<!tpu.dma_semaphore, #tpu.memory_space<semaphore_mem>>) {add = true}
        %dma_wait3A_181 = arith.constant 512 : i32
        %dma_wait3A_182 = tpu.memref_slice %arg6[%dma_wait3A_181] : memref<1024xi32, #tpu.memory_space<vmem>> -> memref<512xi32, #tpu.memory_space<vmem>>
        %dma_wait3A_183 = arith.constant 0 : i32
        %dma_wait3A_184 = tpu.memref_slice %dma_wait3A_182[%dma_wait3A_183] : memref<512xi32, #tpu.memory_space<vmem>> -> memref<128xi32, #tpu.memory_space<vmem>>
        %dma_wait3A_185 = arith.constant 0 : i32
        %dma_wait3A_186 = arith.constant 0 : i32
        %dma_wait3A_187 = tpu.memref_slice %arg9[%dma_wait3A_185, %dma_wait3A_186] : memref<59408x32xf32, #tpu.memory_space<vmem_shared>> -> memref<59408x32xf32, #tpu.memory_space<vmem_shared>>
        tpu.wait_indirect_dma semaphore(%arg14 : memref<!tpu.dma_semaphore, #tpu.memory_space<semaphore_mem>>) src(%arg7 : memref<128x32xf32, #tpu.memory_space<vmem>>) dst(%dma_wait3A_187 : memref<59408x32xf32, #tpu.memory_space<vmem_shared>>)
        %dma_start3A_188 = arith.constant 0 : i32
        %dma_start3A_189 = tpu.memref_slice %arg6[%dma_start3A_188] : memref<1024xi32, #tpu.memory_space<vmem>> -> memref<512xi32, #tpu.memory_space<vmem>>
        %dma_start3A_190 = arith.constant 256 : i32
        %dma_start3A_191 = tpu.memref_slice %dma_start3A_189[%dma_start3A_190] : memref<512xi32, #tpu.memory_space<vmem>> -> memref<128xi32, #tpu.memory_space<vmem>>
        %dma_start3A_192 = arith.constant 0 : i32
        %dma_start3A_193 = arith.constant 0 : i32
        %dma_start3A_194 = tpu.memref_slice %arg2[%dma_start3A_192, %dma_start3A_193] : memref<356352x32xf32, #tpu.memory_space<hbm>> -> memref<356352x32xf32, #tpu.memory_space<hbm>>
        tpu.enqueue_indirect_dma source(%dma_start3A_194 : memref<356352x32xf32, #tpu.memory_space<hbm>>) target(%arg7 : memref<128x32xf32, #tpu.memory_space<vmem>>) offsets(%dma_start3A_191 : memref<128xi32, #tpu.memory_space<vmem>>) semaphore(%arg12 : memref<!tpu.dma_semaphore, #tpu.memory_space<semaphore_mem>>)
        %dma_wait3A_195 = arith.constant 0 : i32
        %dma_wait3A_196 = tpu.memref_slice %arg6[%dma_wait3A_195] : memref<1024xi32, #tpu.memory_space<vmem>> -> memref<512xi32, #tpu.memory_space<vmem>>
        %dma_wait3A_197 = arith.constant 256 : i32
        %dma_wait3A_198 = tpu.memref_slice %dma_wait3A_196[%dma_wait3A_197] : memref<512xi32, #tpu.memory_space<vmem>> -> memref<128xi32, #tpu.memory_space<vmem>>
        %dma_wait3A_199 = arith.constant 0 : i32
        %dma_wait3A_200 = arith.constant 0 : i32
        %dma_wait3A_201 = tpu.memref_slice %arg2[%dma_wait3A_199, %dma_wait3A_200] : memref<356352x32xf32, #tpu.memory_space<hbm>> -> memref<356352x32xf32, #tpu.memory_space<hbm>>
        tpu.wait_indirect_dma semaphore(%arg12 : memref<!tpu.dma_semaphore, #tpu.memory_space<semaphore_mem>>) src(%dma_wait3A_201 : memref<356352x32xf32, #tpu.memory_space<hbm>>) dst(%arg7 : memref<128x32xf32, #tpu.memory_space<vmem>>)
        %dma_start3A_202 = arith.constant 512 : i32
        %dma_start3A_203 = tpu.memref_slice %arg6[%dma_start3A_202] : memref<1024xi32, #tpu.memory_space<vmem>> -> memref<512xi32, #tpu.memory_space<vmem>>
        %dma_start3A_204 = arith.constant 256 : i32
        %dma_start3A_205 = tpu.memref_slice %dma_start3A_203[%dma_start3A_204] : memref<512xi32, #tpu.memory_space<vmem>> -> memref<128xi32, #tpu.memory_space<vmem>>
        %dma_start3A_206 = arith.constant 0 : i32
        %dma_start3A_207 = arith.constant 0 : i32
        %dma_start3A_208 = tpu.memref_slice %arg9[%dma_start3A_206, %dma_start3A_207] : memref<59408x32xf32, #tpu.memory_space<vmem_shared>> -> memref<59408x32xf32, #tpu.memory_space<vmem_shared>>
        tpu.enqueue_indirect_dma source(%arg7 : memref<128x32xf32, #tpu.memory_space<vmem>>) target(%dma_start3A_208 : memref<59408x32xf32, #tpu.memory_space<vmem_shared>>) offsets(%dma_start3A_205 : memref<128xi32, #tpu.memory_space<vmem>>) semaphore(%arg14 : memref<!tpu.dma_semaphore, #tpu.memory_space<semaphore_mem>>) {add = true}
        %dma_wait3A_209 = arith.constant 512 : i32
        %dma_wait3A_210 = tpu.memref_slice %arg6[%dma_wait3A_209] : memref<1024xi32, #tpu.memory_space<vmem>> -> memref<512xi32, #tpu.memory_space<vmem>>
        %dma_wait3A_211 = arith.constant 128 : i32
        %dma_wait3A_212 = tpu.memref_slice %dma_wait3A_210[%dma_wait3A_211] : memref<512xi32, #tpu.memory_space<vmem>> -> memref<128xi32, #tpu.memory_space<vmem>>
        %dma_wait3A_213 = arith.constant 0 : i32
        %dma_wait3A_214 = arith.constant 0 : i32
        %dma_wait3A_215 = tpu.memref_slice %arg9[%dma_wait3A_213, %dma_wait3A_214] : memref<59408x32xf32, #tpu.memory_space<vmem_shared>> -> memref<59408x32xf32, #tpu.memory_space<vmem_shared>>
        tpu.wait_indirect_dma semaphore(%arg15 : memref<!tpu.dma_semaphore, #tpu.memory_space<semaphore_mem>>) src(%arg8 : memref<128x32xf32, #tpu.memory_space<vmem>>) dst(%dma_wait3A_215 : memref<59408x32xf32, #tpu.memory_space<vmem_shared>>)
        %dma_start3A_216 = arith.constant 0 : i32
        %dma_start3A_217 = tpu.memref_slice %arg6[%dma_start3A_216] : memref<1024xi32, #tpu.memory_space<vmem>> -> memref<512xi32, #tpu.memory_space<vmem>>
        %dma_start3A_218 = arith.constant 384 : i32
        %dma_start3A_219 = tpu.memref_slice %dma_start3A_217[%dma_start3A_218] : memref<512xi32, #tpu.memory_space<vmem>> -> memref<128xi32, #tpu.memory_space<vmem>>
        %dma_start3A_220 = arith.constant 0 : i32
        %dma_start3A_221 = arith.constant 0 : i32
        %dma_start3A_222 = tpu.memref_slice %arg2[%dma_start3A_220, %dma_start3A_221] : memref<356352x32xf32, #tpu.memory_space<hbm>> -> memref<356352x32xf32, #tpu.memory_space<hbm>>
        tpu.enqueue_indirect_dma source(%dma_start3A_222 : memref<356352x32xf32, #tpu.memory_space<hbm>>) target(%arg8 : memref<128x32xf32, #tpu.memory_space<vmem>>) offsets(%dma_start3A_219 : memref<128xi32, #tpu.memory_space<vmem>>) semaphore(%arg13 : memref<!tpu.dma_semaphore, #tpu.memory_space<semaphore_mem>>)
        %dma_wait3A_223 = arith.constant 0 : i32
        %dma_wait3A_224 = tpu.memref_slice %arg6[%dma_wait3A_223] : memref<1024xi32, #tpu.memory_space<vmem>> -> memref<512xi32, #tpu.memory_space<vmem>>
        %dma_wait3A_225 = arith.constant 384 : i32
        %dma_wait3A_226 = tpu.memref_slice %dma_wait3A_224[%dma_wait3A_225] : memref<512xi32, #tpu.memory_space<vmem>> -> memref<128xi32, #tpu.memory_space<vmem>>
        %dma_wait3A_227 = arith.constant 0 : i32
        %dma_wait3A_228 = arith.constant 0 : i32
        %dma_wait3A_229 = tpu.memref_slice %arg2[%dma_wait3A_227, %dma_wait3A_228] : memref<356352x32xf32, #tpu.memory_space<hbm>> -> memref<356352x32xf32, #tpu.memory_space<hbm>>
        tpu.wait_indirect_dma semaphore(%arg13 : memref<!tpu.dma_semaphore, #tpu.memory_space<semaphore_mem>>) src(%dma_wait3A_229 : memref<356352x32xf32, #tpu.memory_space<hbm>>) dst(%arg8 : memref<128x32xf32, #tpu.memory_space<vmem>>)
        %dma_start3A_230 = arith.constant 512 : i32
        %dma_start3A_231 = tpu.memref_slice %arg6[%dma_start3A_230] : memref<1024xi32, #tpu.memory_space<vmem>> -> memref<512xi32, #tpu.memory_space<vmem>>
        %dma_start3A_232 = arith.constant 384 : i32
        %dma_start3A_233 = tpu.memref_slice %dma_start3A_231[%dma_start3A_232] : memref<512xi32, #tpu.memory_space<vmem>> -> memref<128xi32, #tpu.memory_space<vmem>>
        %dma_start3A_234 = arith.constant 0 : i32
        %dma_start3A_235 = arith.constant 0 : i32
        %dma_start3A_236 = tpu.memref_slice %arg9[%dma_start3A_234, %dma_start3A_235] : memref<59408x32xf32, #tpu.memory_space<vmem_shared>> -> memref<59408x32xf32, #tpu.memory_space<vmem_shared>>
        tpu.enqueue_indirect_dma source(%arg8 : memref<128x32xf32, #tpu.memory_space<vmem>>) target(%dma_start3A_236 : memref<59408x32xf32, #tpu.memory_space<vmem_shared>>) offsets(%dma_start3A_233 : memref<128xi32, #tpu.memory_space<vmem>>) semaphore(%arg15 : memref<!tpu.dma_semaphore, #tpu.memory_space<semaphore_mem>>) {add = true}
        %dma_wait3A_237 = arith.constant 512 : i32
        %dma_wait3A_238 = tpu.memref_slice %arg6[%dma_wait3A_237] : memref<1024xi32, #tpu.memory_space<vmem>> -> memref<512xi32, #tpu.memory_space<vmem>>
        %dma_wait3A_239 = arith.constant 256 : i32
        %dma_wait3A_240 = tpu.memref_slice %dma_wait3A_238[%dma_wait3A_239] : memref<512xi32, #tpu.memory_space<vmem>> -> memref<128xi32, #tpu.memory_space<vmem>>
        %dma_wait3A_241 = arith.constant 0 : i32
        %dma_wait3A_242 = arith.constant 0 : i32
        %dma_wait3A_243 = tpu.memref_slice %arg9[%dma_wait3A_241, %dma_wait3A_242] : memref<59408x32xf32, #tpu.memory_space<vmem_shared>> -> memref<59408x32xf32, #tpu.memory_space<vmem_shared>>
        tpu.wait_indirect_dma semaphore(%arg14 : memref<!tpu.dma_semaphore, #tpu.memory_space<semaphore_mem>>) src(%arg7 : memref<128x32xf32, #tpu.memory_space<vmem>>) dst(%dma_wait3A_243 : memref<59408x32xf32, #tpu.memory_space<vmem_shared>>)
        %dma_wait3A_244 = arith.constant 512 : i32
        %dma_wait3A_245 = tpu.memref_slice %arg6[%dma_wait3A_244] : memref<1024xi32, #tpu.memory_space<vmem>> -> memref<512xi32, #tpu.memory_space<vmem>>
        %dma_wait3A_246 = arith.constant 384 : i32
        %dma_wait3A_247 = tpu.memref_slice %dma_wait3A_245[%dma_wait3A_246] : memref<512xi32, #tpu.memory_space<vmem>> -> memref<128xi32, #tpu.memory_space<vmem>>
        %dma_wait3A_248 = arith.constant 0 : i32
        %dma_wait3A_249 = arith.constant 0 : i32
        %dma_wait3A_250 = tpu.memref_slice %arg9[%dma_wait3A_248, %dma_wait3A_249] : memref<59408x32xf32, #tpu.memory_space<vmem_shared>> -> memref<59408x32xf32, #tpu.memory_space<vmem_shared>>
        tpu.wait_indirect_dma semaphore(%arg15 : memref<!tpu.dma_semaphore, #tpu.memory_space<semaphore_mem>>) src(%arg8 : memref<128x32xf32, #tpu.memory_space<vmem>>) dst(%dma_wait3A_250 : memref<59408x32xf32, #tpu.memory_space<vmem_shared>>)
        %add3A_251 = arith.constant 1 : i32
        %add3A_252 = arith.addi %scan3A_122, %add3A_251 : i32
        %lt3A_253 = arith.constant 76 : i32
        %lt3A_254 = arith.cmpi slt, %add3A_252, %lt3A_253 : i32
        %convert_element_type3A_255 = arith.extui %lt3A_254 : i1 to i32
        %cond3A_256 = arith.constant 0 : i32
        %cond3A_257 = arith.cmpi ne, %convert_element_type3A_255, %cond3A_256 : i32
        scf.if %cond3A_257 {
          %dma_wait3A_258 = arith.constant 0 : i32
          %dma_wait3A_259 = tpu.memref_slice %arg3[%dma_wait3A_258] : memref<7471104xi32, #tpu.memory_space<hbm>> -> memref<1024xi32, #tpu.memory_space<hbm>>
          %dma_wait3A_260 = arith.constant 0 : i32
          %dma_wait3A_261 = tpu.memref_slice %arg3[%dma_wait3A_260] : memref<7471104xi32, #tpu.memory_space<hbm>> -> memref<1024xi32, #tpu.memory_space<hbm>>
          tpu.wait_dma2 semaphore(%arg10 : memref<!tpu.dma_semaphore, #tpu.memory_space<semaphore_mem>>) src(%dma_wait3A_261 : memref<1024xi32, #tpu.memory_space<hbm>>) dst(%arg5 : memref<1024xi32, #tpu.memory_space<vmem>>)
        } else {
        }
      } else {
      }
      %scan3A_132 = arith.constant 0 : i32
      scf.yield %scan3A_132 : i32
    }
    %scan3A_115 = arith.constant 76 : i32
    %barrier3A_116 = arith.constant 0 : index
    tpu.barrier barrier_id(%barrier3A_116)
    %mul3A_117 = arith.constant 3712 : i32
    %mul3A_118 = arith.muli %arg1, %mul3A_117 : i32
    %mul3A_119 = arith.constant 3712 : i32
    %mul3A_120 = arith.muli %arg1, %mul3A_119 : i32
    %add3A_121 = arith.addi %mul3A_85, %mul3A_120 : i32
    "tpu.region"() ({
      %run_scoped3A = tpu.sem_alloc : memref<!tpu.dma_semaphore, #tpu.memory_space<semaphore_mem>>
      %dma_start3A_122 = arith.constant 0 : i32
      %dma_start3A_123 = tpu.memref_slice %arg4[%add3A_121, %dma_start3A_122] : memref<356352x32xf32, #tpu.memory_space<hbm>> -> memref<3712x32xf32, #tpu.memory_space<hbm>>
      %dma_start3A_124 = arith.constant 0 : i32
      %dma_start3A_125 = tpu.memref_slice %arg9[%mul3A_118, %dma_start3A_124] : memref<59408x32xf32, #tpu.memory_space<vmem_shared>> -> memref<3712x32xf32, #tpu.memory_space<vmem_shared>>
      tpu.enqueue_dma source(%dma_start3A_125 : memref<3712x32xf32, #tpu.memory_space<vmem_shared>>) target(%dma_start3A_123 : memref<3712x32xf32, #tpu.memory_space<hbm>>) target_semaphore(%run_scoped3A : memref<!tpu.dma_semaphore, #tpu.memory_space<semaphore_mem>>)
      %dma_wait3A_126 = arith.constant 0 : i32
      %dma_wait3A_127 = tpu.memref_slice %arg4[%add3A_121, %dma_wait3A_126] : memref<356352x32xf32, #tpu.memory_space<hbm>> -> memref<3712x32xf32, #tpu.memory_space<hbm>>
      %dma_wait3A_128 = arith.constant 0 : i32
      %dma_wait3A_129 = tpu.memref_slice %arg9[%mul3A_118, %dma_wait3A_128] : memref<59408x32xf32, #tpu.memory_space<vmem_shared>> -> memref<3712x32xf32, #tpu.memory_space<vmem_shared>>
      tpu.wait_dma2 semaphore(%run_scoped3A : memref<!tpu.dma_semaphore, #tpu.memory_space<semaphore_mem>>) src(%dma_wait3A_129 : memref<3712x32xf32, #tpu.memory_space<vmem_shared>>) dst(%dma_wait3A_127 : memref<3712x32xf32, #tpu.memory_space<hbm>>)
      tpu.yield
    }) : () -> ()
    return
  }
}

module attributes {stable_mosaic.version = 14 : i64} {
  func.func @_aug_body(%arg0: i32, %arg1: memref<16x116x116xf32, #tpu.memory_space<vmem>>, %arg2: memref<116x128xf32, #tpu.memory_space<vmem>>, %arg3: memref<1x128xf32, #tpu.memory_space<vmem>>, %arg4: memref<128x64xf32, #tpu.memory_space<vmem>>, %arg5: memref<1x64xf32, #tpu.memory_space<vmem>>, %arg6: memref<64x128xf32, #tpu.memory_space<vmem>>, %arg7: memref<1x128xf32, #tpu.memory_space<vmem>>, %arg8: memref<128x128xf32, #tpu.memory_space<vmem>>, %arg9: memref<1x128xf32, #tpu.memory_space<vmem>>, %arg10: memref<16x1x128xf32, #tpu.memory_space<vmem>>) attributes {dimension_semantics = [#tpu.dimension_semantics<arbitrary>], iteration_bounds = array<i64: 32>, scalar_prefetch = 0 : i64, scratch_operands = 0 : i64, tpu.core_type = #tpu.core_type<tc>, window_params = [{transform_indices = @transform_0, window_bounds = array<i64: 16, 116, 116>}, {pipeline_mode = #tpu.pipeline_mode<synchronous>, transform_indices = @transform_1, window_bounds = array<i64: 116, 128>}, {pipeline_mode = #tpu.pipeline_mode<synchronous>, transform_indices = @transform_2, window_bounds = array<i64: 1, 128>}, {pipeline_mode = #tpu.pipeline_mode<synchronous>, transform_indices = @transform_3, window_bounds = array<i64: 128, 64>}, {pipeline_mode = #tpu.pipeline_mode<synchronous>, transform_indices = @transform_4, window_bounds = array<i64: 1, 64>}, {pipeline_mode = #tpu.pipeline_mode<synchronous>, transform_indices = @transform_5, window_bounds = array<i64: 64, 128>}, {pipeline_mode = #tpu.pipeline_mode<synchronous>, transform_indices = @transform_6, window_bounds = array<i64: 1, 128>}, {pipeline_mode = #tpu.pipeline_mode<synchronous>, transform_indices = @transform_7, window_bounds = array<i64: 128, 128>}, {pipeline_mode = #tpu.pipeline_mode<synchronous>, transform_indices = @transform_8, window_bounds = array<i64: 1, 128>}, {transform_indices = @transform_9, window_bounds = array<i64: 16, 1, 128>}]} {
    %iota3A = tpu.iota {dimensions = array<i32: 2>} : vector<16x116x116xi32>
    %iota3A_0 = tpu.iota {dimensions = array<i32: 1>} : vector<16x116x116xi32>
    %get3A = arith.constant 0 : index
    %get3A_1 = arith.constant 0 : index
    %get3A_2 = arith.constant 0 : index
    %get3A_3 = vector.load %arg1[%get3A, %get3A_1, %get3A_2] : memref<16x116x116xf32, #tpu.memory_space<vmem>>, vector<16x116x116xf32>
    %dot_general3A = arith.constant dense<0.000000e+00> : vector<16x116x116xf32>
    %dot_general3A_4 = tpu.matmul %get3A_3, %get3A_3, %dot_general3A {dimension_numbers = #tpu.dot_dimension_numbers<[2], [2], [1], [1], [0, 0, 0, 1, 1, 1], [0], [0]>, transpose_lhs_hint = false} : vector<16x116x116xf32>, vector<16x116x116xf32>, vector<16x116x116xf32> -> vector<16x116x116xf32>
    %eq3A = arith.cmpi eq, %iota3A_0, %iota3A : vector<16x116x116xi32>
    %convert_element_type3A = arith.extui %eq3A : vector<16x116x116xi1> to vector<16x116x116xi32>
    %convert_element_type3A_5 = arith.sitofp %convert_element_type3A : vector<16x116x116xi32> to vector<16x116x116xf32>
    %reduce_max3A = arith.constant dense<0xFF800000> : vector<16x116xf32>
    %reduce_max3A_6 = vector.multi_reduction <maximumf>, %dot_general3A_4, %reduce_max3A [2] : vector<16x116x116xf32> to vector<16x116xf32>
    %broadcast_in_dim3A = vector.shape_cast %reduce_max3A_6 : vector<16x116xf32> to vector<16x116x1xf32>
    %eq3A_7 = vector.broadcast %broadcast_in_dim3A : vector<16x116x1xf32> to vector<16x116x116xf32>
    %eq3A_8 = arith.cmpf oeq, %dot_general3A_4, %eq3A_7 : vector<16x116x116xf32>
    %jit3A = arith.constant 116 : i32
    %broadcast_in_dim3A_9 = vector.broadcast %jit3A : i32 to vector<16x116x116xi32>
    %select_n3A = arith.select %eq3A_8, %iota3A, %broadcast_in_dim3A_9 : vector<16x116x116xi1>, vector<16x116x116xi32>
    %reduce_min3A = arith.constant dense<2147483647> : vector<16x116xi32>
    %reduce_min3A_10 = vector.multi_reduction <minsi>, %select_n3A, %reduce_min3A [2] : vector<16x116x116xi32> to vector<16x116xi32>
    %broadcast_in_dim3A_11 = vector.shape_cast %reduce_min3A_10 : vector<16x116xi32> to vector<16x116x1xi32>
    %eq3A_12 = vector.broadcast %broadcast_in_dim3A_11 : vector<16x116x1xi32> to vector<16x116x116xi32>
    %eq3A_13 = arith.cmpi eq, %iota3A, %eq3A_12 : vector<16x116x116xi32>
    %convert_element_type3A_14 = arith.extui %eq3A_13 : vector<16x116x116xi1> to vector<16x116x116xi32>
    %convert_element_type3A_15 = arith.sitofp %convert_element_type3A_14 : vector<16x116x116xi32> to vector<16x116x116xf32>
    %add3A = arith.addf %convert_element_type3A_5, %convert_element_type3A_15 : vector<16x116x116xf32>
    %jit3A_16 = arith.constant 0xFF800000 : f32
    %broadcast_in_dim3A_17 = vector.broadcast %jit3A_16 : f32 to vector<16x116x116xf32>
    %select_n3A_18 = arith.select %eq3A_13, %broadcast_in_dim3A_17, %dot_general3A_4 : vector<16x116x116xi1>, vector<16x116x116xf32>
    %reduce_max3A_19 = arith.constant dense<0xFF800000> : vector<16x116xf32>
    %reduce_max3A_20 = vector.multi_reduction <maximumf>, %select_n3A_18, %reduce_max3A_19 [2] : vector<16x116x116xf32> to vector<16x116xf32>
    %broadcast_in_dim3A_21 = vector.shape_cast %reduce_max3A_20 : vector<16x116xf32> to vector<16x116x1xf32>
    %eq3A_22 = vector.broadcast %broadcast_in_dim3A_21 : vector<16x116x1xf32> to vector<16x116x116xf32>
    %eq3A_23 = arith.cmpf oeq, %select_n3A_18, %eq3A_22 : vector<16x116x116xf32>
    %jit3A_24 = arith.constant 116 : i32
    %broadcast_in_dim3A_25 = vector.broadcast %jit3A_24 : i32 to vector<16x116x116xi32>
    %select_n3A_26 = arith.select %eq3A_23, %iota3A, %broadcast_in_dim3A_25 : vector<16x116x116xi1>, vector<16x116x116xi32>
    %reduce_min3A_27 = arith.constant dense<2147483647> : vector<16x116xi32>
    %reduce_min3A_28 = vector.multi_reduction <minsi>, %select_n3A_26, %reduce_min3A_27 [2] : vector<16x116x116xi32> to vector<16x116xi32>
    %broadcast_in_dim3A_29 = vector.shape_cast %reduce_min3A_28 : vector<16x116xi32> to vector<16x116x1xi32>
    %eq3A_30 = vector.broadcast %broadcast_in_dim3A_29 : vector<16x116x1xi32> to vector<16x116x116xi32>
    %eq3A_31 = arith.cmpi eq, %iota3A, %eq3A_30 : vector<16x116x116xi32>
    %convert_element_type3A_32 = arith.extui %eq3A_31 : vector<16x116x116xi1> to vector<16x116x116xi32>
    %convert_element_type3A_33 = arith.sitofp %convert_element_type3A_32 : vector<16x116x116xi32> to vector<16x116x116xf32>
    %add3A_34 = arith.addf %add3A, %convert_element_type3A_33 : vector<16x116x116xf32>
    %jit3A_35 = arith.constant 0xFF800000 : f32
    %broadcast_in_dim3A_36 = vector.broadcast %jit3A_35 : f32 to vector<16x116x116xf32>
    %select_n3A_37 = arith.select %eq3A_31, %broadcast_in_dim3A_36, %select_n3A_18 : vector<16x116x116xi1>, vector<16x116x116xf32>
    %reduce_max3A_38 = arith.constant dense<0xFF800000> : vector<16x116xf32>
    %reduce_max3A_39 = vector.multi_reduction <maximumf>, %select_n3A_37, %reduce_max3A_38 [2] : vector<16x116x116xf32> to vector<16x116xf32>
    %broadcast_in_dim3A_40 = vector.shape_cast %reduce_max3A_39 : vector<16x116xf32> to vector<16x116x1xf32>
    %eq3A_41 = vector.broadcast %broadcast_in_dim3A_40 : vector<16x116x1xf32> to vector<16x116x116xf32>
    %eq3A_42 = arith.cmpf oeq, %select_n3A_37, %eq3A_41 : vector<16x116x116xf32>
    %jit3A_43 = arith.constant 116 : i32
    %broadcast_in_dim3A_44 = vector.broadcast %jit3A_43 : i32 to vector<16x116x116xi32>
    %select_n3A_45 = arith.select %eq3A_42, %iota3A, %broadcast_in_dim3A_44 : vector<16x116x116xi1>, vector<16x116x116xi32>
    %reduce_min3A_46 = arith.constant dense<2147483647> : vector<16x116xi32>
    %reduce_min3A_47 = vector.multi_reduction <minsi>, %select_n3A_45, %reduce_min3A_46 [2] : vector<16x116x116xi32> to vector<16x116xi32>
    %broadcast_in_dim3A_48 = vector.shape_cast %reduce_min3A_47 : vector<16x116xi32> to vector<16x116x1xi32>
    %eq3A_49 = vector.broadcast %broadcast_in_dim3A_48 : vector<16x116x1xi32> to vector<16x116x116xi32>
    %eq3A_50 = arith.cmpi eq, %iota3A, %eq3A_49 : vector<16x116x116xi32>
    %convert_element_type3A_51 = arith.extui %eq3A_50 : vector<16x116x116xi1> to vector<16x116x116xi32>
    %convert_element_type3A_52 = arith.sitofp %convert_element_type3A_51 : vector<16x116x116xi32> to vector<16x116x116xf32>
    %add3A_53 = arith.addf %add3A_34, %convert_element_type3A_52 : vector<16x116x116xf32>
    %jit3A_54 = arith.constant 0xFF800000 : f32
    %broadcast_in_dim3A_55 = vector.broadcast %jit3A_54 : f32 to vector<16x116x116xf32>
    %select_n3A_56 = arith.select %eq3A_50, %broadcast_in_dim3A_55, %select_n3A_37 : vector<16x116x116xi1>, vector<16x116x116xf32>
    %reduce_max3A_57 = arith.constant dense<0xFF800000> : vector<16x116xf32>
    %reduce_max3A_58 = vector.multi_reduction <maximumf>, %select_n3A_56, %reduce_max3A_57 [2] : vector<16x116x116xf32> to vector<16x116xf32>
    %broadcast_in_dim3A_59 = vector.shape_cast %reduce_max3A_58 : vector<16x116xf32> to vector<16x116x1xf32>
    %eq3A_60 = vector.broadcast %broadcast_in_dim3A_59 : vector<16x116x1xf32> to vector<16x116x116xf32>
    %eq3A_61 = arith.cmpf oeq, %select_n3A_56, %eq3A_60 : vector<16x116x116xf32>
    %jit3A_62 = arith.constant 116 : i32
    %broadcast_in_dim3A_63 = vector.broadcast %jit3A_62 : i32 to vector<16x116x116xi32>
    %select_n3A_64 = arith.select %eq3A_61, %iota3A, %broadcast_in_dim3A_63 : vector<16x116x116xi1>, vector<16x116x116xi32>
    %reduce_min3A_65 = arith.constant dense<2147483647> : vector<16x116xi32>
    %reduce_min3A_66 = vector.multi_reduction <minsi>, %select_n3A_64, %reduce_min3A_65 [2] : vector<16x116x116xi32> to vector<16x116xi32>
    %broadcast_in_dim3A_67 = vector.shape_cast %reduce_min3A_66 : vector<16x116xi32> to vector<16x116x1xi32>
    %eq3A_68 = vector.broadcast %broadcast_in_dim3A_67 : vector<16x116x1xi32> to vector<16x116x116xi32>
    %eq3A_69 = arith.cmpi eq, %iota3A, %eq3A_68 : vector<16x116x116xi32>
    %convert_element_type3A_70 = arith.extui %eq3A_69 : vector<16x116x116xi1> to vector<16x116x116xi32>
    %convert_element_type3A_71 = arith.sitofp %convert_element_type3A_70 : vector<16x116x116xi32> to vector<16x116x116xf32>
    %add3A_72 = arith.addf %add3A_53, %convert_element_type3A_71 : vector<16x116x116xf32>
    %jit3A_73 = arith.constant 0xFF800000 : f32
    %broadcast_in_dim3A_74 = vector.broadcast %jit3A_73 : f32 to vector<16x116x116xf32>
    %select_n3A_75 = arith.select %eq3A_69, %broadcast_in_dim3A_74, %select_n3A_56 : vector<16x116x116xi1>, vector<16x116x116xf32>
    %reduce_max3A_76 = arith.constant dense<0xFF800000> : vector<16x116xf32>
    %reduce_max3A_77 = vector.multi_reduction <maximumf>, %select_n3A_75, %reduce_max3A_76 [2] : vector<16x116x116xf32> to vector<16x116xf32>
    %broadcast_in_dim3A_78 = vector.shape_cast %reduce_max3A_77 : vector<16x116xf32> to vector<16x116x1xf32>
    %eq3A_79 = vector.broadcast %broadcast_in_dim3A_78 : vector<16x116x1xf32> to vector<16x116x116xf32>
    %eq3A_80 = arith.cmpf oeq, %select_n3A_75, %eq3A_79 : vector<16x116x116xf32>
    %jit3A_81 = arith.constant 116 : i32
    %broadcast_in_dim3A_82 = vector.broadcast %jit3A_81 : i32 to vector<16x116x116xi32>
    %select_n3A_83 = arith.select %eq3A_80, %iota3A, %broadcast_in_dim3A_82 : vector<16x116x116xi1>, vector<16x116x116xi32>
    %reduce_min3A_84 = arith.constant dense<2147483647> : vector<16x116xi32>
    %reduce_min3A_85 = vector.multi_reduction <minsi>, %select_n3A_83, %reduce_min3A_84 [2] : vector<16x116x116xi32> to vector<16x116xi32>
    %broadcast_in_dim3A_86 = vector.shape_cast %reduce_min3A_85 : vector<16x116xi32> to vector<16x116x1xi32>
    %eq3A_87 = vector.broadcast %broadcast_in_dim3A_86 : vector<16x116x1xi32> to vector<16x116x116xi32>
    %eq3A_88 = arith.cmpi eq, %iota3A, %eq3A_87 : vector<16x116x116xi32>
    %convert_element_type3A_89 = arith.extui %eq3A_88 : vector<16x116x116xi1> to vector<16x116x116xi32>
    %convert_element_type3A_90 = arith.sitofp %convert_element_type3A_89 : vector<16x116x116xi32> to vector<16x116x116xf32>
    %add3A_91 = arith.addf %add3A_72, %convert_element_type3A_90 : vector<16x116x116xf32>
    %get3A_92 = arith.constant 0 : index
    %get3A_93 = arith.constant 0 : index
    %get3A_94 = vector.load %arg2[%get3A_92, %get3A_93] : memref<116x128xf32, #tpu.memory_space<vmem>>, vector<116x128xf32>
    %dot_general3A_95 = arith.constant dense<0.000000e+00> : vector<16x116x128xf32>
    %dot_general3A_96 = tpu.matmul %get3A_3, %get3A_94, %dot_general3A_95 {dimension_numbers = #tpu.dot_dimension_numbers<[2], [0], [0, 1], [1], [0, 0, 0, 1, 1, 1], [], []>, transpose_lhs_hint = false} : vector<16x116x116xf32>, vector<116x128xf32>, vector<16x116x128xf32> -> vector<16x116x128xf32>
    %dot_general3A_97 = arith.constant dense<0.000000e+00> : vector<16x116x128xf32>
    %dot_general3A_98 = tpu.matmul %add3A_91, %dot_general3A_96, %dot_general3A_97 {dimension_numbers = #tpu.dot_dimension_numbers<[2], [1], [1], [2], [0, 0, 0, 1, 1, 2], [0], [0]>, transpose_lhs_hint = false} : vector<16x116x116xf32>, vector<16x116x128xf32>, vector<16x116x128xf32> -> vector<16x116x128xf32>
    %mul3A = arith.constant 0.166666672 : f32
    %mul3A_99 = vector.broadcast %mul3A : f32 to vector<16x116x128xf32>
    %mul3A_100 = arith.mulf %dot_general3A_98, %mul3A_99 : vector<16x116x128xf32>
    %get3A_101 = arith.constant 0 : index
    %get3A_102 = arith.constant 0 : index
    %get3A_103 = vector.load %arg3[%get3A_101, %get3A_102] : memref<1x128xf32, #tpu.memory_space<vmem>>, vector<1x128xf32>
    %broadcast_in_dim3A_104 = vector.shape_cast %get3A_103 : vector<1x128xf32> to vector<1x1x128xf32>
    %add3A_105 = vector.broadcast %broadcast_in_dim3A_104 : vector<1x1x128xf32> to vector<16x116x128xf32>
    %add3A_106 = arith.addf %mul3A_100, %add3A_105 : vector<16x116x128xf32>
    %max3A = arith.constant 0.000000e+00 : f32
    %max3A_107 = vector.broadcast %max3A : f32 to vector<16x116x128xf32>
    %max3A_108 = arith.maximumf %add3A_106, %max3A_107 : vector<16x116x128xf32>
    %get3A_109 = arith.constant 0 : index
    %get3A_110 = arith.constant 0 : index
    %get3A_111 = vector.load %arg4[%get3A_109, %get3A_110] : memref<128x64xf32, #tpu.memory_space<vmem>>, vector<128x64xf32>
    %dot_general3A_112 = arith.constant dense<0.000000e+00> : vector<16x116x64xf32>
    %dot_general3A_113 = tpu.matmul %max3A_108, %get3A_111, %dot_general3A_112 {dimension_numbers = #tpu.dot_dimension_numbers<[2], [0], [0, 1], [1], [0, 0, 0, 1, 1, 1], [], []>, transpose_lhs_hint = false} : vector<16x116x128xf32>, vector<128x64xf32>, vector<16x116x64xf32> -> vector<16x116x64xf32>
    %dot_general3A_114 = arith.constant dense<0.000000e+00> : vector<16x116x64xf32>
    %dot_general3A_115 = tpu.matmul %add3A_91, %dot_general3A_113, %dot_general3A_114 {dimension_numbers = #tpu.dot_dimension_numbers<[2], [1], [1], [2], [0, 0, 0, 1, 1, 2], [0], [0]>, transpose_lhs_hint = false} : vector<16x116x116xf32>, vector<16x116x64xf32>, vector<16x116x64xf32> -> vector<16x116x64xf32>
    %mul3A_116 = arith.constant 0.166666672 : f32
    %mul3A_117 = vector.broadcast %mul3A_116 : f32 to vector<16x116x64xf32>
    %mul3A_118 = arith.mulf %dot_general3A_115, %mul3A_117 : vector<16x116x64xf32>
    %get3A_119 = arith.constant 0 : index
    %get3A_120 = arith.constant 0 : index
    %get3A_121 = vector.load %arg5[%get3A_119, %get3A_120] : memref<1x64xf32, #tpu.memory_space<vmem>>, vector<1x64xf32>
    %broadcast_in_dim3A_122 = vector.shape_cast %get3A_121 : vector<1x64xf32> to vector<1x1x64xf32>
    %add3A_123 = vector.broadcast %broadcast_in_dim3A_122 : vector<1x1x64xf32> to vector<16x116x64xf32>
    %add3A_124 = arith.addf %mul3A_118, %add3A_123 : vector<16x116x64xf32>
    %max3A_125 = arith.constant 0.000000e+00 : f32
    %max3A_126 = vector.broadcast %max3A_125 : f32 to vector<16x116x64xf32>
    %max3A_127 = arith.maximumf %add3A_124, %max3A_126 : vector<16x116x64xf32>
    %reduce_sum3A = arith.constant dense<0.000000e+00> : vector<16x64xf32>
    %reduce_sum3A_128 = vector.multi_reduction <add>, %max3A_127, %reduce_sum3A [1] : vector<16x116x64xf32> to vector<16x64xf32>
    %broadcast_in_dim3A_129 = vector.shape_cast %reduce_sum3A_128 : vector<16x64xf32> to vector<16x1x64xf32>
    %mul3A_130 = arith.constant 8.620690e-03 : f32
    %mul3A_131 = vector.broadcast %mul3A_130 : f32 to vector<16x1x64xf32>
    %mul3A_132 = arith.mulf %broadcast_in_dim3A_129, %mul3A_131 : vector<16x1x64xf32>
    %get3A_133 = arith.constant 0 : index
    %get3A_134 = arith.constant 0 : index
    %get3A_135 = vector.load %arg6[%get3A_133, %get3A_134] : memref<64x128xf32, #tpu.memory_space<vmem>>, vector<64x128xf32>
    %dot_general3A_136 = arith.constant dense<0.000000e+00> : vector<16x1x128xf32>
    %dot_general3A_137 = tpu.matmul %mul3A_132, %get3A_135, %dot_general3A_136 {dimension_numbers = #tpu.dot_dimension_numbers<[2], [0], [0, 1], [1], [0, 0, 0, 1, 1, 1], [], []>, transpose_lhs_hint = false} : vector<16x1x64xf32>, vector<64x128xf32>, vector<16x1x128xf32> -> vector<16x1x128xf32>
    %get3A_138 = arith.constant 0 : index
    %get3A_139 = arith.constant 0 : index
    %get3A_140 = vector.load %arg7[%get3A_138, %get3A_139] : memref<1x128xf32, #tpu.memory_space<vmem>>, vector<1x128xf32>
    %broadcast_in_dim3A_141 = vector.shape_cast %get3A_140 : vector<1x128xf32> to vector<1x1x128xf32>
    %add3A_142 = vector.broadcast %broadcast_in_dim3A_141 : vector<1x1x128xf32> to vector<16x1x128xf32>
    %add3A_143 = arith.addf %dot_general3A_137, %add3A_142 : vector<16x1x128xf32>
    %max3A_144 = arith.constant 0.000000e+00 : f32
    %max3A_145 = vector.broadcast %max3A_144 : f32 to vector<16x1x128xf32>
    %max3A_146 = arith.maximumf %add3A_143, %max3A_145 : vector<16x1x128xf32>
    %get3A_147 = arith.constant 0 : index
    %get3A_148 = arith.constant 0 : index
    %get3A_149 = vector.load %arg8[%get3A_147, %get3A_148] : memref<128x128xf32, #tpu.memory_space<vmem>>, vector<128x128xf32>
    %dot_general3A_150 = arith.constant dense<0.000000e+00> : vector<16x1x128xf32>
    %dot_general3A_151 = tpu.matmul %max3A_146, %get3A_149, %dot_general3A_150 {dimension_numbers = #tpu.dot_dimension_numbers<[2], [0], [0, 1], [1], [0, 0, 0, 1, 1, 1], [], []>, transpose_lhs_hint = false} : vector<16x1x128xf32>, vector<128x128xf32>, vector<16x1x128xf32> -> vector<16x1x128xf32>
    %get3A_152 = arith.constant 0 : index
    %get3A_153 = arith.constant 0 : index
    %get3A_154 = vector.load %arg9[%get3A_152, %get3A_153] : memref<1x128xf32, #tpu.memory_space<vmem>>, vector<1x128xf32>
    %broadcast_in_dim3A_155 = vector.shape_cast %get3A_154 : vector<1x128xf32> to vector<1x1x128xf32>
    %add3A_156 = vector.broadcast %broadcast_in_dim3A_155 : vector<1x1x128xf32> to vector<16x1x128xf32>
    %add3A_157 = arith.addf %dot_general3A_151, %add3A_156 : vector<16x1x128xf32>
    %max3A_158 = arith.constant 0.000000e+00 : f32
    %max3A_159 = vector.broadcast %max3A_158 : f32 to vector<16x1x128xf32>
    %max3A_160 = arith.maximumf %add3A_157, %max3A_159 : vector<16x1x128xf32>
    %swap3A = arith.constant 0 : index
    %swap3A_161 = arith.constant 0 : index
    %swap3A_162 = arith.constant 0 : index
    %swap3A_163 = vector.load %arg10[%swap3A, %swap3A_161, %swap3A_162] : memref<16x1x128xf32, #tpu.memory_space<vmem>>, vector<16x1x128xf32>
    tpu.vector_store %arg10[%swap3A, %swap3A_161, %swap3A_162], %max3A_160 {strides = array<i32>} : memref<16x1x128xf32, #tpu.memory_space<vmem>>, vector<16x1x128xf32>,
    return
  }
  func.func @transform_0(%arg0: i32) -> (i32, i32, i32) {
    %c0_i32 = arith.constant 0 : i32
    %c0_i32_0 = arith.constant 0 : i32
    %c0_i32_1 = arith.constant 0 : i32
    return %arg0, %c0_i32, %c0_i32_0 : i32, i32, i32
  }
  func.func @transform_1(%arg0: i32) -> (i32, i32) {
    %c0_i32 = arith.constant 0 : i32
    %c0_i32_0 = arith.constant 0 : i32
    %c0_i32_1 = arith.constant 0 : i32
    return %c0_i32, %c0_i32_0 : i32, i32
  }
  func.func @transform_2(%arg0: i32) -> (i32, i32) {
    %c0_i32 = arith.constant 0 : i32
    %c0_i32_0 = arith.constant 0 : i32
    %c0_i32_1 = arith.constant 0 : i32
    return %c0_i32, %c0_i32_0 : i32, i32
  }
  func.func @transform_3(%arg0: i32) -> (i32, i32) {
    %c0_i32 = arith.constant 0 : i32
    %c0_i32_0 = arith.constant 0 : i32
    %c0_i32_1 = arith.constant 0 : i32
    return %c0_i32, %c0_i32_0 : i32, i32
  }
  func.func @transform_4(%arg0: i32) -> (i32, i32) {
    %c0_i32 = arith.constant 0 : i32
    %c0_i32_0 = arith.constant 0 : i32
    %c0_i32_1 = arith.constant 0 : i32
    return %c0_i32, %c0_i32_0 : i32, i32
  }
  func.func @transform_5(%arg0: i32) -> (i32, i32) {
    %c0_i32 = arith.constant 0 : i32
    %c0_i32_0 = arith.constant 0 : i32
    %c0_i32_1 = arith.constant 0 : i32
    return %c0_i32, %c0_i32_0 : i32, i32
  }
  func.func @transform_6(%arg0: i32) -> (i32, i32) {
    %c0_i32 = arith.constant 0 : i32
    %c0_i32_0 = arith.constant 0 : i32
    %c0_i32_1 = arith.constant 0 : i32
    return %c0_i32, %c0_i32_0 : i32, i32
  }
  func.func @transform_7(%arg0: i32) -> (i32, i32) {
    %c0_i32 = arith.constant 0 : i32
    %c0_i32_0 = arith.constant 0 : i32
    %c0_i32_1 = arith.constant 0 : i32
    return %c0_i32, %c0_i32_0 : i32, i32
  }
  func.func @transform_8(%arg0: i32) -> (i32, i32) {
    %c0_i32 = arith.constant 0 : i32
    %c0_i32_0 = arith.constant 0 : i32
    %c0_i32_1 = arith.constant 0 : i32
    return %c0_i32, %c0_i32_0 : i32, i32
  }
  func.func @transform_9(%arg0: i32) -> (i32, i32, i32) {
    %c0_i32 = arith.constant 0 : i32
    %c0_i32_0 = arith.constant 0 : i32
    %c0_i32_1 = arith.constant 0 : i32
    return %arg0, %c0_i32, %c0_i32_0 : i32, i32, i32
  }
}

</mosaic_0001>

<sc_bundles>
// kernel: kernel.12.cloned.1.call-start
scs
__scs_entry_jumppad:
0x0: {  	(pc) =	sbr.rel $0x88, $3  }
0x1: {  	(tag) =	ssettag $0x0;
	lr =	simm.s32 $0x1  }
0x2: {  	[smem:$0x3F8D] =	sst lr;
	_ =	strace $0xD0000000  }
0x3: {  	_ = 	snop  }
0x4: {  	_ = 	snop  }
0x5: {  	_ = 	snop  }
0x6: {  	_ = 	snop  }
0x7: {  	_ = 	snop  }
__scs_overlays_trampoline_lowered:
0x8: {  	[smem:$0x3F9C] =	sst s0  }
0x9: {  	[smem:$0x3F9D] =	sst s1  }
0xa: {  	[smem:$0x3F9E] =	sst s2  }
0xb: {  	[smem:$0x3F9F] =	sst s3  }
0xc: {  	[smem:$0x3FA0] =	sst s4  }
0xd: {  	[smem:$0x3FA1] =	sst s5  }
0xe: {  	[smem:$0x3FA2] =	sst s6  }
0xf: {  	[smem:$0x3FA3] =	sst s7  }
0x10: {  	[smem:$0x3FA4] =	sst s8  }
0x11: {  	[smem:$0x3FA5] =	sst s9;
	s0 =	simm.s32 @!p0 $0x0  }
0x12: {  	s1 =	sld [smem:$0x3F8B];
	s0 =	simm.s32 @p0 $0x1  }
0x13: {  	[smem:$0x3FA6] =	sst s0;
	s0 =	simm.s32 @!p1 $0x0  }
0x14: {  	s2 =	sld [smem:$0x3F8A];
	s0 =	simm.s32 @p1 $0x1  }
0x15: {  	[smem:$0x3FA7] =	sst s0;
	s0 =	simm.s32 @!p2 $0x0  }
0x16: {  	s3 =	sld [smem:$0x3FDB];
	s0 =	simm.s32 @p2 $0x1  }
0x17: {  	s4 =	simm.s32 $0x1BF5;
	[smem:$0x3FA9] =	sst s0  }
0x18: {  	s0 =	sld [smem:$0x3F8C];
	_ =	swait.ge [sflag:s4], $0x0  }
0x19: {  	s7 =	sld [smem:$0x3F8D]  }
0x1a: {  	s8 =	sadd.s32 $0xFFFFE003, lr  }
0x1b: {  	s9 =	sadd.s32 $0xFFFFFEF7, lr;
	s5 =	simm.s32 $0xFFFFFFFF;
	p2 =	slt.u32 s8, $0xFFFFF086  }
0x1c: {  	p1 =	slt.u32 s9, $0xF7A;
	s5 =	simm.s32 @!p2 $0x0  }
0x1d: {  	s5 =	simm.s32 @p1 $0x1;
	p0 =	seq.s32 s7, s2  }
0x1e: {  	s7 =	smul.u32 @!p0 $0xF7A, s2;
	p2 =	seq.s32 @!p0 s5, $0x0  }
0x1f: {  	s9 =	smul.u32 $0xF7A, s1;
	s8 =	simm.s32 @!p0 $0x1BF5;
	p2 =	por !p2, p0  }
0x20: {  	[sflag:s8] =	ssyncset.s32 @!p0 $0xFFFFF086;
	s6 =	sadd.s32 @!p0 s3, s7;
	s7 =	simm.s32 @!p0 $0x108  }
0x21: {  	s3 =	sadd.s32 s3, s9;
	s6 =	sadd.s32 @!p0 $0x88, s6;
	s7 =	simm.s32 @p2 $0x1082  }
0x22: {  	[simem:s7], [sflag:s8] =	dma.local @!p0 [hbm:s6], $0xF7A  }
0x23: {  	s9 =	sor.u32 $0xD0000000, s2;
	s6 =	simm.s32 $0x108;
	_ =	swait.ge @!p0 [sflag:s8], $0x0  }
0x24: {  	s3 =	sadd.s32 $0x88, s3;
	s6 =	simm.s32 @!p1 $0x1082;
	[sflag:s4] =	ssyncset.s32 $0xFFFFF086  }
0x25: {  	[simem:s6], [sflag:s4] =	dma.local [hbm:s3], $0xF7A  }
0x26: {  	[smem:$0x3F8D] =	sst s1;
	(tag) =	ssettag s2;
	_ =	strace s9  }
0x27: {  	s1 =	sld [smem:$0x3F9D]  }
0x28: {  	s2 =	sld [smem:$0x3F9E]  }
0x29: {  	s4 =	sld [smem:$0x3FA0]  }
0x2a: {  	p0 =	seq.s32 s5, $0x0;
	s5 =	sld [smem:$0x3FA1]  }
0x2b: {  	s6 =	sld [smem:$0x3FA2]  }
0x2c: {  	s7 =	sld [smem:$0x3FA3]  }
0x2d: {  	s3 =	simm.s32 $0x108;
	s8 =	sld [smem:$0x3FA4]  }
0x2e: {  	s3 =	simm.s32 @!p0 $0x1082;
	s9 =	sld [smem:$0x3FA5]  }
0x2f: {  	lr =	sadd.s32 s0, s3;
	s0 =	sld [smem:$0x3F9C]  }
0x30: {  	s3 =	sld [smem:$0x3F9F]  }
0x31: {  	[smem:$0x3FA8] =	sst s10  }
0x32: {  	s10 =	sld [smem:$0x3FA6];
	_ =	sdelay $0x3  }
0x33: {  	p0 =	seq.s32 s10, $0x1;
	s10 =	sld [smem:$0x3FA8];
	_ =	sdelay $0x3  }
0x34: {  	[smem:$0x3FA8] =	sst s10  }
0x35: {  	s10 =	sld [smem:$0x3FA7];
	_ =	sdelay $0x3  }
0x36: {  	p1 =	seq.s32 s10, $0x1;
	s10 =	sld [smem:$0x3FA8];
	_ =	sdelay $0x3  }
0x37: {  	[smem:$0x3FA8] =	sst s10  }
0x38: {  	s10 =	sld [smem:$0x3FA9]  }
0x39: {  	_ = 	snop;
	(pc) =	sbr.ind lr, $3  }
0x3a: {  	_ = 	snop  }
0x3b: {  	_ = 	snop  }
0x3c: {  	p2 =	seq.s32 s10, $0x1;
	s10 =	sld [smem:$0x3FA8]  }
0x3d: {  	_ =	shalt  }
0x3e: {  	_ =	shalt  }
0x3f: {  	_ =	shalt  }
0x40: {  	_ =	shalt  }
0x41: {  	_ =	shalt  }
0x42: {  	_ =	shalt  }
0x43: {  	_ =	shalt  }
0x44: {  	_ =	shalt  }
0x45: {  	_ =	shalt  }
0x46: {  	_ =	shalt  }
0x47: {  	_ =	shalt  }
0x48: {  	_ =	shalt  }
0x49: {  	_ =	shalt  }
0x4a: {  	_ =	shalt  }
0x4b: {  	_ =	shalt  }
0x4c: {  	_ =	shalt  }
0x4d: {  	_ =	shalt  }
0x4e: {  	_ =	shalt  }
0x4f: {  	_ =	shalt  }
0x50: {  	_ =	shalt  }
0x51: {  	_ =	shalt  }
0x52: {  	_ =	shalt  }
0x53: {  	_ =	shalt  }
0x54: {  	_ =	shalt  }
0x55: {  	_ =	shalt  }
0x56: {  	_ =	shalt  }
0x57: {  	_ =	shalt  }
0x58: {  	_ =	shalt  }
0x59: {  	_ =	shalt  }
0x5a: {  	_ =	shalt  }
0x5b: {  	_ =	shalt  }
0x5c: {  	_ =	shalt  }
0x5d: {  	_ =	shalt  }
0x5e: {  	_ =	shalt  }
0x5f: {  	_ =	shalt  }
0x60: {  	_ =	shalt  }
0x61: {  	_ =	shalt  }
0x62: {  	_ =	shalt  }
0x63: {  	_ =	shalt  }
0x64: {  	_ =	shalt  }
0x65: {  	_ =	shalt  }
0x66: {  	_ =	shalt  }
0x67: {  	_ =	shalt  }
0x68: {  	_ =	shalt  }
0x69: {  	_ =	shalt  }
0x6a: {  	_ =	shalt  }
0x6b: {  	_ =	shalt  }
0x6c: {  	_ =	shalt  }
0x6d: {  	_ =	shalt  }
0x6e: {  	_ =	shalt  }
0x6f: {  	_ =	shalt  }
0x70: {  	_ =	shalt  }
0x71: {  	_ =	shalt  }
0x72: {  	_ =	shalt  }
0x73: {  	_ =	shalt  }
0x74: {  	_ =	shalt  }
0x75: {  	_ =	shalt  }
0x76: {  	_ =	shalt  }
0x77: {  	_ =	shalt  }
0x78: {  	_ =	shalt  }
0x79: {  	_ =	shalt  }
0x7a: {  	_ =	shalt  }
0x7b: {  	_ =	shalt  }
0x7c: {  	_ =	shalt  }
0x7d: {  	_ =	shalt  }
0x7e: {  	_ =	shalt  }
0x7f: {  	_ =	shalt  }
0x80: {  	_ =	shalt  }
0x81: {  	_ =	shalt  }
0x82: {  	_ =	shalt  }
0x83: {  	_ =	shalt  }
0x84: {  	_ =	shalt  }
0x85: {  	_ =	shalt  }
0x86: {  	_ =	shalt  }
0x87: {  	_ =	shalt  }
.Lfunc_end0:
.L_simem_size_0:
called_computation.6_lowered:
.L_overlay_start_0:
0x88: {  	s2 =	sld [smem:$0x3FD9]  }
0x89: {  	s3 =	sld [smem:$0x3FFE];
	_ =	sdelay $0x1  }
0x8a: {  	s1 =	srdreg.scid  }
0x8b: {  	s0 =	sand.u32 $0x1, s1  }
0x8c: {  	s16 =	sshll.u32 s0, $0xA;
	s2 =	sadd.s32 s3, s2  }
0x8d: {  	s2 =	sadd.s32 s2, s16  }
0x8e: {  	[smem:$0x3FB4] =	sst s2  }
0x8f: {  	_ = 	snop  }
0x90: {  	(tm) =	ssettm $0x1  }
0x91: {  	s17 =	sld [smem:$0x3FFB];
	_ =	sdelay $0x3  }
0x92: {  	_ =	strace s17  }
0x93: {  	s2 =	sld [smem:$0x3FFC];
	_ =	sdelay $0x3  }
0x94: {  	_ =	strace s2  }
0x95: {  	s2 =	sld [smem:$0x3FFD];
	_ =	sdelay $0x3  }
0x96: {  	_ =	strace s2  }
0x97: {  	_ =	strace $0x8FFFFFFF  }
0x98: {  	s18 =	sld [smem:$0x3FDB];
	_ =	sdelay $0x1  }
0x99: {  	s19 =	simm.s32 $_scs_section_size  }
0x9a: {  	s4 =	simm.s32 $_size__tile_overlayer_lowered;
	s5 =	simm.s32 $_tile_overlayer_lowered  }
0x9b: {  	s22 =	simm.s32 $0x1BFF;
	s21 =	sshll.u32 s5, $0x1;
	s2 =	sadd.s32 s19, s18  }
0x9c: {  	s6 =	simm.s32 $0x0;
	s20 =	sshll.u32 s4, $0x1;
	s4 =	sadd.s32 s21, s2  }
0x9d: {  	[timem:s6], [sflag:s22] =	dma.local [hbm:s4], s20  }
0x9e: {  	_ =	swait.ge [sflag:s22], s20  }
0x9f: {  	s3 =	ssub.s32 $0x0, s20;
	[sflag:s22] =	ssyncset.done $0x0  }
0xa0: {  	[sflag:s22] =	ssyncadd.s32 s3;
	_ =	sdelay $0x1  }
0xa1: {  	s23 =	simm.s32 $0x1B8B  }
0xa2: {  	_ =	swait.ge [sflag:s23], $0x1  }
0xa3: {  	[sflag:s23] =	ssyncset.done $0x0  }
0xa4: {  	s25 =	simm.s32 $0x1B8E;
	s24 =	sld [smem:$0x3FFE];
	[sflag:s23] =	ssyncadd.s32 $0xFFFFFFFF  }
0xa5: {  	s26 =	simm.s32 $execute0_lowered;
	[smem:$0x3FD2] =	sst s25  }
0xa6: {  	s4 =	sshll.u32 s26, $0x1;
	_ =	strace $0x80000055;
	[dreg:$0x1] =	wrdreg $0xFFFFFFFF  }
0xa7: {  	s28 =	simm.s32 $_size_execute0_lowered;
	s2 =	sadd.s32 s2, s4;
	[dreg:$0x0] =	wrdreg $0x0  }
0xa8: {  	s4 =	sshll.u32 s28, $0x1;
	[dreg:$0x2] =	wrdreg s2  }
0xa9: {  	[dreg:$0x3] =	wrdreg s4  }
0xaa: {  	[dreg:$0x4] =	wrdreg $0xC0  }
0xab: {  	_ =	task [dreg:s6], $0x5FFFF  }
0xac: {  	[dreg:$0x1] =	wrdreg $0xFFFFFFFF  }
0xad: {  	[dreg:$0x0] =	wrdreg $0x60  }
0xae: {  	[dreg:$0x2] =	wrdreg s24  }
0xaf: {  	[dreg:$0x3] =	wrdreg $0x28000  }
0xb0: {  	[dreg:$0x4] =	wrdreg $0x9  }
0xb1: {  	_ =	task.clear_ibuf [dreg:s6], $0x5FFFF;
	_ =	strace $0x90000055  }
0xb2: {  	s29 =	simm.s32 $0x9;
	_ =	strace $0x80000057  }
0xb3: {  	_ =	swait.ge [sflag:s29], $0x1  }
0xb4: {  	[sflag:s29] =	ssyncadd.s32 $0xFFFFFFFF  }
0xb5: {  	_ =	strace $0x90000057  }
0xb6: {  	_ =	sfence  }
0xb7: {  	s30 =	sld [smem:$0x0];
	_ =	sdelay $0x2  }
0xb8: {  	s31 =	sshll.u32 s1, $0xD;
	s1 =	sshrl.u32 s1, $0x2  }
0xb9: {  	s3 =	sand.u32 $0x4000, s31;
	s1 =	sadd.s32 s1, s30  }
0xba: {  	s0 =	sor.u32 s3, s0;
	s1 =	sshll.u32 s1, $0x11  }
0xbb: {  	s0 =	sor.u32 s1, s0  }
0xbc: {  	s0 =	sadd.s32 $0x8F2B, s0  }
0xbd: {  	[sflag:s0] =	ssyncadd.remote.s32 $0x1  }
0xbe: {  	_ =	sfence.sel $0xFFFF  }
0xbf: {  	[dreg:$0x0] =	wrdreg $0xFFFFFFFF;
	(pc) =	sbr.abs _section_cstart, $3  }
0xc0: {  	[dreg:$0x1] =	wrdreg $0xFFFFFFFF  }
0xc1: {  	_ =	task.clear_ibuf [dreg:s6], $0x2FFFF;
	_ =	strace $0x9FFFFFFF  }
0xc2: {  	(tm) =	ssettm $0x7FFFFFFF  }
0xc3: {  	_ =	shalt  }
tec
execute0_lowered:
.L_overlay_start_1:
0x0: {  	(tag) =	ssettag $0x1  }
0x1: {  	s0 =	rddreg [dreg:$0x0]  }
0x2: {  	s1 =	rddreg [dreg:$0x1]  }
0x3: {  	s3 =	simm.s32 $0x0;
	s2 =	srdreg.scid;
	s13 =	stileid.u32  }
0x4: {  	s28 =	simm.s32 $0x480;
	s29 =	simm.s32 $0x1800;
	s30 =	simm.s32 $0x4  }
0x5: {  	s31 =	simm.s32 $0x680;
	[smem:$0x7FF] =	sst s3;
	s5 =	smul.u32 $0xE80, s13  }
0x6: {  	s2 =	sand.u32 $0x1, s2;
	s7 =	smul.u32 $0x74000, s13;
	s8 =	sadd.s32 $0x6EA800, s0  }
0x7: {  	s4 =	sadd.s32 $0x7E00, s0;
	s0 =	sadd.s32 $0x163E00, s0;
	s11 =	smul.u32 $0x13000, s13  }
0x8: {  	s13 =	sshll.u32 s13, $0x6;
	s6 =	ssub.s32 $0x2, s2;
	s10 =	smul.u32 $0x2B800, s2  }
0x9: {  	_ =	strace $0x80000056;
	s26 =	smul.u32 $0x3, s2;
	s9 =	sshrl.u32 s6, $0x1  }
0xa: {  	s2 =	smul.u32 $0x390000, s2;
	s7 =	sshrl.u32 s7, $0x2;
	s6 =	ssub.s32 s6, s9  }
0xb: {  	s10 =	sadd.s32 s5, s10;
	s9 =	sadd.s32 $0x1, s26;
	s7 =	sadd.s32 s7, s1  }
0xc: {  	s2 =	sadd.s32 s11, s2;
	s10 =	sshll.u32 s10, $0x2;
	[dreg:$0x3] =	wrdreg s7  }
0xd: {  	s7 =	sor.u32 $0x1C07, s13;
	s14 =	sshrl.u32 s2, $0x3;
	s19 =	sadd.s32 $0x260000, s2  }
0xe: {  	s22 =	smax.u32 s6, $0x1;
	s23 =	sor.u32 $0x400, s2;
	s24 =	sadd.s32 $0x130400, s2  }
0xf: {  	s2 =	sadd.s32 $0x260400, s2;
	s6 =	simm.s32 $0x6;
	s13 =	simm.s32 $0x300  }
0x10: {  	s12 =	sadd.s32 s4, s10;
	s15 =	sadd.s32 s8, s14;
	s16 =	sadd.s32 s0, s10  }
0x11: {  	s18 =	sadd.s32 $0x74000, s10;
	s21 =	sshrl.u32 s19, $0x3;
	[dreg:$0xd] =	wrdreg s22  }
0x12: {  	s2 =	sshrl.u32 s2, $0x3;
	s22 =	simm.s32 $0x80;
	[dreg:$0x4] =	wrdreg s12  }
0x13: {  	s10 =	simm.s32 $0x200;
	s12 =	smul.u32 $0xE800, s9;
	[dreg:$0x5] =	wrdreg s15  }
0x14: {  	s14 =	simm.s32 $0x180;
	s9 =	smul.u32 $0x130000, s9;
	[dreg:$0x6] =	wrdreg s16  }
0x15: {  	s20 =	sadd.s32 s4, s18;
	s26 =	sadd.s32 s2, s8;
	s2 =	simm.s32 $0x500  }
0x16: {  	s15 =	simm.s32 $0x380;
	s16 =	simm.s32 $0x0;
	s5 =	sadd.s32 s5, s12  }
0x17: {  	[dreg:$0xa] =	wrdreg s20;
	s9 =	sadd.s32 s11, s9;
	s5 =	sshll.u32 s5, $0x2  }
0x18: {  	[dreg:$0x10] =	wrdreg s26;
	s9 =	sshrl.u32 s9, $0x3;
	s17 =	sadd.s32 s4, s5  }
0x19: {  	s20 =	simm.s32 $0x7;
	s9 =	sadd.s32 s8, s9;
	[dreg:$0x7] =	wrdreg s17  }
0x1a: {  	s26 =	simm.s32 $0x600;
	s5 =	sadd.s32 s0, s5;
	[dreg:$0x8] =	wrdreg s9  }
0x1b: {  	s11 =	simm.s32 $0x280;
	s0 =	sadd.s32 s0, s18;
	[dreg:$0x9] =	wrdreg s5  }
0x1c: {  	s12 =	simm.s32 $0x100;
	s5 =	sadd.s32 s8, s21;
	[dreg:$0xc] =	wrdreg s0  }
.Ltmp0:
0x1d: {  	s0 =	sshrl.u32 s23, $0x3;
	s23 =	simm.s32 $0x400;
	(pc) =	sbr.rel .LBB2_1-.Ltmp0, $4  }
0x1e: {  	s9 =	simm.s32 $0x780;
	[dreg:$0xb] =	wrdreg s5;
	s0 =	sadd.s32 s0, s8  }
0x1f: {  	s5 =	sshrl.u32 s24, $0x3;
	s24 =	simm.s32 $0x800;
	[dreg:$0xe] =	wrdreg s0  }
0x20: {  	s25 =	sadd.s32 s5, s8;
	s0 =	simm.s32 $0x5;
	s5 =	simm.s32 $0x700  }
0x21: {  	s8 =	simm.s32 $0x580;
	[dreg:$0xf] =	wrdreg s25;
	s25 =	simm.s32 $0x3  }
.LBB2_16:
0x22: {  	[bflag:$0x0] =	sbarrier.arrive $0xFFFF  }
0x23: {  	s18 =	rddreg [dreg:$0xc]  }
0x24: {  	[hbm:s18], [sflag:s7] =	dma.local [spmem:s17], $0x3A00  }
0x25: {  	_ =	swait.ge [sflag:s20], $0x3A00  }
0x26: {  	s16 =	sadd.s32 $0x1, s16;
	s21 =	rddreg [dreg:$0xd]  }
0x27: {  	p0 =	sne.s32 s16, s21  }
.Ltmp1:
0x28: {  	_ = 	snop;
	(pc) =	sbr.rel @!p0 .LBB2_17-.Ltmp1, $3  }
0x29: {  	_ =	sdelay $0x1  }
0x2a: {  	[sflag:s20] =	ssyncset.done $0x0  }
0x2b: {  	[sflag:s20] =	ssyncadd.s32 $0xFFFFC600  }
.LBB2_1:
0x2c: {  	s17 =	rddreg [dreg:$0x3]  }
0x2d: {  	s18 =	rddreg [dreg:$0x4];
	s17 =	sshrl.u32 s17, $0x3  }
0x2e: {  	[spmem:s17], [sflag:s7] =	dma.local [hbm:s18], $0x3A00  }
0x2f: {  	_ =	swait.ge [sflag:s20], $0x3A00  }
0x30: {  	[sflag:s20] =	ssyncset.done $0x0  }
0x31: {  	s21 =	simm.s32 $0x1;
	s19 =	rddreg [dreg:$0x5];
	[sflag:s20] =	ssyncadd.s32 $0xFFFFC600  }
0x32: {  	[tilespmem:s3], [sflag:$0x1] =	stream.linear.gather [hbm4b:s19+s3], $0x400, $0x38;
	[tilespmem:$0x1F820] =	vst v63  }
.Ltmp2:
0x33: {  	_ =	swait.ge [sflag:s21], $0x400;
	(pc) =	sbr.rel .LBB2_2-.Ltmp2, $4  }
0x34: {  	[sflag:s21] =	ssyncset.done $0x0  }
0x35: {  	[sflag:s21] =	ssyncadd.s32 $0xFFFFFC00  }
0x36: {  	[bflag:$0x0] =	sbarrier.arrive $0xFFFF  }
0x37: {  	s19 =	simm.s32 $0x0;
	s18 =	rddreg [dreg:$0xe]  }
.LBB2_3:
0x38: {  	[tilespmem:s23], [sflag:$0x2] =	stream.linear.gather [hbm4b:s18+s3], $0x400, $0x38;
	[tilespmem:$0x1F820] =	vst v63  }
0x39: {  	_ = 	snop  }
0x3a: {  	[tilespmem:s24], [sflag:$0x3] =	stream.indirect.gather [hbm4b:s4+s22], $0x20, s3, s22, $0xb8;
	[tilespmem:$0x1F820] =	vst v63  }
0x3b: {  	_ =	swait.ge [sflag:s25], $0x1000  }
0x3c: {  	[sflag:s25] =	ssyncset.done $0x0  }
0x3d: {  	[sflag:s25] =	ssyncadd.s32 $0xFFFFF000  }
0x3e: {  	[spmem:s1] =	stream.indirect.scatter.add.f32 [tilespmem:s24], [sflag:$0x5], $0x20, s10, s22, $0xb8;
	[tilespmem:$0x1F820] =	vst v63  }
0x3f: {  	_ = 	snop  }
0x40: {  	[tilespmem:s29], [sflag:$0x4] =	stream.indirect.gather [hbm4b:s4+s22], $0x20, s22, s22, $0xb8;
	[tilespmem:$0x1F820] =	vst v63  }
0x41: {  	_ =	swait.ge [sflag:s30], $0x1000  }
0x42: {  	[sflag:s30] =	ssyncset.done $0x0  }
0x43: {  	[sflag:s30] =	ssyncadd.s32 $0xFFFFF000  }
0x44: {  	[spmem:s1] =	stream.indirect.scatter.add.f32 [tilespmem:s29], [sflag:$0x6], $0x20, s11, s22, $0xb8;
	[tilespmem:$0x1F820] =	vst v63  }
0x45: {  	_ =	swait.ge [sflag:s0], $0x1000  }
0x46: {  	[sflag:s0] =	ssyncset.done $0x0  }
0x47: {  	[sflag:s0] =	ssyncadd.s32 $0xFFFFF000  }
0x48: {  	[tilespmem:s24], [sflag:$0x3] =	stream.indirect.gather [hbm4b:s4+s22], $0x20, s12, s22, $0xb8;
	[tilespmem:$0x1F820] =	vst v63  }
0x49: {  	_ =	swait.ge [sflag:s25], $0x1000  }
0x4a: {  	[sflag:s25] =	ssyncset.done $0x0  }
0x4b: {  	[sflag:s25] =	ssyncadd.s32 $0xFFFFF000  }
0x4c: {  	[spmem:s1] =	stream.indirect.scatter.add.f32 [tilespmem:s24], [sflag:$0x5], $0x20, s13, s22, $0xb8;
	[tilespmem:$0x1F820] =	vst v63  }
0x4d: {  	_ =	swait.ge [sflag:s6], $0x1000  }
0x4e: {  	[sflag:s6] =	ssyncset.done $0x0  }
0x4f: {  	[sflag:s6] =	ssyncadd.s32 $0xFFFFF000  }
0x50: {  	[tilespmem:s29], [sflag:$0x4] =	stream.indirect.gather [hbm4b:s4+s22], $0x20, s14, s22, $0xb8;
	[tilespmem:$0x1F820] =	vst v63  }
0x51: {  	_ =	swait.ge [sflag:s30], $0x1000  }
0x52: {  	[sflag:s30] =	ssyncset.done $0x0  }
0x53: {  	[sflag:s30] =	ssyncadd.s32 $0xFFFFF000  }
0x54: {  	[spmem:s1] =	stream.indirect.scatter.add.f32 [tilespmem:s29], [sflag:$0x6], $0x20, s15, s22, $0xb8;
	[tilespmem:$0x1F820] =	vst v63  }
0x55: {  	_ =	swait.ge [sflag:s0], $0x1000  }
0x56: {  	[sflag:s0] =	ssyncset.done $0x0  }
0x57: {  	[sflag:s0] =	ssyncadd.s32 $0xFFFFF000  }
0x58: {  	_ =	swait.ge [sflag:s6], $0x1000  }
0x59: {  	[sflag:s6] =	ssyncset.done $0x0  }
0x5a: {  	s21 =	simm.s32 $0x2;
	[sflag:s6] =	ssyncadd.s32 $0xFFFFF000  }
.LBB2_5:
0x5b: {  	s19 =	sadd.s32 $0x1, s19  }
0x5c: {  	p0 =	sne.s32 s19, $0x4C  }
.Ltmp3:
0x5d: {  	_ = 	snop;
	(pc) =	sbr.rel @!p0 .LBB2_6-.Ltmp3, $4  }
0x5e: {  	_ = 	snop  }
0x5f: {  	_ =	swait.ge [sflag:s21], $0x400  }
0x60: {  	[sflag:s21] =	ssyncset.done $0x0  }
0x61: {  	s18 =	sadd.s32 $0x80, s18;
	[sflag:s21] =	ssyncadd.s32 $0xFFFFFC00  }
.LBB2_2:
0x62: {  	s21 =	sand.u32 $0x1, s19  }
0x63: {  	p0 =	seq.s32 s21, $0x1  }
.Ltmp4:
0x64: {  	_ = 	snop;
	(pc) =	sbr.rel @!p0 .LBB2_3-.Ltmp4, $1  }
0x65: {  	_ =	sdelay $0x3  }
0x66: {  	p0 =	seq.s32 s19, $0x4B  }
0x67: {  	s21 =	simm.s32 @!p0 $0x0  }
0x68: {  	[tilespmem:s21], [sflag:$0x1] =	stream.linear.gather @!p0 [hbm4b:s18+s21], $0x400, $0x38;
	[tilespmem:$0x1F820] =	vst v63  }
0x69: {  	_ = 	snop  }
0x6a: {  	[tilespmem:s24], [sflag:$0x3] =	stream.indirect.gather [hbm4b:s4+s22], $0x20, s23, s22, $0xb8;
	[tilespmem:$0x1F820] =	vst v63  }
0x6b: {  	_ =	swait.ge [sflag:s25], $0x1000  }
0x6c: {  	[sflag:s25] =	ssyncset.done $0x0  }
0x6d: {  	[sflag:s25] =	ssyncadd.s32 $0xFFFFF000  }
0x6e: {  	[spmem:s1] =	stream.indirect.scatter.add.f32 [tilespmem:s24], [sflag:$0x5], $0x20, s26, s22, $0xb8;
	[tilespmem:$0x1F820] =	vst v63  }
0x6f: {  	_ = 	snop  }
0x70: {  	[tilespmem:s29], [sflag:$0x4] =	stream.indirect.gather [hbm4b:s4+s22], $0x20, s28, s22, $0xb8;
	[tilespmem:$0x1F820] =	vst v63  }
0x71: {  	_ =	swait.ge [sflag:s30], $0x1000  }
0x72: {  	[sflag:s30] =	ssyncset.done $0x0  }
0x73: {  	[sflag:s30] =	ssyncadd.s32 $0xFFFFF000  }
0x74: {  	[spmem:s1] =	stream.indirect.scatter.add.f32 [tilespmem:s29], [sflag:$0x6], $0x20, s31, s22, $0xb8;
	[tilespmem:$0x1F820] =	vst v63  }
0x75: {  	_ =	swait.ge [sflag:s0], $0x1000  }
0x76: {  	[sflag:s0] =	ssyncset.done $0x0  }
0x77: {  	[sflag:s0] =	ssyncadd.s32 $0xFFFFF000  }
0x78: {  	[tilespmem:s24], [sflag:$0x3] =	stream.indirect.gather [hbm4b:s4+s22], $0x20, s2, s22, $0xb8;
	[tilespmem:$0x1F820] =	vst v63  }
0x79: {  	_ =	swait.ge [sflag:s25], $0x1000  }
0x7a: {  	[sflag:s25] =	ssyncset.done $0x0  }
0x7b: {  	[sflag:s25] =	ssyncadd.s32 $0xFFFFF000  }
0x7c: {  	[spmem:s1] =	stream.indirect.scatter.add.f32 [tilespmem:s24], [sflag:$0x5], $0x20, s5, s22, $0xb8;
	[tilespmem:$0x1F820] =	vst v63  }
0x7d: {  	_ =	swait.ge [sflag:s6], $0x1000  }
0x7e: {  	[sflag:s6] =	ssyncset.done $0x0  }
0x7f: {  	[sflag:s6] =	ssyncadd.s32 $0xFFFFF000  }
0x80: {  	[tilespmem:s29], [sflag:$0x4] =	stream.indirect.gather [hbm4b:s4+s22], $0x20, s8, s22, $0xb8;
	[tilespmem:$0x1F820] =	vst v63  }
0x81: {  	_ =	swait.ge [sflag:s30], $0x1000  }
0x82: {  	[sflag:s30] =	ssyncset.done $0x0  }
0x83: {  	[sflag:s30] =	ssyncadd.s32 $0xFFFFF000  }
0x84: {  	[spmem:s1] =	stream.indirect.scatter.add.f32 [tilespmem:s29], [sflag:$0x6], $0x20, s9, s22, $0xb8;
	[tilespmem:$0x1F820] =	vst v63  }
0x85: {  	_ =	swait.ge [sflag:s0], $0x1000  }
.Ltmp5:
0x86: {  	[sflag:s0] =	ssyncset.done $0x0;
	(pc) =	sbr.rel @!p0 .LBB2_5-.Ltmp5, $4  }
0x87: {  	[sflag:s0] =	ssyncadd.s32 $0xFFFFF000  }
0x88: {  	_ =	swait.ge [sflag:s6], $0x1000  }
0x89: {  	[sflag:s6] =	ssyncset.done $0x0  }
0x8a: {  	s21 =	simm.s32 $0x1;
	[sflag:s6] =	ssyncadd.s32 $0xFFFFF000  }
.LBB2_6:
0x8b: {  	[bflag:$0x0] =	sbarrier.arrive $0xFFFF  }
0x8c: {  	s18 =	rddreg [dreg:$0x6]  }
0x8d: {  	[hbm:s18], [sflag:s7] =	dma.local [spmem:s17], $0x3A00  }
0x8e: {  	_ =	swait.ge [sflag:s20], $0x3A00  }
0x8f: {  	[sflag:s20] =	ssyncset.done $0x0  }
0x90: {  	[sflag:s20] =	ssyncadd.s32 $0xFFFFC600  }
0x91: {  	[bflag:$0x0] =	sbarrier.arrive $0xFFFF  }
0x92: {  	s19 =	rddreg [dreg:$0x7]  }
0x93: {  	[spmem:s17], [sflag:s7] =	dma.local [hbm:s19], $0x3A00  }
0x94: {  	_ =	swait.ge [sflag:s20], $0x3A00  }
0x95: {  	s21 =	simm.s32 $0x1;
	[sflag:s20] =	ssyncset.done $0x0  }
0x96: {  	s18 =	simm.s32 $0x0;
	s19 =	rddreg [dreg:$0x8];
	[sflag:s20] =	ssyncadd.s32 $0xFFFFC600  }
0x97: {  	[tilespmem:s18], [sflag:$0x1] =	stream.linear.gather [hbm4b:s19+s18], $0x400, $0x38;
	[tilespmem:$0x1F820] =	vst v63  }
.Ltmp6:
0x98: {  	_ =	swait.ge [sflag:s21], $0x400;
	(pc) =	sbr.rel .LBB2_7-.Ltmp6, $4  }
0x99: {  	[sflag:s21] =	ssyncset.done $0x0  }
0x9a: {  	[sflag:s21] =	ssyncadd.s32 $0xFFFFFC00  }
0x9b: {  	[bflag:$0x0] =	sbarrier.arrive $0xFFFF  }
0x9c: {  	s19 =	rddreg [dreg:$0xf]  }
.LBB2_8:
0x9d: {  	[tilespmem:s23], [sflag:$0x2] =	stream.linear.gather [hbm4b:s19+s3], $0x400, $0x38;
	[tilespmem:$0x1F820] =	vst v63  }
0x9e: {  	_ = 	snop  }
0x9f: {  	[tilespmem:s24], [sflag:$0x3] =	stream.indirect.gather [hbm4b:s4+s22], $0x20, s3, s22, $0xb8;
	[tilespmem:$0x1F820] =	vst v63  }
0xa0: {  	_ =	swait.ge [sflag:s25], $0x1000  }
0xa1: {  	[sflag:s25] =	ssyncset.done $0x0  }
0xa2: {  	[sflag:s25] =	ssyncadd.s32 $0xFFFFF000  }
0xa3: {  	[spmem:s1] =	stream.indirect.scatter.add.f32 [tilespmem:s24], [sflag:$0x5], $0x20, s10, s22, $0xb8;
	[tilespmem:$0x1F820] =	vst v63  }
0xa4: {  	_ = 	snop  }
0xa5: {  	[tilespmem:s29], [sflag:$0x4] =	stream.indirect.gather [hbm4b:s4+s22], $0x20, s22, s22, $0xb8;
	[tilespmem:$0x1F820] =	vst v63  }
0xa6: {  	_ =	swait.ge [sflag:s30], $0x1000  }
0xa7: {  	[sflag:s30] =	ssyncset.done $0x0  }
0xa8: {  	[sflag:s30] =	ssyncadd.s32 $0xFFFFF000  }
0xa9: {  	[spmem:s1] =	stream.indirect.scatter.add.f32 [tilespmem:s29], [sflag:$0x6], $0x20, s11, s22, $0xb8;
	[tilespmem:$0x1F820] =	vst v63  }
0xaa: {  	_ =	swait.ge [sflag:s0], $0x1000  }
0xab: {  	[sflag:s0] =	ssyncset.done $0x0  }
0xac: {  	[sflag:s0] =	ssyncadd.s32 $0xFFFFF000  }
0xad: {  	[tilespmem:s24], [sflag:$0x3] =	stream.indirect.gather [hbm4b:s4+s22], $0x20, s12, s22, $0xb8;
	[tilespmem:$0x1F820] =	vst v63  }
0xae: {  	_ =	swait.ge [sflag:s25], $0x1000  }
0xaf: {  	[sflag:s25] =	ssyncset.done $0x0  }
0xb0: {  	[sflag:s25] =	ssyncadd.s32 $0xFFFFF000  }
0xb1: {  	[spmem:s1] =	stream.indirect.scatter.add.f32 [tilespmem:s24], [sflag:$0x5], $0x20, s13, s22, $0xb8;
	[tilespmem:$0x1F820] =	vst v63  }
0xb2: {  	_ =	swait.ge [sflag:s6], $0x1000  }
0xb3: {  	[sflag:s6] =	ssyncset.done $0x0  }
0xb4: {  	[sflag:s6] =	ssyncadd.s32 $0xFFFFF000  }
0xb5: {  	[tilespmem:s29], [sflag:$0x4] =	stream.indirect.gather [hbm4b:s4+s22], $0x20, s14, s22, $0xb8;
	[tilespmem:$0x1F820] =	vst v63  }
0xb6: {  	_ =	swait.ge [sflag:s30], $0x1000  }
0xb7: {  	[sflag:s30] =	ssyncset.done $0x0  }
0xb8: {  	[sflag:s30] =	ssyncadd.s32 $0xFFFFF000  }
0xb9: {  	[spmem:s1] =	stream.indirect.scatter.add.f32 [tilespmem:s29], [sflag:$0x6], $0x20, s15, s22, $0xb8;
	[tilespmem:$0x1F820] =	vst v63  }
0xba: {  	_ =	swait.ge [sflag:s0], $0x1000  }
0xbb: {  	[sflag:s0] =	ssyncset.done $0x0  }
0xbc: {  	[sflag:s0] =	ssyncadd.s32 $0xFFFFF000  }
0xbd: {  	_ =	swait.ge [sflag:s6], $0x1000  }
0xbe: {  	[sflag:s6] =	ssyncset.done $0x0  }
0xbf: {  	s21 =	simm.s32 $0x2;
	[sflag:s6] =	ssyncadd.s32 $0xFFFFF000  }
.LBB2_10:
0xc0: {  	s18 =	sadd.s32 $0x1, s18  }
0xc1: {  	p0 =	sne.s32 s18, $0x4C  }
.Ltmp7:
0xc2: {  	_ = 	snop;
	(pc) =	sbr.rel @!p0 .LBB2_11-.Ltmp7, $4  }
0xc3: {  	_ = 	snop  }
0xc4: {  	_ =	swait.ge [sflag:s21], $0x400  }
0xc5: {  	[sflag:s21] =	ssyncset.done $0x0  }
0xc6: {  	s19 =	sadd.s32 $0x80, s19;
	[sflag:s21] =	ssyncadd.s32 $0xFFFFFC00  }
.LBB2_7:
0xc7: {  	s21 =	sand.u32 $0x1, s18  }
0xc8: {  	p0 =	seq.s32 s21, $0x1  }
.Ltmp8:
0xc9: {  	_ = 	snop;
	(pc) =	sbr.rel @!p0 .LBB2_8-.Ltmp8, $1  }
0xca: {  	_ =	sdelay $0x3  }
0xcb: {  	p0 =	seq.s32 s18, $0x4B  }
0xcc: {  	s21 =	simm.s32 @!p0 $0x0  }
0xcd: {  	[tilespmem:s21], [sflag:$0x1] =	stream.linear.gather @!p0 [hbm4b:s19+s21], $0x400, $0x38;
	[tilespmem:$0x1F820] =	vst v63  }
0xce: {  	_ = 	snop  }
0xcf: {  	[tilespmem:s24], [sflag:$0x3] =	stream.indirect.gather [hbm4b:s4+s22], $0x20, s23, s22, $0xb8;
	[tilespmem:$0x1F820] =	vst v63  }
0xd0: {  	_ =	swait.ge [sflag:s25], $0x1000  }
0xd1: {  	[sflag:s25] =	ssyncset.done $0x0  }
0xd2: {  	[sflag:s25] =	ssyncadd.s32 $0xFFFFF000  }
0xd3: {  	[spmem:s1] =	stream.indirect.scatter.add.f32 [tilespmem:s24], [sflag:$0x5], $0x20, s26, s22, $0xb8;
	[tilespmem:$0x1F820] =	vst v63  }
0xd4: {  	_ = 	snop  }
0xd5: {  	[tilespmem:s29], [sflag:$0x4] =	stream.indirect.gather [hbm4b:s4+s22], $0x20, s28, s22, $0xb8;
	[tilespmem:$0x1F820] =	vst v63  }
0xd6: {  	_ =	swait.ge [sflag:s30], $0x1000  }
0xd7: {  	[sflag:s30] =	ssyncset.done $0x0  }
0xd8: {  	[sflag:s30] =	ssyncadd.s32 $0xFFFFF000  }
0xd9: {  	[spmem:s1] =	stream.indirect.scatter.add.f32 [tilespmem:s29], [sflag:$0x6], $0x20, s31, s22, $0xb8;
	[tilespmem:$0x1F820] =	vst v63  }
0xda: {  	_ =	swait.ge [sflag:s0], $0x1000  }
0xdb: {  	[sflag:s0] =	ssyncset.done $0x0  }
0xdc: {  	[sflag:s0] =	ssyncadd.s32 $0xFFFFF000  }
0xdd: {  	[tilespmem:s24], [sflag:$0x3] =	stream.indirect.gather [hbm4b:s4+s22], $0x20, s2, s22, $0xb8;
	[tilespmem:$0x1F820] =	vst v63  }
0xde: {  	_ =	swait.ge [sflag:s25], $0x1000  }
0xdf: {  	[sflag:s25] =	ssyncset.done $0x0  }
0xe0: {  	[sflag:s25] =	ssyncadd.s32 $0xFFFFF000  }
0xe1: {  	[spmem:s1] =	stream.indirect.scatter.add.f32 [tilespmem:s24], [sflag:$0x5], $0x20, s5, s22, $0xb8;
	[tilespmem:$0x1F820] =	vst v63  }
0xe2: {  	_ =	swait.ge [sflag:s6], $0x1000  }
0xe3: {  	[sflag:s6] =	ssyncset.done $0x0  }
0xe4: {  	[sflag:s6] =	ssyncadd.s32 $0xFFFFF000  }
0xe5: {  	[tilespmem:s29], [sflag:$0x4] =	stream.indirect.gather [hbm4b:s4+s22], $0x20, s8, s22, $0xb8;
	[tilespmem:$0x1F820] =	vst v63  }
0xe6: {  	_ =	swait.ge [sflag:s30], $0x1000  }
0xe7: {  	[sflag:s30] =	ssyncset.done $0x0  }
0xe8: {  	[sflag:s30] =	ssyncadd.s32 $0xFFFFF000  }
0xe9: {  	[spmem:s1] =	stream.indirect.scatter.add.f32 [tilespmem:s29], [sflag:$0x6], $0x20, s9, s22, $0xb8;
	[tilespmem:$0x1F820] =	vst v63  }
0xea: {  	_ =	swait.ge [sflag:s0], $0x1000  }
.Ltmp9:
0xeb: {  	[sflag:s0] =	ssyncset.done $0x0;
	(pc) =	sbr.rel @!p0 .LBB2_10-.Ltmp9, $4  }
0xec: {  	[sflag:s0] =	ssyncadd.s32 $0xFFFFF000  }
0xed: {  	_ =	swait.ge [sflag:s6], $0x1000  }
0xee: {  	[sflag:s6] =	ssyncset.done $0x0  }
0xef: {  	s21 =	simm.s32 $0x1;
	[sflag:s6] =	ssyncadd.s32 $0xFFFFF000  }
.LBB2_11:
0xf0: {  	[bflag:$0x0] =	sbarrier.arrive $0xFFFF  }
0xf1: {  	s18 =	rddreg [dreg:$0x9]  }
0xf2: {  	[hbm:s18], [sflag:s7] =	dma.local [spmem:s17], $0x3A00  }
0xf3: {  	_ =	swait.ge [sflag:s20], $0x3A00  }
0xf4: {  	[sflag:s20] =	ssyncset.done $0x0  }
0xf5: {  	[sflag:s20] =	ssyncadd.s32 $0xFFFFC600  }
0xf6: {  	[bflag:$0x0] =	sbarrier.arrive $0xFFFF  }
0xf7: {  	s19 =	rddreg [dreg:$0xa]  }
0xf8: {  	[spmem:s17], [sflag:s7] =	dma.local [hbm:s19], $0x3A00  }
0xf9: {  	_ =	swait.ge [sflag:s20], $0x3A00  }
0xfa: {  	s21 =	simm.s32 $0x1;
	[sflag:s20] =	ssyncset.done $0x0  }
0xfb: {  	s18 =	simm.s32 $0x0;
	s19 =	rddreg [dreg:$0xb];
	[sflag:s20] =	ssyncadd.s32 $0xFFFFC600  }
0xfc: {  	[tilespmem:s18], [sflag:$0x1] =	stream.linear.gather [hbm4b:s19+s18], $0x400, $0x38;
	[tilespmem:$0x1F820] =	vst v63  }
.Ltmp10:
0xfd: {  	_ =	swait.ge [sflag:s21], $0x400;
	(pc) =	sbr.rel .LBB2_12-.Ltmp10, $4  }
0xfe: {  	[sflag:s21] =	ssyncset.done $0x0  }
0xff: {  	[sflag:s21] =	ssyncadd.s32 $0xFFFFFC00  }
0x100: {  	[bflag:$0x0] =	sbarrier.arrive $0xFFFF  }
0x101: {  	s19 =	rddreg [dreg:$0x10]  }
.LBB2_13:
0x102: {  	[tilespmem:s23], [sflag:$0x2] =	stream.linear.gather [hbm4b:s19+s3], $0x400, $0x38;
	[tilespmem:$0x1F820] =	vst v63  }
0x103: {  	_ = 	snop  }
0x104: {  	[tilespmem:s24], [sflag:$0x3] =	stream.indirect.gather [hbm4b:s4+s22], $0x20, s3, s22, $0xb8;
	[tilespmem:$0x1F820] =	vst v63  }
0x105: {  	_ =	swait.ge [sflag:s25], $0x1000  }
0x106: {  	[sflag:s25] =	ssyncset.done $0x0  }
0x107: {  	[sflag:s25] =	ssyncadd.s32 $0xFFFFF000  }
0x108: {  	[spmem:s1] =	stream.indirect.scatter.add.f32 [tilespmem:s24], [sflag:$0x5], $0x20, s10, s22, $0xb8;
	[tilespmem:$0x1F820] =	vst v63  }
0x109: {  	_ = 	snop  }
0x10a: {  	[tilespmem:s29], [sflag:$0x4] =	stream.indirect.gather [hbm4b:s4+s22], $0x20, s22, s22, $0xb8;
	[tilespmem:$0x1F820] =	vst v63  }
0x10b: {  	_ =	swait.ge [sflag:s30], $0x1000  }
0x10c: {  	[sflag:s30] =	ssyncset.done $0x0  }
0x10d: {  	[sflag:s30] =	ssyncadd.s32 $0xFFFFF000  }
0x10e: {  	[spmem:s1] =	stream.indirect.scatter.add.f32 [tilespmem:s29], [sflag:$0x6], $0x20, s11, s22, $0xb8;
	[tilespmem:$0x1F820] =	vst v63  }
0x10f: {  	_ =	swait.ge [sflag:s0], $0x1000  }
0x110: {  	[sflag:s0] =	ssyncset.done $0x0  }
0x111: {  	[sflag:s0] =	ssyncadd.s32 $0xFFFFF000  }
0x112: {  	[tilespmem:s24], [sflag:$0x3] =	stream.indirect.gather [hbm4b:s4+s22], $0x20, s12, s22, $0xb8;
	[tilespmem:$0x1F820] =	vst v63  }
0x113: {  	_ =	swait.ge [sflag:s25], $0x1000  }
0x114: {  	[sflag:s25] =	ssyncset.done $0x0  }
0x115: {  	[sflag:s25] =	ssyncadd.s32 $0xFFFFF000  }
0x116: {  	[spmem:s1] =	stream.indirect.scatter.add.f32 [tilespmem:s24], [sflag:$0x5], $0x20, s13, s22, $0xb8;
	[tilespmem:$0x1F820] =	vst v63  }
0x117: {  	_ =	swait.ge [sflag:s6], $0x1000  }
0x118: {  	[sflag:s6] =	ssyncset.done $0x0  }
0x119: {  	[sflag:s6] =	ssyncadd.s32 $0xFFFFF000  }
0x11a: {  	[tilespmem:s29], [sflag:$0x4] =	stream.indirect.gather [hbm4b:s4+s22], $0x20, s14, s22, $0xb8;
	[tilespmem:$0x1F820] =	vst v63  }
0x11b: {  	_ =	swait.ge [sflag:s30], $0x1000  }
0x11c: {  	[sflag:s30] =	ssyncset.done $0x0  }
0x11d: {  	[sflag:s30] =	ssyncadd.s32 $0xFFFFF000  }
0x11e: {  	[spmem:s1] =	stream.indirect.scatter.add.f32 [tilespmem:s29], [sflag:$0x6], $0x20, s15, s22, $0xb8;
	[tilespmem:$0x1F820] =	vst v63  }
0x11f: {  	_ =	swait.ge [sflag:s0], $0x1000  }
0x120: {  	[sflag:s0] =	ssyncset.done $0x0  }
0x121: {  	[sflag:s0] =	ssyncadd.s32 $0xFFFFF000  }
0x122: {  	_ =	swait.ge [sflag:s6], $0x1000  }
0x123: {  	[sflag:s6] =	ssyncset.done $0x0  }
0x124: {  	s21 =	simm.s32 $0x2;
	[sflag:s6] =	ssyncadd.s32 $0xFFFFF000  }
.LBB2_15:
0x125: {  	s18 =	sadd.s32 $0x1, s18  }
0x126: {  	p0 =	sne.s32 s18, $0x4C  }
.Ltmp11:
0x127: {  	_ = 	snop;
	(pc) =	sbr.rel @!p0 .LBB2_16-.Ltmp11, $4  }
0x128: {  	_ = 	snop  }
0x129: {  	_ =	swait.ge [sflag:s21], $0x400  }
0x12a: {  	[sflag:s21] =	ssyncset.done $0x0  }
0x12b: {  	s19 =	sadd.s32 $0x80, s19;
	[sflag:s21] =	ssyncadd.s32 $0xFFFFFC00  }
.LBB2_12:
0x12c: {  	s21 =	sand.u32 $0x1, s18  }
0x12d: {  	p0 =	seq.s32 s21, $0x1  }
.Ltmp12:
0x12e: {  	_ = 	snop;
	(pc) =	sbr.rel @!p0 .LBB2_13-.Ltmp12, $1  }
0x12f: {  	_ =	sdelay $0x3  }
0x130: {  	p0 =	seq.s32 s18, $0x4B  }
0x131: {  	s21 =	simm.s32 @!p0 $0x0  }
0x132: {  	[tilespmem:s21], [sflag:$0x1] =	stream.linear.gather @!p0 [hbm4b:s19+s21], $0x400, $0x38;
	[tilespmem:$0x1F820] =	vst v63  }
0x133: {  	_ = 	snop  }
0x134: {  	[tilespmem:s24], [sflag:$0x3] =	stream.indirect.gather [hbm4b:s4+s22], $0x20, s23, s22, $0xb8;
	[tilespmem:$0x1F820] =	vst v63  }
0x135: {  	_ =	swait.ge [sflag:s25], $0x1000  }
0x136: {  	[sflag:s25] =	ssyncset.done $0x0  }
0x137: {  	[sflag:s25] =	ssyncadd.s32 $0xFFFFF000  }
0x138: {  	[spmem:s1] =	stream.indirect.scatter.add.f32 [tilespmem:s24], [sflag:$0x5], $0x20, s26, s22, $0xb8;
	[tilespmem:$0x1F820] =	vst v63  }
0x139: {  	_ = 	snop  }
0x13a: {  	[tilespmem:s29], [sflag:$0x4] =	stream.indirect.gather [hbm4b:s4+s22], $0x20, s28, s22, $0xb8;
	[tilespmem:$0x1F820] =	vst v63  }
0x13b: {  	_ =	swait.ge [sflag:s30], $0x1000  }
0x13c: {  	[sflag:s30] =	ssyncset.done $0x0  }
0x13d: {  	[sflag:s30] =	ssyncadd.s32 $0xFFFFF000  }
0x13e: {  	[spmem:s1] =	stream.indirect.scatter.add.f32 [tilespmem:s29], [sflag:$0x6], $0x20, s31, s22, $0xb8;
	[tilespmem:$0x1F820] =	vst v63  }
0x13f: {  	_ =	swait.ge [sflag:s0], $0x1000  }
0x140: {  	[sflag:s0] =	ssyncset.done $0x0  }
0x141: {  	[sflag:s0] =	ssyncadd.s32 $0xFFFFF000  }
0x142: {  	[tilespmem:s24], [sflag:$0x3] =	stream.indirect.gather [hbm4b:s4+s22], $0x20, s2, s22, $0xb8;
	[tilespmem:$0x1F820] =	vst v63  }
0x143: {  	_ =	swait.ge [sflag:s25], $0x1000  }
0x144: {  	[sflag:s25] =	ssyncset.done $0x0  }
0x145: {  	[sflag:s25] =	ssyncadd.s32 $0xFFFFF000  }
0x146: {  	[spmem:s1] =	stream.indirect.scatter.add.f32 [tilespmem:s24], [sflag:$0x5], $0x20, s5, s22, $0xb8;
	[tilespmem:$0x1F820] =	vst v63  }
0x147: {  	_ =	swait.ge [sflag:s6], $0x1000  }
0x148: {  	[sflag:s6] =	ssyncset.done $0x0  }
0x149: {  	[sflag:s6] =	ssyncadd.s32 $0xFFFFF000  }
0x14a: {  	[tilespmem:s29], [sflag:$0x4] =	stream.indirect.gather [hbm4b:s4+s22], $0x20, s8, s22, $0xb8;
	[tilespmem:$0x1F820] =	vst v63  }
0x14b: {  	_ =	swait.ge [sflag:s30], $0x1000  }
0x14c: {  	[sflag:s30] =	ssyncset.done $0x0  }
0x14d: {  	[sflag:s30] =	ssyncadd.s32 $0xFFFFF000  }
0x14e: {  	[spmem:s1] =	stream.indirect.scatter.add.f32 [tilespmem:s29], [sflag:$0x6], $0x20, s9, s22, $0xb8;
	[tilespmem:$0x1F820] =	vst v63  }
0x14f: {  	_ =	swait.ge [sflag:s0], $0x1000  }
.Ltmp13:
0x150: {  	[sflag:s0] =	ssyncset.done $0x0;
	(pc) =	sbr.rel @!p0 .LBB2_15-.Ltmp13, $4  }
.Ltmp14:
0x151: {  	[sflag:s0] =	ssyncadd.s32 $0xFFFFF000;
	(pc) =	sbr.rel @p0 .LBB2_16-.Ltmp14, $4  }
0x152: {  	_ =	swait.ge [sflag:s6], $0x1000  }
0x153: {  	[sflag:s6] =	ssyncset.done $0x0  }
0x154: {  	s21 =	simm.s32 $0x1;
	[sflag:s6] =	ssyncadd.s32 $0xFFFFF000  }
0x155: {  	_ = 	snop  }
.LBB2_17:
0x156: {  	_ =	sfence.sel $0x180000  }
0x157: {  	[bflag:$0x0] =	sbarrier.arrive $0xFFFF  }
0x158: {  	_ =	strace $0x90000056  }
0x159: {  	s0 =	stileid.u32;
	[bflag:$0x2] =	sbarrier.arrive $0xFFFF  }
0x15a: {  	p0 =	sne.s32 s0, $0x0;
	s0 =	rddreg [dreg:$0x2]  }
0x15b: {  	s0 =	sadd.s32 @!p0 $0x100000, s0  }
0x15c: {  	[sflag:s0] =	ssyncadd.tile.s32 @!p0 $0x1;
	_ =	shalt  }
.Lfunc_end2:
_tile_overlayer_lowered:
.L_overlay_start_2:
0x15d: {  	(tag) =	ssettag $0x2  }
0x15e: {  	s0 =	rddreg [dreg:$0x0];
	s2 =	stileid.u32  }
0x15f: {  	s1 =	rddreg [dreg:$0x1];
	p0 =	sne.s32 s2, $0x0  }
0x160: {  	s3 =	rddreg [dreg:$0x2];
	[bflag:$0x3] =	sbarrier.arrive $0xFFFF;
	s2 =	simm.s32 @!p0 $0x1C07  }
0x161: {  	[timem:s3], [sflag:s2] =	dma.local @!p0 [hbm:s0], s1  }
0x162: {  	s0 =	simm.s32 @!p0 $0x7  }
0x163: {  	_ =	swait.ge @!p0 [sflag:s0], s1  }
0x164: {  	s1 =	ssub.s32 @!p0 $0x0, s1;
	[sflag:s0] =	ssyncset.done @!p0 $0x0  }
0x165: {  	[sflag:s0] =	ssyncadd.s32 @!p0 s1  }
0x166: {  	[bflag:$0x3] =	sbarrier.arrive $0xFFFF  }
0x167: {  	_ =	shalt  }

// kernel: kernel.6.cloned.1.call-start
scs
__scs_entry_jumppad:
0x0: {  	(pc) =	sbr.rel $0x88, $3  }
0x1: {  	(tag) =	ssettag $0x0;
	lr =	simm.s32 $0x1  }
0x2: {  	[smem:$0x3F8D] =	sst lr;
	_ =	strace $0xD0000000  }
0x3: {  	_ = 	snop  }
0x4: {  	_ = 	snop  }
0x5: {  	_ = 	snop  }
0x6: {  	_ = 	snop  }
0x7: {  	_ = 	snop  }
__scs_overlays_trampoline_lowered:
0x8: {  	[smem:$0x3F9C] =	sst s0  }
0x9: {  	[smem:$0x3F9D] =	sst s1  }
0xa: {  	[smem:$0x3F9E] =	sst s2  }
0xb: {  	[smem:$0x3F9F] =	sst s3  }
0xc: {  	[smem:$0x3FA0] =	sst s4  }
0xd: {  	[smem:$0x3FA1] =	sst s5  }
0xe: {  	[smem:$0x3FA2] =	sst s6  }
0xf: {  	[smem:$0x3FA3] =	sst s7  }
0x10: {  	[smem:$0x3FA4] =	sst s8  }
0x11: {  	[smem:$0x3FA5] =	sst s9;
	s0 =	simm.s32 @!p0 $0x0  }
0x12: {  	s1 =	sld [smem:$0x3F8B];
	s0 =	simm.s32 @p0 $0x1  }
0x13: {  	[smem:$0x3FA6] =	sst s0;
	s0 =	simm.s32 @!p1 $0x0  }
0x14: {  	s2 =	sld [smem:$0x3F8A];
	s0 =	simm.s32 @p1 $0x1  }
0x15: {  	[smem:$0x3FA7] =	sst s0;
	s0 =	simm.s32 @!p2 $0x0  }
0x16: {  	s3 =	sld [smem:$0x3FDB];
	s0 =	simm.s32 @p2 $0x1  }
0x17: {  	s4 =	simm.s32 $0x1BF5;
	[smem:$0x3FA9] =	sst s0  }
0x18: {  	s0 =	sld [smem:$0x3F8C];
	_ =	swait.ge [sflag:s4], $0x0  }
0x19: {  	s7 =	sld [smem:$0x3F8D]  }
0x1a: {  	s8 =	sadd.s32 $0xFFFFE003, lr  }
0x1b: {  	s9 =	sadd.s32 $0xFFFFFEF7, lr;
	s5 =	simm.s32 $0xFFFFFFFF;
	p2 =	slt.u32 s8, $0xFFFFF086  }
0x1c: {  	p1 =	slt.u32 s9, $0xF7A;
	s5 =	simm.s32 @!p2 $0x0  }
0x1d: {  	s5 =	simm.s32 @p1 $0x1;
	p0 =	seq.s32 s7, s2  }
0x1e: {  	s7 =	smul.u32 @!p0 $0xF7A, s2;
	p2 =	seq.s32 @!p0 s5, $0x0  }
0x1f: {  	s9 =	smul.u32 $0xF7A, s1;
	s8 =	simm.s32 @!p0 $0x1BF5;
	p2 =	por !p2, p0  }
0x20: {  	[sflag:s8] =	ssyncset.s32 @!p0 $0xFFFFF086;
	s6 =	sadd.s32 @!p0 s3, s7;
	s7 =	simm.s32 @!p0 $0x108  }
0x21: {  	s3 =	sadd.s32 s3, s9;
	s6 =	sadd.s32 @!p0 $0x88, s6;
	s7 =	simm.s32 @p2 $0x1082  }
0x22: {  	[simem:s7], [sflag:s8] =	dma.local @!p0 [hbm:s6], $0xF7A  }
0x23: {  	s9 =	sor.u32 $0xD0000000, s2;
	s6 =	simm.s32 $0x108;
	_ =	swait.ge @!p0 [sflag:s8], $0x0  }
0x24: {  	s3 =	sadd.s32 $0x88, s3;
	s6 =	simm.s32 @!p1 $0x1082;
	[sflag:s4] =	ssyncset.s32 $0xFFFFF086  }
0x25: {  	[simem:s6], [sflag:s4] =	dma.local [hbm:s3], $0xF7A  }
0x26: {  	[smem:$0x3F8D] =	sst s1;
	(tag) =	ssettag s2;
	_ =	strace s9  }
0x27: {  	s1 =	sld [smem:$0x3F9D]  }
0x28: {  	s2 =	sld [smem:$0x3F9E]  }
0x29: {  	s4 =	sld [smem:$0x3FA0]  }
0x2a: {  	p0 =	seq.s32 s5, $0x0;
	s5 =	sld [smem:$0x3FA1]  }
0x2b: {  	s6 =	sld [smem:$0x3FA2]  }
0x2c: {  	s7 =	sld [smem:$0x3FA3]  }
0x2d: {  	s3 =	simm.s32 $0x108;
	s8 =	sld [smem:$0x3FA4]  }
0x2e: {  	s3 =	simm.s32 @!p0 $0x1082;
	s9 =	sld [smem:$0x3FA5]  }
0x2f: {  	lr =	sadd.s32 s0, s3;
	s0 =	sld [smem:$0x3F9C]  }
0x30: {  	s3 =	sld [smem:$0x3F9F]  }
0x31: {  	[smem:$0x3FA8] =	sst s10  }
0x32: {  	s10 =	sld [smem:$0x3FA6];
	_ =	sdelay $0x3  }
0x33: {  	p0 =	seq.s32 s10, $0x1;
	s10 =	sld [smem:$0x3FA8];
	_ =	sdelay $0x3  }
0x34: {  	[smem:$0x3FA8] =	sst s10  }
0x35: {  	s10 =	sld [smem:$0x3FA7];
	_ =	sdelay $0x3  }
0x36: {  	p1 =	seq.s32 s10, $0x1;
	s10 =	sld [smem:$0x3FA8];
	_ =	sdelay $0x3  }
0x37: {  	[smem:$0x3FA8] =	sst s10  }
0x38: {  	s10 =	sld [smem:$0x3FA9]  }
0x39: {  	_ = 	snop;
	(pc) =	sbr.ind lr, $3  }
0x3a: {  	_ = 	snop  }
0x3b: {  	_ = 	snop  }
0x3c: {  	p2 =	seq.s32 s10, $0x1;
	s10 =	sld [smem:$0x3FA8]  }
0x3d: {  	_ =	shalt  }
0x3e: {  	_ =	shalt  }
0x3f: {  	_ =	shalt  }
0x40: {  	_ =	shalt  }
0x41: {  	_ =	shalt  }
0x42: {  	_ =	shalt  }
0x43: {  	_ =	shalt  }
0x44: {  	_ =	shalt  }
0x45: {  	_ =	shalt  }
0x46: {  	_ =	shalt  }
0x47: {  	_ =	shalt  }
0x48: {  	_ =	shalt  }
0x49: {  	_ =	shalt  }
0x4a: {  	_ =	shalt  }
0x4b: {  	_ =	shalt  }
0x4c: {  	_ =	shalt  }
0x4d: {  	_ =	shalt  }
0x4e: {  	_ =	shalt  }
0x4f: {  	_ =	shalt  }
0x50: {  	_ =	shalt  }
0x51: {  	_ =	shalt  }
0x52: {  	_ =	shalt  }
0x53: {  	_ =	shalt  }
0x54: {  	_ =	shalt  }
0x55: {  	_ =	shalt  }
0x56: {  	_ =	shalt  }
0x57: {  	_ =	shalt  }
0x58: {  	_ =	shalt  }
0x59: {  	_ =	shalt  }
0x5a: {  	_ =	shalt  }
0x5b: {  	_ =	shalt  }
0x5c: {  	_ =	shalt  }
0x5d: {  	_ =	shalt  }
0x5e: {  	_ =	shalt  }
0x5f: {  	_ =	shalt  }
0x60: {  	_ =	shalt  }
0x61: {  	_ =	shalt  }
0x62: {  	_ =	shalt  }
0x63: {  	_ =	shalt  }
0x64: {  	_ =	shalt  }
0x65: {  	_ =	shalt  }
0x66: {  	_ =	shalt  }
0x67: {  	_ =	shalt  }
0x68: {  	_ =	shalt  }
0x69: {  	_ =	shalt  }
0x6a: {  	_ =	shalt  }
0x6b: {  	_ =	shalt  }
0x6c: {  	_ =	shalt  }
0x6d: {  	_ =	shalt  }
0x6e: {  	_ =	shalt  }
0x6f: {  	_ =	shalt  }
0x70: {  	_ =	shalt  }
0x71: {  	_ =	shalt  }
0x72: {  	_ =	shalt  }
0x73: {  	_ =	shalt  }
0x74: {  	_ =	shalt  }
0x75: {  	_ =	shalt  }
0x76: {  	_ =	shalt  }
0x77: {  	_ =	shalt  }
0x78: {  	_ =	shalt  }
0x79: {  	_ =	shalt  }
0x7a: {  	_ =	shalt  }
0x7b: {  	_ =	shalt  }
0x7c: {  	_ =	shalt  }
0x7d: {  	_ =	shalt  }
0x7e: {  	_ =	shalt  }
0x7f: {  	_ =	shalt  }
0x80: {  	_ =	shalt  }
0x81: {  	_ =	shalt  }
0x82: {  	_ =	shalt  }
0x83: {  	_ =	shalt  }
0x84: {  	_ =	shalt  }
0x85: {  	_ =	shalt  }
0x86: {  	_ =	shalt  }
0x87: {  	_ =	shalt  }
.Lfunc_end0:
.L_simem_size_0:
called_computation.4_lowered:
.L_overlay_start_0:
0x88: {  	s2 =	sld [smem:$0x3FD9]  }
0x89: {  	s3 =	sld [smem:$0x3FFE];
	_ =	sdelay $0x1  }
0x8a: {  	s1 =	srdreg.scid  }
0x8b: {  	s0 =	sand.u32 $0x1, s1  }
0x8c: {  	s14 =	sshll.u32 s0, $0xA;
	s2 =	sadd.s32 s3, s2  }
0x8d: {  	s2 =	sadd.s32 s2, s14  }
0x8e: {  	[smem:$0x3FB4] =	sst s2  }
0x8f: {  	_ = 	snop  }
0x90: {  	s2 =	sld [smem:$0x3FD0];
	_ =	sdelay $0x2  }
0x91: {  	s15 =	simm.s32 $0xA;
	s4 =	simm.s32 $0x10  }
0x92: {  	[smem:s4], [sflag:s15] =	dma.local [hbm:s2], $0x1  }
0x93: {  	_ =	swait.eq [sflag:s15], $0x1  }
0x94: {  	[sflag:s15] =	ssyncset.done $0x0  }
0x95: {  	[sflag:s15] =	ssyncadd.s32 $0xFFFFFFFF  }
0x96: {  	s16 =	sld [smem:$0x14];
	(tm) =	ssettm $0x1  }
0x97: {  	s17 =	sld [smem:$0x3FFB];
	_ =	sdelay $0x3  }
0x98: {  	_ =	strace s17  }
0x99: {  	s3 =	sld [smem:$0x3FFC];
	_ =	sdelay $0x3  }
0x9a: {  	_ =	strace s3  }
0x9b: {  	s3 =	sld [smem:$0x3FFD];
	_ =	sdelay $0x3  }
0x9c: {  	_ =	strace s3  }
0x9d: {  	_ =	strace $0x8FFFFFFF  }
0x9e: {  	s18 =	sld [smem:$0x3FDB];
	_ =	sdelay $0x1  }
0x9f: {  	s19 =	simm.s32 $_scs_section_size  }
0xa0: {  	s5 =	simm.s32 $_size__tile_overlayer_lowered;
	s6 =	simm.s32 $_tile_overlayer_lowered  }
0xa1: {  	s22 =	simm.s32 $0x1BFF;
	s21 =	sshll.u32 s6, $0x1;
	s3 =	sadd.s32 s19, s18  }
0xa2: {  	s7 =	simm.s32 $0x0;
	s20 =	sshll.u32 s5, $0x1;
	s5 =	sadd.s32 s21, s3  }
0xa3: {  	[timem:s7], [sflag:s22] =	dma.local [hbm:s5], s20  }
0xa4: {  	_ =	swait.ge [sflag:s22], s20  }
0xa5: {  	s4 =	ssub.s32 $0x0, s20;
	[sflag:s22] =	ssyncset.done $0x0  }
0xa6: {  	[sflag:s22] =	ssyncadd.s32 s4;
	_ =	sdelay $0x1  }
0xa7: {  	s23 =	simm.s32 $0x1B8B  }
0xa8: {  	_ =	swait.ge [sflag:s23], $0x1  }
0xa9: {  	[sflag:s23] =	ssyncset.done $0x0  }
0xaa: {  	s25 =	simm.s32 $0x1B8E;
	s24 =	sld [smem:$0x3FFE];
	[sflag:s23] =	ssyncadd.s32 $0xFFFFFFFF  }
0xab: {  	s26 =	simm.s32 $execute0_lowered;
	[smem:$0x3FD2] =	sst s25  }
0xac: {  	s5 =	sshll.u32 s26, $0x1;
	_ =	strace $0x80000046;
	[dreg:$0x1] =	wrdreg $0xFFFFFFFF  }
0xad: {  	s28 =	simm.s32 $_size_execute0_lowered;
	s3 =	sadd.s32 s3, s5;
	[dreg:$0x0] =	wrdreg $0x0  }
0xae: {  	s5 =	sshll.u32 s28, $0x1;
	[dreg:$0x2] =	wrdreg s3  }
0xaf: {  	[dreg:$0x3] =	wrdreg s5  }
0xb0: {  	[dreg:$0x4] =	wrdreg $0xC0  }
0xb1: {  	_ =	task [dreg:s7], $0x5FFFF  }
0xb2: {  	[dreg:$0x1] =	wrdreg $0xFFFFFFFF  }
0xb3: {  	[dreg:$0x0] =	wrdreg $0x60  }
0xb4: {  	[dreg:$0x2] =	wrdreg s16  }
0xb5: {  	[dreg:$0x3] =	wrdreg s24  }
0xb6: {  	[dreg:$0x4] =	wrdreg $0x5B000  }
0xb7: {  	[dreg:$0x5] =	wrdreg $0x9  }
0xb8: {  	_ =	task.clear_ibuf [dreg:s7], $0x6FFFF;
	_ =	strace $0x90000046  }
0xb9: {  	s29 =	simm.s32 $0x9;
	_ =	strace $0x80000048  }
0xba: {  	_ =	swait.ge [sflag:s29], $0x1  }
0xbb: {  	[sflag:s29] =	ssyncadd.s32 $0xFFFFFFFF  }
0xbc: {  	_ =	strace $0x90000048  }
0xbd: {  	_ =	sfence  }
0xbe: {  	s30 =	sld [smem:$0x0];
	_ =	sdelay $0x2  }
0xbf: {  	s31 =	sshll.u32 s1, $0xD;
	s1 =	sshrl.u32 s1, $0x2  }
0xc0: {  	s3 =	sand.u32 $0x4000, s31;
	s1 =	sadd.s32 s1, s30  }
0xc1: {  	s0 =	sor.u32 s3, s0;
	s1 =	sshll.u32 s1, $0x11  }
0xc2: {  	s0 =	sor.u32 s1, s0  }
0xc3: {  	s0 =	sadd.s32 $0x8F2B, s0  }
0xc4: {  	[sflag:s0] =	ssyncadd.remote.s32 $0x1  }
0xc5: {  	_ =	sfence.sel $0xFFFF  }
0xc6: {  	[dreg:$0x0] =	wrdreg $0xFFFFFFFF;
	(pc) =	sbr.abs _section_cstart, $3  }
0xc7: {  	[dreg:$0x1] =	wrdreg $0xFFFFFFFF  }
0xc8: {  	_ =	task.clear_ibuf [dreg:s7], $0x2FFFF;
	_ =	strace $0x9FFFFFFF  }
0xc9: {  	(tm) =	ssettm $0x7FFFFFFF  }
tec
execute0_lowered:
.L_overlay_start_1:
0x0: {  	(tag) =	ssettag $0x1  }
0x1: {  	s3 =	rddreg [dreg:$0x0]  }
0x2: {  	s0 =	srdreg.scid;
	s4 =	rddreg [dreg:$0x1]  }
0x3: {  	s12 =	stileid.u32;
	s1 =	rddreg [dreg:$0x2]  }
0x4: {  	s2 =	simm.s32 $0x0;
	s10 =	simm.s32 $0x80;
	s11 =	simm.s32 $0x4C00  }
0x5: {  	s14 =	simm.s32 $0x0;
	s5 =	sand.u32 $0x1, s0;
	s0 =	rddreg [dreg:$0x3]  }
0x6: {  	s6 =	smul.u32 $0xE80, s12;
	[smem:$0x7FF] =	sst s2;
	p0 =	sne.s32 s12, $0x0  }
0x7: {  	s7 =	smul.u32 $0xE800, s5;
	s8 =	sshll.u32 s5, $0x4;
	s5 =	ssub.s32 $0x2, s5  }
0x8: {  	_ =	strace $0x80000047;
	s8 =	sor.u32 s12, s8;
	s31 =	sshrl.u32 s5, $0x1  }
0x9: {  	s12 =	sshll.u32 s12, $0x6;
	s7 =	sadd.s32 s6, s7;
	s8 =	smul.u32 $0x980, s8  }
0xa: {  	s9 =	ssub.s32 s5, s31;
	s5 =	sadd.s32 $0xE800, s1;
	s7 =	sshrl.u32 s7, $0x3  }
0xb: {  	s12 =	sor.u32 $0x1C01, s12;
	s7 =	sadd.s32 s7, s4;
	s3 =	sadd.s32 s3, s8  }
0xc: {  	s4 =	sadd.s32 s6, s1;
	s8 =	simm.s32 $0x1;
	s6 =	sadd.s32 $0x7E00, s7  }
0xd: {  	v0 =	vimm.f32 $1.000000000e+00;
	v1 =	vimm.f32 $0.0e+00;
	s7 =	smax.u32 s9, $0x1;
	s9 =	simm.s32 $0x4C80;
	s13 =	sshrl.u32 s4, $0x3  }
.LBB2_1:
0xe: {  	[tilespmem:$0x4C00] =	vst v0  }
0xf: {  	[tilespmem:$0x4C10] =	vst v0  }
0x10: {  	[tilespmem:$0x4C20] =	vst v0  }
0x11: {  	[tilespmem:$0x4C30] =	vst v0  }
0x12: {  	[tilespmem:$0x4C40] =	vst v0  }
0x13: {  	[tilespmem:$0x4C50] =	vst v0  }
0x14: {  	[tilespmem:$0x4C60] =	vst v0  }
0x15: {  	[tilespmem:$0x4C70] =	vst v0;
	s15 =	simm.s32 $0x40;
	s16 =	simm.s32 $0x0  }
.LBB2_2:
0x16: {  	p1 =	sne.s32 s15, $0x39C0;
	[tilespmem:s16+$0x4C80] =	vst v1;
	s16 =	smov.u32 s15;
	s15 =	sadd.s32 $0x40, s15  }
.Ltmp0:
0x17: {  	(pc) =	sbr.rel @p1 .LBB2_2-.Ltmp0, $2  }
0x18: {  	_ =	sdelay $0x2  }
0x19: {  	s16 =	sshra.s32 s16, $0x2  }
0x1a: {  	[tilespmem:s16+$0x4C80] =	vst v1  }
0x1b: {  	[tilespmem:s2], [sflag:$0x1] =	stream.linear.gather [hbm4b:s3+s2], $0x4C00, $0x38;
	[tilespmem:$0x6988] =	vst v63  }
0x1c: {  	_ =	swait.ge [sflag:s8], $0x4C00  }
0x1d: {  	[sflag:s8] =	ssyncset.done $0x0  }
0x1e: {  	[sflag:s8] =	ssyncadd.s32 $0xFFFFB400  }
0x1f: {  	[spmem:s4] =	stream.linear.scatter [tilespmem:s9], [sflag:$0x1], $0xE80, $0x38;
	[tilespmem:$0x6988] =	vst v63  }
0x20: {  	_ =	swait.ge [sflag:s8], $0xE80  }
0x21: {  	[sflag:s8] =	ssyncset.done $0x0  }
0x22: {  	s15 =	simm.s32 @!p0 $0x4C80;
	[sflag:s8] =	ssyncadd.s32 $0xFFFFF180  }
0x23: {  	[spmem:s5] =	stream.linear.scatter @!p0 [tilespmem:s15], [sflag:$0x1], $0x10, $0x38;
	[tilespmem:$0x6988] =	vst v63  }
0x24: {  	s15 =	simm.s32 @!p0 $0x1  }
0x25: {  	_ =	swait.ge @!p0 [sflag:s15], $0x10  }
0x26: {  	[sflag:s15] =	ssyncset.done @!p0 $0x0  }
0x27: {  	[sflag:s15] =	ssyncadd.s32 @!p0 $0xFFFFFFF0  }
0x28: {  	s31 =	simm.s32 $0x0;
	[bflag:$0x0] =	sbarrier.arrive $0xFFFF  }
0x29: {  	[spmem:s1] =	stream.indirect.scatter.add.f32 [tilespmem:s11], [sflag:$0x1], $0x1, s31, s10, $0xb8;
	[tilespmem:$0x6988] =	vst v63  }
0x2a: {  	_ =	swait.ge [sflag:s8], $0x80  }
0x2b: {  	s15 =	simm.s32 $0x200;
	[sflag:s8] =	ssyncset.done $0x0  }
.LBB2_4:
0x2c: {  	s16 =	sshra.s32 s15, $0x2;
	[sflag:s8] =	ssyncadd.s32 $0xFFFFFF80;
	p1 =	sne.s32 s15, $0x12E00  }
0x2d: {  	[spmem:s1] =	stream.indirect.scatter.add.f32 [tilespmem:s11], [sflag:$0x1], $0x1, s16, s10, $0xb8;
	[tilespmem:$0x6988] =	vst v63  }
.Ltmp1:
0x2e: {  	_ = 	snop;
	(pc) =	sbr.rel @p1 .LBB2_4-.Ltmp1, $4  }
0x2f: {  	_ = 	snop  }
0x30: {  	s15 =	sadd.s32 $0x200, s15  }
0x31: {  	_ =	swait.ge [sflag:s8], $0x80  }
0x32: {  	[sflag:s8] =	ssyncset.done $0x0  }
0x33: {  	s14 =	sadd.s32 $0x1, s14  }
0x34: {  	[sflag:s8] =	ssyncadd.s32 $0xFFFFFF80;
	p1 =	sne.s32 s14, s7  }
.Ltmp2:
0x35: {  	[bflag:$0x0] =	sbarrier.arrive $0xFFFF;
	(pc) =	sbr.rel @p1 .LBB2_1-.Ltmp2, $4  }
0x36: {  	[hbm:s6], [sflag:s12] =	dma.local [spmem:s13], $0x1D0  }
0x37: {  	_ =	swait.ge [sflag:s8], $0x1D0  }
0x38: {  	[sflag:s8] =	ssyncset.done $0x0  }
0x39: {  	[sflag:s8] =	ssyncadd.s32 $0xFFFFFE30  }
0x3a: {  	_ =	sfence.sel $0x180000  }
0x3b: {  	[bflag:$0x0] =	sbarrier.arrive $0xFFFF  }
0x3c: {  	_ =	strace $0x90000047  }
0x3d: {  	s0 =	sadd.s32 @!p0 $0x100000, s0;
	[bflag:$0x2] =	sbarrier.arrive $0xFFFF  }
0x3e: {  	[sflag:s0] =	ssyncadd.tile.s32 @!p0 $0x1;
	_ =	shalt  }
.Lfunc_end2:
_tile_overlayer_lowered:
.L_overlay_start_2:
0x3f: {  	(tag) =	ssettag $0x2  }
0x40: {  	s0 =	rddreg [dreg:$0x0];
	s2 =	stileid.u32  }
0x41: {  	s1 =	rddreg [dreg:$0x1];
	p0 =	sne.s32 s2, $0x0  }
0x42: {  	s3 =	rddreg [dreg:$0x2];
	[bflag:$0x3] =	sbarrier.arrive $0xFFFF;
	s2 =	simm.s32 @!p0 $0x1C01  }
0x43: {  	[timem:s3], [sflag:s2] =	dma.local @!p0 [hbm:s0], s1  }
0x44: {  	s0 =	simm.s32 @!p0 $0x1  }
0x45: {  	_ =	swait.ge @!p0 [sflag:s0], s1  }
0x46: {  	s1 =	ssub.s32 @!p0 $0x0, s1;
	[sflag:s0] =	ssyncset.done @!p0 $0x0  }
0x47: {  	[sflag:s0] =	ssyncadd.s32 @!p0 s1  }
0x48: {  	[bflag:$0x3] =	sbarrier.arrive $0xFFFF  }
0x49: {  	_ =	shalt  }

// kernel: kernel.9.cloned.1.call-start
scs
__scs_entry_jumppad:
0x0: {  	(pc) =	sbr.rel $0x88, $3  }
0x1: {  	(tag) =	ssettag $0x0;
	lr =	simm.s32 $0x1  }
0x2: {  	[smem:$0x3F8D] =	sst lr;
	_ =	strace $0xD0000000  }
0x3: {  	_ = 	snop  }
0x4: {  	_ = 	snop  }
0x5: {  	_ = 	snop  }
0x6: {  	_ = 	snop  }
0x7: {  	_ = 	snop  }
__scs_overlays_trampoline_lowered:
0x8: {  	[smem:$0x3F9C] =	sst s0  }
0x9: {  	[smem:$0x3F9D] =	sst s1  }
0xa: {  	[smem:$0x3F9E] =	sst s2  }
0xb: {  	[smem:$0x3F9F] =	sst s3  }
0xc: {  	[smem:$0x3FA0] =	sst s4  }
0xd: {  	[smem:$0x3FA1] =	sst s5  }
0xe: {  	[smem:$0x3FA2] =	sst s6  }
0xf: {  	[smem:$0x3FA3] =	sst s7  }
0x10: {  	[smem:$0x3FA4] =	sst s8  }
0x11: {  	[smem:$0x3FA5] =	sst s9;
	s0 =	simm.s32 @!p0 $0x0  }
0x12: {  	s1 =	sld [smem:$0x3F8B];
	s0 =	simm.s32 @p0 $0x1  }
0x13: {  	[smem:$0x3FA6] =	sst s0;
	s0 =	simm.s32 @!p1 $0x0  }
0x14: {  	s2 =	sld [smem:$0x3F8A];
	s0 =	simm.s32 @p1 $0x1  }
0x15: {  	[smem:$0x3FA7] =	sst s0;
	s0 =	simm.s32 @!p2 $0x0  }
0x16: {  	s3 =	sld [smem:$0x3FDB];
	s0 =	simm.s32 @p2 $0x1  }
0x17: {  	s4 =	simm.s32 $0x1BF5;
	[smem:$0x3FA9] =	sst s0  }
0x18: {  	s0 =	sld [smem:$0x3F8C];
	_ =	swait.ge [sflag:s4], $0x0  }
0x19: {  	s7 =	sld [smem:$0x3F8D]  }
0x1a: {  	s8 =	sadd.s32 $0xFFFFE003, lr  }
0x1b: {  	s9 =	sadd.s32 $0xFFFFFEF7, lr;
	s5 =	simm.s32 $0xFFFFFFFF;
	p2 =	slt.u32 s8, $0xFFFFF086  }
0x1c: {  	p1 =	slt.u32 s9, $0xF7A;
	s5 =	simm.s32 @!p2 $0x0  }
0x1d: {  	s5 =	simm.s32 @p1 $0x1;
	p0 =	seq.s32 s7, s2  }
0x1e: {  	s7 =	smul.u32 @!p0 $0xF7A, s2;
	p2 =	seq.s32 @!p0 s5, $0x0  }
0x1f: {  	s9 =	smul.u32 $0xF7A, s1;
	s8 =	simm.s32 @!p0 $0x1BF5;
	p2 =	por !p2, p0  }
0x20: {  	[sflag:s8] =	ssyncset.s32 @!p0 $0xFFFFF086;
	s6 =	sadd.s32 @!p0 s3, s7;
	s7 =	simm.s32 @!p0 $0x108  }
0x21: {  	s3 =	sadd.s32 s3, s9;
	s6 =	sadd.s32 @!p0 $0x88, s6;
	s7 =	simm.s32 @p2 $0x1082  }
0x22: {  	[simem:s7], [sflag:s8] =	dma.local @!p0 [hbm:s6], $0xF7A  }
0x23: {  	s9 =	sor.u32 $0xD0000000, s2;
	s6 =	simm.s32 $0x108;
	_ =	swait.ge @!p0 [sflag:s8], $0x0  }
0x24: {  	s3 =	sadd.s32 $0x88, s3;
	s6 =	simm.s32 @!p1 $0x1082;
	[sflag:s4] =	ssyncset.s32 $0xFFFFF086  }
0x25: {  	[simem:s6], [sflag:s4] =	dma.local [hbm:s3], $0xF7A  }
0x26: {  	[smem:$0x3F8D] =	sst s1;
	(tag) =	ssettag s2;
	_ =	strace s9  }
0x27: {  	s1 =	sld [smem:$0x3F9D]  }
0x28: {  	s2 =	sld [smem:$0x3F9E]  }
0x29: {  	s4 =	sld [smem:$0x3FA0]  }
0x2a: {  	p0 =	seq.s32 s5, $0x0;
	s5 =	sld [smem:$0x3FA1]  }
0x2b: {  	s6 =	sld [smem:$0x3FA2]  }
0x2c: {  	s7 =	sld [smem:$0x3FA3]  }
0x2d: {  	s3 =	simm.s32 $0x108;
	s8 =	sld [smem:$0x3FA4]  }
0x2e: {  	s3 =	simm.s32 @!p0 $0x1082;
	s9 =	sld [smem:$0x3FA5]  }
0x2f: {  	lr =	sadd.s32 s0, s3;
	s0 =	sld [smem:$0x3F9C]  }
0x30: {  	s3 =	sld [smem:$0x3F9F]  }
0x31: {  	[smem:$0x3FA8] =	sst s10  }
0x32: {  	s10 =	sld [smem:$0x3FA6];
	_ =	sdelay $0x3  }
0x33: {  	p0 =	seq.s32 s10, $0x1;
	s10 =	sld [smem:$0x3FA8];
	_ =	sdelay $0x3  }
0x34: {  	[smem:$0x3FA8] =	sst s10  }
0x35: {  	s10 =	sld [smem:$0x3FA7];
	_ =	sdelay $0x3  }
0x36: {  	p1 =	seq.s32 s10, $0x1;
	s10 =	sld [smem:$0x3FA8];
	_ =	sdelay $0x3  }
0x37: {  	[smem:$0x3FA8] =	sst s10  }
0x38: {  	s10 =	sld [smem:$0x3FA9]  }
0x39: {  	_ = 	snop;
	(pc) =	sbr.ind lr, $3  }
0x3a: {  	_ = 	snop  }
0x3b: {  	_ = 	snop  }
0x3c: {  	p2 =	seq.s32 s10, $0x1;
	s10 =	sld [smem:$0x3FA8]  }
0x3d: {  	_ =	shalt  }
0x3e: {  	_ =	shalt  }
0x3f: {  	_ =	shalt  }
0x40: {  	_ =	shalt  }
0x41: {  	_ =	shalt  }
0x42: {  	_ =	shalt  }
0x43: {  	_ =	shalt  }
0x44: {  	_ =	shalt  }
0x45: {  	_ =	shalt  }
0x46: {  	_ =	shalt  }
0x47: {  	_ =	shalt  }
0x48: {  	_ =	shalt  }
0x49: {  	_ =	shalt  }
0x4a: {  	_ =	shalt  }
0x4b: {  	_ =	shalt  }
0x4c: {  	_ =	shalt  }
0x4d: {  	_ =	shalt  }
0x4e: {  	_ =	shalt  }
0x4f: {  	_ =	shalt  }
0x50: {  	_ =	shalt  }
0x51: {  	_ =	shalt  }
0x52: {  	_ =	shalt  }
0x53: {  	_ =	shalt  }
0x54: {  	_ =	shalt  }
0x55: {  	_ =	shalt  }
0x56: {  	_ =	shalt  }
0x57: {  	_ =	shalt  }
0x58: {  	_ =	shalt  }
0x59: {  	_ =	shalt  }
0x5a: {  	_ =	shalt  }
0x5b: {  	_ =	shalt  }
0x5c: {  	_ =	shalt  }
0x5d: {  	_ =	shalt  }
0x5e: {  	_ =	shalt  }
0x5f: {  	_ =	shalt  }
0x60: {  	_ =	shalt  }
0x61: {  	_ =	shalt  }
0x62: {  	_ =	shalt  }
0x63: {  	_ =	shalt  }
0x64: {  	_ =	shalt  }
0x65: {  	_ =	shalt  }
0x66: {  	_ =	shalt  }
0x67: {  	_ =	shalt  }
0x68: {  	_ =	shalt  }
0x69: {  	_ =	shalt  }
0x6a: {  	_ =	shalt  }
0x6b: {  	_ =	shalt  }
0x6c: {  	_ =	shalt  }
0x6d: {  	_ =	shalt  }
0x6e: {  	_ =	shalt  }
0x6f: {  	_ =	shalt  }
0x70: {  	_ =	shalt  }
0x71: {  	_ =	shalt  }
0x72: {  	_ =	shalt  }
0x73: {  	_ =	shalt  }
0x74: {  	_ =	shalt  }
0x75: {  	_ =	shalt  }
0x76: {  	_ =	shalt  }
0x77: {  	_ =	shalt  }
0x78: {  	_ =	shalt  }
0x79: {  	_ =	shalt  }
0x7a: {  	_ =	shalt  }
0x7b: {  	_ =	shalt  }
0x7c: {  	_ =	shalt  }
0x7d: {  	_ =	shalt  }
0x7e: {  	_ =	shalt  }
0x7f: {  	_ =	shalt  }
0x80: {  	_ =	shalt  }
0x81: {  	_ =	shalt  }
0x82: {  	_ =	shalt  }
0x83: {  	_ =	shalt  }
0x84: {  	_ =	shalt  }
0x85: {  	_ =	shalt  }
0x86: {  	_ =	shalt  }
0x87: {  	_ =	shalt  }
.Lfunc_end0:
.L_simem_size_0:
called_computation.5_lowered:
.L_overlay_start_0:
0x88: {  	s2 =	sld [smem:$0x3FD9]  }
0x89: {  	s3 =	sld [smem:$0x3FFE];
	_ =	sdelay $0x1  }
0x8a: {  	s1 =	srdreg.scid  }
0x8b: {  	s0 =	sand.u32 $0x1, s1  }
0x8c: {  	s16 =	sshll.u32 s0, $0xA;
	s2 =	sadd.s32 s3, s2  }
0x8d: {  	s2 =	sadd.s32 s2, s16  }
0x8e: {  	[smem:$0x3FB4] =	sst s2  }
0x8f: {  	_ = 	snop  }
0x90: {  	(tm) =	ssettm $0x1  }
0x91: {  	s17 =	sld [smem:$0x3FFB];
	_ =	sdelay $0x3  }
0x92: {  	_ =	strace s17  }
0x93: {  	s2 =	sld [smem:$0x3FFC];
	_ =	sdelay $0x3  }
0x94: {  	_ =	strace s2  }
0x95: {  	s2 =	sld [smem:$0x3FFD];
	_ =	sdelay $0x3  }
0x96: {  	_ =	strace s2  }
0x97: {  	_ =	strace $0x8FFFFFFF  }
0x98: {  	s18 =	sld [smem:$0x3FDB];
	_ =	sdelay $0x1  }
0x99: {  	s19 =	simm.s32 $_scs_section_size  }
0x9a: {  	s4 =	simm.s32 $_size__tile_overlayer_lowered;
	s5 =	simm.s32 $_tile_overlayer_lowered  }
0x9b: {  	s22 =	simm.s32 $0x1BFF;
	s21 =	sshll.u32 s5, $0x1;
	s2 =	sadd.s32 s19, s18  }
0x9c: {  	s6 =	simm.s32 $0x0;
	s20 =	sshll.u32 s4, $0x1;
	s4 =	sadd.s32 s21, s2  }
0x9d: {  	[timem:s6], [sflag:s22] =	dma.local [hbm:s4], s20  }
0x9e: {  	_ =	swait.ge [sflag:s22], s20  }
0x9f: {  	s3 =	ssub.s32 $0x0, s20;
	[sflag:s22] =	ssyncset.done $0x0  }
0xa0: {  	[sflag:s22] =	ssyncadd.s32 s3;
	_ =	sdelay $0x1  }
0xa1: {  	s23 =	simm.s32 $0x1B8B  }
0xa2: {  	_ =	swait.ge [sflag:s23], $0x1  }
0xa3: {  	[sflag:s23] =	ssyncset.done $0x0  }
0xa4: {  	s25 =	simm.s32 $0x1B8E;
	s24 =	sld [smem:$0x3FFE];
	[sflag:s23] =	ssyncadd.s32 $0xFFFFFFFF  }
0xa5: {  	s26 =	simm.s32 $execute0_lowered;
	[smem:$0x3FD2] =	sst s25  }
0xa6: {  	s4 =	sshll.u32 s26, $0x1;
	_ =	strace $0x8000004C;
	[dreg:$0x1] =	wrdreg $0xFFFFFFFF  }
0xa7: {  	s28 =	simm.s32 $_size_execute0_lowered;
	s2 =	sadd.s32 s2, s4;
	[dreg:$0x0] =	wrdreg $0x0  }
0xa8: {  	s4 =	sshll.u32 s28, $0x1;
	[dreg:$0x2] =	wrdreg s2  }
0xa9: {  	[dreg:$0x3] =	wrdreg s4  }
0xaa: {  	[dreg:$0x4] =	wrdreg $0xC0  }
0xab: {  	_ =	task [dreg:s6], $0x5FFFF  }
0xac: {  	[dreg:$0x1] =	wrdreg $0xFFFFFFFF  }
0xad: {  	[dreg:$0x0] =	wrdreg $0x60  }
0xae: {  	[dreg:$0x2] =	wrdreg s24  }
0xaf: {  	[dreg:$0x3] =	wrdreg $0x28000  }
0xb0: {  	[dreg:$0x4] =	wrdreg $0x9  }
0xb1: {  	_ =	task.clear_ibuf [dreg:s6], $0x5FFFF;
	_ =	strace $0x9000004C  }
0xb2: {  	s29 =	simm.s32 $0x9;
	_ =	strace $0x8000004E  }
0xb3: {  	_ =	swait.ge [sflag:s29], $0x1  }
0xb4: {  	[sflag:s29] =	ssyncadd.s32 $0xFFFFFFFF  }
0xb5: {  	_ =	strace $0x9000004E  }
0xb6: {  	_ =	sfence  }
0xb7: {  	s30 =	sld [smem:$0x0];
	_ =	sdelay $0x2  }
0xb8: {  	s31 =	sshll.u32 s1, $0xD;
	s1 =	sshrl.u32 s1, $0x2  }
0xb9: {  	s3 =	sand.u32 $0x4000, s31;
	s1 =	sadd.s32 s1, s30  }
0xba: {  	s0 =	sor.u32 s3, s0;
	s1 =	sshll.u32 s1, $0x11  }
0xbb: {  	s0 =	sor.u32 s1, s0  }
0xbc: {  	s0 =	sadd.s32 $0x8F2B, s0  }
0xbd: {  	[sflag:s0] =	ssyncadd.remote.s32 $0x1  }
0xbe: {  	_ =	sfence.sel $0xFFFF  }
0xbf: {  	[dreg:$0x0] =	wrdreg $0xFFFFFFFF;
	(pc) =	sbr.abs _section_cstart, $3  }
0xc0: {  	[dreg:$0x1] =	wrdreg $0xFFFFFFFF  }
0xc1: {  	_ =	task.clear_ibuf [dreg:s6], $0x2FFFF;
	_ =	strace $0x9FFFFFFF  }
0xc2: {  	(tm) =	ssettm $0x7FFFFFFF  }
0xc3: {  	_ =	shalt  }
tec
execute0_lowered:
.L_overlay_start_1:
0x0: {  	(tag) =	ssettag $0x1  }
0x1: {  	s0 =	rddreg [dreg:$0x0]  }
0x2: {  	s1 =	rddreg [dreg:$0x1]  }
0x3: {  	s3 =	simm.s32 $0x0;
	s2 =	srdreg.scid;
	s13 =	stileid.u32  }
0x4: {  	s28 =	simm.s32 $0x480;
	s29 =	simm.s32 $0x1800;
	s30 =	simm.s32 $0x4  }
0x5: {  	s31 =	simm.s32 $0x680;
	[smem:$0x7FF] =	sst s3;
	s5 =	smul.u32 $0xE80, s13  }
0x6: {  	s2 =	sand.u32 $0x1, s2;
	s7 =	smul.u32 $0x74000, s13;
	s8 =	sadd.s32 $0x6EA800, s0  }
0x7: {  	s4 =	sadd.s32 $0x7E00, s0;
	s0 =	sadd.s32 $0x163E00, s0;
	s11 =	smul.u32 $0x13000, s13  }
0x8: {  	s13 =	sshll.u32 s13, $0x6;
	s6 =	ssub.s32 $0x2, s2;
	s10 =	smul.u32 $0x2B800, s2  }
0x9: {  	_ =	strace $0x8000004D;
	s26 =	smul.u32 $0x3, s2;
	s9 =	sshrl.u32 s6, $0x1  }
0xa: {  	s2 =	smul.u32 $0x390000, s2;
	s7 =	sshrl.u32 s7, $0x2;
	s6 =	ssub.s32 s6, s9  }
0xb: {  	s10 =	sadd.s32 s5, s10;
	s9 =	sadd.s32 $0x1, s26;
	s7 =	sadd.s32 s7, s1  }
0xc: {  	s2 =	sadd.s32 s11, s2;
	s10 =	sshll.u32 s10, $0x2;
	[dreg:$0x3] =	wrdreg s7  }
0xd: {  	s7 =	sor.u32 $0x1C07, s13;
	s14 =	sshrl.u32 s2, $0x3;
	s19 =	sadd.s32 $0x260000, s2  }
0xe: {  	s22 =	smax.u32 s6, $0x1;
	s23 =	sor.u32 $0x400, s2;
	s24 =	sadd.s32 $0x130400, s2  }
0xf: {  	s2 =	sadd.s32 $0x260400, s2;
	s6 =	simm.s32 $0x6;
	s13 =	simm.s32 $0x300  }
0x10: {  	s12 =	sadd.s32 s4, s10;
	s15 =	sadd.s32 s8, s14;
	s16 =	sadd.s32 s0, s10  }
0x11: {  	s18 =	sadd.s32 $0x74000, s10;
	s21 =	sshrl.u32 s19, $0x3;
	[dreg:$0xd] =	wrdreg s22  }
0x12: {  	s2 =	sshrl.u32 s2, $0x3;
	s22 =	simm.s32 $0x80;
	[dreg:$0x4] =	wrdreg s12  }
0x13: {  	s10 =	simm.s32 $0x200;
	s12 =	smul.u32 $0xE800, s9;
	[dreg:$0x5] =	wrdreg s15  }
0x14: {  	s14 =	simm.s32 $0x180;
	s9 =	smul.u32 $0x130000, s9;
	[dreg:$0x6] =	wrdreg s16  }
0x15: {  	s20 =	sadd.s32 s4, s18;
	s26 =	sadd.s32 s2, s8;
	s2 =	simm.s32 $0x500  }
0x16: {  	s15 =	simm.s32 $0x380;
	s16 =	simm.s32 $0x0;
	s5 =	sadd.s32 s5, s12  }
0x17: {  	[dreg:$0xa] =	wrdreg s20;
	s9 =	sadd.s32 s11, s9;
	s5 =	sshll.u32 s5, $0x2  }
0x18: {  	[dreg:$0x10] =	wrdreg s26;
	s9 =	sshrl.u32 s9, $0x3;
	s17 =	sadd.s32 s4, s5  }
0x19: {  	s20 =	simm.s32 $0x7;
	s9 =	sadd.s32 s8, s9;
	[dreg:$0x7] =	wrdreg s17  }
0x1a: {  	s26 =	simm.s32 $0x600;
	s5 =	sadd.s32 s0, s5;
	[dreg:$0x8] =	wrdreg s9  }
0x1b: {  	s11 =	simm.s32 $0x280;
	s0 =	sadd.s32 s0, s18;
	[dreg:$0x9] =	wrdreg s5  }
0x1c: {  	s12 =	simm.s32 $0x100;
	s5 =	sadd.s32 s8, s21;
	[dreg:$0xc] =	wrdreg s0  }
.Ltmp0:
0x1d: {  	s0 =	sshrl.u32 s23, $0x3;
	s23 =	simm.s32 $0x400;
	(pc) =	sbr.rel .LBB2_1-.Ltmp0, $4  }
0x1e: {  	s9 =	simm.s32 $0x780;
	[dreg:$0xb] =	wrdreg s5;
	s0 =	sadd.s32 s0, s8  }
0x1f: {  	s5 =	sshrl.u32 s24, $0x3;
	s24 =	simm.s32 $0x800;
	[dreg:$0xe] =	wrdreg s0  }
0x20: {  	s25 =	sadd.s32 s5, s8;
	s0 =	simm.s32 $0x5;
	s5 =	simm.s32 $0x700  }
0x21: {  	s8 =	simm.s32 $0x580;
	[dreg:$0xf] =	wrdreg s25;
	s25 =	simm.s32 $0x3  }
.LBB2_16:
0x22: {  	[bflag:$0x0] =	sbarrier.arrive $0xFFFF  }
0x23: {  	s18 =	rddreg [dreg:$0xc]  }
0x24: {  	[hbm:s18], [sflag:s7] =	dma.local [spmem:s17], $0x3A00  }
0x25: {  	_ =	swait.ge [sflag:s20], $0x3A00  }
0x26: {  	s16 =	sadd.s32 $0x1, s16;
	s21 =	rddreg [dreg:$0xd]  }
0x27: {  	p0 =	sne.s32 s16, s21  }
.Ltmp1:
0x28: {  	_ = 	snop;
	(pc) =	sbr.rel @!p0 .LBB2_17-.Ltmp1, $3  }
0x29: {  	_ =	sdelay $0x1  }
0x2a: {  	[sflag:s20] =	ssyncset.done $0x0  }
0x2b: {  	[sflag:s20] =	ssyncadd.s32 $0xFFFFC600  }
.LBB2_1:
0x2c: {  	s17 =	rddreg [dreg:$0x3]  }
0x2d: {  	s18 =	rddreg [dreg:$0x4];
	s17 =	sshrl.u32 s17, $0x3  }
0x2e: {  	[spmem:s17], [sflag:s7] =	dma.local [hbm:s18], $0x3A00  }
0x2f: {  	_ =	swait.ge [sflag:s20], $0x3A00  }
0x30: {  	[sflag:s20] =	ssyncset.done $0x0  }
0x31: {  	s21 =	simm.s32 $0x1;
	s19 =	rddreg [dreg:$0x5];
	[sflag:s20] =	ssyncadd.s32 $0xFFFFC600  }
0x32: {  	[tilespmem:s3], [sflag:$0x1] =	stream.linear.gather [hbm4b:s19+s3], $0x400, $0x38;
	[tilespmem:$0x1F820] =	vst v63  }
.Ltmp2:
0x33: {  	_ =	swait.ge [sflag:s21], $0x400;
	(pc) =	sbr.rel .LBB2_2-.Ltmp2, $4  }
0x34: {  	[sflag:s21] =	ssyncset.done $0x0  }
0x35: {  	[sflag:s21] =	ssyncadd.s32 $0xFFFFFC00  }
0x36: {  	[bflag:$0x0] =	sbarrier.arrive $0xFFFF  }
0x37: {  	s19 =	simm.s32 $0x0;
	s18 =	rddreg [dreg:$0xe]  }
.LBB2_3:
0x38: {  	[tilespmem:s23], [sflag:$0x2] =	stream.linear.gather [hbm4b:s18+s3], $0x400, $0x38;
	[tilespmem:$0x1F820] =	vst v63  }
0x39: {  	_ = 	snop  }
0x3a: {  	[tilespmem:s24], [sflag:$0x3] =	stream.indirect.gather [hbm4b:s4+s22], $0x20, s3, s22, $0xb8;
	[tilespmem:$0x1F820] =	vst v63  }
0x3b: {  	_ =	swait.ge [sflag:s25], $0x1000  }
0x3c: {  	[sflag:s25] =	ssyncset.done $0x0  }
0x3d: {  	[sflag:s25] =	ssyncadd.s32 $0xFFFFF000  }
0x3e: {  	[spmem:s1] =	stream.indirect.scatter.add.f32 [tilespmem:s24], [sflag:$0x5], $0x20, s10, s22, $0xb8;
	[tilespmem:$0x1F820] =	vst v63  }
0x3f: {  	_ = 	snop  }
0x40: {  	[tilespmem:s29], [sflag:$0x4] =	stream.indirect.gather [hbm4b:s4+s22], $0x20, s22, s22, $0xb8;
	[tilespmem:$0x1F820] =	vst v63  }
0x41: {  	_ =	swait.ge [sflag:s30], $0x1000  }
0x42: {  	[sflag:s30] =	ssyncset.done $0x0  }
0x43: {  	[sflag:s30] =	ssyncadd.s32 $0xFFFFF000  }
0x44: {  	[spmem:s1] =	stream.indirect.scatter.add.f32 [tilespmem:s29], [sflag:$0x6], $0x20, s11, s22, $0xb8;
	[tilespmem:$0x1F820] =	vst v63  }
0x45: {  	_ =	swait.ge [sflag:s0], $0x1000  }
0x46: {  	[sflag:s0] =	ssyncset.done $0x0  }
0x47: {  	[sflag:s0] =	ssyncadd.s32 $0xFFFFF000  }
0x48: {  	[tilespmem:s24], [sflag:$0x3] =	stream.indirect.gather [hbm4b:s4+s22], $0x20, s12, s22, $0xb8;
	[tilespmem:$0x1F820] =	vst v63  }
0x49: {  	_ =	swait.ge [sflag:s25], $0x1000  }
0x4a: {  	[sflag:s25] =	ssyncset.done $0x0  }
0x4b: {  	[sflag:s25] =	ssyncadd.s32 $0xFFFFF000  }
0x4c: {  	[spmem:s1] =	stream.indirect.scatter.add.f32 [tilespmem:s24], [sflag:$0x5], $0x20, s13, s22, $0xb8;
	[tilespmem:$0x1F820] =	vst v63  }
0x4d: {  	_ =	swait.ge [sflag:s6], $0x1000  }
0x4e: {  	[sflag:s6] =	ssyncset.done $0x0  }
0x4f: {  	[sflag:s6] =	ssyncadd.s32 $0xFFFFF000  }
0x50: {  	[tilespmem:s29], [sflag:$0x4] =	stream.indirect.gather [hbm4b:s4+s22], $0x20, s14, s22, $0xb8;
	[tilespmem:$0x1F820] =	vst v63  }
0x51: {  	_ =	swait.ge [sflag:s30], $0x1000  }
0x52: {  	[sflag:s30] =	ssyncset.done $0x0  }
0x53: {  	[sflag:s30] =	ssyncadd.s32 $0xFFFFF000  }
0x54: {  	[spmem:s1] =	stream.indirect.scatter.add.f32 [tilespmem:s29], [sflag:$0x6], $0x20, s15, s22, $0xb8;
	[tilespmem:$0x1F820] =	vst v63  }
0x55: {  	_ =	swait.ge [sflag:s0], $0x1000  }
0x56: {  	[sflag:s0] =	ssyncset.done $0x0  }
0x57: {  	[sflag:s0] =	ssyncadd.s32 $0xFFFFF000  }
0x58: {  	_ =	swait.ge [sflag:s6], $0x1000  }
0x59: {  	[sflag:s6] =	ssyncset.done $0x0  }
0x5a: {  	s21 =	simm.s32 $0x2;
	[sflag:s6] =	ssyncadd.s32 $0xFFFFF000  }
.LBB2_5:
0x5b: {  	s19 =	sadd.s32 $0x1, s19  }
0x5c: {  	p0 =	sne.s32 s19, $0x4C  }
.Ltmp3:
0x5d: {  	_ = 	snop;
	(pc) =	sbr.rel @!p0 .LBB2_6-.Ltmp3, $4  }
0x5e: {  	_ = 	snop  }
0x5f: {  	_ =	swait.ge [sflag:s21], $0x400  }
0x60: {  	[sflag:s21] =	ssyncset.done $0x0  }
0x61: {  	s18 =	sadd.s32 $0x80, s18;
	[sflag:s21] =	ssyncadd.s32 $0xFFFFFC00  }
.LBB2_2:
0x62: {  	s21 =	sand.u32 $0x1, s19  }
0x63: {  	p0 =	seq.s32 s21, $0x1  }
.Ltmp4:
0x64: {  	_ = 	snop;
	(pc) =	sbr.rel @!p0 .LBB2_3-.Ltmp4, $1  }
0x65: {  	_ =	sdelay $0x3  }
0x66: {  	p0 =	seq.s32 s19, $0x4B  }
0x67: {  	s21 =	simm.s32 @!p0 $0x0  }
0x68: {  	[tilespmem:s21], [sflag:$0x1] =	stream.linear.gather @!p0 [hbm4b:s18+s21], $0x400, $0x38;
	[tilespmem:$0x1F820] =	vst v63  }
0x69: {  	_ = 	snop  }
0x6a: {  	[tilespmem:s24], [sflag:$0x3] =	stream.indirect.gather [hbm4b:s4+s22], $0x20, s23, s22, $0xb8;
	[tilespmem:$0x1F820] =	vst v63  }
0x6b: {  	_ =	swait.ge [sflag:s25], $0x1000  }
0x6c: {  	[sflag:s25] =	ssyncset.done $0x0  }
0x6d: {  	[sflag:s25] =	ssyncadd.s32 $0xFFFFF000  }
0x6e: {  	[spmem:s1] =	stream.indirect.scatter.add.f32 [tilespmem:s24], [sflag:$0x5], $0x20, s26, s22, $0xb8;
	[tilespmem:$0x1F820] =	vst v63  }
0x6f: {  	_ = 	snop  }
0x70: {  	[tilespmem:s29], [sflag:$0x4] =	stream.indirect.gather [hbm4b:s4+s22], $0x20, s28, s22, $0xb8;
	[tilespmem:$0x1F820] =	vst v63  }
0x71: {  	_ =	swait.ge [sflag:s30], $0x1000  }
0x72: {  	[sflag:s30] =	ssyncset.done $0x0  }
0x73: {  	[sflag:s30] =	ssyncadd.s32 $0xFFFFF000  }
0x74: {  	[spmem:s1] =	stream.indirect.scatter.add.f32 [tilespmem:s29], [sflag:$0x6], $0x20, s31, s22, $0xb8;
	[tilespmem:$0x1F820] =	vst v63  }
0x75: {  	_ =	swait.ge [sflag:s0], $0x1000  }
0x76: {  	[sflag:s0] =	ssyncset.done $0x0  }
0x77: {  	[sflag:s0] =	ssyncadd.s32 $0xFFFFF000  }
0x78: {  	[tilespmem:s24], [sflag:$0x3] =	stream.indirect.gather [hbm4b:s4+s22], $0x20, s2, s22, $0xb8;
	[tilespmem:$0x1F820] =	vst v63  }
0x79: {  	_ =	swait.ge [sflag:s25], $0x1000  }
0x7a: {  	[sflag:s25] =	ssyncset.done $0x0  }
0x7b: {  	[sflag:s25] =	ssyncadd.s32 $0xFFFFF000  }
0x7c: {  	[spmem:s1] =	stream.indirect.scatter.add.f32 [tilespmem:s24], [sflag:$0x5], $0x20, s5, s22, $0xb8;
	[tilespmem:$0x1F820] =	vst v63  }
0x7d: {  	_ =	swait.ge [sflag:s6], $0x1000  }
0x7e: {  	[sflag:s6] =	ssyncset.done $0x0  }
0x7f: {  	[sflag:s6] =	ssyncadd.s32 $0xFFFFF000  }
0x80: {  	[tilespmem:s29], [sflag:$0x4] =	stream.indirect.gather [hbm4b:s4+s22], $0x20, s8, s22, $0xb8;
	[tilespmem:$0x1F820] =	vst v63  }
0x81: {  	_ =	swait.ge [sflag:s30], $0x1000  }
0x82: {  	[sflag:s30] =	ssyncset.done $0x0  }
0x83: {  	[sflag:s30] =	ssyncadd.s32 $0xFFFFF000  }
0x84: {  	[spmem:s1] =	stream.indirect.scatter.add.f32 [tilespmem:s29], [sflag:$0x6], $0x20, s9, s22, $0xb8;
	[tilespmem:$0x1F820] =	vst v63  }
0x85: {  	_ =	swait.ge [sflag:s0], $0x1000  }
.Ltmp5:
0x86: {  	[sflag:s0] =	ssyncset.done $0x0;
	(pc) =	sbr.rel @!p0 .LBB2_5-.Ltmp5, $4  }
0x87: {  	[sflag:s0] =	ssyncadd.s32 $0xFFFFF000  }
0x88: {  	_ =	swait.ge [sflag:s6], $0x1000  }
0x89: {  	[sflag:s6] =	ssyncset.done $0x0  }
0x8a: {  	s21 =	simm.s32 $0x1;
	[sflag:s6] =	ssyncadd.s32 $0xFFFFF000  }
.LBB2_6:
0x8b: {  	[bflag:$0x0] =	sbarrier.arrive $0xFFFF  }
0x8c: {  	s18 =	rddreg [dreg:$0x6]  }
0x8d: {  	[hbm:s18], [sflag:s7] =	dma.local [spmem:s17], $0x3A00  }
0x8e: {  	_ =	swait.ge [sflag:s20], $0x3A00  }
0x8f: {  	[sflag:s20] =	ssyncset.done $0x0  }
0x90: {  	[sflag:s20] =	ssyncadd.s32 $0xFFFFC600  }
0x91: {  	[bflag:$0x0] =	sbarrier.arrive $0xFFFF  }
0x92: {  	s19 =	rddreg [dreg:$0x7]  }
0x93: {  	[spmem:s17], [sflag:s7] =	dma.local [hbm:s19], $0x3A00  }
0x94: {  	_ =	swait.ge [sflag:s20], $0x3A00  }
0x95: {  	s21 =	simm.s32 $0x1;
	[sflag:s20] =	ssyncset.done $0x0  }
0x96: {  	s18 =	simm.s32 $0x0;
	s19 =	rddreg [dreg:$0x8];
	[sflag:s20] =	ssyncadd.s32 $0xFFFFC600  }
0x97: {  	[tilespmem:s18], [sflag:$0x1] =	stream.linear.gather [hbm4b:s19+s18], $0x400, $0x38;
	[tilespmem:$0x1F820] =	vst v63  }
.Ltmp6:
0x98: {  	_ =	swait.ge [sflag:s21], $0x400;
	(pc) =	sbr.rel .LBB2_7-.Ltmp6, $4  }
0x99: {  	[sflag:s21] =	ssyncset.done $0x0  }
0x9a: {  	[sflag:s21] =	ssyncadd.s32 $0xFFFFFC00  }
0x9b: {  	[bflag:$0x0] =	sbarrier.arrive $0xFFFF  }
0x9c: {  	s19 =	rddreg [dreg:$0xf]  }
.LBB2_8:
0x9d: {  	[tilespmem:s23], [sflag:$0x2] =	stream.linear.gather [hbm4b:s19+s3], $0x400, $0x38;
	[tilespmem:$0x1F820] =	vst v63  }
0x9e: {  	_ = 	snop  }
0x9f: {  	[tilespmem:s24], [sflag:$0x3] =	stream.indirect.gather [hbm4b:s4+s22], $0x20, s3, s22, $0xb8;
	[tilespmem:$0x1F820] =	vst v63  }
0xa0: {  	_ =	swait.ge [sflag:s25], $0x1000  }
0xa1: {  	[sflag:s25] =	ssyncset.done $0x0  }
0xa2: {  	[sflag:s25] =	ssyncadd.s32 $0xFFFFF000  }
0xa3: {  	[spmem:s1] =	stream.indirect.scatter.add.f32 [tilespmem:s24], [sflag:$0x5], $0x20, s10, s22, $0xb8;
	[tilespmem:$0x1F820] =	vst v63  }
0xa4: {  	_ = 	snop  }
0xa5: {  	[tilespmem:s29], [sflag:$0x4] =	stream.indirect.gather [hbm4b:s4+s22], $0x20, s22, s22, $0xb8;
	[tilespmem:$0x1F820] =	vst v63  }
0xa6: {  	_ =	swait.ge [sflag:s30], $0x1000  }
0xa7: {  	[sflag:s30] =	ssyncset.done $0x0  }
0xa8: {  	[sflag:s30] =	ssyncadd.s32 $0xFFFFF000  }
0xa9: {  	[spmem:s1] =	stream.indirect.scatter.add.f32 [tilespmem:s29], [sflag:$0x6], $0x20, s11, s22, $0xb8;
	[tilespmem:$0x1F820] =	vst v63  }
0xaa: {  	_ =	swait.ge [sflag:s0], $0x1000  }
0xab: {  	[sflag:s0] =	ssyncset.done $0x0  }
0xac: {  	[sflag:s0] =	ssyncadd.s32 $0xFFFFF000  }
0xad: {  	[tilespmem:s24], [sflag:$0x3] =	stream.indirect.gather [hbm4b:s4+s22], $0x20, s12, s22, $0xb8;
	[tilespmem:$0x1F820] =	vst v63  }
0xae: {  	_ =	swait.ge [sflag:s25], $0x1000  }
0xaf: {  	[sflag:s25] =	ssyncset.done $0x0  }
0xb0: {  	[sflag:s25] =	ssyncadd.s32 $0xFFFFF000  }
0xb1: {  	[spmem:s1] =	stream.indirect.scatter.add.f32 [tilespmem:s24], [sflag:$0x5], $0x20, s13, s22, $0xb8;
	[tilespmem:$0x1F820] =	vst v63  }
0xb2: {  	_ =	swait.ge [sflag:s6], $0x1000  }
0xb3: {  	[sflag:s6] =	ssyncset.done $0x0  }
0xb4: {  	[sflag:s6] =	ssyncadd.s32 $0xFFFFF000  }
0xb5: {  	[tilespmem:s29], [sflag:$0x4] =	stream.indirect.gather [hbm4b:s4+s22], $0x20, s14, s22, $0xb8;
	[tilespmem:$0x1F820] =	vst v63  }
0xb6: {  	_ =	swait.ge [sflag:s30], $0x1000  }
0xb7: {  	[sflag:s30] =	ssyncset.done $0x0  }
0xb8: {  	[sflag:s30] =	ssyncadd.s32 $0xFFFFF000  }
0xb9: {  	[spmem:s1] =	stream.indirect.scatter.add.f32 [tilespmem:s29], [sflag:$0x6], $0x20, s15, s22, $0xb8;
	[tilespmem:$0x1F820] =	vst v63  }
0xba: {  	_ =	swait.ge [sflag:s0], $0x1000  }
0xbb: {  	[sflag:s0] =	ssyncset.done $0x0  }
0xbc: {  	[sflag:s0] =	ssyncadd.s32 $0xFFFFF000  }
0xbd: {  	_ =	swait.ge [sflag:s6], $0x1000  }
0xbe: {  	[sflag:s6] =	ssyncset.done $0x0  }
0xbf: {  	s21 =	simm.s32 $0x2;
	[sflag:s6] =	ssyncadd.s32 $0xFFFFF000  }
.LBB2_10:
0xc0: {  	s18 =	sadd.s32 $0x1, s18  }
0xc1: {  	p0 =	sne.s32 s18, $0x4C  }
.Ltmp7:
0xc2: {  	_ = 	snop;
	(pc) =	sbr.rel @!p0 .LBB2_11-.Ltmp7, $4  }
0xc3: {  	_ = 	snop  }
0xc4: {  	_ =	swait.ge [sflag:s21], $0x400  }
0xc5: {  	[sflag:s21] =	ssyncset.done $0x0  }
0xc6: {  	s19 =	sadd.s32 $0x80, s19;
	[sflag:s21] =	ssyncadd.s32 $0xFFFFFC00  }
.LBB2_7:
0xc7: {  	s21 =	sand.u32 $0x1, s18  }
0xc8: {  	p0 =	seq.s32 s21, $0x1  }
.Ltmp8:
0xc9: {  	_ = 	snop;
	(pc) =	sbr.rel @!p0 .LBB2_8-.Ltmp8, $1  }
0xca: {  	_ =	sdelay $0x3  }
0xcb: {  	p0 =	seq.s32 s18, $0x4B  }
0xcc: {  	s21 =	simm.s32 @!p0 $0x0  }
0xcd: {  	[tilespmem:s21], [sflag:$0x1] =	stream.linear.gather @!p0 [hbm4b:s19+s21], $0x400, $0x38;
	[tilespmem:$0x1F820] =	vst v63  }
0xce: {  	_ = 	snop  }
0xcf: {  	[tilespmem:s24], [sflag:$0x3] =	stream.indirect.gather [hbm4b:s4+s22], $0x20, s23, s22, $0xb8;
	[tilespmem:$0x1F820] =	vst v63  }
0xd0: {  	_ =	swait.ge [sflag:s25], $0x1000  }
0xd1: {  	[sflag:s25] =	ssyncset.done $0x0  }
0xd2: {  	[sflag:s25] =	ssyncadd.s32 $0xFFFFF000  }
0xd3: {  	[spmem:s1] =	stream.indirect.scatter.add.f32 [tilespmem:s24], [sflag:$0x5], $0x20, s26, s22, $0xb8;
	[tilespmem:$0x1F820] =	vst v63  }
0xd4: {  	_ = 	snop  }
0xd5: {  	[tilespmem:s29], [sflag:$0x4] =	stream.indirect.gather [hbm4b:s4+s22], $0x20, s28, s22, $0xb8;
	[tilespmem:$0x1F820] =	vst v63  }
0xd6: {  	_ =	swait.ge [sflag:s30], $0x1000  }
0xd7: {  	[sflag:s30] =	ssyncset.done $0x0  }
0xd8: {  	[sflag:s30] =	ssyncadd.s32 $0xFFFFF000  }
0xd9: {  	[spmem:s1] =	stream.indirect.scatter.add.f32 [tilespmem:s29], [sflag:$0x6], $0x20, s31, s22, $0xb8;
	[tilespmem:$0x1F820] =	vst v63  }
0xda: {  	_ =	swait.ge [sflag:s0], $0x1000  }
0xdb: {  	[sflag:s0] =	ssyncset.done $0x0  }
0xdc: {  	[sflag:s0] =	ssyncadd.s32 $0xFFFFF000  }
0xdd: {  	[tilespmem:s24], [sflag:$0x3] =	stream.indirect.gather [hbm4b:s4+s22], $0x20, s2, s22, $0xb8;
	[tilespmem:$0x1F820] =	vst v63  }
0xde: {  	_ =	swait.ge [sflag:s25], $0x1000  }
0xdf: {  	[sflag:s25] =	ssyncset.done $0x0  }
0xe0: {  	[sflag:s25] =	ssyncadd.s32 $0xFFFFF000  }
0xe1: {  	[spmem:s1] =	stream.indirect.scatter.add.f32 [tilespmem:s24], [sflag:$0x5], $0x20, s5, s22, $0xb8;
	[tilespmem:$0x1F820] =	vst v63  }
0xe2: {  	_ =	swait.ge [sflag:s6], $0x1000  }
0xe3: {  	[sflag:s6] =	ssyncset.done $0x0  }
0xe4: {  	[sflag:s6] =	ssyncadd.s32 $0xFFFFF000  }
0xe5: {  	[tilespmem:s29], [sflag:$0x4] =	stream.indirect.gather [hbm4b:s4+s22], $0x20, s8, s22, $0xb8;
	[tilespmem:$0x1F820] =	vst v63  }
0xe6: {  	_ =	swait.ge [sflag:s30], $0x1000  }
0xe7: {  	[sflag:s30] =	ssyncset.done $0x0  }
0xe8: {  	[sflag:s30] =	ssyncadd.s32 $0xFFFFF000  }
0xe9: {  	[spmem:s1] =	stream.indirect.scatter.add.f32 [tilespmem:s29], [sflag:$0x6], $0x20, s9, s22, $0xb8;
	[tilespmem:$0x1F820] =	vst v63  }
0xea: {  	_ =	swait.ge [sflag:s0], $0x1000  }
.Ltmp9:
0xeb: {  	[sflag:s0] =	ssyncset.done $0x0;
	(pc) =	sbr.rel @!p0 .LBB2_10-.Ltmp9, $4  }
0xec: {  	[sflag:s0] =	ssyncadd.s32 $0xFFFFF000  }
0xed: {  	_ =	swait.ge [sflag:s6], $0x1000  }
0xee: {  	[sflag:s6] =	ssyncset.done $0x0  }
0xef: {  	s21 =	simm.s32 $0x1;
	[sflag:s6] =	ssyncadd.s32 $0xFFFFF000  }
.LBB2_11:
0xf0: {  	[bflag:$0x0] =	sbarrier.arrive $0xFFFF  }
0xf1: {  	s18 =	rddreg [dreg:$0x9]  }
0xf2: {  	[hbm:s18], [sflag:s7] =	dma.local [spmem:s17], $0x3A00  }
0xf3: {  	_ =	swait.ge [sflag:s20], $0x3A00  }
0xf4: {  	[sflag:s20] =	ssyncset.done $0x0  }
0xf5: {  	[sflag:s20] =	ssyncadd.s32 $0xFFFFC600  }
0xf6: {  	[bflag:$0x0] =	sbarrier.arrive $0xFFFF  }
0xf7: {  	s19 =	rddreg [dreg:$0xa]  }
0xf8: {  	[spmem:s17], [sflag:s7] =	dma.local [hbm:s19], $0x3A00  }
0xf9: {  	_ =	swait.ge [sflag:s20], $0x3A00  }
0xfa: {  	s21 =	simm.s32 $0x1;
	[sflag:s20] =	ssyncset.done $0x0  }
0xfb: {  	s18 =	simm.s32 $0x0;
	s19 =	rddreg [dreg:$0xb];
	[sflag:s20] =	ssyncadd.s32 $0xFFFFC600  }
0xfc: {  	[tilespmem:s18], [sflag:$0x1] =	stream.linear.gather [hbm4b:s19+s18], $0x400, $0x38;
	[tilespmem:$0x1F820] =	vst v63  }
.Ltmp10:
0xfd: {  	_ =	swait.ge [sflag:s21], $0x400;
	(pc) =	sbr.rel .LBB2_12-.Ltmp10, $4  }
0xfe: {  	[sflag:s21] =	ssyncset.done $0x0  }
0xff: {  	[sflag:s21] =	ssyncadd.s32 $0xFFFFFC00  }
0x100: {  	[bflag:$0x0] =	sbarrier.arrive $0xFFFF  }
0x101: {  	s19 =	rddreg [dreg:$0x10]  }
.LBB2_13:
0x102: {  	[tilespmem:s23], [sflag:$0x2] =	stream.linear.gather [hbm4b:s19+s3], $0x400, $0x38;
	[tilespmem:$0x1F820] =	vst v63  }
0x103: {  	_ = 	snop  }
0x104: {  	[tilespmem:s24], [sflag:$0x3] =	stream.indirect.gather [hbm4b:s4+s22], $0x20, s3, s22, $0xb8;
	[tilespmem:$0x1F820] =	vst v63  }
0x105: {  	_ =	swait.ge [sflag:s25], $0x1000  }
0x106: {  	[sflag:s25] =	ssyncset.done $0x0  }
0x107: {  	[sflag:s25] =	ssyncadd.s32 $0xFFFFF000  }
0x108: {  	[spmem:s1] =	stream.indirect.scatter.add.f32 [tilespmem:s24], [sflag:$0x5], $0x20, s10, s22, $0xb8;
	[tilespmem:$0x1F820] =	vst v63  }
0x109: {  	_ = 	snop  }
0x10a: {  	[tilespmem:s29], [sflag:$0x4] =	stream.indirect.gather [hbm4b:s4+s22], $0x20, s22, s22, $0xb8;
	[tilespmem:$0x1F820] =	vst v63  }
0x10b: {  	_ =	swait.ge [sflag:s30], $0x1000  }
0x10c: {  	[sflag:s30] =	ssyncset.done $0x0  }
0x10d: {  	[sflag:s30] =	ssyncadd.s32 $0xFFFFF000  }
0x10e: {  	[spmem:s1] =	stream.indirect.scatter.add.f32 [tilespmem:s29], [sflag:$0x6], $0x20, s11, s22, $0xb8;
	[tilespmem:$0x1F820] =	vst v63  }
0x10f: {  	_ =	swait.ge [sflag:s0], $0x1000  }
0x110: {  	[sflag:s0] =	ssyncset.done $0x0  }
0x111: {  	[sflag:s0] =	ssyncadd.s32 $0xFFFFF000  }
0x112: {  	[tilespmem:s24], [sflag:$0x3] =	stream.indirect.gather [hbm4b:s4+s22], $0x20, s12, s22, $0xb8;
	[tilespmem:$0x1F820] =	vst v63  }
0x113: {  	_ =	swait.ge [sflag:s25], $0x1000  }
0x114: {  	[sflag:s25] =	ssyncset.done $0x0  }
0x115: {  	[sflag:s25] =	ssyncadd.s32 $0xFFFFF000  }
0x116: {  	[spmem:s1] =	stream.indirect.scatter.add.f32 [tilespmem:s24], [sflag:$0x5], $0x20, s13, s22, $0xb8;
	[tilespmem:$0x1F820] =	vst v63  }
0x117: {  	_ =	swait.ge [sflag:s6], $0x1000  }
0x118: {  	[sflag:s6] =	ssyncset.done $0x0  }
0x119: {  	[sflag:s6] =	ssyncadd.s32 $0xFFFFF000  }
0x11a: {  	[tilespmem:s29], [sflag:$0x4] =	stream.indirect.gather [hbm4b:s4+s22], $0x20, s14, s22, $0xb8;
	[tilespmem:$0x1F820] =	vst v63  }
0x11b: {  	_ =	swait.ge [sflag:s30], $0x1000  }
0x11c: {  	[sflag:s30] =	ssyncset.done $0x0  }
0x11d: {  	[sflag:s30] =	ssyncadd.s32 $0xFFFFF000  }
0x11e: {  	[spmem:s1] =	stream.indirect.scatter.add.f32 [tilespmem:s29], [sflag:$0x6], $0x20, s15, s22, $0xb8;
	[tilespmem:$0x1F820] =	vst v63  }
0x11f: {  	_ =	swait.ge [sflag:s0], $0x1000  }
0x120: {  	[sflag:s0] =	ssyncset.done $0x0  }
0x121: {  	[sflag:s0] =	ssyncadd.s32 $0xFFFFF000  }
0x122: {  	_ =	swait.ge [sflag:s6], $0x1000  }
0x123: {  	[sflag:s6] =	ssyncset.done $0x0  }
0x124: {  	s21 =	simm.s32 $0x2;
	[sflag:s6] =	ssyncadd.s32 $0xFFFFF000  }
.LBB2_15:
0x125: {  	s18 =	sadd.s32 $0x1, s18  }
0x126: {  	p0 =	sne.s32 s18, $0x4C  }
.Ltmp11:
0x127: {  	_ = 	snop;
	(pc) =	sbr.rel @!p0 .LBB2_16-.Ltmp11, $4  }
0x128: {  	_ = 	snop  }
0x129: {  	_ =	swait.ge [sflag:s21], $0x400  }
0x12a: {  	[sflag:s21] =	ssyncset.done $0x0  }
0x12b: {  	s19 =	sadd.s32 $0x80, s19;
	[sflag:s21] =	ssyncadd.s32 $0xFFFFFC00  }
.LBB2_12:
0x12c: {  	s21 =	sand.u32 $0x1, s18  }
0x12d: {  	p0 =	seq.s32 s21, $0x1  }
.Ltmp12:
0x12e: {  	_ = 	snop;
	(pc) =	sbr.rel @!p0 .LBB2_13-.Ltmp12, $1  }
0x12f: {  	_ =	sdelay $0x3  }
0x130: {  	p0 =	seq.s32 s18, $0x4B  }
0x131: {  	s21 =	simm.s32 @!p0 $0x0  }
0x132: {  	[tilespmem:s21], [sflag:$0x1] =	stream.linear.gather @!p0 [hbm4b:s19+s21], $0x400, $0x38;
	[tilespmem:$0x1F820] =	vst v63  }
0x133: {  	_ = 	snop  }
0x134: {  	[tilespmem:s24], [sflag:$0x3] =	stream.indirect.gather [hbm4b:s4+s22], $0x20, s23, s22, $0xb8;
	[tilespmem:$0x1F820] =	vst v63  }
0x135: {  	_ =	swait.ge [sflag:s25], $0x1000  }
0x136: {  	[sflag:s25] =	ssyncset.done $0x0  }
0x137: {  	[sflag:s25] =	ssyncadd.s32 $0xFFFFF000  }
0x138: {  	[spmem:s1] =	stream.indirect.scatter.add.f32 [tilespmem:s24], [sflag:$0x5], $0x20, s26, s22, $0xb8;
	[tilespmem:$0x1F820] =	vst v63  }
0x139: {  	_ = 	snop  }
0x13a: {  	[tilespmem:s29], [sflag:$0x4] =	stream.indirect.gather [hbm4b:s4+s22], $0x20, s28, s22, $0xb8;
	[tilespmem:$0x1F820] =	vst v63  }
0x13b: {  	_ =	swait.ge [sflag:s30], $0x1000  }
0x13c: {  	[sflag:s30] =	ssyncset.done $0x0  }
0x13d: {  	[sflag:s30] =	ssyncadd.s32 $0xFFFFF000  }
0x13e: {  	[spmem:s1] =	stream.indirect.scatter.add.f32 [tilespmem:s29], [sflag:$0x6], $0x20, s31, s22, $0xb8;
	[tilespmem:$0x1F820] =	vst v63  }
0x13f: {  	_ =	swait.ge [sflag:s0], $0x1000  }
0x140: {  	[sflag:s0] =	ssyncset.done $0x0  }
0x141: {  	[sflag:s0] =	ssyncadd.s32 $0xFFFFF000  }
0x142: {  	[tilespmem:s24], [sflag:$0x3] =	stream.indirect.gather [hbm4b:s4+s22], $0x20, s2, s22, $0xb8;
	[tilespmem:$0x1F820] =	vst v63  }
0x143: {  	_ =	swait.ge [sflag:s25], $0x1000  }
0x144: {  	[sflag:s25] =	ssyncset.done $0x0  }
0x145: {  	[sflag:s25] =	ssyncadd.s32 $0xFFFFF000  }
0x146: {  	[spmem:s1] =	stream.indirect.scatter.add.f32 [tilespmem:s24], [sflag:$0x5], $0x20, s5, s22, $0xb8;
	[tilespmem:$0x1F820] =	vst v63  }
0x147: {  	_ =	swait.ge [sflag:s6], $0x1000  }
0x148: {  	[sflag:s6] =	ssyncset.done $0x0  }
0x149: {  	[sflag:s6] =	ssyncadd.s32 $0xFFFFF000  }
0x14a: {  	[tilespmem:s29], [sflag:$0x4] =	stream.indirect.gather [hbm4b:s4+s22], $0x20, s8, s22, $0xb8;
	[tilespmem:$0x1F820] =	vst v63  }
0x14b: {  	_ =	swait.ge [sflag:s30], $0x1000  }
0x14c: {  	[sflag:s30] =	ssyncset.done $0x0  }
0x14d: {  	[sflag:s30] =	ssyncadd.s32 $0xFFFFF000  }
0x14e: {  	[spmem:s1] =	stream.indirect.scatter.add.f32 [tilespmem:s29], [sflag:$0x6], $0x20, s9, s22, $0xb8;
	[tilespmem:$0x1F820] =	vst v63  }
0x14f: {  	_ =	swait.ge [sflag:s0], $0x1000  }
.Ltmp13:
0x150: {  	[sflag:s0] =	ssyncset.done $0x0;
	(pc) =	sbr.rel @!p0 .LBB2_15-.Ltmp13, $4  }
.Ltmp14:
0x151: {  	[sflag:s0] =	ssyncadd.s32 $0xFFFFF000;
	(pc) =	sbr.rel @p0 .LBB2_16-.Ltmp14, $4  }
0x152: {  	_ =	swait.ge [sflag:s6], $0x1000  }
0x153: {  	[sflag:s6] =	ssyncset.done $0x0  }
0x154: {  	s21 =	simm.s32 $0x1;
	[sflag:s6] =	ssyncadd.s32 $0xFFFFF000  }
0x155: {  	_ = 	snop  }
.LBB2_17:
0x156: {  	_ =	sfence.sel $0x180000  }
0x157: {  	[bflag:$0x0] =	sbarrier.arrive $0xFFFF  }
0x158: {  	_ =	strace $0x9000004D  }
0x159: {  	s0 =	stileid.u32;
	[bflag:$0x2] =	sbarrier.arrive $0xFFFF  }
0x15a: {  	p0 =	sne.s32 s0, $0x0;
	s0 =	rddreg [dreg:$0x2]  }
0x15b: {  	s0 =	sadd.s32 @!p0 $0x100000, s0  }
0x15c: {  	[sflag:s0] =	ssyncadd.tile.s32 @!p0 $0x1;
	_ =	shalt  }
.Lfunc_end2:
_tile_overlayer_lowered:
.L_overlay_start_2:
0x15d: {  	(tag) =	ssettag $0x2  }
0x15e: {  	s0 =	rddreg [dreg:$0x0];
	s2 =	stileid.u32  }
0x15f: {  	s1 =	rddreg [dreg:$0x1];
	p0 =	sne.s32 s2, $0x0  }
0x160: {  	s3 =	rddreg [dreg:$0x2];
	[bflag:$0x3] =	sbarrier.arrive $0xFFFF;
	s2 =	simm.s32 @!p0 $0x1C07  }
0x161: {  	[timem:s3], [sflag:s2] =	dma.local @!p0 [hbm:s0], s1  }
0x162: {  	s0 =	simm.s32 @!p0 $0x7  }
0x163: {  	_ =	swait.ge @!p0 [sflag:s0], s1  }
0x164: {  	s1 =	ssub.s32 @!p0 $0x0, s1;
	[sflag:s0] =	ssyncset.done @!p0 $0x0  }
0x165: {  	[sflag:s0] =	ssyncadd.s32 @!p0 s1  }
0x166: {  	[bflag:$0x3] =	sbarrier.arrive $0xFFFF  }
0x167: {  	_ =	shalt  }

// kernel: sparse-core-data-format-call.1.cloned.1.call-start
scs
called_computation.1_lowered:
.L_overlay_start_0:
0x0: {  	s1 =	sld [smem:$0x3FD9]  }
0x1: {  	s2 =	sld [smem:$0x3FFE];
	_ =	sdelay $0x1  }
0x2: {  	s3 =	srdreg.scid  }
0x3: {  	s0 =	sand.u32 $0x1, s3  }
0x4: {  	s17 =	sshll.u32 s0, $0xA;
	s1 =	sadd.s32 s2, s1  }
0x5: {  	s1 =	sadd.s32 s1, s17  }
0x6: {  	[smem:$0x3FB4] =	sst s1  }
0x7: {  	_ = 	snop  }
0x8: {  	(tm) =	ssettm $0x1  }
0x9: {  	s18 =	sld [smem:$0x3FFB];
	_ =	sdelay $0x3  }
0xa: {  	_ =	strace s18  }
0xb: {  	s1 =	sld [smem:$0x3FFC];
	_ =	sdelay $0x3  }
0xc: {  	_ =	strace s1  }
0xd: {  	s1 =	sld [smem:$0x3FFD];
	_ =	sdelay $0x3  }
0xe: {  	_ =	strace s1  }
0xf: {  	_ =	strace $0x8FFFFFFF  }
0x10: {  	s19 =	sld [smem:$0x3FDB];
	_ =	sdelay $0x1  }
0x11: {  	s20 =	simm.s32 $_scs_section_size  }
0x12: {  	s4 =	simm.s32 $_size__tile_overlayer_lowered;
	s5 =	simm.s32 $_tile_overlayer_lowered  }
0x13: {  	s23 =	simm.s32 $0x1BFF;
	s22 =	sshll.u32 s5, $0x1;
	s1 =	sadd.s32 s20, s19  }
0x14: {  	s6 =	simm.s32 $0x0;
	s21 =	sshll.u32 s4, $0x1;
	s4 =	sadd.s32 s22, s1  }
0x15: {  	[timem:s6], [sflag:s23] =	dma.local [hbm:s4], s21  }
0x16: {  	_ =	swait.ge [sflag:s23], s21  }
0x17: {  	s2 =	ssub.s32 $0x0, s21;
	[sflag:s23] =	ssyncset.done $0x0  }
0x18: {  	[sflag:s23] =	ssyncadd.s32 s2;
	_ =	sdelay $0x1  }
0x19: {  	s24 =	simm.s32 $0x1B8B  }
0x1a: {  	_ =	swait.ge [sflag:s24], $0x1  }
0x1b: {  	[sflag:s24] =	ssyncset.done $0x0  }
0x1c: {  	s26 =	simm.s32 $0x1B8E;
	s25 =	sld [smem:$0x3FFE];
	[sflag:s24] =	ssyncadd.s32 $0xFFFFFFFF  }
0x1d: {  	s27 =	simm.s32 $execute0_lowered;
	[smem:$0x3FD2] =	sst s26  }
0x1e: {  	s4 =	sshll.u32 s27, $0x1;
	_ =	strace $0x80000052;
	[dreg:$0x1] =	wrdreg $0xFFFFFFFF  }
0x1f: {  	s28 =	simm.s32 $_size_execute0_lowered;
	s1 =	sadd.s32 s1, s4;
	[dreg:$0x0] =	wrdreg $0x0  }
0x20: {  	s4 =	sshll.u32 s28, $0x1;
	[dreg:$0x2] =	wrdreg s1  }
0x21: {  	[dreg:$0x3] =	wrdreg s4  }
0x22: {  	[dreg:$0x4] =	wrdreg $0xC0  }
0x23: {  	_ =	task [dreg:s6], $0x5FFFF  }
0x24: {  	[dreg:$0x1] =	wrdreg $0xFFFFFFFF  }
0x25: {  	[dreg:$0x0] =	wrdreg $0x60  }
0x26: {  	[dreg:$0x2] =	wrdreg s25  }
0x27: {  	[dreg:$0x3] =	wrdreg $0x9  }
0x28: {  	_ =	task.clear_ibuf [dreg:s6], $0x4FFFF;
	_ =	strace $0x90000052  }
0x29: {  	s29 =	simm.s32 $0x9;
	_ =	strace $0x80000054  }
0x2a: {  	_ =	swait.ge [sflag:s29], $0x1  }
0x2b: {  	[sflag:s29] =	ssyncadd.s32 $0xFFFFFFFF  }
0x2c: {  	_ =	strace $0x90000054  }
0x2d: {  	_ =	sfence  }
0x2e: {  	s30 =	sld [smem:$0x0];
	_ =	sdelay $0x2  }
0x2f: {  	s31 =	sshll.u32 s3, $0xD;
	s3 =	sshrl.u32 s3, $0x2  }
0x30: {  	s2 =	sand.u32 $0x4000, s31;
	s1 =	sadd.s32 s3, s30  }
0x31: {  	s0 =	sor.u32 s2, s0;
	s1 =	sshll.u32 s1, $0x11  }
0x32: {  	s0 =	sor.u32 s1, s0  }
0x33: {  	s0 =	sadd.s32 $0x8F2B, s0  }
0x34: {  	[sflag:s0] =	ssyncadd.remote.s32 $0x1  }
0x35: {  	_ =	sfence.sel $0xFFFF  }
0x36: {  	[dreg:$0x0] =	wrdreg $0xFFFFFFFF;
	(pc) =	sbr.abs _section_cstart, $3  }
0x37: {  	[dreg:$0x1] =	wrdreg $0xFFFFFFFF  }
0x38: {  	_ =	task.clear_ibuf [dreg:s6], $0x2FFFF;
	_ =	strace $0x9FFFFFFF  }
0x39: {  	(tm) =	ssettm $0x7FFFFFFF  }
tec
execute0_lowered:
.L_overlay_start_1:
0x0: {  	(tag) =	ssettag $0x1  }
0x1: {  	s0 =	srdreg.scid  }
0x2: {  	s1 =	sshll.u32 s0, $0x4  }
0x3: {  	s0 =	stileid.u32;
	s1 =	sand.u32 $0x10, s1  }
0x4: {  	s6 =	rddreg [dreg:$0x0];
	s4 =	simm.s32 $0x1;
	s1 =	sor.u32 s0, s1  }
0x5: {  	s7 =	simm.s32 $0x2;
	s15 =	simm.s32 $0x0;
	s2 =	sshll.u32 s1, $0x9  }
0x6: {  	s8 =	simm.s32 $0x80;
	s13 =	simm.s32 $0x0;
	s3 =	ssub.s32 $0xE800, s2  }
0x7: {  	s14 =	simm.s32 $0x0;
	s10 =	simm.s32 $0x0;
	s31 =	sand.u32 $0x3E00, s3  }
0x8: {  	s11 =	simm.s32 $0x0;
	s1 =	rddreg [dreg:$0x1];
	p0 =	sne.s32 s31, $0x0  }
.Ltmp0:
0x9: {  	s5 =	sshrl.u32 s3, $0xE;
	s4 =	simm.s32 @!p0 $0x0;
	(pc) =	sbr.rel .LBB1_1-.Ltmp0, $4  }
0xa: {  	_ =	strace $0x80000053;
	s3 =	simm.s32 $0x1;
	s4 =	sadd.s32 s4, s5  }
0xb: {  	s12 =	simm.s32 $0x0;
	[sflag:s3] =	ssyncpa.u1 $0x0;
	s4 =	smul.u32 $0x6, s4  }
0xc: {  	s9 =	smov.u32 s2;
	[sflag:s7] =	ssyncpa.u1 $0x0;
	p0 =	por $0x0, $0x0  }
0xd: {  	s5 =	sadd.s32 $0x163E00, s6;
	s6 =	sadd.s32 $0x7CE800, s6;
	s7 =	sor.u32 $0x1, s4  }
.LBB1_4:
0xe: {  	_ = 	snop  }
0xf: {  	[tilespmem:s20+$0x2D60 ss:$0x21] =	vst.msk $0xffff, v7  }
0x10: {  	[tilespmem:s20+$0x2F70 ss:$0x21] =	vst.msk $0xffff, v6  }
0x11: {  	[tilespmem:s20+$0x3390 ss:$0x21] =	vst.msk $0xffff, v3  }
0x12: {  	s23 =	sor.u32 s26, s25;
	v31 =	vld.idx.msk [tilespmem:v0+s18+$0xC70 ss:$0x1], $0xffff;
	[tilespmem:s20+$0x35A0 ss:$0x21] =	vst.msk $0xffff, v1  }
0x13: {  	[tilespmem:s20+$0x37B0 ss:$0x21] =	vst.msk $0xffff, v2;
	v43 =	vld.idx.msk [tilespmem:v0+s23+$0x410 ss:$0x1], $0xffff  }
0x14: {  	[tilespmem:s20+$0x39C0 ss:$0x21] =	vst.msk $0xffff, v4;
	v44 =	vld.idx.msk [tilespmem:v0+s23+$0x420 ss:$0x1], $0xffff  }
0x15: {  	[tilespmem:s20+$0x3BD0 ss:$0x21] =	vst.msk $0xffff, v5;
	s24 =	sand.u32 $0x3200, s23;
	v45 =	vld.idx.msk [tilespmem:v0+s23+$0x430 ss:$0x1], $0xffff  }
0x16: {  	s22 =	sand.u32 $0x180, s22;
	s26 =	sshra.s32 s21, $0x2;
	[tilespmem:s20+$0x3DE0 ss:$0x21] =	vst.msk $0xffff, v8;
	v46 =	vld.idx.msk [tilespmem:v0+s23+$0x440 ss:$0x1], $0xffff;
	s17 =	sadd.s32 s24, s17  }
0x17: {  	v47 =	vld.idx.msk [tilespmem:v0+s23+$0x450 ss:$0x1], $0xffff;
	s25 =	sadd.s32 s22, s17;
	s17 =	sadd.s32 s26, s19;
	[tilespmem:s20+$0x3FF0 ss:$0x21] =	vst.msk $0xffff, v31  }
0x18: {  	v48 =	vld.idx.msk [tilespmem:v0+s23+$0x460 ss:$0x1], $0xffff;
	[tilespmem:s17+$0x1290 ss:$0x21] =	vst.msk $0xffff, v43  }
0x19: {  	v49 =	vld.idx.msk [tilespmem:v0+s23+$0x470 ss:$0x1], $0xffff;
	[tilespmem:s17+$0x14A0 ss:$0x21] =	vst.msk $0xffff, v44  }
0x1a: {  	v50 =	vld.idx.msk [tilespmem:v0+s23+$0x810 ss:$0x1], $0xffff;
	[tilespmem:s17+$0x16B0 ss:$0x21] =	vst.msk $0xffff, v45  }
0x1b: {  	v51 =	vld.idx.msk [tilespmem:v0+s23+$0x820 ss:$0x1], $0xffff;
	[tilespmem:s17+$0x18C0 ss:$0x21] =	vst.msk $0xffff, v46  }
0x1c: {  	v52 =	vld.idx.msk [tilespmem:v0+s23+$0x830 ss:$0x1], $0xffff;
	[tilespmem:s17+$0x1AD0 ss:$0x21] =	vst.msk $0xffff, v47  }
0x1d: {  	v53 =	vld.idx.msk [tilespmem:v0+s23+$0x840 ss:$0x1], $0xffff;
	[tilespmem:s17+$0x1CE0 ss:$0x21] =	vst.msk $0xffff, v48  }
0x1e: {  	v54 =	vld.idx.msk [tilespmem:v0+s23+$0x850 ss:$0x1], $0xffff;
	[tilespmem:s17+$0x1EF0 ss:$0x21] =	vst.msk $0xffff, v49  }
0x1f: {  	v55 =	vld.idx.msk [tilespmem:v0+s23+$0x860 ss:$0x1], $0xffff;
	[tilespmem:s17+$0x2310 ss:$0x21] =	vst.msk $0xffff, v50  }
0x20: {  	v56 =	vld.idx.msk [tilespmem:v0+s23+$0x870 ss:$0x1], $0xffff;
	[tilespmem:s17+$0x2520 ss:$0x21] =	vst.msk $0xffff, v51  }
0x21: {  	v57 =	vld.idx.msk [tilespmem:v0+s23+$0xC10 ss:$0x1], $0xffff;
	[tilespmem:s17+$0x2730 ss:$0x21] =	vst.msk $0xffff, v52  }
0x22: {  	v58 =	vld.idx.msk [tilespmem:v0+s23+$0xC20 ss:$0x1], $0xffff;
	[tilespmem:s17+$0x2940 ss:$0x21] =	vst.msk $0xffff, v53  }
0x23: {  	v59 =	vld.idx.msk [tilespmem:v0+s23+$0xC30 ss:$0x1], $0xffff;
	[tilespmem:s17+$0x2B50 ss:$0x21] =	vst.msk $0xffff, v54  }
0x24: {  	v60 =	vld.idx.msk [tilespmem:v0+s23+$0xC40 ss:$0x1], $0xffff;
	[tilespmem:s17+$0x2D60 ss:$0x21] =	vst.msk $0xffff, v55  }
0x25: {  	v61 =	vld.idx.msk [tilespmem:v0+s23+$0xC50 ss:$0x1], $0xffff;
	[tilespmem:s17+$0x2F70 ss:$0x21] =	vst.msk $0xffff, v56  }
0x26: {  	v62 =	vld.idx.msk [tilespmem:v0+s23+$0xC60 ss:$0x1], $0xffff;
	[tilespmem:s17+$0x3390 ss:$0x21] =	vst.msk $0xffff, v57  }
0x27: {  	v63 =	vld.idx.msk [tilespmem:v0+s23+$0xC70 ss:$0x1], $0xffff;
	[tilespmem:s17+$0x35A0 ss:$0x21] =	vst.msk $0xffff, v58  }
0x28: {  	v32 =	vld [tilespmem:s25+$0xC00];
	[tilespmem:s17+$0x37B0 ss:$0x21] =	vst.msk $0xffff, v59  }
0x29: {  	v33 =	vld [tilespmem:s25+$0x0];
	[tilespmem:s17+$0x39C0 ss:$0x21] =	vst.msk $0xffff, v60  }
0x2a: {  	v34 =	vld [tilespmem:s25+$0x10];
	[tilespmem:s17+$0x3BD0 ss:$0x21] =	vst.msk $0xffff, v61  }
0x2b: {  	s15 =	sshll.u32 s15, $0x7;
	s27 =	sshll.u32 s13, $0x3;
	v35 =	vld [tilespmem:s25+$0x20];
	[tilespmem:s17+$0x3DE0 ss:$0x21] =	vst.msk $0xffff, v62  }
0x2c: {  	s28 =	sand.u32 $0xFFFFFC00, s15;
	s18 =	sand.u32 $0xFFFFFC00, s27;
	v36 =	vld [tilespmem:s25+$0x30];
	[tilespmem:s17+$0x3FF0 ss:$0x21] =	vst.msk $0xffff, v63  }
0x2d: {  	s15 =	sand.u32 $0x380, s15;
	s18 =	sadd.s32 s18, s28;
	v37 =	vld [tilespmem:s25+$0x40];
	[tilespmem:s17+$0x3180 ss:$0x21] =	vst.msk $0xffff, v32  }
0x2e: {  	s15 =	sor.u32 s15, s18;
	v38 =	vld [tilespmem:s25+$0x50];
	[tilespmem:s17+$0x0 ss:$0x21] =	vst.msk $0xffff, v33  }
0x2f: {  	v39 =	vld [tilespmem:s25+$0x60];
	s15 =	sshrl.u32 s15, $0x7;
	[tilespmem:s17+$0x210 ss:$0x21] =	vst.msk $0xffff, v34  }
0x30: {  	v40 =	vld [tilespmem:s25+$0x70];
	s29 =	smulhi.u32 $0x234F72D, s15;
	[tilespmem:s17+$0x420 ss:$0x21] =	vst.msk $0xffff, v35  }
0x31: {  	v41 =	vld [tilespmem:s25+$0x400];
	[tilespmem:s17+$0x630 ss:$0x21] =	vst.msk $0xffff, v36  }
0x32: {  	s14 =	smul.u32 $0xE8000, s14;
	v42 =	vld [tilespmem:s25+$0x800];
	s18 =	sshrl.u32 s29, $0x9;
	[tilespmem:s17+$0x840 ss:$0x21] =	vst.msk $0xffff, v37  }
0x33: {  	s18 =	smul.u32 $0xE800, s18;
	[tilespmem:s17+$0xA50 ss:$0x21] =	vst.msk $0xffff, v38  }
0x34: {  	s30 =	sshrl.u32 s13, $0x3;
	s31 =	sand.u32 $0x7, s13;
	[tilespmem:s17+$0xC60 ss:$0x21] =	vst.msk $0xffff, v39  }
0x35: {  	s14 =	sadd.s32 s6, s14;
	[tilespmem:s17+$0xE70 ss:$0x21] =	vst.msk $0xffff, v40;
	s15 =	ssub.s32 s15, s18;
	s18 =	sand.u32 $0xF, s30  }
0x36: {  	s13 =	sshll.u32 s31, $0x12;
	[tilespmem:s17+$0x1080 ss:$0x21] =	vst.msk $0xffff, v41;
	s15 =	sshll.u32 s15, $0x4;
	s14 =	sadd.s32 s18, s14  }
0x37: {  	s13 =	sor.u32 $0x20, s13;
	[tilespmem:s17+$0x2100 ss:$0x21] =	vst.msk $0xffff, v42;
	s14 =	sadd.s32 s15, s14  }
0x38: {  	[hbm4b:s14+s13] =	stream.strided.scatter [tilespmem:s16], [sflag:$0x2], $0x4000, s8, s13, $0x10;
	[tilespmem:$0x10400] =	vst v63  }
.LBB1_5:
0x39: {  	s16 =	sadd.s32 $0x4000, s9  }
0x3a: {  	s13 =	sadd.s32 $0x20, s10;
	s17 =	smov.u32 s10;
	p2 =	sgt.s32 s16, $0xE7FF  }
0x3b: {  	s17 =	smov.u32 @p2 s13  }
0x3c: {  	s13 =	simm.s32 $0x1;
	p3 =	sgt.s32 s17, $0x1F  }
0x3d: {  	s13 =	simm.s32 @!p3 $0x0  }
0x3e: {  	s19 =	sadd.s32 s13, s11  }
0x3f: {  	s16 =	smov.u32 @p2 s2;
	p2 =	sgt.s32 s19, $0x5  }
0x40: {  	p1 =	slt.u32 s12, $0x2;
	s19 =	simm.s32 @p2 $0x0;
	p2 =	sne.s32 s12, s7  }
.Ltmp1:
0x41: {  	s18 =	simm.s32 @!p1 $0x2;
	(pc) =	sbr.rel @!p2 .LBB1_6-.Ltmp1, $4  }
0x42: {  	s15 =	smov.u32 s9;
	s14 =	smov.u32 s11;
	_ =	swait.ge @!p1 [sflag:s18], $0x4000  }
0x43: {  	p0 =	por !p0, !p0;
	[sflag:s18] =	ssyncset.done @!p1 $0x0;
	s9 =	smov.u32 s16  }
0x44: {  	s17 =	simm.s32 @p3 $0x0;
	[sflag:s18] =	ssyncadd.s32 @!p1 $0xFFFFC000;
	s13 =	smov.u32 s10  }
0x45: {  	s10 =	smov.u32 s17;
	s12 =	sadd.s32 $0x1, s12;
	s11 =	smov.u32 s19  }
.LBB1_1:
0x46: {  	p1 =	sge.u32 s12, s4  }
0x47: {  	s16 =	sshrl.u32 @!p1 s10, $0x3  }
0x48: {  	s17 =	sshll.u32 @!p1 s9, $0x3;
	s18 =	sshll.u32 @!p1 s10, $0x7;
	s16 =	smul.u32 @!p1 $0x74000, s16  }
0x49: {  	s19 =	sand.u32 @!p1 $0x7F, s9;
	s17 =	sand.u32 @!p1 $0xFFFFFC00, s17;
	s18 =	sand.u32 @!p1 $0x380, s18  }
0x4a: {  	s16 =	sadd.s32 @!p1 s16, s17;
	s17 =	sor.u32 @!p1 s19, s18  }
0x4b: {  	s17 =	sor.u32 @!p1 s16, s17  }
0x4c: {  	s18 =	smulhi.u32 @!p1 $0x8D3DCB09, s17  }
0x4d: {  	s16 =	smulhi.u32 @!p1 $0x8D3DCB09, s16  }
0x4e: {  	s18 =	sshrl.u32 @!p1 s18, $0xF  }
0x4f: {  	s31 =	sadd.s32 $0xFFFFFFFF, s12;
	s16 =	sshrl.u32 @!p1 s16, $0xF;
	s18 =	smul.u32 @!p1 $0xE800, s18  }
0x50: {  	s20 =	smul.u32 @!p1 $0x3A000, s11;
	s19 =	sxor.u32 @!p1 $0xFFFFFFFF, s12;
	s16 =	sand.u32 @!p1 $0x1F, s16  }
0x51: {  	s19 =	sshll.u32 @!p1 s19, $0xE;
	s16 =	smul.u32 @!p1 $0x1D00, s16;
	s17 =	ssub.s32 @!p1 s17, s18  }
0x52: {  	s18 =	sand.u32 @!p1 $0x4000, s19;
	s19 =	sadd.s32 @!p1 s5, s20;
	s20 =	sand.u32 @!p1 $0x7, s17  }
0x53: {  	s17 =	sshrl.u32 @!p1 s17, $0x3;
	s16 =	sadd.s32 @!p1 s16, s19;
	s19 =	sshll.u32 @!p1 s20, $0x12  }
0x54: {  	s16 =	sadd.s32 @!p1 s17, s16;
	s17 =	sor.u32 @!p1 $0x1000, s19;
	s19 =	simm.s32 @!p1 $0x74000  }
0x55: {  	[tilespmem:s18], [sflag:$0x1] =	stream.strided.gather @!p1 [hbm4b:s16+s17], $0x4000, s19, s17, $0x38;
	[tilespmem:$0x10400] =	vst v63  }
0x56: {  	p1 =	sge.u32 s31, s4  }
.Ltmp2:
0x57: {  	_ = 	snop;
	(pc) =	sbr.rel @p1 .LBB1_5-.Ltmp2, $1  }
0x58: {  	_ =	sdelay $0x3  }
0x59: {  	s19 =	simm.s32 $0x0  }
0x5a: {  	s18 =	sand.u32 $0x3000, s19;
	s20 =	sand.u32 $0x380, s19  }
0x5b: {  	s16 =	sand.u32 $0x1, s12;
	s18 =	sor.u32 s20, s18  }
0x5c: {  	_ =	swait.ge [sflag:s3], $0x4000;
	s17 =	sshll.u32 s16, $0xE;
	s20 =	sand.u32 $0x3200, s18  }
0x5d: {  	[sflag:s3] =	ssyncset.done $0x0;
	s19 =	sand.u32 $0x180, s19;
	s20 =	sadd.s32 s20, s17  }
0x5e: {  	[sflag:s3] =	ssyncadd.s32 $0xFFFFC000;
	s22 =	sadd.s32 s19, s20  }
0x5f: {  	v4 =	vld [tilespmem:s22+$0xC00]  }
0x60: {  	s21 =	simm.s32 $0x1;
	v0 =	vmov s17;
	v5 =	vld [tilespmem:s22+$0x0]  }
0x61: {  	s21 =	simm.s32 @!p0 $0x0;
	v6 =	vld [tilespmem:s22+$0x10]  }
0x62: {  	s31 =	smul.u32 $0x10800, s21;
	v7 =	vld [tilespmem:s22+$0x20]  }
0x63: {  	v8 =	vld [tilespmem:s22+$0x30]  }
0x64: {  	s19 =	sshrl.u32 s31, $0x2;
	v9 =	vld [tilespmem:s22+$0x40]  }
0x65: {  	s19 =	sor.u32 $0x8000, s19;
	v1 =	vld.idx.msk [tilespmem:v0+s18+$0x410 ss:$0x1], $0xffff  }
0x66: {  	v2 =	vld.idx.msk [tilespmem:v0+s18+$0x420 ss:$0x1], $0xffff;
	s20 =	sadd.s32 $0x0, s19  }
0x67: {  	v3 =	vld.idx.msk [tilespmem:v0+s18+$0x430 ss:$0x1], $0xffff;
	[tilespmem:s20+$0x3180 ss:$0x21] =	vst.msk $0xffff, v4  }
0x68: {  	v10 =	vld.idx.msk [tilespmem:v0+s18+$0x820 ss:$0x1], $0xffff;
	[tilespmem:s20+$0x0 ss:$0x21] =	vst.msk $0xffff, v5  }
0x69: {  	v11 =	vld.idx.msk [tilespmem:v0+s18+$0x830 ss:$0x1], $0xffff;
	[tilespmem:s20+$0x210 ss:$0x21] =	vst.msk $0xffff, v6  }
0x6a: {  	v12 =	vld.idx.msk [tilespmem:v0+s18+$0x840 ss:$0x1], $0xffff;
	[tilespmem:s20+$0x420 ss:$0x21] =	vst.msk $0xffff, v7  }
0x6b: {  	v13 =	vld.idx.msk [tilespmem:v0+s18+$0x850 ss:$0x1], $0xffff;
	[tilespmem:s20+$0x630 ss:$0x21] =	vst.msk $0xffff, v8  }
0x6c: {  	v4 =	vld [tilespmem:s22+$0x50];
	[tilespmem:s20+$0x840 ss:$0x21] =	vst.msk $0xffff, v9  }
0x6d: {  	v5 =	vld [tilespmem:s22+$0x60];
	[tilespmem:s20+$0x1290 ss:$0x21] =	vst.msk $0xffff, v1  }
0x6e: {  	v6 =	vld [tilespmem:s22+$0x70];
	[tilespmem:s20+$0x14A0 ss:$0x21] =	vst.msk $0xffff, v2  }
0x6f: {  	v7 =	vld [tilespmem:s22+$0x400];
	[tilespmem:s20+$0x16B0 ss:$0x21] =	vst.msk $0xffff, v3  }
0x70: {  	v8 =	vld [tilespmem:s22+$0x800];
	[tilespmem:s20+$0x2520 ss:$0x21] =	vst.msk $0xffff, v10  }
0x71: {  	v9 =	vld.idx.msk [tilespmem:v0+s18+$0x470 ss:$0x1], $0xffff;
	[tilespmem:s20+$0x2730 ss:$0x21] =	vst.msk $0xffff, v11  }
0x72: {  	v3 =	vld.idx.msk [tilespmem:v0+s18+$0xC10 ss:$0x1], $0xffff;
	[tilespmem:s20+$0x2940 ss:$0x21] =	vst.msk $0xffff, v12  }
0x73: {  	v1 =	vld.idx.msk [tilespmem:v0+s18+$0xC20 ss:$0x1], $0xffff;
	[tilespmem:s20+$0x2B50 ss:$0x21] =	vst.msk $0xffff, v13  }
0x74: {  	v2 =	vld.idx.msk [tilespmem:v0+s18+$0xC30 ss:$0x1], $0xffff;
	[tilespmem:s20+$0xA50 ss:$0x21] =	vst.msk $0xffff, v4  }
0x75: {  	[tilespmem:s20+$0xE70 ss:$0x21] =	vst.msk $0xffff, v6;
	v6 =	vld.idx.msk [tilespmem:v0+s18+$0x460 ss:$0x1], $0xffff  }
0x76: {  	v4 =	vld.idx.msk [tilespmem:v0+s18+$0x440 ss:$0x1], $0xffff;
	[tilespmem:s20+$0xC60 ss:$0x21] =	vst.msk $0xffff, v5  }
0x77: {  	v5 =	vld.idx.msk [tilespmem:v0+s18+$0x450 ss:$0x1], $0xffff;
	[tilespmem:s20+$0x1080 ss:$0x21] =	vst.msk $0xffff, v7  }
0x78: {  	[tilespmem:s20+$0x2100 ss:$0x21] =	vst.msk $0xffff, v8;
	v8 =	vld.idx.msk [tilespmem:v0+s18+$0x810 ss:$0x1], $0xffff  }
0x79: {  	v7 =	vld.idx.msk [tilespmem:v0+s18+$0x860 ss:$0x1], $0xffff;
	[tilespmem:s20+$0x1EF0 ss:$0x21] =	vst.msk $0xffff, v9  }
0x7a: {  	s16 =	smul.u32 $0x10800, s16;
	[tilespmem:s20+$0x1CE0 ss:$0x21] =	vst.msk $0xffff, v6;
	v6 =	vld.idx.msk [tilespmem:v0+s18+$0x870 ss:$0x1], $0xffff  }
0x7b: {  	s23 =	simm.s32 $0x200;
	s24 =	simm.s32 $0x8;
	[tilespmem:s20+$0x18C0 ss:$0x21] =	vst.msk $0xffff, v4;
	v4 =	vld.idx.msk [tilespmem:v0+s18+$0xC40 ss:$0x1], $0xffff  }
0x7c: {  	s25 =	sand.u32 $0x3000, s23;
	s16 =	sshrl.u32 s16, $0x2;
	s22 =	simm.s32 $0x80;
	[tilespmem:s20+$0x1AD0 ss:$0x21] =	vst.msk $0xffff, v5;
	v5 =	vld.idx.msk [tilespmem:v0+s18+$0xC50 ss:$0x1], $0xffff  }
0x7d: {  	s21 =	simm.s32 $0x4;
	s16 =	sor.u32 $0x8000, s16;
	s26 =	sand.u32 $0x380, s22;
	[tilespmem:s20+$0x2310 ss:$0x21] =	vst.msk $0xffff, v8;
	v8 =	vld.idx.msk [tilespmem:v0+s18+$0xC60 ss:$0x1], $0xffff  }
.LBB1_3:
0x7e: {  	p1 =	sne.s32 s24, $0x7C;
	[tilespmem:s20+$0x2D60 ss:$0x21] =	vst.msk $0xffff, v7;
	v7 =	vld.idx.msk [tilespmem:v0+s18+$0xC70 ss:$0x1], $0xffff;
	s18 =	sor.u32 s26, s25  }
0x7f: {  	s25 =	sand.u32 $0x3200, s18;
	v9 =	vld.idx.msk [tilespmem:v0+s18+$0x410 ss:$0x1], $0xffff;
	[tilespmem:s20+$0x2F70 ss:$0x21] =	vst.msk $0xffff, v6  }
0x80: {  	s26 =	sand.u32 $0x180, s22;
	s25 =	sadd.s32 s25, s17;
	v6 =	vld.idx.msk [tilespmem:v0+s18+$0x420 ss:$0x1], $0xffff;
	[tilespmem:s20+$0x3390 ss:$0x21] =	vst.msk $0xffff, v3  }
0x81: {  	s25 =	sadd.s32 s26, s25;
	v3 =	vld.idx.msk [tilespmem:v0+s18+$0x430 ss:$0x1], $0xffff;
	[tilespmem:s20+$0x35A0 ss:$0x21] =	vst.msk $0xffff, v1  }
0x82: {  	v1 =	vld [tilespmem:s25+$0xC00];
	[tilespmem:s20+$0x37B0 ss:$0x21] =	vst.msk $0xffff, v2  }
0x83: {  	v2 =	vld [tilespmem:s25+$0x0];
	[tilespmem:s20+$0x39C0 ss:$0x21] =	vst.msk $0xffff, v4  }
0x84: {  	v4 =	vld [tilespmem:s25+$0x10];
	[tilespmem:s20+$0x3BD0 ss:$0x21] =	vst.msk $0xffff, v5  }
0x85: {  	s26 =	sshra.s32 s21, $0x2;
	s21 =	smov.u32 s24;
	v5 =	vld [tilespmem:s25+$0x20];
	[tilespmem:s20+$0x3DE0 ss:$0x21] =	vst.msk $0xffff, v8  }
0x86: {  	v8 =	vld [tilespmem:s25+$0x30];
	[tilespmem:s20+$0x3FF0 ss:$0x21] =	vst.msk $0xffff, v7;
	s20 =	sadd.s32 s26, s19  }
0x87: {  	v7 =	vld [tilespmem:s25+$0x40];
	[tilespmem:s20+$0x3180 ss:$0x21] =	vst.msk $0xffff, v1  }
0x88: {  	[tilespmem:s20+$0x0 ss:$0x21] =	vst.msk $0xffff, v2;
	v1 =	vld [tilespmem:s25+$0x50]  }
0x89: {  	[tilespmem:s20+$0x210 ss:$0x21] =	vst.msk $0xffff, v4;
	v2 =	vld [tilespmem:s25+$0x60]  }
0x8a: {  	[tilespmem:s20+$0x420 ss:$0x21] =	vst.msk $0xffff, v5;
	v4 =	vld [tilespmem:s25+$0x70]  }
0x8b: {  	[tilespmem:s20+$0x630 ss:$0x21] =	vst.msk $0xffff, v8;
	v5 =	vld [tilespmem:s25+$0x400]  }
0x8c: {  	[tilespmem:s20+$0x840 ss:$0x21] =	vst.msk $0xffff, v7;
	v7 =	vld [tilespmem:s25+$0x800]  }
0x8d: {  	[tilespmem:s20+$0xA50 ss:$0x21] =	vst.msk $0xffff, v1;
	v1 =	vld.idx.msk [tilespmem:v0+s18+$0x440 ss:$0x1], $0xffff  }
0x8e: {  	[tilespmem:s20+$0xC60 ss:$0x21] =	vst.msk $0xffff, v2;
	v2 =	vld.idx.msk [tilespmem:v0+s18+$0x450 ss:$0x1], $0xffff  }
0x8f: {  	[tilespmem:s20+$0xE70 ss:$0x21] =	vst.msk $0xffff, v4;
	v4 =	vld.idx.msk [tilespmem:v0+s18+$0x460 ss:$0x1], $0xffff  }
0x90: {  	[tilespmem:s20+$0x1080 ss:$0x21] =	vst.msk $0xffff, v5;
	v5 =	vld.idx.msk [tilespmem:v0+s18+$0x470 ss:$0x1], $0xffff  }
0x91: {  	[tilespmem:s20+$0x2100 ss:$0x21] =	vst.msk $0xffff, v7;
	v8 =	vld.idx.msk [tilespmem:v0+s18+$0x810 ss:$0x1], $0xffff  }
0x92: {  	[tilespmem:s20+$0x1290 ss:$0x21] =	vst.msk $0xffff, v9;
	v9 =	vld.idx.msk [tilespmem:v0+s18+$0x820 ss:$0x1], $0xffff  }
0x93: {  	[tilespmem:s20+$0x14A0 ss:$0x21] =	vst.msk $0xffff, v6;
	v10 =	vld.idx.msk [tilespmem:v0+s18+$0x830 ss:$0x1], $0xffff  }
0x94: {  	[tilespmem:s20+$0x16B0 ss:$0x21] =	vst.msk $0xffff, v3;
	v11 =	vld.idx.msk [tilespmem:v0+s18+$0x840 ss:$0x1], $0xffff  }
0x95: {  	[tilespmem:s20+$0x18C0 ss:$0x21] =	vst.msk $0xffff, v1;
	v12 =	vld.idx.msk [tilespmem:v0+s18+$0x850 ss:$0x1], $0xffff  }
0x96: {  	[tilespmem:s20+$0x1AD0 ss:$0x21] =	vst.msk $0xffff, v2;
	v7 =	vld.idx.msk [tilespmem:v0+s18+$0x860 ss:$0x1], $0xffff  }
0x97: {  	[tilespmem:s20+$0x1CE0 ss:$0x21] =	vst.msk $0xffff, v4;
	v6 =	vld.idx.msk [tilespmem:v0+s18+$0x870 ss:$0x1], $0xffff  }
0x98: {  	[tilespmem:s20+$0x1EF0 ss:$0x21] =	vst.msk $0xffff, v5;
	v3 =	vld.idx.msk [tilespmem:v0+s18+$0xC10 ss:$0x1], $0xffff  }
.Ltmp3:
0x99: {  	[tilespmem:s20+$0x2310 ss:$0x21] =	vst.msk $0xffff, v8;
	v1 =	vld.idx.msk [tilespmem:v0+s18+$0xC20 ss:$0x1], $0xffff;
	(pc) =	sbr.rel @p1 .LBB1_3-.Ltmp3, $4  }
0x9a: {  	[tilespmem:s20+$0x2520 ss:$0x21] =	vst.msk $0xffff, v9;
	v2 =	vld.idx.msk [tilespmem:v0+s18+$0xC30 ss:$0x1], $0xffff  }
0x9b: {  	[tilespmem:s20+$0x2730 ss:$0x21] =	vst.msk $0xffff, v10;
	v4 =	vld.idx.msk [tilespmem:v0+s18+$0xC40 ss:$0x1], $0xffff  }
0x9c: {  	s22 =	sadd.s32 $0x80, s22;
	s23 =	sadd.s32 $0x200, s23;
	[tilespmem:s20+$0x2940 ss:$0x21] =	vst.msk $0xffff, v11;
	v5 =	vld.idx.msk [tilespmem:v0+s18+$0xC50 ss:$0x1], $0xffff  }
0x9d: {  	s24 =	sadd.s32 $0x4, s24;
	s26 =	sand.u32 $0x380, s22;
	s25 =	sand.u32 $0x3000, s23;
	[tilespmem:s20+$0x2B50 ss:$0x21] =	vst.msk $0xffff, v12;
	v8 =	vld.idx.msk [tilespmem:v0+s18+$0xC60 ss:$0x1], $0xffff  }
.Ltmp4:
0x9e: {  	_ = 	snop;
	(pc) =	sbr.rel .LBB1_4-.Ltmp4, $1  }
0x9f: {  	_ =	sdelay $0x3  }
.LBB1_6:
0xa0: {  	_ =	sfence.sel $0x180000  }
0xa1: {  	s2 =	simm.s32 $0x1;
	[bflag:$0x0] =	sbarrier.arrive $0xFFFF  }
0xa2: {  	s31 =	simm.s32 $0x2;
	[sflag:s2] =	ssyncpa.u1 $0x1  }
0xa3: {  	[sflag:s31] =	ssyncpa.u1 $0x1  }
0xa4: {  	p0 =	sne.s32 s0, $0x0;
	_ =	strace $0x90000053  }
0xa5: {  	s0 =	sadd.s32 @!p0 $0x100000, s1;
	[bflag:$0x2] =	sbarrier.arrive $0xFFFF  }
0xa6: {  	[sflag:s0] =	ssyncadd.tile.s32 @!p0 $0x1;
	_ =	shalt  }
.Lfunc_end1:
_tile_overlayer_lowered:
.L_overlay_start_2:
0xa7: {  	(tag) =	ssettag $0x2  }
0xa8: {  	s0 =	rddreg [dreg:$0x0];
	s2 =	stileid.u32  }
0xa9: {  	s1 =	rddreg [dreg:$0x1];
	p0 =	sne.s32 s2, $0x0  }
0xaa: {  	s3 =	rddreg [dreg:$0x2];
	[bflag:$0x3] =	sbarrier.arrive $0xFFFF;
	s2 =	simm.s32 @!p0 $0x1C01  }
0xab: {  	[timem:s3], [sflag:s2] =	dma.local @!p0 [hbm:s0], s1  }
0xac: {  	s0 =	simm.s32 @!p0 $0x1  }
0xad: {  	_ =	swait.ge @!p0 [sflag:s0], s1  }
0xae: {  	s1 =	ssub.s32 @!p0 $0x0, s1;
	[sflag:s0] =	ssyncset.done @!p0 $0x0  }
0xaf: {  	[sflag:s0] =	ssyncadd.s32 @!p0 s1  }
0xb0: {  	[bflag:$0x3] =	sbarrier.arrive $0xFFFF  }
0xb1: {  	_ =	shalt  }

// kernel: sparse-core-data-format-call.2.cloned.1.call-start
scs
called_computation.2_lowered:
.L_overlay_start_0:
0x0: {  	s1 =	sld [smem:$0x3FD9]  }
0x1: {  	s2 =	sld [smem:$0x3FFE];
	_ =	sdelay $0x1  }
0x2: {  	s3 =	srdreg.scid  }
0x3: {  	s0 =	sand.u32 $0x1, s3  }
0x4: {  	s17 =	sshll.u32 s0, $0xA;
	s1 =	sadd.s32 s2, s1  }
0x5: {  	s1 =	sadd.s32 s1, s17  }
0x6: {  	[smem:$0x3FB4] =	sst s1  }
0x7: {  	_ = 	snop  }
0x8: {  	(tm) =	ssettm $0x1  }
0x9: {  	s18 =	sld [smem:$0x3FFB];
	_ =	sdelay $0x3  }
0xa: {  	_ =	strace s18  }
0xb: {  	s1 =	sld [smem:$0x3FFC];
	_ =	sdelay $0x3  }
0xc: {  	_ =	strace s1  }
0xd: {  	s1 =	sld [smem:$0x3FFD];
	_ =	sdelay $0x3  }
0xe: {  	_ =	strace s1  }
0xf: {  	_ =	strace $0x8FFFFFFF  }
0x10: {  	s19 =	sld [smem:$0x3FDB];
	_ =	sdelay $0x1  }
0x11: {  	s20 =	simm.s32 $_scs_section_size  }
0x12: {  	s4 =	simm.s32 $_size__tile_overlayer_lowered;
	s5 =	simm.s32 $_tile_overlayer_lowered  }
0x13: {  	s23 =	simm.s32 $0x1BFF;
	s22 =	sshll.u32 s5, $0x1;
	s1 =	sadd.s32 s20, s19  }
0x14: {  	s6 =	simm.s32 $0x0;
	s21 =	sshll.u32 s4, $0x1;
	s4 =	sadd.s32 s22, s1  }
0x15: {  	[timem:s6], [sflag:s23] =	dma.local [hbm:s4], s21  }
0x16: {  	_ =	swait.ge [sflag:s23], s21  }
0x17: {  	s2 =	ssub.s32 $0x0, s21;
	[sflag:s23] =	ssyncset.done $0x0  }
0x18: {  	[sflag:s23] =	ssyncadd.s32 s2;
	_ =	sdelay $0x1  }
0x19: {  	s24 =	simm.s32 $0x1B8B  }
0x1a: {  	_ =	swait.ge [sflag:s24], $0x1  }
0x1b: {  	[sflag:s24] =	ssyncset.done $0x0  }
0x1c: {  	s26 =	simm.s32 $0x1B8E;
	s25 =	sld [smem:$0x3FFE];
	[sflag:s24] =	ssyncadd.s32 $0xFFFFFFFF  }
0x1d: {  	s27 =	simm.s32 $execute0_lowered;
	[smem:$0x3FD2] =	sst s26  }
0x1e: {  	s4 =	sshll.u32 s27, $0x1;
	_ =	strace $0x8000004F;
	[dreg:$0x1] =	wrdreg $0xFFFFFFFF  }
0x1f: {  	s28 =	simm.s32 $_size_execute0_lowered;
	s1 =	sadd.s32 s1, s4;
	[dreg:$0x0] =	wrdreg $0x0  }
0x20: {  	s4 =	sshll.u32 s28, $0x1;
	[dreg:$0x2] =	wrdreg s1  }
0x21: {  	[dreg:$0x3] =	wrdreg s4  }
0x22: {  	[dreg:$0x4] =	wrdreg $0xC0  }
0x23: {  	_ =	task [dreg:s6], $0x5FFFF  }
0x24: {  	[dreg:$0x1] =	wrdreg $0xFFFFFFFF  }
0x25: {  	[dreg:$0x0] =	wrdreg $0x60  }
0x26: {  	[dreg:$0x2] =	wrdreg s25  }
0x27: {  	[dreg:$0x3] =	wrdreg $0x9  }
0x28: {  	_ =	task.clear_ibuf [dreg:s6], $0x4FFFF;
	_ =	strace $0x9000004F  }
0x29: {  	s29 =	simm.s32 $0x9;
	_ =	strace $0x80000051  }
0x2a: {  	_ =	swait.ge [sflag:s29], $0x1  }
0x2b: {  	[sflag:s29] =	ssyncadd.s32 $0xFFFFFFFF  }
0x2c: {  	_ =	strace $0x90000051  }
0x2d: {  	_ =	sfence  }
0x2e: {  	s30 =	sld [smem:$0x0];
	_ =	sdelay $0x2  }
0x2f: {  	s31 =	sshll.u32 s3, $0xD;
	s3 =	sshrl.u32 s3, $0x2  }
0x30: {  	s2 =	sand.u32 $0x4000, s31;
	s1 =	sadd.s32 s3, s30  }
0x31: {  	s0 =	sor.u32 s2, s0;
	s1 =	sshll.u32 s1, $0x11  }
0x32: {  	s0 =	sor.u32 s1, s0  }
0x33: {  	s0 =	sadd.s32 $0x8F2B, s0  }
0x34: {  	[sflag:s0] =	ssyncadd.remote.s32 $0x1  }
0x35: {  	_ =	sfence.sel $0xFFFF  }
0x36: {  	[dreg:$0x0] =	wrdreg $0xFFFFFFFF;
	(pc) =	sbr.abs _section_cstart, $3  }
0x37: {  	[dreg:$0x1] =	wrdreg $0xFFFFFFFF  }
0x38: {  	_ =	task.clear_ibuf [dreg:s6], $0x2FFFF;
	_ =	strace $0x9FFFFFFF  }
0x39: {  	(tm) =	ssettm $0x7FFFFFFF  }
tec
execute0_lowered:
.L_overlay_start_1:
0x0: {  	(tag) =	ssettag $0x1  }
0x1: {  	s0 =	srdreg.scid  }
0x2: {  	s1 =	sshll.u32 s0, $0x4  }
0x3: {  	s0 =	stileid.u32;
	s1 =	sand.u32 $0x10, s1  }
0x4: {  	s7 =	rddreg [dreg:$0x0];
	s1 =	sor.u32 s0, s1  }
0x5: {  	s4 =	simm.s32 $0x1;
	s8 =	simm.s32 $0x2;
	s2 =	sshll.u32 s1, $0x7  }
0x6: {  	s14 =	simm.s32 $0x0;
	s9 =	simm.s32 $0x74000;
	s3 =	ssub.s32 $0xE800, s2  }
0x7: {  	s13 =	simm.s32 $0x0;
	s11 =	simm.s32 $0x0;
	s31 =	sand.u32 $0xF80, s3  }
0x8: {  	s12 =	simm.s32 $0x0;
	s6 =	sadd.s32 $0x7E00, s7;
	p0 =	sne.s32 s31, $0x0  }
.Ltmp0:
0x9: {  	s3 =	sshrl.u32 s3, $0xC;
	s4 =	simm.s32 @!p0 $0x0;
	(pc) =	sbr.rel .LBB1_1-.Ltmp0, $4  }
0xa: {  	s1 =	rddreg [dreg:$0x1];
	_ =	strace $0x80000050;
	s5 =	sadd.s32 s4, s3  }
0xb: {  	s10 =	smov.u32 s2;
	s4 =	simm.s32 $0x1;
	s5 =	smul.u32 $0x3, s5  }
0xc: {  	p0 =	por $0x0, $0x0;
	s3 =	sadd.s32 $0x7CE800, s7;
	[sflag:s4] =	ssyncpa.u1 $0x0  }
0xd: {  	s7 =	sadd.s32 $0x8B6800, s7;
	[sflag:s8] =	ssyncpa.u1 $0x0;
	s8 =	sadd.s32 $0x1, s5  }
.LBB1_7:
0xe: {  	s15 =	sadd.s32 $0x1000, s10  }
0xf: {  	s13 =	sadd.s32 $0x2, s11;
	s17 =	smov.u32 s11;
	p2 =	sgt.s32 s15, $0xE7FF  }
0x10: {  	s17 =	smov.u32 @p2 s13  }
0x11: {  	s15 =	smov.u32 @p2 s2;
	p2 =	sgt.s32 s17, $0x5  }
0x12: {  	s17 =	simm.s32 @p2 $0x0;
	p2 =	sne.s32 s12, s8  }
.Ltmp1:
0x13: {  	p1 =	slt.u32 s12, $0x2;
	(pc) =	sbr.rel @!p2 .LBB1_8-.Ltmp1, $4  }
0x14: {  	s16 =	simm.s32 @!p1 $0x2  }
0x15: {  	s14 =	smov.u32 s10;
	p0 =	por !p0, !p0;
	_ =	swait.ge @!p1 [sflag:s16], $0x2000  }
0x16: {  	s13 =	smov.u32 s11;
	[sflag:s16] =	ssyncset.done @!p1 $0x0;
	s10 =	smov.u32 s15  }
0x17: {  	s12 =	sadd.s32 $0x1, s12;
	[sflag:s16] =	ssyncadd.s32 @!p1 $0xFFFFE000;
	s11 =	smov.u32 s17  }
.LBB1_1:
0x18: {  	p1 =	sge.u32 s12, s5  }
0x19: {  	s15 =	sand.u32 @!p1 $0x1FFFFFF, s10  }
0x1a: {  	s16 =	smulhi.u32 @!p1 $0x234F72D, s15;
	_ =	sdelay $0x1  }
0x1b: {  	s16 =	sshrl.u32 @!p1 s16, $0x9  }
0x1c: {  	s16 =	smul.u32 @!p1 $0xE800, s16  }
0x1d: {  	s17 =	sxor.u32 @!p1 $0xFFFFFFFF, s12;
	s18 =	smul.u32 @!p1 $0xE8000, s11  }
0x1e: {  	s17 =	sshll.u32 @!p1 s17, $0xD;
	s15 =	ssub.s32 @!p1 s15, s16  }
0x1f: {  	s16 =	sand.u32 @!p1 $0x2000, s17;
	s17 =	sadd.s32 @!p1 s3, s18;
	s15 =	sshll.u32 @!p1 s15, $0x4  }
0x20: {  	s19 =	simm.s32 @!p1 $0x20;
	s20 =	simm.s32 @!p1 $0x80;
	s17 =	sadd.s32 @!p1 s15, s17  }
0x21: {  	[tilespmem:s16], [sflag:$0x1] =	stream.strided.gather @!p1 [hbm4b:s17+s19], $0x1000, s20, s19, $0x38;
	[tilespmem:$0x8080] =	vst v63  }
0x22: {  	s17 =	sadd.s32 @!p1 s18, s7  }
0x23: {  	s31 =	sadd.s32 $0xFFFFFFFF, s12;
	s16 =	sor.u32 @!p1 $0x1000, s16;
	s15 =	sadd.s32 @!p1 s15, s17  }
0x24: {  	[tilespmem:s16], [sflag:$0x1] =	stream.strided.gather @!p1 [hbm4b:s15+s19], $0x1000, s20, s19, $0x38;
	[tilespmem:$0x8080] =	vst v63  }
0x25: {  	p1 =	sge.u32 s31, s5  }
.Ltmp2:
0x26: {  	_ = 	snop;
	(pc) =	sbr.rel @p1 .LBB1_7-.Ltmp2, $1  }
0x27: {  	_ =	sdelay $0x3  }
0x28: {  	s15 =	simm.s32 $0x1;
	s17 =	sand.u32 $0x1, s12  }
0x29: {  	_ =	swait.ge [sflag:s4], $0x2000;
	s15 =	simm.s32 @!p0 $0x0;
	s17 =	smul.u32 $0x8100, s17  }
0x2a: {  	p2 =	por $0x1, $0x1;
	[sflag:s4] =	ssyncset.done $0x0;
	s16 =	smul.u32 $0x8100, s15  }
0x2b: {  	s18 =	sshll.u32 s15, $0xF;
	[sflag:s4] =	ssyncadd.s32 $0xFFFFE000;
	s30 =	sshrl.u32 s17, $0x2  }
0x2c: {  	s31 =	sshrl.u32 s18, $0x2;
	s18 =	simm.s32 $0x0;
	s16 =	sshrl.u32 s16, $0x2  }
0x2d: {  	s15 =	sor.u32 $0x4000, s30;
	s17 =	sadd.s32 $0x10, s31;
	s16 =	sor.u32 $0x4000, s16  }
.LBB1_3:
0x2e: {  	s19 =	sshll.u32 s18, $0xC  }
0x2f: {  	s19 =	sand.u32 $0x3FFFF000, s19  }
0x30: {  	s20 =	sadd.s32 s19, s17  }
0x31: {  	s31 =	smul.u32 $0x4080, s18;
	v1 =	vld [tilespmem:s20+$0x0]  }
0x32: {  	v0 =	vld [tilespmem:s20+$0xFFFFFFF0]  }
0x33: {  	s18 =	sshra.s32 s31, $0x2  }
0x34: {  	s18 =	sadd.s32 s18, s16  }
0x35: {  	s21 =	sadd.s32 $0x0, s18  }
0x36: {  	p1 =	por p2, p2;
	s19 =	simm.s32 $0x4;
	s20 =	sadd.s32 $0x20, s20;
	[tilespmem:s21+$0x810 ss:$0x81] =	vst.msk $0xffff, v1  }
.LBB1_4:
0x37: {  	v1 =	vld [tilespmem:s20+$0x0];
	p2 =	sne.s32 s19, $0x1FC;
	[tilespmem:s21+$0x0 ss:$0x81] =	vst.msk $0xffff, v0;
	s21 =	smov.u32 s19;
	s19 =	sadd.s32 $0x4, s19  }
.Ltmp3:
0x38: {  	v0 =	vld [tilespmem:s20+$0xFFFFFFF0];
	(pc) =	sbr.rel @p2 .LBB1_4-.Ltmp3, $4  }
0x39: {  	_ = 	snop  }
0x3a: {  	s21 =	sshra.s32 s21, $0x2  }
0x3b: {  	s21 =	sadd.s32 s21, s18  }
0x3c: {  	s20 =	sadd.s32 $0x20, s20;
	[tilespmem:s21+$0x810 ss:$0x81] =	vst.msk $0xffff, v1  }
.Ltmp4:
0x3d: {  	(pc) =	sbr.rel @p1 .LBB1_3-.Ltmp4, $2  }
0x3e: {  	_ =	sdelay $0x2  }
0x3f: {  	[tilespmem:s21+$0x0 ss:$0x81] =	vst.msk $0xffff, v0;
	s18 =	simm.s32 $0x1;
	p2 =	por $0x0, $0x0  }
0x40: {  	s16 =	sshll.u32 s14, $0x3  }
0x41: {  	s29 =	sand.u32 $0x7F, s14;
	s17 =	sand.u32 $0xFFFFFC00, s16  }
0x42: {  	s16 =	smulhi.u32 $0x8D3DCB09, s16;
	s14 =	sor.u32 s29, s17  }
0x43: {  	s17 =	smulhi.u32 $0x8D3DCB09, s14;
	_ =	sdelay $0x1  }
0x44: {  	s13 =	smul.u32 $0x3A000, s13;
	s16 =	sshrl.u32 s16, $0xF;
	s17 =	sshrl.u32 s17, $0xF  }
0x45: {  	s16 =	sand.u32 $0x1F, s16;
	s17 =	smul.u32 $0xE800, s17  }
0x46: {  	s16 =	smul.u32 $0x1D00, s16  }
.Ltmp5:
0x47: {  	s14 =	ssub.s32 s14, s17;
	(pc) =	sbr.rel .LBB1_7-.Ltmp5, $4  }
0x48: {  	s13 =	sadd.s32 s6, s13;
	s17 =	sand.u32 $0x7, s14  }
0x49: {  	s13 =	sadd.s32 s16, s13;
	s14 =	sshrl.u32 s14, $0x3;
	s30 =	sshll.u32 s17, $0x12  }
0x4a: {  	s13 =	sadd.s32 s14, s13;
	s31 =	sor.u32 $0x400, s30  }
0x4b: {  	[hbm4b:s13+s31] =	stream.strided.scatter [tilespmem:s15], [sflag:$0x2], $0x2000, s9, s31, $0x20;
	[tilespmem:$0x8080] =	vst v63  }
.LBB1_8:
0x4c: {  	_ =	sfence.sel $0x180000  }
0x4d: {  	s2 =	simm.s32 $0x1;
	[bflag:$0x0] =	sbarrier.arrive $0xFFFF  }
0x4e: {  	s31 =	simm.s32 $0x2;
	[sflag:s2] =	ssyncpa.u1 $0x1  }
0x4f: {  	[sflag:s31] =	ssyncpa.u1 $0x1  }
0x50: {  	p0 =	sne.s32 s0, $0x0;
	_ =	strace $0x90000050  }
0x51: {  	s0 =	sadd.s32 @!p0 $0x100000, s1;
	[bflag:$0x2] =	sbarrier.arrive $0xFFFF  }
0x52: {  	[sflag:s0] =	ssyncadd.tile.s32 @!p0 $0x1;
	_ =	shalt  }
.Lfunc_end1:
_tile_overlayer_lowered:
.L_overlay_start_2:
0x53: {  	(tag) =	ssettag $0x2  }
0x54: {  	s0 =	rddreg [dreg:$0x0];
	s2 =	stileid.u32  }
0x55: {  	s1 =	rddreg [dreg:$0x1];
	p0 =	sne.s32 s2, $0x0  }
0x56: {  	s3 =	rddreg [dreg:$0x2];
	[bflag:$0x3] =	sbarrier.arrive $0xFFFF;
	s2 =	simm.s32 @!p0 $0x1C01  }
0x57: {  	[timem:s3], [sflag:s2] =	dma.local @!p0 [hbm:s0], s1  }
0x58: {  	s0 =	simm.s32 @!p0 $0x1  }
0x59: {  	_ =	swait.ge @!p0 [sflag:s0], s1  }
0x5a: {  	s1 =	ssub.s32 @!p0 $0x0, s1;
	[sflag:s0] =	ssyncset.done @!p0 $0x0  }
0x5b: {  	[sflag:s0] =	ssyncadd.s32 @!p0 s1  }
0x5c: {  	[bflag:$0x3] =	sbarrier.arrive $0xFFFF  }
0x5d: {  	_ =	shalt  }

// kernel: sparse-core-data-format-call.3.cloned.1.call-start
scs
called_computation.3_lowered:
.L_overlay_start_0:
0x0: {  	s1 =	sld [smem:$0x3FD9]  }
0x1: {  	s2 =	sld [smem:$0x3FFE];
	_ =	sdelay $0x1  }
0x2: {  	s3 =	srdreg.scid  }
0x3: {  	s0 =	sand.u32 $0x1, s3  }
0x4: {  	s17 =	sshll.u32 s0, $0xA;
	s1 =	sadd.s32 s2, s1  }
0x5: {  	s1 =	sadd.s32 s1, s17  }
0x6: {  	[smem:$0x3FB4] =	sst s1  }
0x7: {  	_ = 	snop  }
0x8: {  	(tm) =	ssettm $0x1  }
0x9: {  	s18 =	sld [smem:$0x3FFB];
	_ =	sdelay $0x3  }
0xa: {  	_ =	strace s18  }
0xb: {  	s1 =	sld [smem:$0x3FFC];
	_ =	sdelay $0x3  }
0xc: {  	_ =	strace s1  }
0xd: {  	s1 =	sld [smem:$0x3FFD];
	_ =	sdelay $0x3  }
0xe: {  	_ =	strace s1  }
0xf: {  	_ =	strace $0x8FFFFFFF  }
0x10: {  	s19 =	sld [smem:$0x3FDB];
	_ =	sdelay $0x1  }
0x11: {  	s20 =	simm.s32 $_scs_section_size  }
0x12: {  	s4 =	simm.s32 $_size__tile_overlayer_lowered;
	s5 =	simm.s32 $_tile_overlayer_lowered  }
0x13: {  	s23 =	simm.s32 $0x1BFF;
	s22 =	sshll.u32 s5, $0x1;
	s1 =	sadd.s32 s20, s19  }
0x14: {  	s6 =	simm.s32 $0x0;
	s21 =	sshll.u32 s4, $0x1;
	s4 =	sadd.s32 s22, s1  }
0x15: {  	[timem:s6], [sflag:s23] =	dma.local [hbm:s4], s21  }
0x16: {  	_ =	swait.ge [sflag:s23], s21  }
0x17: {  	s2 =	ssub.s32 $0x0, s21;
	[sflag:s23] =	ssyncset.done $0x0  }
0x18: {  	[sflag:s23] =	ssyncadd.s32 s2;
	_ =	sdelay $0x1  }
0x19: {  	s24 =	simm.s32 $0x1B8B  }
0x1a: {  	_ =	swait.ge [sflag:s24], $0x1  }
0x1b: {  	[sflag:s24] =	ssyncset.done $0x0  }
0x1c: {  	s26 =	simm.s32 $0x1B8E;
	s25 =	sld [smem:$0x3FFE];
	[sflag:s24] =	ssyncadd.s32 $0xFFFFFFFF  }
0x1d: {  	s27 =	simm.s32 $execute0_lowered;
	[smem:$0x3FD2] =	sst s26  }
0x1e: {  	s4 =	sshll.u32 s27, $0x1;
	_ =	strace $0x80000049;
	[dreg:$0x1] =	wrdreg $0xFFFFFFFF  }
0x1f: {  	s28 =	simm.s32 $_size_execute0_lowered;
	s1 =	sadd.s32 s1, s4;
	[dreg:$0x0] =	wrdreg $0x0  }
0x20: {  	s4 =	sshll.u32 s28, $0x1;
	[dreg:$0x2] =	wrdreg s1  }
0x21: {  	[dreg:$0x3] =	wrdreg s4  }
0x22: {  	[dreg:$0x4] =	wrdreg $0xC0  }
0x23: {  	_ =	task [dreg:s6], $0x5FFFF  }
0x24: {  	[dreg:$0x1] =	wrdreg $0xFFFFFFFF  }
0x25: {  	[dreg:$0x0] =	wrdreg $0x60  }
0x26: {  	[dreg:$0x2] =	wrdreg s25  }
0x27: {  	[dreg:$0x3] =	wrdreg $0x9  }
0x28: {  	_ =	task.clear_ibuf [dreg:s6], $0x4FFFF;
	_ =	strace $0x90000049  }
0x29: {  	s29 =	simm.s32 $0x9;
	_ =	strace $0x8000004B  }
0x2a: {  	_ =	swait.ge [sflag:s29], $0x1  }
0x2b: {  	[sflag:s29] =	ssyncadd.s32 $0xFFFFFFFF  }
0x2c: {  	_ =	strace $0x9000004B  }
0x2d: {  	_ =	sfence  }
0x2e: {  	s30 =	sld [smem:$0x0];
	_ =	sdelay $0x2  }
0x2f: {  	s31 =	sshll.u32 s3, $0xD;
	s3 =	sshrl.u32 s3, $0x2  }
0x30: {  	s2 =	sand.u32 $0x4000, s31;
	s1 =	sadd.s32 s3, s30  }
0x31: {  	s0 =	sor.u32 s2, s0;
	s1 =	sshll.u32 s1, $0x11  }
0x32: {  	s0 =	sor.u32 s1, s0  }
0x33: {  	s0 =	sadd.s32 $0x8F2B, s0  }
0x34: {  	[sflag:s0] =	ssyncadd.remote.s32 $0x1  }
0x35: {  	_ =	sfence.sel $0xFFFF  }
0x36: {  	[dreg:$0x0] =	wrdreg $0xFFFFFFFF;
	(pc) =	sbr.abs _section_cstart, $3  }
0x37: {  	[dreg:$0x1] =	wrdreg $0xFFFFFFFF  }
0x38: {  	_ =	task.clear_ibuf [dreg:s6], $0x2FFFF;
	_ =	strace $0x9FFFFFFF  }
0x39: {  	(tm) =	ssettm $0x7FFFFFFF  }
tec
execute0_lowered:
.L_overlay_start_1:
0x0: {  	(tag) =	ssettag $0x1  }
0x1: {  	s0 =	srdreg.scid  }
0x2: {  	s1 =	sshll.u32 s0, $0x4  }
0x3: {  	s0 =	stileid.u32;
	s1 =	sand.u32 $0x10, s1  }
0x4: {  	s6 =	rddreg [dreg:$0x0];
	s4 =	simm.s32 $0x1;
	s1 =	sor.u32 s0, s1  }
0x5: {  	s7 =	simm.s32 $0x2;
	s15 =	simm.s32 $0x0;
	s2 =	sshll.u32 s1, $0x9  }
0x6: {  	s8 =	simm.s32 $0x80;
	s13 =	simm.s32 $0x0;
	s3 =	ssub.s32 $0xE800, s2  }
0x7: {  	s14 =	simm.s32 $0x0;
	s10 =	simm.s32 $0x0;
	s31 =	sand.u32 $0x3E00, s3  }
0x8: {  	s11 =	simm.s32 $0x0;
	s1 =	rddreg [dreg:$0x1];
	p0 =	sne.s32 s31, $0x0  }
.Ltmp0:
0x9: {  	s5 =	sshrl.u32 s3, $0xE;
	s4 =	simm.s32 @!p0 $0x0;
	(pc) =	sbr.rel .LBB1_1-.Ltmp0, $4  }
0xa: {  	_ =	strace $0x8000004A;
	s3 =	simm.s32 $0x1;
	s4 =	sadd.s32 s4, s5  }
0xb: {  	s12 =	simm.s32 $0x0;
	[sflag:s3] =	ssyncpa.u1 $0x0;
	s4 =	smul.u32 $0x6, s4  }
0xc: {  	s9 =	smov.u32 s2;
	[sflag:s7] =	ssyncpa.u1 $0x0;
	p0 =	por $0x0, $0x0  }
0xd: {  	s5 =	sadd.s32 $0x1E800, s6;
	s6 =	sadd.s32 $0x17A800, s6;
	s7 =	sor.u32 $0x1, s4  }
.LBB1_4:
0xe: {  	_ = 	snop  }
0xf: {  	[tilespmem:s20+$0x2D60 ss:$0x21] =	vst.msk $0xffff, v7  }
0x10: {  	[tilespmem:s20+$0x2F70 ss:$0x21] =	vst.msk $0xffff, v6  }
0x11: {  	[tilespmem:s20+$0x3390 ss:$0x21] =	vst.msk $0xffff, v3  }
0x12: {  	s23 =	sor.u32 s26, s25;
	v31 =	vld.idx.msk [tilespmem:v0+s18+$0xC70 ss:$0x1], $0xffff;
	[tilespmem:s20+$0x35A0 ss:$0x21] =	vst.msk $0xffff, v1  }
0x13: {  	[tilespmem:s20+$0x37B0 ss:$0x21] =	vst.msk $0xffff, v2;
	v43 =	vld.idx.msk [tilespmem:v0+s23+$0x410 ss:$0x1], $0xffff  }
0x14: {  	[tilespmem:s20+$0x39C0 ss:$0x21] =	vst.msk $0xffff, v4;
	v44 =	vld.idx.msk [tilespmem:v0+s23+$0x420 ss:$0x1], $0xffff  }
0x15: {  	[tilespmem:s20+$0x3BD0 ss:$0x21] =	vst.msk $0xffff, v5;
	s24 =	sand.u32 $0x3200, s23;
	v45 =	vld.idx.msk [tilespmem:v0+s23+$0x430 ss:$0x1], $0xffff  }
0x16: {  	s22 =	sand.u32 $0x180, s22;
	s26 =	sshra.s32 s21, $0x2;
	[tilespmem:s20+$0x3DE0 ss:$0x21] =	vst.msk $0xffff, v8;
	v46 =	vld.idx.msk [tilespmem:v0+s23+$0x440 ss:$0x1], $0xffff;
	s17 =	sadd.s32 s24, s17  }
0x17: {  	v47 =	vld.idx.msk [tilespmem:v0+s23+$0x450 ss:$0x1], $0xffff;
	s25 =	sadd.s32 s22, s17;
	s17 =	sadd.s32 s26, s19;
	[tilespmem:s20+$0x3FF0 ss:$0x21] =	vst.msk $0xffff, v31  }
0x18: {  	v48 =	vld.idx.msk [tilespmem:v0+s23+$0x460 ss:$0x1], $0xffff;
	[tilespmem:s17+$0x1290 ss:$0x21] =	vst.msk $0xffff, v43  }
0x19: {  	v49 =	vld.idx.msk [tilespmem:v0+s23+$0x470 ss:$0x1], $0xffff;
	[tilespmem:s17+$0x14A0 ss:$0x21] =	vst.msk $0xffff, v44  }
0x1a: {  	v50 =	vld.idx.msk [tilespmem:v0+s23+$0x810 ss:$0x1], $0xffff;
	[tilespmem:s17+$0x16B0 ss:$0x21] =	vst.msk $0xffff, v45  }
0x1b: {  	v51 =	vld.idx.msk [tilespmem:v0+s23+$0x820 ss:$0x1], $0xffff;
	[tilespmem:s17+$0x18C0 ss:$0x21] =	vst.msk $0xffff, v46  }
0x1c: {  	v52 =	vld.idx.msk [tilespmem:v0+s23+$0x830 ss:$0x1], $0xffff;
	[tilespmem:s17+$0x1AD0 ss:$0x21] =	vst.msk $0xffff, v47  }
0x1d: {  	v53 =	vld.idx.msk [tilespmem:v0+s23+$0x840 ss:$0x1], $0xffff;
	[tilespmem:s17+$0x1CE0 ss:$0x21] =	vst.msk $0xffff, v48  }
0x1e: {  	v54 =	vld.idx.msk [tilespmem:v0+s23+$0x850 ss:$0x1], $0xffff;
	[tilespmem:s17+$0x1EF0 ss:$0x21] =	vst.msk $0xffff, v49  }
0x1f: {  	v55 =	vld.idx.msk [tilespmem:v0+s23+$0x860 ss:$0x1], $0xffff;
	[tilespmem:s17+$0x2310 ss:$0x21] =	vst.msk $0xffff, v50  }
0x20: {  	v56 =	vld.idx.msk [tilespmem:v0+s23+$0x870 ss:$0x1], $0xffff;
	[tilespmem:s17+$0x2520 ss:$0x21] =	vst.msk $0xffff, v51  }
0x21: {  	v57 =	vld.idx.msk [tilespmem:v0+s23+$0xC10 ss:$0x1], $0xffff;
	[tilespmem:s17+$0x2730 ss:$0x21] =	vst.msk $0xffff, v52  }
0x22: {  	v58 =	vld.idx.msk [tilespmem:v0+s23+$0xC20 ss:$0x1], $0xffff;
	[tilespmem:s17+$0x2940 ss:$0x21] =	vst.msk $0xffff, v53  }
0x23: {  	v59 =	vld.idx.msk [tilespmem:v0+s23+$0xC30 ss:$0x1], $0xffff;
	[tilespmem:s17+$0x2B50 ss:$0x21] =	vst.msk $0xffff, v54  }
0x24: {  	v60 =	vld.idx.msk [tilespmem:v0+s23+$0xC40 ss:$0x1], $0xffff;
	[tilespmem:s17+$0x2D60 ss:$0x21] =	vst.msk $0xffff, v55  }
0x25: {  	v61 =	vld.idx.msk [tilespmem:v0+s23+$0xC50 ss:$0x1], $0xffff;
	[tilespmem:s17+$0x2F70 ss:$0x21] =	vst.msk $0xffff, v56  }
0x26: {  	v62 =	vld.idx.msk [tilespmem:v0+s23+$0xC60 ss:$0x1], $0xffff;
	[tilespmem:s17+$0x3390 ss:$0x21] =	vst.msk $0xffff, v57  }
0x27: {  	v63 =	vld.idx.msk [tilespmem:v0+s23+$0xC70 ss:$0x1], $0xffff;
	[tilespmem:s17+$0x35A0 ss:$0x21] =	vst.msk $0xffff, v58  }
0x28: {  	v32 =	vld [tilespmem:s25+$0xC00];
	[tilespmem:s17+$0x37B0 ss:$0x21] =	vst.msk $0xffff, v59  }
0x29: {  	v33 =	vld [tilespmem:s25+$0x0];
	[tilespmem:s17+$0x39C0 ss:$0x21] =	vst.msk $0xffff, v60  }
0x2a: {  	v34 =	vld [tilespmem:s25+$0x10];
	[tilespmem:s17+$0x3BD0 ss:$0x21] =	vst.msk $0xffff, v61  }
0x2b: {  	s15 =	sshll.u32 s15, $0x7;
	s27 =	sshll.u32 s13, $0x3;
	v35 =	vld [tilespmem:s25+$0x20];
	[tilespmem:s17+$0x3DE0 ss:$0x21] =	vst.msk $0xffff, v62  }
0x2c: {  	s28 =	sand.u32 $0xFFFFFC00, s15;
	s18 =	sand.u32 $0xFFFFFC00, s27;
	v36 =	vld [tilespmem:s25+$0x30];
	[tilespmem:s17+$0x3FF0 ss:$0x21] =	vst.msk $0xffff, v63  }
0x2d: {  	s15 =	sand.u32 $0x380, s15;
	s18 =	sadd.s32 s18, s28;
	v37 =	vld [tilespmem:s25+$0x40];
	[tilespmem:s17+$0x3180 ss:$0x21] =	vst.msk $0xffff, v32  }
0x2e: {  	s15 =	sor.u32 s15, s18;
	v38 =	vld [tilespmem:s25+$0x50];
	[tilespmem:s17+$0x0 ss:$0x21] =	vst.msk $0xffff, v33  }
0x2f: {  	v39 =	vld [tilespmem:s25+$0x60];
	s15 =	sshrl.u32 s15, $0x7;
	[tilespmem:s17+$0x210 ss:$0x21] =	vst.msk $0xffff, v34  }
0x30: {  	v40 =	vld [tilespmem:s25+$0x70];
	s29 =	smulhi.u32 $0x234F72D, s15;
	[tilespmem:s17+$0x420 ss:$0x21] =	vst.msk $0xffff, v35  }
0x31: {  	v41 =	vld [tilespmem:s25+$0x400];
	[tilespmem:s17+$0x630 ss:$0x21] =	vst.msk $0xffff, v36  }
0x32: {  	s14 =	smul.u32 $0xE8000, s14;
	v42 =	vld [tilespmem:s25+$0x800];
	s18 =	sshrl.u32 s29, $0x9;
	[tilespmem:s17+$0x840 ss:$0x21] =	vst.msk $0xffff, v37  }
0x33: {  	s18 =	smul.u32 $0xE800, s18;
	[tilespmem:s17+$0xA50 ss:$0x21] =	vst.msk $0xffff, v38  }
0x34: {  	s30 =	sshrl.u32 s13, $0x3;
	s31 =	sand.u32 $0x7, s13;
	[tilespmem:s17+$0xC60 ss:$0x21] =	vst.msk $0xffff, v39  }
0x35: {  	s14 =	sadd.s32 s6, s14;
	[tilespmem:s17+$0xE70 ss:$0x21] =	vst.msk $0xffff, v40;
	s15 =	ssub.s32 s15, s18;
	s18 =	sand.u32 $0xF, s30  }
0x36: {  	s13 =	sshll.u32 s31, $0x12;
	[tilespmem:s17+$0x1080 ss:$0x21] =	vst.msk $0xffff, v41;
	s15 =	sshll.u32 s15, $0x4;
	s14 =	sadd.s32 s18, s14  }
0x37: {  	s13 =	sor.u32 $0x20, s13;
	[tilespmem:s17+$0x2100 ss:$0x21] =	vst.msk $0xffff, v42;
	s14 =	sadd.s32 s15, s14  }
0x38: {  	[hbm4b:s14+s13] =	stream.strided.scatter [tilespmem:s16], [sflag:$0x2], $0x4000, s8, s13, $0x10;
	[tilespmem:$0x10400] =	vst v63  }
.LBB1_5:
0x39: {  	s16 =	sadd.s32 $0x4000, s9  }
0x3a: {  	s13 =	sadd.s32 $0x20, s10;
	s17 =	smov.u32 s10;
	p2 =	sgt.s32 s16, $0xE7FF  }
0x3b: {  	s17 =	smov.u32 @p2 s13  }
0x3c: {  	s13 =	simm.s32 $0x1;
	p3 =	sgt.s32 s17, $0x1F  }
0x3d: {  	s13 =	simm.s32 @!p3 $0x0  }
0x3e: {  	s19 =	sadd.s32 s13, s11  }
0x3f: {  	s16 =	smov.u32 @p2 s2;
	p2 =	sgt.s32 s19, $0x5  }
0x40: {  	p1 =	slt.u32 s12, $0x2;
	s19 =	simm.s32 @p2 $0x0;
	p2 =	sne.s32 s12, s7  }
.Ltmp1:
0x41: {  	s18 =	simm.s32 @!p1 $0x2;
	(pc) =	sbr.rel @!p2 .LBB1_6-.Ltmp1, $4  }
0x42: {  	s15 =	smov.u32 s9;
	s14 =	smov.u32 s11;
	_ =	swait.ge @!p1 [sflag:s18], $0x4000  }
0x43: {  	p0 =	por !p0, !p0;
	[sflag:s18] =	ssyncset.done @!p1 $0x0;
	s9 =	smov.u32 s16  }
0x44: {  	s17 =	simm.s32 @p3 $0x0;
	[sflag:s18] =	ssyncadd.s32 @!p1 $0xFFFFC000;
	s13 =	smov.u32 s10  }
0x45: {  	s10 =	smov.u32 s17;
	s12 =	sadd.s32 $0x1, s12;
	s11 =	smov.u32 s19  }
.LBB1_1:
0x46: {  	p1 =	sge.u32 s12, s4  }
0x47: {  	s16 =	sshrl.u32 @!p1 s10, $0x3  }
0x48: {  	s17 =	sshll.u32 @!p1 s9, $0x3;
	s18 =	sshll.u32 @!p1 s10, $0x7;
	s16 =	smul.u32 @!p1 $0x74000, s16  }
0x49: {  	s19 =	sand.u32 @!p1 $0x7F, s9;
	s17 =	sand.u32 @!p1 $0xFFFFFC00, s17;
	s18 =	sand.u32 @!p1 $0x380, s18  }
0x4a: {  	s16 =	sadd.s32 @!p1 s16, s17;
	s17 =	sor.u32 @!p1 s19, s18  }
0x4b: {  	s17 =	sor.u32 @!p1 s16, s17  }
0x4c: {  	s18 =	smulhi.u32 @!p1 $0x8D3DCB09, s17  }
0x4d: {  	s16 =	smulhi.u32 @!p1 $0x8D3DCB09, s16  }
0x4e: {  	s18 =	sshrl.u32 @!p1 s18, $0xF  }
0x4f: {  	s31 =	sadd.s32 $0xFFFFFFFF, s12;
	s16 =	sshrl.u32 @!p1 s16, $0xF;
	s18 =	smul.u32 @!p1 $0xE800, s18  }
0x50: {  	s20 =	smul.u32 @!p1 $0x3A000, s11;
	s19 =	sxor.u32 @!p1 $0xFFFFFFFF, s12;
	s16 =	sand.u32 @!p1 $0x1F, s16  }
0x51: {  	s19 =	sshll.u32 @!p1 s19, $0xE;
	s16 =	smul.u32 @!p1 $0x1D00, s16;
	s17 =	ssub.s32 @!p1 s17, s18  }
0x52: {  	s18 =	sand.u32 @!p1 $0x4000, s19;
	s19 =	sadd.s32 @!p1 s5, s20;
	s20 =	sand.u32 @!p1 $0x7, s17  }
0x53: {  	s17 =	sshrl.u32 @!p1 s17, $0x3;
	s16 =	sadd.s32 @!p1 s16, s19;
	s19 =	sshll.u32 @!p1 s20, $0x12  }
0x54: {  	s16 =	sadd.s32 @!p1 s17, s16;
	s17 =	sor.u32 @!p1 $0x1000, s19;
	s19 =	simm.s32 @!p1 $0x74000  }
0x55: {  	[tilespmem:s18], [sflag:$0x1] =	stream.strided.gather @!p1 [hbm4b:s16+s17], $0x4000, s19, s17, $0x38;
	[tilespmem:$0x10400] =	vst v63  }
0x56: {  	p1 =	sge.u32 s31, s4  }
.Ltmp2:
0x57: {  	_ = 	snop;
	(pc) =	sbr.rel @p1 .LBB1_5-.Ltmp2, $1  }
0x58: {  	_ =	sdelay $0x3  }
0x59: {  	s19 =	simm.s32 $0x0  }
0x5a: {  	s18 =	sand.u32 $0x3000, s19;
	s20 =	sand.u32 $0x380, s19  }
0x5b: {  	s16 =	sand.u32 $0x1, s12;
	s18 =	sor.u32 s20, s18  }
0x5c: {  	_ =	swait.ge [sflag:s3], $0x4000;
	s17 =	sshll.u32 s16, $0xE;
	s20 =	sand.u32 $0x3200, s18  }
0x5d: {  	[sflag:s3] =	ssyncset.done $0x0;
	s19 =	sand.u32 $0x180, s19;
	s20 =	sadd.s32 s20, s17  }
0x5e: {  	[sflag:s3] =	ssyncadd.s32 $0xFFFFC000;
	s22 =	sadd.s32 s19, s20  }
0x5f: {  	v4 =	vld [tilespmem:s22+$0xC00]  }
0x60: {  	s21 =	simm.s32 $0x1;
	v0 =	vmov s17;
	v5 =	vld [tilespmem:s22+$0x0]  }
0x61: {  	s21 =	simm.s32 @!p0 $0x0;
	v6 =	vld [tilespmem:s22+$0x10]  }
0x62: {  	s31 =	smul.u32 $0x10800, s21;
	v7 =	vld [tilespmem:s22+$0x20]  }
0x63: {  	v8 =	vld [tilespmem:s22+$0x30]  }
0x64: {  	s19 =	sshrl.u32 s31, $0x2;
	v9 =	vld [tilespmem:s22+$0x40]  }
0x65: {  	s19 =	sor.u32 $0x8000, s19;
	v1 =	vld.idx.msk [tilespmem:v0+s18+$0x410 ss:$0x1], $0xffff  }
0x66: {  	v2 =	vld.idx.msk [tilespmem:v0+s18+$0x420 ss:$0x1], $0xffff;
	s20 =	sadd.s32 $0x0, s19  }
0x67: {  	v3 =	vld.idx.msk [tilespmem:v0+s18+$0x430 ss:$0x1], $0xffff;
	[tilespmem:s20+$0x3180 ss:$0x21] =	vst.msk $0xffff, v4  }
0x68: {  	v10 =	vld.idx.msk [tilespmem:v0+s18+$0x820 ss:$0x1], $0xffff;
	[tilespmem:s20+$0x0 ss:$0x21] =	vst.msk $0xffff, v5  }
0x69: {  	v11 =	vld.idx.msk [tilespmem:v0+s18+$0x830 ss:$0x1], $0xffff;
	[tilespmem:s20+$0x210 ss:$0x21] =	vst.msk $0xffff, v6  }
0x6a: {  	v12 =	vld.idx.msk [tilespmem:v0+s18+$0x840 ss:$0x1], $0xffff;
	[tilespmem:s20+$0x420 ss:$0x21] =	vst.msk $0xffff, v7  }
0x6b: {  	v13 =	vld.idx.msk [tilespmem:v0+s18+$0x850 ss:$0x1], $0xffff;
	[tilespmem:s20+$0x630 ss:$0x21] =	vst.msk $0xffff, v8  }
0x6c: {  	v4 =	vld [tilespmem:s22+$0x50];
	[tilespmem:s20+$0x840 ss:$0x21] =	vst.msk $0xffff, v9  }
0x6d: {  	v5 =	vld [tilespmem:s22+$0x60];
	[tilespmem:s20+$0x1290 ss:$0x21] =	vst.msk $0xffff, v1  }
0x6e: {  	v6 =	vld [tilespmem:s22+$0x70];
	[tilespmem:s20+$0x14A0 ss:$0x21] =	vst.msk $0xffff, v2  }
0x6f: {  	v7 =	vld [tilespmem:s22+$0x400];
	[tilespmem:s20+$0x16B0 ss:$0x21] =	vst.msk $0xffff, v3  }
0x70: {  	v8 =	vld [tilespmem:s22+$0x800];
	[tilespmem:s20+$0x2520 ss:$0x21] =	vst.msk $0xffff, v10  }
0x71: {  	v9 =	vld.idx.msk [tilespmem:v0+s18+$0x470 ss:$0x1], $0xffff;
	[tilespmem:s20+$0x2730 ss:$0x21] =	vst.msk $0xffff, v11  }
0x72: {  	v3 =	vld.idx.msk [tilespmem:v0+s18+$0xC10 ss:$0x1], $0xffff;
	[tilespmem:s20+$0x2940 ss:$0x21] =	vst.msk $0xffff, v12  }
0x73: {  	v1 =	vld.idx.msk [tilespmem:v0+s18+$0xC20 ss:$0x1], $0xffff;
	[tilespmem:s20+$0x2B50 ss:$0x21] =	vst.msk $0xffff, v13  }
0x74: {  	v2 =	vld.idx.msk [tilespmem:v0+s18+$0xC30 ss:$0x1], $0xffff;
	[tilespmem:s20+$0xA50 ss:$0x21] =	vst.msk $0xffff, v4  }
0x75: {  	[tilespmem:s20+$0xE70 ss:$0x21] =	vst.msk $0xffff, v6;
	v6 =	vld.idx.msk [tilespmem:v0+s18+$0x460 ss:$0x1], $0xffff  }
0x76: {  	v4 =	vld.idx.msk [tilespmem:v0+s18+$0x440 ss:$0x1], $0xffff;
	[tilespmem:s20+$0xC60 ss:$0x21] =	vst.msk $0xffff, v5  }
0x77: {  	v5 =	vld.idx.msk [tilespmem:v0+s18+$0x450 ss:$0x1], $0xffff;
	[tilespmem:s20+$0x1080 ss:$0x21] =	vst.msk $0xffff, v7  }
0x78: {  	[tilespmem:s20+$0x2100 ss:$0x21] =	vst.msk $0xffff, v8;
	v8 =	vld.idx.msk [tilespmem:v0+s18+$0x810 ss:$0x1], $0xffff  }
0x79: {  	v7 =	vld.idx.msk [tilespmem:v0+s18+$0x860 ss:$0x1], $0xffff;
	[tilespmem:s20+$0x1EF0 ss:$0x21] =	vst.msk $0xffff, v9  }
0x7a: {  	s16 =	smul.u32 $0x10800, s16;
	[tilespmem:s20+$0x1CE0 ss:$0x21] =	vst.msk $0xffff, v6;
	v6 =	vld.idx.msk [tilespmem:v0+s18+$0x870 ss:$0x1], $0xffff  }
0x7b: {  	s23 =	simm.s32 $0x200;
	s24 =	simm.s32 $0x8;
	[tilespmem:s20+$0x18C0 ss:$0x21] =	vst.msk $0xffff, v4;
	v4 =	vld.idx.msk [tilespmem:v0+s18+$0xC40 ss:$0x1], $0xffff  }
0x7c: {  	s25 =	sand.u32 $0x3000, s23;
	s16 =	sshrl.u32 s16, $0x2;
	s22 =	simm.s32 $0x80;
	[tilespmem:s20+$0x1AD0 ss:$0x21] =	vst.msk $0xffff, v5;
	v5 =	vld.idx.msk [tilespmem:v0+s18+$0xC50 ss:$0x1], $0xffff  }
0x7d: {  	s21 =	simm.s32 $0x4;
	s16 =	sor.u32 $0x8000, s16;
	s26 =	sand.u32 $0x380, s22;
	[tilespmem:s20+$0x2310 ss:$0x21] =	vst.msk $0xffff, v8;
	v8 =	vld.idx.msk [tilespmem:v0+s18+$0xC60 ss:$0x1], $0xffff  }
.LBB1_3:
0x7e: {  	p1 =	sne.s32 s24, $0x7C;
	[tilespmem:s20+$0x2D60 ss:$0x21] =	vst.msk $0xffff, v7;
	v7 =	vld.idx.msk [tilespmem:v0+s18+$0xC70 ss:$0x1], $0xffff;
	s18 =	sor.u32 s26, s25  }
0x7f: {  	s25 =	sand.u32 $0x3200, s18;
	v9 =	vld.idx.msk [tilespmem:v0+s18+$0x410 ss:$0x1], $0xffff;
	[tilespmem:s20+$0x2F70 ss:$0x21] =	vst.msk $0xffff, v6  }
0x80: {  	s26 =	sand.u32 $0x180, s22;
	s25 =	sadd.s32 s25, s17;
	v6 =	vld.idx.msk [tilespmem:v0+s18+$0x420 ss:$0x1], $0xffff;
	[tilespmem:s20+$0x3390 ss:$0x21] =	vst.msk $0xffff, v3  }
0x81: {  	s25 =	sadd.s32 s26, s25;
	v3 =	vld.idx.msk [tilespmem:v0+s18+$0x430 ss:$0x1], $0xffff;
	[tilespmem:s20+$0x35A0 ss:$0x21] =	vst.msk $0xffff, v1  }
0x82: {  	v1 =	vld [tilespmem:s25+$0xC00];
	[tilespmem:s20+$0x37B0 ss:$0x21] =	vst.msk $0xffff, v2  }
0x83: {  	v2 =	vld [tilespmem:s25+$0x0];
	[tilespmem:s20+$0x39C0 ss:$0x21] =	vst.msk $0xffff, v4  }
0x84: {  	v4 =	vld [tilespmem:s25+$0x10];
	[tilespmem:s20+$0x3BD0 ss:$0x21] =	vst.msk $0xffff, v5  }
0x85: {  	s26 =	sshra.s32 s21, $0x2;
	s21 =	smov.u32 s24;
	v5 =	vld [tilespmem:s25+$0x20];
	[tilespmem:s20+$0x3DE0 ss:$0x21] =	vst.msk $0xffff, v8  }
0x86: {  	v8 =	vld [tilespmem:s25+$0x30];
	[tilespmem:s20+$0x3FF0 ss:$0x21] =	vst.msk $0xffff, v7;
	s20 =	sadd.s32 s26, s19  }
0x87: {  	v7 =	vld [tilespmem:s25+$0x40];
	[tilespmem:s20+$0x3180 ss:$0x21] =	vst.msk $0xffff, v1  }
0x88: {  	[tilespmem:s20+$0x0 ss:$0x21] =	vst.msk $0xffff, v2;
	v1 =	vld [tilespmem:s25+$0x50]  }
0x89: {  	[tilespmem:s20+$0x210 ss:$0x21] =	vst.msk $0xffff, v4;
	v2 =	vld [tilespmem:s25+$0x60]  }
0x8a: {  	[tilespmem:s20+$0x420 ss:$0x21] =	vst.msk $0xffff, v5;
	v4 =	vld [tilespmem:s25+$0x70]  }
0x8b: {  	[tilespmem:s20+$0x630 ss:$0x21] =	vst.msk $0xffff, v8;
	v5 =	vld [tilespmem:s25+$0x400]  }
0x8c: {  	[tilespmem:s20+$0x840 ss:$0x21] =	vst.msk $0xffff, v7;
	v7 =	vld [tilespmem:s25+$0x800]  }
0x8d: {  	[tilespmem:s20+$0xA50 ss:$0x21] =	vst.msk $0xffff, v1;
	v1 =	vld.idx.msk [tilespmem:v0+s18+$0x440 ss:$0x1], $0xffff  }
0x8e: {  	[tilespmem:s20+$0xC60 ss:$0x21] =	vst.msk $0xffff, v2;
	v2 =	vld.idx.msk [tilespmem:v0+s18+$0x450 ss:$0x1], $0xffff  }
0x8f: {  	[tilespmem:s20+$0xE70 ss:$0x21] =	vst.msk $0xffff, v4;
	v4 =	vld.idx.msk [tilespmem:v0+s18+$0x460 ss:$0x1], $0xffff  }
0x90: {  	[tilespmem:s20+$0x1080 ss:$0x21] =	vst.msk $0xffff, v5;
	v5 =	vld.idx.msk [tilespmem:v0+s18+$0x470 ss:$0x1], $0xffff  }
0x91: {  	[tilespmem:s20+$0x2100 ss:$0x21] =	vst.msk $0xffff, v7;
	v8 =	vld.idx.msk [tilespmem:v0+s18+$0x810 ss:$0x1], $0xffff  }
0x92: {  	[tilespmem:s20+$0x1290 ss:$0x21] =	vst.msk $0xffff, v9;
	v9 =	vld.idx.msk [tilespmem:v0+s18+$0x820 ss:$0x1], $0xffff  }
0x93: {  	[tilespmem:s20+$0x14A0 ss:$0x21] =	vst.msk $0xffff, v6;
	v10 =	vld.idx.msk [tilespmem:v0+s18+$0x830 ss:$0x1], $0xffff  }
0x94: {  	[tilespmem:s20+$0x16B0 ss:$0x21] =	vst.msk $0xffff, v3;
	v11 =	vld.idx.msk [tilespmem:v0+s18+$0x840 ss:$0x1], $0xffff  }
0x95: {  	[tilespmem:s20+$0x18C0 ss:$0x21] =	vst.msk $0xffff, v1;
	v12 =	vld.idx.msk [tilespmem:v0+s18+$0x850 ss:$0x1], $0xffff  }
0x96: {  	[tilespmem:s20+$0x1AD0 ss:$0x21] =	vst.msk $0xffff, v2;
	v7 =	vld.idx.msk [tilespmem:v0+s18+$0x860 ss:$0x1], $0xffff  }
0x97: {  	[tilespmem:s20+$0x1CE0 ss:$0x21] =	vst.msk $0xffff, v4;
	v6 =	vld.idx.msk [tilespmem:v0+s18+$0x870 ss:$0x1], $0xffff  }
0x98: {  	[tilespmem:s20+$0x1EF0 ss:$0x21] =	vst.msk $0xffff, v5;
	v3 =	vld.idx.msk [tilespmem:v0+s18+$0xC10 ss:$0x1], $0xffff  }
.Ltmp3:
0x99: {  	[tilespmem:s20+$0x2310 ss:$0x21] =	vst.msk $0xffff, v8;
	v1 =	vld.idx.msk [tilespmem:v0+s18+$0xC20 ss:$0x1], $0xffff;
	(pc) =	sbr.rel @p1 .LBB1_3-.Ltmp3, $4  }
0x9a: {  	[tilespmem:s20+$0x2520 ss:$0x21] =	vst.msk $0xffff, v9;
	v2 =	vld.idx.msk [tilespmem:v0+s18+$0xC30 ss:$0x1], $0xffff  }
0x9b: {  	[tilespmem:s20+$0x2730 ss:$0x21] =	vst.msk $0xffff, v10;
	v4 =	vld.idx.msk [tilespmem:v0+s18+$0xC40 ss:$0x1], $0xffff  }
0x9c: {  	s22 =	sadd.s32 $0x80, s22;
	s23 =	sadd.s32 $0x200, s23;
	[tilespmem:s20+$0x2940 ss:$0x21] =	vst.msk $0xffff, v11;
	v5 =	vld.idx.msk [tilespmem:v0+s18+$0xC50 ss:$0x1], $0xffff  }
0x9d: {  	s24 =	sadd.s32 $0x4, s24;
	s26 =	sand.u32 $0x380, s22;
	s25 =	sand.u32 $0x3000, s23;
	[tilespmem:s20+$0x2B50 ss:$0x21] =	vst.msk $0xffff, v12;
	v8 =	vld.idx.msk [tilespmem:v0+s18+$0xC60 ss:$0x1], $0xffff  }
.Ltmp4:
0x9e: {  	_ = 	snop;
	(pc) =	sbr.rel .LBB1_4-.Ltmp4, $1  }
0x9f: {  	_ =	sdelay $0x3  }
.LBB1_6:
0xa0: {  	_ =	sfence.sel $0x180000  }
0xa1: {  	s2 =	simm.s32 $0x1;
	[bflag:$0x0] =	sbarrier.arrive $0xFFFF  }
0xa2: {  	s31 =	simm.s32 $0x2;
	[sflag:s2] =	ssyncpa.u1 $0x1  }
0xa3: {  	[sflag:s31] =	ssyncpa.u1 $0x1  }
0xa4: {  	p0 =	sne.s32 s0, $0x0;
	_ =	strace $0x9000004A  }
0xa5: {  	s0 =	sadd.s32 @!p0 $0x100000, s1;
	[bflag:$0x2] =	sbarrier.arrive $0xFFFF  }
0xa6: {  	[sflag:s0] =	ssyncadd.tile.s32 @!p0 $0x1;
	_ =	shalt  }
.Lfunc_end1:
_tile_overlayer_lowered:
.L_overlay_start_2:
0xa7: {  	(tag) =	ssettag $0x2  }
0xa8: {  	s0 =	rddreg [dreg:$0x0];
	s2 =	stileid.u32  }
0xa9: {  	s1 =	rddreg [dreg:$0x1];
	p0 =	sne.s32 s2, $0x0  }
0xaa: {  	s3 =	rddreg [dreg:$0x2];
	[bflag:$0x3] =	sbarrier.arrive $0xFFFF;
	s2 =	simm.s32 @!p0 $0x1C01  }
0xab: {  	[timem:s3], [sflag:s2] =	dma.local @!p0 [hbm:s0], s1  }
0xac: {  	s0 =	simm.s32 @!p0 $0x1  }
0xad: {  	_ =	swait.ge @!p0 [sflag:s0], s1  }
0xae: {  	s1 =	ssub.s32 @!p0 $0x0, s1;
	[sflag:s0] =	ssyncset.done @!p0 $0x0  }
0xaf: {  	[sflag:s0] =	ssyncadd.s32 @!p0 s1  }
0xb0: {  	[bflag:$0x3] =	sbarrier.arrive $0xFFFF  }
0xb1: {  	_ =	shalt  }

// kernel: sparse-core-data-format-call.cloned.1.call-start
scs
called_computation_lowered:
.L_overlay_start_0:
0x0: {  	s1 =	sld [smem:$0x3FD9]  }
0x1: {  	s2 =	sld [smem:$0x3FFE];
	_ =	sdelay $0x1  }
0x2: {  	s3 =	srdreg.scid  }
0x3: {  	s0 =	sand.u32 $0x1, s3  }
0x4: {  	s17 =	sshll.u32 s0, $0xA;
	s1 =	sadd.s32 s2, s1  }
0x5: {  	s1 =	sadd.s32 s1, s17  }
0x6: {  	[smem:$0x3FB4] =	sst s1  }
0x7: {  	_ = 	snop  }
0x8: {  	(tm) =	ssettm $0x1  }
0x9: {  	s18 =	sld [smem:$0x3FFB];
	_ =	sdelay $0x3  }
0xa: {  	_ =	strace s18  }
0xb: {  	s1 =	sld [smem:$0x3FFC];
	_ =	sdelay $0x3  }
0xc: {  	_ =	strace s1  }
0xd: {  	s1 =	sld [smem:$0x3FFD];
	_ =	sdelay $0x3  }
0xe: {  	_ =	strace s1  }
0xf: {  	_ =	strace $0x8FFFFFFF  }
0x10: {  	s19 =	sld [smem:$0x3FDB];
	_ =	sdelay $0x1  }
0x11: {  	s20 =	simm.s32 $_scs_section_size  }
0x12: {  	s4 =	simm.s32 $_size__tile_overlayer_lowered;
	s5 =	simm.s32 $_tile_overlayer_lowered  }
0x13: {  	s23 =	simm.s32 $0x1BFF;
	s22 =	sshll.u32 s5, $0x1;
	s1 =	sadd.s32 s20, s19  }
0x14: {  	s6 =	simm.s32 $0x0;
	s21 =	sshll.u32 s4, $0x1;
	s4 =	sadd.s32 s22, s1  }
0x15: {  	[timem:s6], [sflag:s23] =	dma.local [hbm:s4], s21  }
0x16: {  	_ =	swait.ge [sflag:s23], s21  }
0x17: {  	s2 =	ssub.s32 $0x0, s21;
	[sflag:s23] =	ssyncset.done $0x0  }
0x18: {  	[sflag:s23] =	ssyncadd.s32 s2;
	_ =	sdelay $0x1  }
0x19: {  	s24 =	simm.s32 $0x1B8B  }
0x1a: {  	_ =	swait.ge [sflag:s24], $0x1  }
0x1b: {  	[sflag:s24] =	ssyncset.done $0x0  }
0x1c: {  	s26 =	simm.s32 $0x1B8E;
	s25 =	sld [smem:$0x3FFE];
	[sflag:s24] =	ssyncadd.s32 $0xFFFFFFFF  }
0x1d: {  	s27 =	simm.s32 $execute0_lowered;
	[smem:$0x3FD2] =	sst s26  }
0x1e: {  	s4 =	sshll.u32 s27, $0x1;
	_ =	strace $0x80000058;
	[dreg:$0x1] =	wrdreg $0xFFFFFFFF  }
0x1f: {  	s28 =	simm.s32 $_size_execute0_lowered;
	s1 =	sadd.s32 s1, s4;
	[dreg:$0x0] =	wrdreg $0x0  }
0x20: {  	s4 =	sshll.u32 s28, $0x1;
	[dreg:$0x2] =	wrdreg s1  }
0x21: {  	[dreg:$0x3] =	wrdreg s4  }
0x22: {  	[dreg:$0x4] =	wrdreg $0xC0  }
0x23: {  	_ =	task [dreg:s6], $0x5FFFF  }
0x24: {  	[dreg:$0x1] =	wrdreg $0xFFFFFFFF  }
0x25: {  	[dreg:$0x0] =	wrdreg $0x60  }
0x26: {  	[dreg:$0x2] =	wrdreg s25  }
0x27: {  	[dreg:$0x3] =	wrdreg $0x9  }
0x28: {  	_ =	task.clear_ibuf [dreg:s6], $0x4FFFF;
	_ =	strace $0x90000058  }
0x29: {  	s29 =	simm.s32 $0x9;
	_ =	strace $0x8000005A  }
0x2a: {  	_ =	swait.ge [sflag:s29], $0x1  }
0x2b: {  	[sflag:s29] =	ssyncadd.s32 $0xFFFFFFFF  }
0x2c: {  	_ =	strace $0x9000005A  }
0x2d: {  	_ =	sfence  }
0x2e: {  	s30 =	sld [smem:$0x0];
	_ =	sdelay $0x2  }
0x2f: {  	s31 =	sshll.u32 s3, $0xD;
	s3 =	sshrl.u32 s3, $0x2  }
0x30: {  	s2 =	sand.u32 $0x4000, s31;
	s1 =	sadd.s32 s3, s30  }
0x31: {  	s0 =	sor.u32 s2, s0;
	s1 =	sshll.u32 s1, $0x11  }
0x32: {  	s0 =	sor.u32 s1, s0  }
0x33: {  	s0 =	sadd.s32 $0x8F2B, s0  }
0x34: {  	[sflag:s0] =	ssyncadd.remote.s32 $0x1  }
0x35: {  	_ =	sfence.sel $0xFFFF  }
0x36: {  	[dreg:$0x0] =	wrdreg $0xFFFFFFFF;
	(pc) =	sbr.abs _section_cstart, $3  }
0x37: {  	[dreg:$0x1] =	wrdreg $0xFFFFFFFF  }
0x38: {  	_ =	task.clear_ibuf [dreg:s6], $0x2FFFF;
	_ =	strace $0x9FFFFFFF  }
0x39: {  	(tm) =	ssettm $0x7FFFFFFF  }
tec
execute0_lowered:
.L_overlay_start_1:
0x0: {  	(tag) =	ssettag $0x1  }
0x1: {  	s0 =	srdreg.scid  }
0x2: {  	s1 =	sshll.u32 s0, $0x4  }
0x3: {  	s0 =	stileid.u32;
	s1 =	sand.u32 $0x10, s1  }
0x4: {  	s7 =	rddreg [dreg:$0x0];
	s1 =	sor.u32 s0, s1  }
0x5: {  	s4 =	simm.s32 $0x1;
	s8 =	simm.s32 $0x2;
	s2 =	sshll.u32 s1, $0x7  }
0x6: {  	s14 =	simm.s32 $0x0;
	s9 =	simm.s32 $0x74000;
	s3 =	ssub.s32 $0xE800, s2  }
0x7: {  	s13 =	simm.s32 $0x0;
	s11 =	simm.s32 $0x0;
	s31 =	sand.u32 $0xF80, s3  }
0x8: {  	s12 =	simm.s32 $0x0;
	s6 =	sadd.s32 $0x7E00, s7;
	p0 =	sne.s32 s31, $0x0  }
.Ltmp0:
0x9: {  	s3 =	sshrl.u32 s3, $0xC;
	s4 =	simm.s32 @!p0 $0x0;
	(pc) =	sbr.rel .LBB1_1-.Ltmp0, $4  }
0xa: {  	s1 =	rddreg [dreg:$0x1];
	_ =	strace $0x80000059;
	s5 =	sadd.s32 s4, s3  }
0xb: {  	s10 =	smov.u32 s2;
	s4 =	simm.s32 $0x1;
	s5 =	smul.u32 $0x3, s5  }
0xc: {  	p0 =	por $0x0, $0x0;
	s3 =	sadd.s32 $0x2BFE00, s7;
	[sflag:s4] =	ssyncpa.u1 $0x0  }
0xd: {  	s7 =	sadd.s32 $0x3A7E00, s7;
	[sflag:s8] =	ssyncpa.u1 $0x0;
	s8 =	sadd.s32 $0x1, s5  }
.LBB1_7:
0xe: {  	s15 =	sadd.s32 $0x1000, s10  }
0xf: {  	s13 =	sadd.s32 $0x2, s11;
	s17 =	smov.u32 s11;
	p2 =	sgt.s32 s15, $0xE7FF  }
0x10: {  	s17 =	smov.u32 @p2 s13  }
0x11: {  	s15 =	smov.u32 @p2 s2;
	p2 =	sgt.s32 s17, $0x5  }
0x12: {  	s17 =	simm.s32 @p2 $0x0;
	p2 =	sne.s32 s12, s8  }
.Ltmp1:
0x13: {  	p1 =	slt.u32 s12, $0x2;
	(pc) =	sbr.rel @!p2 .LBB1_8-.Ltmp1, $4  }
0x14: {  	s16 =	simm.s32 @!p1 $0x2  }
0x15: {  	s14 =	smov.u32 s10;
	p0 =	por !p0, !p0;
	_ =	swait.ge @!p1 [sflag:s16], $0x2000  }
0x16: {  	s13 =	smov.u32 s11;
	[sflag:s16] =	ssyncset.done @!p1 $0x0;
	s10 =	smov.u32 s15  }
0x17: {  	s12 =	sadd.s32 $0x1, s12;
	[sflag:s16] =	ssyncadd.s32 @!p1 $0xFFFFE000;
	s11 =	smov.u32 s17  }
.LBB1_1:
0x18: {  	p1 =	sge.u32 s12, s5  }
0x19: {  	s15 =	sand.u32 @!p1 $0x1FFFFFF, s10  }
0x1a: {  	s16 =	smulhi.u32 @!p1 $0x234F72D, s15;
	_ =	sdelay $0x1  }
0x1b: {  	s16 =	sshrl.u32 @!p1 s16, $0x9  }
0x1c: {  	s16 =	smul.u32 @!p1 $0xE800, s16  }
0x1d: {  	s17 =	sxor.u32 @!p1 $0xFFFFFFFF, s12;
	s18 =	smul.u32 @!p1 $0xE8000, s11  }
0x1e: {  	s17 =	sshll.u32 @!p1 s17, $0xD;
	s15 =	ssub.s32 @!p1 s15, s16  }
0x1f: {  	s16 =	sand.u32 @!p1 $0x2000, s17;
	s17 =	sadd.s32 @!p1 s3, s18;
	s15 =	sshll.u32 @!p1 s15, $0x4  }
0x20: {  	s19 =	simm.s32 @!p1 $0x20;
	s20 =	simm.s32 @!p1 $0x80;
	s17 =	sadd.s32 @!p1 s15, s17  }
0x21: {  	[tilespmem:s16], [sflag:$0x1] =	stream.strided.gather @!p1 [hbm4b:s17+s19], $0x1000, s20, s19, $0x38;
	[tilespmem:$0x8080] =	vst v63  }
0x22: {  	s17 =	sadd.s32 @!p1 s18, s7  }
0x23: {  	s31 =	sadd.s32 $0xFFFFFFFF, s12;
	s16 =	sor.u32 @!p1 $0x1000, s16;
	s15 =	sadd.s32 @!p1 s15, s17  }
0x24: {  	[tilespmem:s16], [sflag:$0x1] =	stream.strided.gather @!p1 [hbm4b:s15+s19], $0x1000, s20, s19, $0x38;
	[tilespmem:$0x8080] =	vst v63  }
0x25: {  	p1 =	sge.u32 s31, s5  }
.Ltmp2:
0x26: {  	_ = 	snop;
	(pc) =	sbr.rel @p1 .LBB1_7-.Ltmp2, $1  }
0x27: {  	_ =	sdelay $0x3  }
0x28: {  	s15 =	simm.s32 $0x1;
	s17 =	sand.u32 $0x1, s12  }
0x29: {  	_ =	swait.ge [sflag:s4], $0x2000;
	s15 =	simm.s32 @!p0 $0x0;
	s17 =	smul.u32 $0x8100, s17  }
0x2a: {  	p2 =	por $0x1, $0x1;
	[sflag:s4] =	ssyncset.done $0x0;
	s16 =	smul.u32 $0x8100, s15  }
0x2b: {  	s18 =	sshll.u32 s15, $0xF;
	[sflag:s4] =	ssyncadd.s32 $0xFFFFE000;
	s30 =	sshrl.u32 s17, $0x2  }
0x2c: {  	s31 =	sshrl.u32 s18, $0x2;
	s18 =	simm.s32 $0x0;
	s16 =	sshrl.u32 s16, $0x2  }
0x2d: {  	s15 =	sor.u32 $0x4000, s30;
	s17 =	sadd.s32 $0x10, s31;
	s16 =	sor.u32 $0x4000, s16  }
.LBB1_3:
0x2e: {  	s19 =	sshll.u32 s18, $0xC  }
0x2f: {  	s19 =	sand.u32 $0x3FFFF000, s19  }
0x30: {  	s20 =	sadd.s32 s19, s17  }
0x31: {  	s31 =	smul.u32 $0x4080, s18;
	v1 =	vld [tilespmem:s20+$0x0]  }
0x32: {  	v0 =	vld [tilespmem:s20+$0xFFFFFFF0]  }
0x33: {  	s18 =	sshra.s32 s31, $0x2  }
0x34: {  	s18 =	sadd.s32 s18, s16  }
0x35: {  	s21 =	sadd.s32 $0x0, s18  }
0x36: {  	p1 =	por p2, p2;
	s19 =	simm.s32 $0x4;
	s20 =	sadd.s32 $0x20, s20;
	[tilespmem:s21+$0x810 ss:$0x81] =	vst.msk $0xffff, v1  }
.LBB1_4:
0x37: {  	v1 =	vld [tilespmem:s20+$0x0];
	p2 =	sne.s32 s19, $0x1FC;
	[tilespmem:s21+$0x0 ss:$0x81] =	vst.msk $0xffff, v0;
	s21 =	smov.u32 s19;
	s19 =	sadd.s32 $0x4, s19  }
.Ltmp3:
0x38: {  	v0 =	vld [tilespmem:s20+$0xFFFFFFF0];
	(pc) =	sbr.rel @p2 .LBB1_4-.Ltmp3, $4  }
0x39: {  	_ = 	snop  }
0x3a: {  	s21 =	sshra.s32 s21, $0x2  }
0x3b: {  	s21 =	sadd.s32 s21, s18  }
0x3c: {  	s20 =	sadd.s32 $0x20, s20;
	[tilespmem:s21+$0x810 ss:$0x81] =	vst.msk $0xffff, v1  }
.Ltmp4:
0x3d: {  	(pc) =	sbr.rel @p1 .LBB1_3-.Ltmp4, $2  }
0x3e: {  	_ =	sdelay $0x2  }
0x3f: {  	[tilespmem:s21+$0x0 ss:$0x81] =	vst.msk $0xffff, v0;
	s18 =	simm.s32 $0x1;
	p2 =	por $0x0, $0x0  }
0x40: {  	s16 =	sshll.u32 s14, $0x3  }
0x41: {  	s29 =	sand.u32 $0x7F, s14;
	s17 =	sand.u32 $0xFFFFFC00, s16  }
0x42: {  	s16 =	smulhi.u32 $0x8D3DCB09, s16;
	s14 =	sor.u32 s29, s17  }
0x43: {  	s17 =	smulhi.u32 $0x8D3DCB09, s14;
	_ =	sdelay $0x1  }
0x44: {  	s13 =	smul.u32 $0x3A000, s13;
	s16 =	sshrl.u32 s16, $0xF;
	s17 =	sshrl.u32 s17, $0xF  }
0x45: {  	s16 =	sand.u32 $0x1F, s16;
	s17 =	smul.u32 $0xE800, s17  }
0x46: {  	s16 =	smul.u32 $0x1D00, s16  }
.Ltmp5:
0x47: {  	s14 =	ssub.s32 s14, s17;
	(pc) =	sbr.rel .LBB1_7-.Ltmp5, $4  }
0x48: {  	s13 =	sadd.s32 s6, s13;
	s17 =	sand.u32 $0x7, s14  }
0x49: {  	s13 =	sadd.s32 s16, s13;
	s14 =	sshrl.u32 s14, $0x3;
	s30 =	sshll.u32 s17, $0x12  }
0x4a: {  	s13 =	sadd.s32 s14, s13;
	s31 =	sor.u32 $0x400, s30  }
0x4b: {  	[hbm4b:s13+s31] =	stream.strided.scatter [tilespmem:s15], [sflag:$0x2], $0x2000, s9, s31, $0x20;
	[tilespmem:$0x8080] =	vst v63  }
.LBB1_8:
0x4c: {  	_ =	sfence.sel $0x180000  }
0x4d: {  	s2 =	simm.s32 $0x1;
	[bflag:$0x0] =	sbarrier.arrive $0xFFFF  }
0x4e: {  	s31 =	simm.s32 $0x2;
	[sflag:s2] =	ssyncpa.u1 $0x1  }
0x4f: {  	[sflag:s31] =	ssyncpa.u1 $0x1  }
0x50: {  	p0 =	sne.s32 s0, $0x0;
	_ =	strace $0x90000059  }
0x51: {  	s0 =	sadd.s32 @!p0 $0x100000, s1;
	[bflag:$0x2] =	sbarrier.arrive $0xFFFF  }
0x52: {  	[sflag:s0] =	ssyncadd.tile.s32 @!p0 $0x1;
	_ =	shalt  }
.Lfunc_end1:
_tile_overlayer_lowered:
.L_overlay_start_2:
0x53: {  	(tag) =	ssettag $0x2  }
0x54: {  	s0 =	rddreg [dreg:$0x0];
	s2 =	stileid.u32  }
0x55: {  	s1 =	rddreg [dreg:$0x1];
	p0 =	sne.s32 s2, $0x0  }
0x56: {  	s3 =	rddreg [dreg:$0x2];
	[bflag:$0x3] =	sbarrier.arrive $0xFFFF;
	s2 =	simm.s32 @!p0 $0x1C01  }
0x57: {  	[timem:s3], [sflag:s2] =	dma.local @!p0 [hbm:s0], s1  }
0x58: {  	s0 =	simm.s32 @!p0 $0x1  }
0x59: {  	_ =	swait.ge @!p0 [sflag:s0], s1  }
0x5a: {  	s1 =	ssub.s32 @!p0 $0x0, s1;
	[sflag:s0] =	ssyncset.done @!p0 $0x0  }
0x5b: {  	[sflag:s0] =	ssyncadd.s32 @!p0 s1  }
0x5c: {  	[bflag:$0x3] =	sbarrier.arrive $0xFFFF  }
0x5d: {  	_ =	shalt  }

</sc_bundles>
